<compile_context>
chip_gen: v7x
topology: tpu7x:2x2x1
jax: 0.10.2.dev20260603
libtpu: 0.0.44.dev20260713+nightly
codegen_flags: <defaults>
</compile_context>

<pallas_src>
import functools

import jax
import jax.numpy as jnp
from jax.experimental import pallas as pl
from jax.experimental.pallas import tpu as pltpu
from jax.experimental.pallas import tpu_sc as plsc

B = 4
S = 2048
DIM = 1024
SD = 128
SH = 256
E = 8
BLK = 128
NBLK = 96
PADS = NBLK * BLK

_SC_NC = 2
_SC_NS = 16
_NW = _SC_NC * _SC_NS
_RPW = (B * S) // _NW
_CH = 32
_NCH = _RPW // _CH


NG = E * B


def _plan_body(tok_ref, gpos_ref, be_ref, used_ref, vcnt_ref, fstart_ref):
    tok = tok_ref[...]
    xh = tok.astype(jnp.uint32)
    xh = xh ^ (xh >> 16)
    xh = xh * jnp.uint32(2246822507)
    xh = xh ^ (xh >> 13)
    xh = xh * jnp.uint32(3266489909)
    xh = xh ^ (xh >> 16)
    e = (xh & jnp.uint32(E - 1)).astype(jnp.int32)

    oh = jnp.concatenate(
        [(e == jnp.int32(ex)).astype(jnp.int32) for ex in range(E)],
        axis=1)

    c = oh
    k = 1
    while k < S:
        c = c + jnp.concatenate(
            [jnp.zeros((k, NG), jnp.int32), c[: S - k, :]], axis=0)
        k *= 2
    counts = c[S - 1 : S, :]
    pc = ((counts + (BLK - 1)) // BLK) * BLK

    po = jnp.concatenate([jnp.zeros((1, 1), jnp.int32), pc[:, : NG - 1]],
                         axis=1)
    k = 1
    while k < NG:
        po = po + jnp.concatenate(
            [jnp.zeros((1, k), jnp.int32), po[:, : NG - k]], axis=1)
        k *= 2
    total = po[:, NG - 1 : NG] + pc[:, NG - 1 : NG]

    m = (oh * (po + c - 1)).astype(jnp.float32)
    jj = jax.lax.broadcasted_iota(jnp.int32, (NG, B), 0)
    bb = jax.lax.broadcasted_iota(jnp.int32, (NG, B), 1)
    selm = ((jj & jnp.int32(B - 1)) == bb).astype(jnp.float32)
    pos_f = jnp.dot(m, selm, preferred_element_type=jnp.float32,
                    precision=jax.lax.Precision.HIGHEST)
    gpos_ref[...] = (pos_f + 0.5).astype(jnp.int32)

    biota = jax.lax.broadcasted_iota(jnp.int32, (1, NBLK), 1) * BLK
    acc = jnp.zeros((1, NBLK), jnp.int32)
    vcnt = jnp.zeros((1, NBLK), jnp.int32)
    fstart = jnp.zeros((1, NBLK), jnp.int32)
    for ex in range(E):
        for b in range(B):
            g = ex * B + b
            offv = po[:, g : g + 1]
            cv = counts[:, g : g + 1]
            pcv = pc[:, g : g + 1]
            cond = (cv > 0) & (offv <= biota)
            acc = jnp.maximum(acc,
                              jnp.where(cond, jnp.int32(ex), jnp.int32(0)))
            in_group = (offv <= biota) & (biota < offv + pcv)
            vcnt = vcnt + jnp.where(
                in_group, jnp.clip(offv + cv - biota, 0, BLK), jnp.int32(0))
            fstart = fstart + jnp.where(
                in_group & (offv == biota), jnp.int32(1), jnp.int32(0))
    be_ref[...] = acc
    used_ref[...] = (biota < total).astype(jnp.int32)
    vcnt_ref[...] = vcnt
    fstart_ref[...] = fstart


def _plan(tok_t):
    return pl.pallas_call(
        _plan_body,
        out_shape=(
            jax.ShapeDtypeStruct((S, B), jnp.int32),
            jax.ShapeDtypeStruct((1, NBLK), jnp.int32),
            jax.ShapeDtypeStruct((1, NBLK), jnp.int32),
            jax.ShapeDtypeStruct((1, NBLK), jnp.int32),
            jax.ShapeDtypeStruct((1, NBLK), jnp.int32),
        ),
    )(tok_t)


def _shift_down(m, k, fill):
    pad = jnp.full((k, m.shape[1]), fill, m.dtype)
    return jnp.concatenate([pad, m[: m.shape[0] - k, :]], axis=0)


def _moe_body(be_s, used_s, vcnt_s, fstart_s, x_ref, win_ref, wso_ref,
              wout_ref, dp_ref, out_ref, carry_ref):
    i = pl.program_id(0)

    @pl.when(i == 0)
    def _init():
        carry_ref[...] = jnp.zeros_like(carry_ref)

    @pl.when(used_s[i] > 0)
    def _compute():
        ex = be_s[i]
        X = x_ref[0].astype(jnp.bfloat16)
        t = jnp.dot(X, win_ref[ex], preferred_element_type=jnp.float32)
        u = t[:, :SD]
        sh = t[:, SD:]
        sh = (sh * jax.nn.sigmoid(sh)).astype(jnp.bfloat16)
        sel = jnp.dot(sh, wso_ref[ex], preferred_element_type=jnp.float32)
        a_raw = sel[:, 0 * SD : 1 * SD]
        b_raw = sel[:, 1 * SD : 2 * SD]
        c_raw = sel[:, 2 * SD : 3 * SD]
        d_raw = sel[:, 3 * SD : 4 * SD]

        riota = jax.lax.broadcasted_iota(jnp.int32, (BLK, 1), 0)
        valid = riota < vcnt_s[i]
        interior = valid & ((riota > 0) | (fstart_s[i] == 0))
        a_eff = jnp.where(interior, jax.nn.sigmoid(a_raw), 0.0)
        v_eff = jnp.where(valid, jnp.tanh(b_raw) * u, 0.0)

        A, V = a_eff, v_eff
        k = 1
        while k < BLK:
            V = V + A * _shift_down(V, k, 0.0)
            A = A * _shift_down(A, k, 1.0)
            k *= 2
        carry = carry_ref[0:1, :]
        h = V + A * carry
        carry_ref[0:1, :] = h[BLK - 1 : BLK, :]

        dp = dp_ref[ex]
        y = jnp.tanh(c_raw) * h + dp * jax.nn.sigmoid(d_raw) * u
        out_ref[0] = jnp.dot(y.astype(jnp.bfloat16), wout_ref[ex],
                             preferred_element_type=jnp.float32)


def _moe(be_flat, used_flat, vcnt_flat, fstart_flat, x_sorted, W_c,
         W_sel_out, W_out, dp3):
    def imap_x(i, be, used, vcnt, fs):
        return (jnp.where(used[i] > 0, i, NBLK - 1), i * 0, i * 0)

    def imap_w(i, be, used, vcnt, fs):
        return (i * 0, i * 0, i * 0)

    grid_spec = pltpu.PrefetchScalarGridSpec(
        num_scalar_prefetch=4,
        grid=(NBLK,),
        in_specs=[
            pl.BlockSpec((1, BLK, DIM), imap_x),
            pl.BlockSpec((E, DIM, SD + SH), imap_w),
            pl.BlockSpec((E, SH, 4 * SD), imap_w),
            pl.BlockSpec((E, SD, DIM), imap_w),
            pl.BlockSpec((E, 1, SD), imap_w),
        ],
        out_specs=pl.BlockSpec((1, BLK, DIM), imap_x),
        scratch_shapes=[pltpu.VMEM((8, SD), jnp.float32)],
    )
    return pl.pallas_call(
        _moe_body,
        grid_spec=grid_spec,
        out_shape=jax.ShapeDtypeStruct((NBLK, BLK, DIM), jnp.float32),
        compiler_params=pltpu.CompilerParams(
            dimension_semantics=("arbitrary",)),
    )(be_flat, used_flat, vcnt_flat, fstart_flat, x_sorted, W_c,
      W_sel_out, W_out, dp3)


def _sc_mesh():
    return plsc.VectorSubcoreMesh(core_axis_name="c", subcore_axis_name="s")


def _sc_scatter(x_flat, idx3):
    @functools.partial(
        pl.kernel,
        mesh=_sc_mesh(),
        out_type=jax.ShapeDtypeStruct((PADS, DIM), jnp.float32),
        scratch_types=[
            pltpu.VMEM((_NCH, _CH), jnp.int32),
            pltpu.VMEM((_CH, DIM), jnp.float32),
            pltpu.VMEM((_CH, DIM), jnp.float32),
            pltpu.SemaphoreType.DMA,
            pltpu.SemaphoreType.DMA,
            pltpu.SemaphoreType.DMA,
            pltpu.SemaphoreType.DMA,
        ],
    )
    def k(x_hbm, idx_hbm, out_hbm, idxv, rv0, rv1, sr0, sr1, sw0, sw1):
        wid = jax.lax.axis_index("s") * _SC_NC + jax.lax.axis_index("c")
        pltpu.sync_copy(idx_hbm.at[wid], idxv)
        bufs = (rv0, rv1)
        srs = (sr0, sr1)
        sws = (sw0, sw1)
        base = wid * _RPW
        rd0 = pltpu.async_copy(x_hbm.at[pl.ds(base, _CH)], rv0, sr0)
        reads = [rd0, None]
        writes = [None, None]
        for j in range(_NCH):
            p = j % 2
            q = (j + 1) % 2
            reads[p].wait()
            if j + 1 < _NCH:
                if writes[q] is not None:
                    writes[q].wait()
                reads[q] = pltpu.async_copy(
                    x_hbm.at[pl.ds(base + (j + 1) * _CH, _CH)], bufs[q],
                    srs[q])
            writes[p] = pltpu.async_copy(
                bufs[p], out_hbm.at[idxv.at[jnp.int32(j)]], sws[p])
        writes[0].wait()
        writes[1].wait()

    return k(x_flat, idx3)


def _sc_gather(src_flat, idx3):
    @functools.partial(
        pl.kernel,
        mesh=_sc_mesh(),
        out_type=jax.ShapeDtypeStruct((B * S, DIM), jnp.float32),
        scratch_types=[
            pltpu.VMEM((_NCH, _CH), jnp.int32),
            pltpu.VMEM((_CH, DIM), jnp.float32),
            pltpu.VMEM((_CH, DIM), jnp.float32),
            pltpu.SemaphoreType.DMA,
            pltpu.SemaphoreType.DMA,
            pltpu.SemaphoreType.DMA,
            pltpu.SemaphoreType.DMA,
        ],
    )
    def k(src_hbm, idx_hbm, out_hbm, idxv, rv0, rv1, sr0, sr1, sw0, sw1):
        wid = jax.lax.axis_index("s") * _SC_NC + jax.lax.axis_index("c")
        pltpu.sync_copy(idx_hbm.at[wid], idxv)
        bufs = (rv0, rv1)
        srs = (sr0, sr1)
        sws = (sw0, sw1)
        base = wid * _RPW
        rd0 = pltpu.async_copy(src_hbm.at[idxv.at[jnp.int32(0)]], rv0, sr0)
        reads = [rd0, None]
        writes = [None, None]
        for j in range(_NCH):
            p = j % 2
            q = (j + 1) % 2
            reads[p].wait()
            if j + 1 < _NCH:
                if writes[q] is not None:
                    writes[q].wait()
                reads[q] = pltpu.async_copy(
                    src_hbm.at[idxv.at[jnp.int32(j + 1)]], bufs[q], srs[q])
            writes[p] = pltpu.async_copy(
                bufs[p], out_hbm.at[pl.ds(base + j * _CH, _CH)], sws[p])
        writes[0].wait()
        writes[1].wait()

    return k(src_flat, idx3)


def kernel(x, token_ids, W_in, W_sel_in, W_sel_out, W_out, d_param):
    tok_t = token_ids.astype(jnp.int32).T
    gpos_t, be, used, vcnt, fstart = _plan(tok_t)

    idx3 = gpos_t.T.reshape(_NW, _NCH, _CH)
    x_sorted = _sc_scatter(x.reshape(B * S, DIM), idx3)

    out_sorted = _moe(
        be.reshape(NBLK),
        used.reshape(NBLK),
        vcnt.reshape(NBLK),
        fstart.reshape(NBLK),
        x_sorted.reshape(NBLK, BLK, DIM),
        jnp.concatenate([W_in, W_sel_in], axis=2).astype(jnp.bfloat16),
        W_sel_out.astype(jnp.bfloat16),
        W_out.astype(jnp.bfloat16),
        d_param.reshape(E, 1, SD),
    )

    out = _sc_gather(out_sorted.reshape(PADS, DIM), idx3)
    return out.reshape(B, S, DIM)

# --- scband reference (transcript-rebuilt; emitter-appended) ---
"""Pipeline reference for scband-hash-routed-ssmlayer-16793322127760 (READ-ONLY COPY).

The authoritative reference and input builder live on the scoring server;
editing this copy changes nothing except your own understanding.
"""

import jax, jax.numpy as jnp
import numpy as np
jax.config.update('jax_enable_x64', True)

B, S, DIM = 4, 2048, 1024
STATE_DIM = 128
SEL_HIDDEN = 256
NUM_EXPERTS = 8
VOCAB = 50257


def murmurhash3_finalizer(token_ids):
    x = token_ids.astype(jnp.int64)
    x = x ^ (x >> 16)
    x = (x * 2246822507) & 4294967295
    x = x ^ (x >> 13)
    x = (x * 3266489909) & 4294967295
    x = x ^ (x >> 16)
    return x


def setup_inputs(seed: int = 0) -> dict:
    key = jax.random.key(seed)
    ks = jax.random.split(key, 8)
    x = jax.random.normal(ks[0], (B, S, DIM), dtype=jnp.float32)
    token_ids = jax.random.randint(ks[1], (B, S), 0, VOCAB, dtype=jnp.int64)
    W_in = jax.random.normal(ks[2], (NUM_EXPERTS, DIM, STATE_DIM), dtype=jnp.float32) * 0.02
    W_sel_in = jax.random.normal(ks[3], (NUM_EXPERTS, DIM, SEL_HIDDEN), dtype=jnp.float32) * 0.02
    W_sel_out = jax.random.normal(ks[4], (NUM_EXPERTS, SEL_HIDDEN, 4 * STATE_DIM), dtype=jnp.float32) * 0.02
    W_out = jax.random.normal(ks[5], (NUM_EXPERTS, STATE_DIM, DIM), dtype=jnp.float32) * 0.02
    d_param = jnp.ones((NUM_EXPERTS, STATE_DIM), dtype=jnp.float32)
    return {'x': x, 'token_ids': token_ids, 'W_in': W_in, 'W_sel_in': W_sel_in, 'W_sel_out': W_sel_out, 'W_out': W_out, 'd_param': d_param}


def reference(x, token_ids, W_in, W_sel_in, W_sel_out, W_out, d_param):
    E = W_in.shape[0]
    batch, seq_len, dim = x.shape
    state_dim = W_in.shape[2]
    routes = murmurhash3_finalizer(token_ids) % E  # [B, S]
    bidx = jnp.arange(batch)

    def step(h, inputs):
        x_t, e = inputs  # [B, dim], [B]
        u_t = jnp.einsum('bd,bds->bs', x_t, W_in[e])
        sel_h = jax.nn.silu(jnp.einsum('bd,bdh->bh', x_t, W_sel_in[e]))
        sel = jnp.einsum('bh,bho->bo', sel_h, W_sel_out[e])
        a_raw, b_raw, c_raw, d_raw = jnp.split(sel, 4, axis=-1)
        a_t = jax.nn.sigmoid(a_raw)
        b_t = jnp.tanh(b_raw)
        c_t = jnp.tanh(c_raw)
        d_t = jax.nn.sigmoid(d_raw)
        h_prev = h[e, bidx]  # [B, state_dim] gather per routed expert
        h_t = a_t * h_prev + b_t * u_t
        y_t = c_t * h_t + d_param[e] * d_t * u_t
        out = jnp.einsum('bs,bsd->bd', y_t, W_out[e])
        h = h.at[e, bidx].set(h_t)  # scatter-overwrite routed expert state
        return h, out

    h0 = jnp.zeros((E, batch, state_dim), dtype=x.dtype)
    xs = (jnp.swapaxes(x, 0, 1), jnp.swapaxes(routes, 0, 1))
    _, ys = jax.lax.scan(step, h0, xs)
    return jnp.swapaxes(ys, 0, 1)

if __name__ == "__main__":
    import jax
    _d = setup_inputs()
    print(jax.jit(kernel)(*tuple(_d.values())))

</pallas_src>

<mosaic_0001>
#map = affine_map<(d0, d1) -> (0, 0)>
#map1 = affine_map<(d0, d1) -> (0, 0, 0)>
module attributes {stable_mosaic.version = 14 : i64} {
  func.func @k(%arg0: i32, %arg1: i32, %arg2: memref<12288x1024xf32, #tpu.memory_space<hbm>>, %arg3: memref<32x8x32xi32, #tpu.memory_space<hbm>>, %arg4: memref<8192x1024xf32, #tpu.memory_space<hbm>>, %arg5: memref<8x32xi32, #tpu.memory_space<vmem>>, %arg6: memref<32x1024xf32, #tpu.memory_space<vmem>>, %arg7: memref<32x1024xf32, #tpu.memory_space<vmem>>, %arg8: memref<!tpu.dma_semaphore, #tpu.memory_space<semaphore_mem>>, %arg9: memref<!tpu.dma_semaphore, #tpu.memory_space<semaphore_mem>>, %arg10: memref<!tpu.dma_semaphore, #tpu.memory_space<semaphore_mem>>, %arg11: memref<!tpu.dma_semaphore, #tpu.memory_space<semaphore_mem>>) attributes {dimension_semantics = [#tpu.dimension_semantics<core_parallel>, #tpu.dimension_semantics<subcore_parallel>], iteration_bounds = array<i64: 2, 16>, scalar_prefetch = 0 : i64, scratch_operands = 7 : i64, tpu.core_type = #tpu.core_type<sc_vector_subcore>, window_params = [{transform_indices = #map}, {transform_indices = #map1}, {transform_indices = #map}]} {
    %mul3A = arith.constant 2 : i32
    %mul3A_0 = arith.muli %arg1, %mul3A : i32
    %add3A = arith.addi %mul3A_0, %arg0 : i32
    "tpu.region"() ({
      %run_scoped3A = tpu.sem_alloc : memref<!tpu.dma_semaphore, #tpu.memory_space<semaphore_mem>>
      %dma_start3A_193 = arith.constant 0 : i32
      %dma_start3A_194 = arith.constant 0 : i32
      %dma_start3A_195 = tpu.memref_slice %arg3[%add3A, %dma_start3A_193, %dma_start3A_194] : memref<32x8x32xi32, #tpu.memory_space<hbm>> -> memref<1x8x32xi32, #tpu.memory_space<hbm>>
      %dma_start3A_196 = tpu.memref_squeeze %dma_start3A_195 : memref<1x8x32xi32, #tpu.memory_space<hbm>> -> memref<8x32xi32, #tpu.memory_space<hbm>>
      %dma_start3A_197 = arith.constant 0 : i32
      %dma_start3A_198 = arith.constant 0 : i32
      %dma_start3A_199 = tpu.memref_slice %arg3[%add3A, %dma_start3A_197, %dma_start3A_198] : memref<32x8x32xi32, #tpu.memory_space<hbm>> -> memref<1x8x32xi32, #tpu.memory_space<hbm>>
      %dma_start3A_200 = tpu.memref_squeeze %dma_start3A_199 : memref<1x8x32xi32, #tpu.memory_space<hbm>> -> memref<8x32xi32, #tpu.memory_space<hbm>>
      tpu.enqueue_dma source(%dma_start3A_200 : memref<8x32xi32, #tpu.memory_space<hbm>>) target(%arg5 : memref<8x32xi32, #tpu.memory_space<vmem>>) target_semaphore(%run_scoped3A : memref<!tpu.dma_semaphore, #tpu.memory_space<semaphore_mem>>)
      %dma_wait3A_201 = arith.constant 0 : i32
      %dma_wait3A_202 = arith.constant 0 : i32
      %dma_wait3A_203 = tpu.memref_slice %arg3[%add3A, %dma_wait3A_201, %dma_wait3A_202] : memref<32x8x32xi32, #tpu.memory_space<hbm>> -> memref<1x8x32xi32, #tpu.memory_space<hbm>>
      %dma_wait3A_204 = tpu.memref_squeeze %dma_wait3A_203 : memref<1x8x32xi32, #tpu.memory_space<hbm>> -> memref<8x32xi32, #tpu.memory_space<hbm>>
      %dma_wait3A_205 = arith.constant 0 : i32
      %dma_wait3A_206 = arith.constant 0 : i32
      %dma_wait3A_207 = tpu.memref_slice %arg3[%add3A, %dma_wait3A_205, %dma_wait3A_206] : memref<32x8x32xi32, #tpu.memory_space<hbm>> -> memref<1x8x32xi32, #tpu.memory_space<hbm>>
      %dma_wait3A_208 = tpu.memref_squeeze %dma_wait3A_207 : memref<1x8x32xi32, #tpu.memory_space<hbm>> -> memref<8x32xi32, #tpu.memory_space<hbm>>
      tpu.wait_dma2 semaphore(%run_scoped3A : memref<!tpu.dma_semaphore, #tpu.memory_space<semaphore_mem>>) src(%dma_wait3A_208 : memref<8x32xi32, #tpu.memory_space<hbm>>) dst(%arg5 : memref<8x32xi32, #tpu.memory_space<vmem>>)
      tpu.yield
    }) : () -> ()
    %mul3A_1 = arith.constant 256 : i32
    %mul3A_2 = arith.muli %add3A, %mul3A_1 : i32
    %dma_start3A = arith.constant 0 : i32
    %dma_start3A_3 = arith.constant 0 : i32
    %dma_start3A_4 = tpu.memref_slice %arg5[%dma_start3A, %dma_start3A_3] : memref<8x32xi32, #tpu.memory_space<vmem>> -> memref<1x32xi32, #tpu.memory_space<vmem>>
    %dma_start3A_5 = tpu.memref_squeeze %dma_start3A_4 : memref<1x32xi32, #tpu.memory_space<vmem>> -> memref<32xi32, #tpu.memory_space<vmem>>
    %dma_start3A_6 = arith.constant 0 : i32
    %dma_start3A_7 = arith.constant 0 : i32
    %dma_start3A_8 = tpu.memref_slice %arg2[%dma_start3A_6, %dma_start3A_7] : memref<12288x1024xf32, #tpu.memory_space<hbm>> -> memref<12288x1024xf32, #tpu.memory_space<hbm>>
    tpu.enqueue_indirect_dma source(%dma_start3A_8 : memref<12288x1024xf32, #tpu.memory_space<hbm>>) target(%arg6 : memref<32x1024xf32, #tpu.memory_space<vmem>>) offsets(%dma_start3A_5 : memref<32xi32, #tpu.memory_space<vmem>>) semaphore(%arg8 : memref<!tpu.dma_semaphore, #tpu.memory_space<semaphore_mem>>)
    %dma_wait3A = arith.constant 0 : i32
    %dma_wait3A_9 = arith.constant 0 : i32
    %dma_wait3A_10 = tpu.memref_slice %arg5[%dma_wait3A, %dma_wait3A_9] : memref<8x32xi32, #tpu.memory_space<vmem>> -> memref<1x32xi32, #tpu.memory_space<vmem>>
    %dma_wait3A_11 = tpu.memref_squeeze %dma_wait3A_10 : memref<1x32xi32, #tpu.memory_space<vmem>> -> memref<32xi32, #tpu.memory_space<vmem>>
    %dma_wait3A_12 = arith.constant 0 : i32
    %dma_wait3A_13 = arith.constant 0 : i32
    %dma_wait3A_14 = tpu.memref_slice %arg2[%dma_wait3A_12, %dma_wait3A_13] : memref<12288x1024xf32, #tpu.memory_space<hbm>> -> memref<12288x1024xf32, #tpu.memory_space<hbm>>
    tpu.wait_indirect_dma semaphore(%arg8 : memref<!tpu.dma_semaphore, #tpu.memory_space<semaphore_mem>>) src(%dma_wait3A_14 : memref<12288x1024xf32, #tpu.memory_space<hbm>>) dst(%arg6 : memref<32x1024xf32, #tpu.memory_space<vmem>>)
    %dma_start3A_15 = arith.constant 1 : i32
    %dma_start3A_16 = arith.constant 0 : i32
    %dma_start3A_17 = tpu.memref_slice %arg5[%dma_start3A_15, %dma_start3A_16] : memref<8x32xi32, #tpu.memory_space<vmem>> -> memref<1x32xi32, #tpu.memory_space<vmem>>
    %dma_start3A_18 = tpu.memref_squeeze %dma_start3A_17 : memref<1x32xi32, #tpu.memory_space<vmem>> -> memref<32xi32, #tpu.memory_space<vmem>>
    %dma_start3A_19 = arith.constant 0 : i32
    %dma_start3A_20 = arith.constant 0 : i32
    %dma_start3A_21 = tpu.memref_slice %arg2[%dma_start3A_19, %dma_start3A_20] : memref<12288x1024xf32, #tpu.memory_space<hbm>> -> memref<12288x1024xf32, #tpu.memory_space<hbm>>
    tpu.enqueue_indirect_dma source(%dma_start3A_21 : memref<12288x1024xf32, #tpu.memory_space<hbm>>) target(%arg7 : memref<32x1024xf32, #tpu.memory_space<vmem>>) offsets(%dma_start3A_18 : memref<32xi32, #tpu.memory_space<vmem>>) semaphore(%arg9 : memref<!tpu.dma_semaphore, #tpu.memory_space<semaphore_mem>>)
    %add3A_22 = arith.constant 0 : i32
    %add3A_23 = arith.addi %mul3A_2, %add3A_22 : i32
    %dma_start3A_24 = arith.constant 0 : i32
    %dma_start3A_25 = tpu.memref_slice %arg4[%add3A_23, %dma_start3A_24] : memref<8192x1024xf32, #tpu.memory_space<hbm>> -> memref<32x1024xf32, #tpu.memory_space<hbm>>
    %dma_start3A_26 = arith.constant 0 : i32
    %dma_start3A_27 = tpu.memref_slice %arg4[%add3A_23, %dma_start3A_26] : memref<8192x1024xf32, #tpu.memory_space<hbm>> -> memref<32x1024xf32, #tpu.memory_space<hbm>>
    tpu.enqueue_dma source(%arg6 : memref<32x1024xf32, #tpu.memory_space<vmem>>) target(%dma_start3A_27 : memref<32x1024xf32, #tpu.memory_space<hbm>>) target_semaphore(%arg10 : memref<!tpu.dma_semaphore, #tpu.memory_space<semaphore_mem>>)
    %dma_wait3A_28 = arith.constant 1 : i32
    %dma_wait3A_29 = arith.constant 0 : i32
    %dma_wait3A_30 = tpu.memref_slice %arg5[%dma_wait3A_28, %dma_wait3A_29] : memref<8x32xi32, #tpu.memory_space<vmem>> -> memref<1x32xi32, #tpu.memory_space<vmem>>
    %dma_wait3A_31 = tpu.memref_squeeze %dma_wait3A_30 : memref<1x32xi32, #tpu.memory_space<vmem>> -> memref<32xi32, #tpu.memory_space<vmem>>
    %dma_wait3A_32 = arith.constant 0 : i32
    %dma_wait3A_33 = arith.constant 0 : i32
    %dma_wait3A_34 = tpu.memref_slice %arg2[%dma_wait3A_32, %dma_wait3A_33] : memref<12288x1024xf32, #tpu.memory_space<hbm>> -> memref<12288x1024xf32, #tpu.memory_space<hbm>>
    tpu.wait_indirect_dma semaphore(%arg9 : memref<!tpu.dma_semaphore, #tpu.memory_space<semaphore_mem>>) src(%dma_wait3A_34 : memref<12288x1024xf32, #tpu.memory_space<hbm>>) dst(%arg7 : memref<32x1024xf32, #tpu.memory_space<vmem>>)
    %dma_wait3A_35 = arith.constant 0 : i32
    %dma_wait3A_36 = tpu.memref_slice %arg4[%add3A_23, %dma_wait3A_35] : memref<8192x1024xf32, #tpu.memory_space<hbm>> -> memref<32x1024xf32, #tpu.memory_space<hbm>>
    %dma_wait3A_37 = arith.constant 0 : i32
    %dma_wait3A_38 = tpu.memref_slice %arg4[%add3A_23, %dma_wait3A_37] : memref<8192x1024xf32, #tpu.memory_space<hbm>> -> memref<32x1024xf32, #tpu.memory_space<hbm>>
    tpu.wait_dma2 semaphore(%arg10 : memref<!tpu.dma_semaphore, #tpu.memory_space<semaphore_mem>>) src(%arg6 : memref<32x1024xf32, #tpu.memory_space<vmem>>) dst(%dma_wait3A_38 : memref<32x1024xf32, #tpu.memory_space<hbm>>)
    %dma_start3A_39 = arith.constant 2 : i32
    %dma_start3A_40 = arith.constant 0 : i32
    %dma_start3A_41 = tpu.memref_slice %arg5[%dma_start3A_39, %dma_start3A_40] : memref<8x32xi32, #tpu.memory_space<vmem>> -> memref<1x32xi32, #tpu.memory_space<vmem>>
    %dma_start3A_42 = tpu.memref_squeeze %dma_start3A_41 : memref<1x32xi32, #tpu.memory_space<vmem>> -> memref<32xi32, #tpu.memory_space<vmem>>
    %dma_start3A_43 = arith.constant 0 : i32
    %dma_start3A_44 = arith.constant 0 : i32
    %dma_start3A_45 = tpu.memref_slice %arg2[%dma_start3A_43, %dma_start3A_44] : memref<12288x1024xf32, #tpu.memory_space<hbm>> -> memref<12288x1024xf32, #tpu.memory_space<hbm>>
    tpu.enqueue_indirect_dma source(%dma_start3A_45 : memref<12288x1024xf32, #tpu.memory_space<hbm>>) target(%arg6 : memref<32x1024xf32, #tpu.memory_space<vmem>>) offsets(%dma_start3A_42 : memref<32xi32, #tpu.memory_space<vmem>>) semaphore(%arg8 : memref<!tpu.dma_semaphore, #tpu.memory_space<semaphore_mem>>)
    %add3A_46 = arith.constant 32 : i32
    %add3A_47 = arith.addi %mul3A_2, %add3A_46 : i32
    %dma_start3A_48 = arith.constant 0 : i32
    %dma_start3A_49 = tpu.memref_slice %arg4[%add3A_47, %dma_start3A_48] : memref<8192x1024xf32, #tpu.memory_space<hbm>> -> memref<32x1024xf32, #tpu.memory_space<hbm>>
    %dma_start3A_50 = arith.constant 0 : i32
    %dma_start3A_51 = tpu.memref_slice %arg4[%add3A_47, %dma_start3A_50] : memref<8192x1024xf32, #tpu.memory_space<hbm>> -> memref<32x1024xf32, #tpu.memory_space<hbm>>
    tpu.enqueue_dma source(%arg7 : memref<32x1024xf32, #tpu.memory_space<vmem>>) target(%dma_start3A_51 : memref<32x1024xf32, #tpu.memory_space<hbm>>) target_semaphore(%arg11 : memref<!tpu.dma_semaphore, #tpu.memory_space<semaphore_mem>>)
    %dma_wait3A_52 = arith.constant 2 : i32
    %dma_wait3A_53 = arith.constant 0 : i32
    %dma_wait3A_54 = tpu.memref_slice %arg5[%dma_wait3A_52, %dma_wait3A_53] : memref<8x32xi32, #tpu.memory_space<vmem>> -> memref<1x32xi32, #tpu.memory_space<vmem>>
    %dma_wait3A_55 = tpu.memref_squeeze %dma_wait3A_54 : memref<1x32xi32, #tpu.memory_space<vmem>> -> memref<32xi32, #tpu.memory_space<vmem>>
    %dma_wait3A_56 = arith.constant 0 : i32
    %dma_wait3A_57 = arith.constant 0 : i32
    %dma_wait3A_58 = tpu.memref_slice %arg2[%dma_wait3A_56, %dma_wait3A_57] : memref<12288x1024xf32, #tpu.memory_space<hbm>> -> memref<12288x1024xf32, #tpu.memory_space<hbm>>
    tpu.wait_indirect_dma semaphore(%arg8 : memref<!tpu.dma_semaphore, #tpu.memory_space<semaphore_mem>>) src(%dma_wait3A_58 : memref<12288x1024xf32, #tpu.memory_space<hbm>>) dst(%arg6 : memref<32x1024xf32, #tpu.memory_space<vmem>>)
    %dma_wait3A_59 = arith.constant 0 : i32
    %dma_wait3A_60 = tpu.memref_slice %arg4[%add3A_47, %dma_wait3A_59] : memref<8192x1024xf32, #tpu.memory_space<hbm>> -> memref<32x1024xf32, #tpu.memory_space<hbm>>
    %dma_wait3A_61 = arith.constant 0 : i32
    %dma_wait3A_62 = tpu.memref_slice %arg4[%add3A_47, %dma_wait3A_61] : memref<8192x1024xf32, #tpu.memory_space<hbm>> -> memref<32x1024xf32, #tpu.memory_space<hbm>>
    tpu.wait_dma2 semaphore(%arg11 : memref<!tpu.dma_semaphore, #tpu.memory_space<semaphore_mem>>) src(%arg7 : memref<32x1024xf32, #tpu.memory_space<vmem>>) dst(%dma_wait3A_62 : memref<32x1024xf32, #tpu.memory_space<hbm>>)
    %dma_start3A_63 = arith.constant 3 : i32
    %dma_start3A_64 = arith.constant 0 : i32
    %dma_start3A_65 = tpu.memref_slice %arg5[%dma_start3A_63, %dma_start3A_64] : memref<8x32xi32, #tpu.memory_space<vmem>> -> memref<1x32xi32, #tpu.memory_space<vmem>>
    %dma_start3A_66 = tpu.memref_squeeze %dma_start3A_65 : memref<1x32xi32, #tpu.memory_space<vmem>> -> memref<32xi32, #tpu.memory_space<vmem>>
    %dma_start3A_67 = arith.constant 0 : i32
    %dma_start3A_68 = arith.constant 0 : i32
    %dma_start3A_69 = tpu.memref_slice %arg2[%dma_start3A_67, %dma_start3A_68] : memref<12288x1024xf32, #tpu.memory_space<hbm>> -> memref<12288x1024xf32, #tpu.memory_space<hbm>>
    tpu.enqueue_indirect_dma source(%dma_start3A_69 : memref<12288x1024xf32, #tpu.memory_space<hbm>>) target(%arg7 : memref<32x1024xf32, #tpu.memory_space<vmem>>) offsets(%dma_start3A_66 : memref<32xi32, #tpu.memory_space<vmem>>) semaphore(%arg9 : memref<!tpu.dma_semaphore, #tpu.memory_space<semaphore_mem>>)
    %add3A_70 = arith.constant 64 : i32
    %add3A_71 = arith.addi %mul3A_2, %add3A_70 : i32
    %dma_start3A_72 = arith.constant 0 : i32
    %dma_start3A_73 = tpu.memref_slice %arg4[%add3A_71, %dma_start3A_72] : memref<8192x1024xf32, #tpu.memory_space<hbm>> -> memref<32x1024xf32, #tpu.memory_space<hbm>>
    %dma_start3A_74 = arith.constant 0 : i32
    %dma_start3A_75 = tpu.memref_slice %arg4[%add3A_71, %dma_start3A_74] : memref<8192x1024xf32, #tpu.memory_space<hbm>> -> memref<32x1024xf32, #tpu.memory_space<hbm>>
    tpu.enqueue_dma source(%arg6 : memref<32x1024xf32, #tpu.memory_space<vmem>>) target(%dma_start3A_75 : memref<32x1024xf32, #tpu.memory_space<hbm>>) target_semaphore(%arg10 : memref<!tpu.dma_semaphore, #tpu.memory_space<semaphore_mem>>)
    %dma_wait3A_76 = arith.constant 3 : i32
    %dma_wait3A_77 = arith.constant 0 : i32
    %dma_wait3A_78 = tpu.memref_slice %arg5[%dma_wait3A_76, %dma_wait3A_77] : memref<8x32xi32, #tpu.memory_space<vmem>> -> memref<1x32xi32, #tpu.memory_space<vmem>>
    %dma_wait3A_79 = tpu.memref_squeeze %dma_wait3A_78 : memref<1x32xi32, #tpu.memory_space<vmem>> -> memref<32xi32, #tpu.memory_space<vmem>>
    %dma_wait3A_80 = arith.constant 0 : i32
    %dma_wait3A_81 = arith.constant 0 : i32
    %dma_wait3A_82 = tpu.memref_slice %arg2[%dma_wait3A_80, %dma_wait3A_81] : memref<12288x1024xf32, #tpu.memory_space<hbm>> -> memref<12288x1024xf32, #tpu.memory_space<hbm>>
    tpu.wait_indirect_dma semaphore(%arg9 : memref<!tpu.dma_semaphore, #tpu.memory_space<semaphore_mem>>) src(%dma_wait3A_82 : memref<12288x1024xf32, #tpu.memory_space<hbm>>) dst(%arg7 : memref<32x1024xf32, #tpu.memory_space<vmem>>)
    %dma_wait3A_83 = arith.constant 0 : i32
    %dma_wait3A_84 = tpu.memref_slice %arg4[%add3A_71, %dma_wait3A_83] : memref<8192x1024xf32, #tpu.memory_space<hbm>> -> memref<32x1024xf32, #tpu.memory_space<hbm>>
    %dma_wait3A_85 = arith.constant 0 : i32
    %dma_wait3A_86 = tpu.memref_slice %arg4[%add3A_71, %dma_wait3A_85] : memref<8192x1024xf32, #tpu.memory_space<hbm>> -> memref<32x1024xf32, #tpu.memory_space<hbm>>
    tpu.wait_dma2 semaphore(%arg10 : memref<!tpu.dma_semaphore, #tpu.memory_space<semaphore_mem>>) src(%arg6 : memref<32x1024xf32, #tpu.memory_space<vmem>>) dst(%dma_wait3A_86 : memref<32x1024xf32, #tpu.memory_space<hbm>>)
    %dma_start3A_87 = arith.constant 4 : i32
    %dma_start3A_88 = arith.constant 0 : i32
    %dma_start3A_89 = tpu.memref_slice %arg5[%dma_start3A_87, %dma_start3A_88] : memref<8x32xi32, #tpu.memory_space<vmem>> -> memref<1x32xi32, #tpu.memory_space<vmem>>
    %dma_start3A_90 = tpu.memref_squeeze %dma_start3A_89 : memref<1x32xi32, #tpu.memory_space<vmem>> -> memref<32xi32, #tpu.memory_space<vmem>>
    %dma_start3A_91 = arith.constant 0 : i32
    %dma_start3A_92 = arith.constant 0 : i32
    %dma_start3A_93 = tpu.memref_slice %arg2[%dma_start3A_91, %dma_start3A_92] : memref<12288x1024xf32, #tpu.memory_space<hbm>> -> memref<12288x1024xf32, #tpu.memory_space<hbm>>
    tpu.enqueue_indirect_dma source(%dma_start3A_93 : memref<12288x1024xf32, #tpu.memory_space<hbm>>) target(%arg6 : memref<32x1024xf32, #tpu.memory_space<vmem>>) offsets(%dma_start3A_90 : memref<32xi32, #tpu.memory_space<vmem>>) semaphore(%arg8 : memref<!tpu.dma_semaphore, #tpu.memory_space<semaphore_mem>>)
    %add3A_94 = arith.constant 96 : i32
    %add3A_95 = arith.addi %mul3A_2, %add3A_94 : i32
    %dma_start3A_96 = arith.constant 0 : i32
    %dma_start3A_97 = tpu.memref_slice %arg4[%add3A_95, %dma_start3A_96] : memref<8192x1024xf32, #tpu.memory_space<hbm>> -> memref<32x1024xf32, #tpu.memory_space<hbm>>
    %dma_start3A_98 = arith.constant 0 : i32
    %dma_start3A_99 = tpu.memref_slice %arg4[%add3A_95, %dma_start3A_98] : memref<8192x1024xf32, #tpu.memory_space<hbm>> -> memref<32x1024xf32, #tpu.memory_space<hbm>>
    tpu.enqueue_dma source(%arg7 : memref<32x1024xf32, #tpu.memory_space<vmem>>) target(%dma_start3A_99 : memref<32x1024xf32, #tpu.memory_space<hbm>>) target_semaphore(%arg11 : memref<!tpu.dma_semaphore, #tpu.memory_space<semaphore_mem>>)
    %dma_wait3A_100 = arith.constant 4 : i32
    %dma_wait3A_101 = arith.constant 0 : i32
    %dma_wait3A_102 = tpu.memref_slice %arg5[%dma_wait3A_100, %dma_wait3A_101] : memref<8x32xi32, #tpu.memory_space<vmem>> -> memref<1x32xi32, #tpu.memory_space<vmem>>
    %dma_wait3A_103 = tpu.memref_squeeze %dma_wait3A_102 : memref<1x32xi32, #tpu.memory_space<vmem>> -> memref<32xi32, #tpu.memory_space<vmem>>
    %dma_wait3A_104 = arith.constant 0 : i32
    %dma_wait3A_105 = arith.constant 0 : i32
    %dma_wait3A_106 = tpu.memref_slice %arg2[%dma_wait3A_104, %dma_wait3A_105] : memref<12288x1024xf32, #tpu.memory_space<hbm>> -> memref<12288x1024xf32, #tpu.memory_space<hbm>>
    tpu.wait_indirect_dma semaphore(%arg8 : memref<!tpu.dma_semaphore, #tpu.memory_space<semaphore_mem>>) src(%dma_wait3A_106 : memref<12288x1024xf32, #tpu.memory_space<hbm>>) dst(%arg6 : memref<32x1024xf32, #tpu.memory_space<vmem>>)
    %dma_wait3A_107 = arith.constant 0 : i32
    %dma_wait3A_108 = tpu.memref_slice %arg4[%add3A_95, %dma_wait3A_107] : memref<8192x1024xf32, #tpu.memory_space<hbm>> -> memref<32x1024xf32, #tpu.memory_space<hbm>>
    %dma_wait3A_109 = arith.constant 0 : i32
    %dma_wait3A_110 = tpu.memref_slice %arg4[%add3A_95, %dma_wait3A_109] : memref<8192x1024xf32, #tpu.memory_space<hbm>> -> memref<32x1024xf32, #tpu.memory_space<hbm>>
    tpu.wait_dma2 semaphore(%arg11 : memref<!tpu.dma_semaphore, #tpu.memory_space<semaphore_mem>>) src(%arg7 : memref<32x1024xf32, #tpu.memory_space<vmem>>) dst(%dma_wait3A_110 : memref<32x1024xf32, #tpu.memory_space<hbm>>)
    %dma_start3A_111 = arith.constant 5 : i32
    %dma_start3A_112 = arith.constant 0 : i32
    %dma_start3A_113 = tpu.memref_slice %arg5[%dma_start3A_111, %dma_start3A_112] : memref<8x32xi32, #tpu.memory_space<vmem>> -> memref<1x32xi32, #tpu.memory_space<vmem>>
    %dma_start3A_114 = tpu.memref_squeeze %dma_start3A_113 : memref<1x32xi32, #tpu.memory_space<vmem>> -> memref<32xi32, #tpu.memory_space<vmem>>
    %dma_start3A_115 = arith.constant 0 : i32
    %dma_start3A_116 = arith.constant 0 : i32
    %dma_start3A_117 = tpu.memref_slice %arg2[%dma_start3A_115, %dma_start3A_116] : memref<12288x1024xf32, #tpu.memory_space<hbm>> -> memref<12288x1024xf32, #tpu.memory_space<hbm>>
    tpu.enqueue_indirect_dma source(%dma_start3A_117 : memref<12288x1024xf32, #tpu.memory_space<hbm>>) target(%arg7 : memref<32x1024xf32, #tpu.memory_space<vmem>>) offsets(%dma_start3A_114 : memref<32xi32, #tpu.memory_space<vmem>>) semaphore(%arg9 : memref<!tpu.dma_semaphore, #tpu.memory_space<semaphore_mem>>)
    %add3A_118 = arith.constant 128 : i32
    %add3A_119 = arith.addi %mul3A_2, %add3A_118 : i32
    %dma_start3A_120 = arith.constant 0 : i32
    %dma_start3A_121 = tpu.memref_slice %arg4[%add3A_119, %dma_start3A_120] : memref<8192x1024xf32, #tpu.memory_space<hbm>> -> memref<32x1024xf32, #tpu.memory_space<hbm>>
    %dma_start3A_122 = arith.constant 0 : i32
    %dma_start3A_123 = tpu.memref_slice %arg4[%add3A_119, %dma_start3A_122] : memref<8192x1024xf32, #tpu.memory_space<hbm>> -> memref<32x1024xf32, #tpu.memory_space<hbm>>
    tpu.enqueue_dma source(%arg6 : memref<32x1024xf32, #tpu.memory_space<vmem>>) target(%dma_start3A_123 : memref<32x1024xf32, #tpu.memory_space<hbm>>) target_semaphore(%arg10 : memref<!tpu.dma_semaphore, #tpu.memory_space<semaphore_mem>>)
    %dma_wait3A_124 = arith.constant 5 : i32
    %dma_wait3A_125 = arith.constant 0 : i32
    %dma_wait3A_126 = tpu.memref_slice %arg5[%dma_wait3A_124, %dma_wait3A_125] : memref<8x32xi32, #tpu.memory_space<vmem>> -> memref<1x32xi32, #tpu.memory_space<vmem>>
    %dma_wait3A_127 = tpu.memref_squeeze %dma_wait3A_126 : memref<1x32xi32, #tpu.memory_space<vmem>> -> memref<32xi32, #tpu.memory_space<vmem>>
    %dma_wait3A_128 = arith.constant 0 : i32
    %dma_wait3A_129 = arith.constant 0 : i32
    %dma_wait3A_130 = tpu.memref_slice %arg2[%dma_wait3A_128, %dma_wait3A_129] : memref<12288x1024xf32, #tpu.memory_space<hbm>> -> memref<12288x1024xf32, #tpu.memory_space<hbm>>
    tpu.wait_indirect_dma semaphore(%arg9 : memref<!tpu.dma_semaphore, #tpu.memory_space<semaphore_mem>>) src(%dma_wait3A_130 : memref<12288x1024xf32, #tpu.memory_space<hbm>>) dst(%arg7 : memref<32x1024xf32, #tpu.memory_space<vmem>>)
    %dma_wait3A_131 = arith.constant 0 : i32
    %dma_wait3A_132 = tpu.memref_slice %arg4[%add3A_119, %dma_wait3A_131] : memref<8192x1024xf32, #tpu.memory_space<hbm>> -> memref<32x1024xf32, #tpu.memory_space<hbm>>
    %dma_wait3A_133 = arith.constant 0 : i32
    %dma_wait3A_134 = tpu.memref_slice %arg4[%add3A_119, %dma_wait3A_133] : memref<8192x1024xf32, #tpu.memory_space<hbm>> -> memref<32x1024xf32, #tpu.memory_space<hbm>>
    tpu.wait_dma2 semaphore(%arg10 : memref<!tpu.dma_semaphore, #tpu.memory_space<semaphore_mem>>) src(%arg6 : memref<32x1024xf32, #tpu.memory_space<vmem>>) dst(%dma_wait3A_134 : memref<32x1024xf32, #tpu.memory_space<hbm>>)
    %dma_start3A_135 = arith.constant 6 : i32
    %dma_start3A_136 = arith.constant 0 : i32
    %dma_start3A_137 = tpu.memref_slice %arg5[%dma_start3A_135, %dma_start3A_136] : memref<8x32xi32, #tpu.memory_space<vmem>> -> memref<1x32xi32, #tpu.memory_space<vmem>>
    %dma_start3A_138 = tpu.memref_squeeze %dma_start3A_137 : memref<1x32xi32, #tpu.memory_space<vmem>> -> memref<32xi32, #tpu.memory_space<vmem>>
    %dma_start3A_139 = arith.constant 0 : i32
    %dma_start3A_140 = arith.constant 0 : i32
    %dma_start3A_141 = tpu.memref_slice %arg2[%dma_start3A_139, %dma_start3A_140] : memref<12288x1024xf32, #tpu.memory_space<hbm>> -> memref<12288x1024xf32, #tpu.memory_space<hbm>>
    tpu.enqueue_indirect_dma source(%dma_start3A_141 : memref<12288x1024xf32, #tpu.memory_space<hbm>>) target(%arg6 : memref<32x1024xf32, #tpu.memory_space<vmem>>) offsets(%dma_start3A_138 : memref<32xi32, #tpu.memory_space<vmem>>) semaphore(%arg8 : memref<!tpu.dma_semaphore, #tpu.memory_space<semaphore_mem>>)
    %add3A_142 = arith.constant 160 : i32
    %add3A_143 = arith.addi %mul3A_2, %add3A_142 : i32
    %dma_start3A_144 = arith.constant 0 : i32
    %dma_start3A_145 = tpu.memref_slice %arg4[%add3A_143, %dma_start3A_144] : memref<8192x1024xf32, #tpu.memory_space<hbm>> -> memref<32x1024xf32, #tpu.memory_space<hbm>>
    %dma_start3A_146 = arith.constant 0 : i32
    %dma_start3A_147 = tpu.memref_slice %arg4[%add3A_143, %dma_start3A_146] : memref<8192x1024xf32, #tpu.memory_space<hbm>> -> memref<32x1024xf32, #tpu.memory_space<hbm>>
    tpu.enqueue_dma source(%arg7 : memref<32x1024xf32, #tpu.memory_space<vmem>>) target(%dma_start3A_147 : memref<32x1024xf32, #tpu.memory_space<hbm>>) target_semaphore(%arg11 : memref<!tpu.dma_semaphore, #tpu.memory_space<semaphore_mem>>)
    %dma_wait3A_148 = arith.constant 6 : i32
    %dma_wait3A_149 = arith.constant 0 : i32
    %dma_wait3A_150 = tpu.memref_slice %arg5[%dma_wait3A_148, %dma_wait3A_149] : memref<8x32xi32, #tpu.memory_space<vmem>> -> memref<1x32xi32, #tpu.memory_space<vmem>>
    %dma_wait3A_151 = tpu.memref_squeeze %dma_wait3A_150 : memref<1x32xi32, #tpu.memory_space<vmem>> -> memref<32xi32, #tpu.memory_space<vmem>>
    %dma_wait3A_152 = arith.constant 0 : i32
    %dma_wait3A_153 = arith.constant 0 : i32
    %dma_wait3A_154 = tpu.memref_slice %arg2[%dma_wait3A_152, %dma_wait3A_153] : memref<12288x1024xf32, #tpu.memory_space<hbm>> -> memref<12288x1024xf32, #tpu.memory_space<hbm>>
    tpu.wait_indirect_dma semaphore(%arg8 : memref<!tpu.dma_semaphore, #tpu.memory_space<semaphore_mem>>) src(%dma_wait3A_154 : memref<12288x1024xf32, #tpu.memory_space<hbm>>) dst(%arg6 : memref<32x1024xf32, #tpu.memory_space<vmem>>)
    %dma_wait3A_155 = arith.constant 0 : i32
    %dma_wait3A_156 = tpu.memref_slice %arg4[%add3A_143, %dma_wait3A_155] : memref<8192x1024xf32, #tpu.memory_space<hbm>> -> memref<32x1024xf32, #tpu.memory_space<hbm>>
    %dma_wait3A_157 = arith.constant 0 : i32
    %dma_wait3A_158 = tpu.memref_slice %arg4[%add3A_143, %dma_wait3A_157] : memref<8192x1024xf32, #tpu.memory_space<hbm>> -> memref<32x1024xf32, #tpu.memory_space<hbm>>
    tpu.wait_dma2 semaphore(%arg11 : memref<!tpu.dma_semaphore, #tpu.memory_space<semaphore_mem>>) src(%arg7 : memref<32x1024xf32, #tpu.memory_space<vmem>>) dst(%dma_wait3A_158 : memref<32x1024xf32, #tpu.memory_space<hbm>>)
    %dma_start3A_159 = arith.constant 7 : i32
    %dma_start3A_160 = arith.constant 0 : i32
    %dma_start3A_161 = tpu.memref_slice %arg5[%dma_start3A_159, %dma_start3A_160] : memref<8x32xi32, #tpu.memory_space<vmem>> -> memref<1x32xi32, #tpu.memory_space<vmem>>
    %dma_start3A_162 = tpu.memref_squeeze %dma_start3A_161 : memref<1x32xi32, #tpu.memory_space<vmem>> -> memref<32xi32, #tpu.memory_space<vmem>>
    %dma_start3A_163 = arith.constant 0 : i32
    %dma_start3A_164 = arith.constant 0 : i32
    %dma_start3A_165 = tpu.memref_slice %arg2[%dma_start3A_163, %dma_start3A_164] : memref<12288x1024xf32, #tpu.memory_space<hbm>> -> memref<12288x1024xf32, #tpu.memory_space<hbm>>
    tpu.enqueue_indirect_dma source(%dma_start3A_165 : memref<12288x1024xf32, #tpu.memory_space<hbm>>) target(%arg7 : memref<32x1024xf32, #tpu.memory_space<vmem>>) offsets(%dma_start3A_162 : memref<32xi32, #tpu.memory_space<vmem>>) semaphore(%arg9 : memref<!tpu.dma_semaphore, #tpu.memory_space<semaphore_mem>>)
    %add3A_166 = arith.constant 192 : i32
    %add3A_167 = arith.addi %mul3A_2, %add3A_166 : i32
    %dma_start3A_168 = arith.constant 0 : i32
    %dma_start3A_169 = tpu.memref_slice %arg4[%add3A_167, %dma_start3A_168] : memref<8192x1024xf32, #tpu.memory_space<hbm>> -> memref<32x1024xf32, #tpu.memory_space<hbm>>
    %dma_start3A_170 = arith.constant 0 : i32
    %dma_start3A_171 = tpu.memref_slice %arg4[%add3A_167, %dma_start3A_170] : memref<8192x1024xf32, #tpu.memory_space<hbm>> -> memref<32x1024xf32, #tpu.memory_space<hbm>>
    tpu.enqueue_dma source(%arg6 : memref<32x1024xf32, #tpu.memory_space<vmem>>) target(%dma_start3A_171 : memref<32x1024xf32, #tpu.memory_space<hbm>>) target_semaphore(%arg10 : memref<!tpu.dma_semaphore, #tpu.memory_space<semaphore_mem>>)
    %dma_wait3A_172 = arith.constant 7 : i32
    %dma_wait3A_173 = arith.constant 0 : i32
    %dma_wait3A_174 = tpu.memref_slice %arg5[%dma_wait3A_172, %dma_wait3A_173] : memref<8x32xi32, #tpu.memory_space<vmem>> -> memref<1x32xi32, #tpu.memory_space<vmem>>
    %dma_wait3A_175 = tpu.memref_squeeze %dma_wait3A_174 : memref<1x32xi32, #tpu.memory_space<vmem>> -> memref<32xi32, #tpu.memory_space<vmem>>
    %dma_wait3A_176 = arith.constant 0 : i32
    %dma_wait3A_177 = arith.constant 0 : i32
    %dma_wait3A_178 = tpu.memref_slice %arg2[%dma_wait3A_176, %dma_wait3A_177] : memref<12288x1024xf32, #tpu.memory_space<hbm>> -> memref<12288x1024xf32, #tpu.memory_space<hbm>>
    tpu.wait_indirect_dma semaphore(%arg9 : memref<!tpu.dma_semaphore, #tpu.memory_space<semaphore_mem>>) src(%dma_wait3A_178 : memref<12288x1024xf32, #tpu.memory_space<hbm>>) dst(%arg7 : memref<32x1024xf32, #tpu.memory_space<vmem>>)
    %add3A_179 = arith.constant 224 : i32
    %add3A_180 = arith.addi %mul3A_2, %add3A_179 : i32
    %dma_start3A_181 = arith.constant 0 : i32
    %dma_start3A_182 = tpu.memref_slice %arg4[%add3A_180, %dma_start3A_181] : memref<8192x1024xf32, #tpu.memory_space<hbm>> -> memref<32x1024xf32, #tpu.memory_space<hbm>>
    %dma_start3A_183 = arith.constant 0 : i32
    %dma_start3A_184 = tpu.memref_slice %arg4[%add3A_180, %dma_start3A_183] : memref<8192x1024xf32, #tpu.memory_space<hbm>> -> memref<32x1024xf32, #tpu.memory_space<hbm>>
    tpu.enqueue_dma source(%arg7 : memref<32x1024xf32, #tpu.memory_space<vmem>>) target(%dma_start3A_184 : memref<32x1024xf32, #tpu.memory_space<hbm>>) target_semaphore(%arg11 : memref<!tpu.dma_semaphore, #tpu.memory_space<semaphore_mem>>)
    %dma_wait3A_185 = arith.constant 0 : i32
    %dma_wait3A_186 = tpu.memref_slice %arg4[%add3A_167, %dma_wait3A_185] : memref<8192x1024xf32, #tpu.memory_space<hbm>> -> memref<32x1024xf32, #tpu.memory_space<hbm>>
    %dma_wait3A_187 = arith.constant 0 : i32
    %dma_wait3A_188 = tpu.memref_slice %arg4[%add3A_167, %dma_wait3A_187] : memref<8192x1024xf32, #tpu.memory_space<hbm>> -> memref<32x1024xf32, #tpu.memory_space<hbm>>
    tpu.wait_dma2 semaphore(%arg10 : memref<!tpu.dma_semaphore, #tpu.memory_space<semaphore_mem>>) src(%arg6 : memref<32x1024xf32, #tpu.memory_space<vmem>>) dst(%dma_wait3A_188 : memref<32x1024xf32, #tpu.memory_space<hbm>>)
    %dma_wait3A_189 = arith.constant 0 : i32
    %dma_wait3A_190 = tpu.memref_slice %arg4[%add3A_180, %dma_wait3A_189] : memref<8192x1024xf32, #tpu.memory_space<hbm>> -> memref<32x1024xf32, #tpu.memory_space<hbm>>
    %dma_wait3A_191 = arith.constant 0 : i32
    %dma_wait3A_192 = tpu.memref_slice %arg4[%add3A_180, %dma_wait3A_191] : memref<8192x1024xf32, #tpu.memory_space<hbm>> -> memref<32x1024xf32, #tpu.memory_space<hbm>>
    tpu.wait_dma2 semaphore(%arg11 : memref<!tpu.dma_semaphore, #tpu.memory_space<semaphore_mem>>) src(%arg7 : memref<32x1024xf32, #tpu.memory_space<vmem>>) dst(%dma_wait3A_192 : memref<32x1024xf32, #tpu.memory_space<hbm>>)
    return
  }
}

#map = affine_map<(d0, d1) -> (0, 0)>
#map1 = affine_map<(d0, d1) -> (0, 0, 0)>
module attributes {stable_mosaic.version = 14 : i64} {
  func.func @k(%arg0: i32, %arg1: i32, %arg2: memref<8192x1024xf32, #tpu.memory_space<hbm>>, %arg3: memref<32x8x32xi32, #tpu.memory_space<hbm>>, %arg4: memref<12288x1024xf32, #tpu.memory_space<hbm>>, %arg5: memref<8x32xi32, #tpu.memory_space<vmem>>, %arg6: memref<32x1024xf32, #tpu.memory_space<vmem>>, %arg7: memref<32x1024xf32, #tpu.memory_space<vmem>>, %arg8: memref<!tpu.dma_semaphore, #tpu.memory_space<semaphore_mem>>, %arg9: memref<!tpu.dma_semaphore, #tpu.memory_space<semaphore_mem>>, %arg10: memref<!tpu.dma_semaphore, #tpu.memory_space<semaphore_mem>>, %arg11: memref<!tpu.dma_semaphore, #tpu.memory_space<semaphore_mem>>) attributes {dimension_semantics = [#tpu.dimension_semantics<core_parallel>, #tpu.dimension_semantics<subcore_parallel>], iteration_bounds = array<i64: 2, 16>, scalar_prefetch = 0 : i64, scratch_operands = 7 : i64, tpu.core_type = #tpu.core_type<sc_vector_subcore>, window_params = [{transform_indices = #map}, {transform_indices = #map1}, {transform_indices = #map}]} {
    %mul3A = arith.constant 2 : i32
    %mul3A_0 = arith.muli %arg1, %mul3A : i32
    %add3A = arith.addi %mul3A_0, %arg0 : i32
    "tpu.region"() ({
      %run_scoped3A = tpu.sem_alloc : memref<!tpu.dma_semaphore, #tpu.memory_space<semaphore_mem>>
      %dma_start3A_191 = arith.constant 0 : i32
      %dma_start3A_192 = arith.constant 0 : i32
      %dma_start3A_193 = tpu.memref_slice %arg3[%add3A, %dma_start3A_191, %dma_start3A_192] : memref<32x8x32xi32, #tpu.memory_space<hbm>> -> memref<1x8x32xi32, #tpu.memory_space<hbm>>
      %dma_start3A_194 = tpu.memref_squeeze %dma_start3A_193 : memref<1x8x32xi32, #tpu.memory_space<hbm>> -> memref<8x32xi32, #tpu.memory_space<hbm>>
      %dma_start3A_195 = arith.constant 0 : i32
      %dma_start3A_196 = arith.constant 0 : i32
      %dma_start3A_197 = tpu.memref_slice %arg3[%add3A, %dma_start3A_195, %dma_start3A_196] : memref<32x8x32xi32, #tpu.memory_space<hbm>> -> memref<1x8x32xi32, #tpu.memory_space<hbm>>
      %dma_start3A_198 = tpu.memref_squeeze %dma_start3A_197 : memref<1x8x32xi32, #tpu.memory_space<hbm>> -> memref<8x32xi32, #tpu.memory_space<hbm>>
      tpu.enqueue_dma source(%dma_start3A_198 : memref<8x32xi32, #tpu.memory_space<hbm>>) target(%arg5 : memref<8x32xi32, #tpu.memory_space<vmem>>) target_semaphore(%run_scoped3A : memref<!tpu.dma_semaphore, #tpu.memory_space<semaphore_mem>>)
      %dma_wait3A_199 = arith.constant 0 : i32
      %dma_wait3A_200 = arith.constant 0 : i32
      %dma_wait3A_201 = tpu.memref_slice %arg3[%add3A, %dma_wait3A_199, %dma_wait3A_200] : memref<32x8x32xi32, #tpu.memory_space<hbm>> -> memref<1x8x32xi32, #tpu.memory_space<hbm>>
      %dma_wait3A_202 = tpu.memref_squeeze %dma_wait3A_201 : memref<1x8x32xi32, #tpu.memory_space<hbm>> -> memref<8x32xi32, #tpu.memory_space<hbm>>
      %dma_wait3A_203 = arith.constant 0 : i32
      %dma_wait3A_204 = arith.constant 0 : i32
      %dma_wait3A_205 = tpu.memref_slice %arg3[%add3A, %dma_wait3A_203, %dma_wait3A_204] : memref<32x8x32xi32, #tpu.memory_space<hbm>> -> memref<1x8x32xi32, #tpu.memory_space<hbm>>
      %dma_wait3A_206 = tpu.memref_squeeze %dma_wait3A_205 : memref<1x8x32xi32, #tpu.memory_space<hbm>> -> memref<8x32xi32, #tpu.memory_space<hbm>>
      tpu.wait_dma2 semaphore(%run_scoped3A : memref<!tpu.dma_semaphore, #tpu.memory_space<semaphore_mem>>) src(%dma_wait3A_206 : memref<8x32xi32, #tpu.memory_space<hbm>>) dst(%arg5 : memref<8x32xi32, #tpu.memory_space<vmem>>)
      tpu.yield
    }) : () -> ()
    %mul3A_1 = arith.constant 256 : i32
    %mul3A_2 = arith.muli %add3A, %mul3A_1 : i32
    %dma_start3A = arith.constant 0 : i32
    %dma_start3A_3 = tpu.memref_slice %arg2[%mul3A_2, %dma_start3A] : memref<8192x1024xf32, #tpu.memory_space<hbm>> -> memref<32x1024xf32, #tpu.memory_space<hbm>>
    %dma_start3A_4 = arith.constant 0 : i32
    %dma_start3A_5 = tpu.memref_slice %arg2[%mul3A_2, %dma_start3A_4] : memref<8192x1024xf32, #tpu.memory_space<hbm>> -> memref<32x1024xf32, #tpu.memory_space<hbm>>
    tpu.enqueue_dma source(%dma_start3A_5 : memref<32x1024xf32, #tpu.memory_space<hbm>>) target(%arg6 : memref<32x1024xf32, #tpu.memory_space<vmem>>) target_semaphore(%arg8 : memref<!tpu.dma_semaphore, #tpu.memory_space<semaphore_mem>>)
    %dma_wait3A = arith.constant 0 : i32
    %dma_wait3A_6 = tpu.memref_slice %arg2[%mul3A_2, %dma_wait3A] : memref<8192x1024xf32, #tpu.memory_space<hbm>> -> memref<32x1024xf32, #tpu.memory_space<hbm>>
    %dma_wait3A_7 = arith.constant 0 : i32
    %dma_wait3A_8 = tpu.memref_slice %arg2[%mul3A_2, %dma_wait3A_7] : memref<8192x1024xf32, #tpu.memory_space<hbm>> -> memref<32x1024xf32, #tpu.memory_space<hbm>>
    tpu.wait_dma2 semaphore(%arg8 : memref<!tpu.dma_semaphore, #tpu.memory_space<semaphore_mem>>) src(%dma_wait3A_8 : memref<32x1024xf32, #tpu.memory_space<hbm>>) dst(%arg6 : memref<32x1024xf32, #tpu.memory_space<vmem>>)
    %add3A_9 = arith.constant 32 : i32
    %add3A_10 = arith.addi %mul3A_2, %add3A_9 : i32
    %dma_start3A_11 = arith.constant 0 : i32
    %dma_start3A_12 = tpu.memref_slice %arg2[%add3A_10, %dma_start3A_11] : memref<8192x1024xf32, #tpu.memory_space<hbm>> -> memref<32x1024xf32, #tpu.memory_space<hbm>>
    %dma_start3A_13 = arith.constant 0 : i32
    %dma_start3A_14 = tpu.memref_slice %arg2[%add3A_10, %dma_start3A_13] : memref<8192x1024xf32, #tpu.memory_space<hbm>> -> memref<32x1024xf32, #tpu.memory_space<hbm>>
    tpu.enqueue_dma source(%dma_start3A_14 : memref<32x1024xf32, #tpu.memory_space<hbm>>) target(%arg7 : memref<32x1024xf32, #tpu.memory_space<vmem>>) target_semaphore(%arg9 : memref<!tpu.dma_semaphore, #tpu.memory_space<semaphore_mem>>)
    %dma_start3A_15 = arith.constant 0 : i32
    %dma_start3A_16 = arith.constant 0 : i32
    %dma_start3A_17 = tpu.memref_slice %arg5[%dma_start3A_15, %dma_start3A_16] : memref<8x32xi32, #tpu.memory_space<vmem>> -> memref<1x32xi32, #tpu.memory_space<vmem>>
    %dma_start3A_18 = tpu.memref_squeeze %dma_start3A_17 : memref<1x32xi32, #tpu.memory_space<vmem>> -> memref<32xi32, #tpu.memory_space<vmem>>
    %dma_start3A_19 = arith.constant 0 : i32
    %dma_start3A_20 = arith.constant 0 : i32
    %dma_start3A_21 = tpu.memref_slice %arg4[%dma_start3A_19, %dma_start3A_20] : memref<12288x1024xf32, #tpu.memory_space<hbm>> -> memref<12288x1024xf32, #tpu.memory_space<hbm>>
    tpu.enqueue_indirect_dma source(%arg6 : memref<32x1024xf32, #tpu.memory_space<vmem>>) target(%dma_start3A_21 : memref<12288x1024xf32, #tpu.memory_space<hbm>>) offsets(%dma_start3A_18 : memref<32xi32, #tpu.memory_space<vmem>>) semaphore(%arg10 : memref<!tpu.dma_semaphore, #tpu.memory_space<semaphore_mem>>)
    %dma_wait3A_22 = arith.constant 0 : i32
    %dma_wait3A_23 = tpu.memref_slice %arg2[%add3A_10, %dma_wait3A_22] : memref<8192x1024xf32, #tpu.memory_space<hbm>> -> memref<32x1024xf32, #tpu.memory_space<hbm>>
    %dma_wait3A_24 = arith.constant 0 : i32
    %dma_wait3A_25 = tpu.memref_slice %arg2[%add3A_10, %dma_wait3A_24] : memref<8192x1024xf32, #tpu.memory_space<hbm>> -> memref<32x1024xf32, #tpu.memory_space<hbm>>
    tpu.wait_dma2 semaphore(%arg9 : memref<!tpu.dma_semaphore, #tpu.memory_space<semaphore_mem>>) src(%dma_wait3A_25 : memref<32x1024xf32, #tpu.memory_space<hbm>>) dst(%arg7 : memref<32x1024xf32, #tpu.memory_space<vmem>>)
    %dma_wait3A_26 = arith.constant 0 : i32
    %dma_wait3A_27 = arith.constant 0 : i32
    %dma_wait3A_28 = tpu.memref_slice %arg5[%dma_wait3A_26, %dma_wait3A_27] : memref<8x32xi32, #tpu.memory_space<vmem>> -> memref<1x32xi32, #tpu.memory_space<vmem>>
    %dma_wait3A_29 = tpu.memref_squeeze %dma_wait3A_28 : memref<1x32xi32, #tpu.memory_space<vmem>> -> memref<32xi32, #tpu.memory_space<vmem>>
    %dma_wait3A_30 = arith.constant 0 : i32
    %dma_wait3A_31 = arith.constant 0 : i32
    %dma_wait3A_32 = tpu.memref_slice %arg4[%dma_wait3A_30, %dma_wait3A_31] : memref<12288x1024xf32, #tpu.memory_space<hbm>> -> memref<12288x1024xf32, #tpu.memory_space<hbm>>
    tpu.wait_indirect_dma semaphore(%arg10 : memref<!tpu.dma_semaphore, #tpu.memory_space<semaphore_mem>>) src(%arg6 : memref<32x1024xf32, #tpu.memory_space<vmem>>) dst(%dma_wait3A_32 : memref<12288x1024xf32, #tpu.memory_space<hbm>>)
    %add3A_33 = arith.constant 64 : i32
    %add3A_34 = arith.addi %mul3A_2, %add3A_33 : i32
    %dma_start3A_35 = arith.constant 0 : i32
    %dma_start3A_36 = tpu.memref_slice %arg2[%add3A_34, %dma_start3A_35] : memref<8192x1024xf32, #tpu.memory_space<hbm>> -> memref<32x1024xf32, #tpu.memory_space<hbm>>
    %dma_start3A_37 = arith.constant 0 : i32
    %dma_start3A_38 = tpu.memref_slice %arg2[%add3A_34, %dma_start3A_37] : memref<8192x1024xf32, #tpu.memory_space<hbm>> -> memref<32x1024xf32, #tpu.memory_space<hbm>>
    tpu.enqueue_dma source(%dma_start3A_38 : memref<32x1024xf32, #tpu.memory_space<hbm>>) target(%arg6 : memref<32x1024xf32, #tpu.memory_space<vmem>>) target_semaphore(%arg8 : memref<!tpu.dma_semaphore, #tpu.memory_space<semaphore_mem>>)
    %dma_start3A_39 = arith.constant 1 : i32
    %dma_start3A_40 = arith.constant 0 : i32
    %dma_start3A_41 = tpu.memref_slice %arg5[%dma_start3A_39, %dma_start3A_40] : memref<8x32xi32, #tpu.memory_space<vmem>> -> memref<1x32xi32, #tpu.memory_space<vmem>>
    %dma_start3A_42 = tpu.memref_squeeze %dma_start3A_41 : memref<1x32xi32, #tpu.memory_space<vmem>> -> memref<32xi32, #tpu.memory_space<vmem>>
    %dma_start3A_43 = arith.constant 0 : i32
    %dma_start3A_44 = arith.constant 0 : i32
    %dma_start3A_45 = tpu.memref_slice %arg4[%dma_start3A_43, %dma_start3A_44] : memref<12288x1024xf32, #tpu.memory_space<hbm>> -> memref<12288x1024xf32, #tpu.memory_space<hbm>>
    tpu.enqueue_indirect_dma source(%arg7 : memref<32x1024xf32, #tpu.memory_space<vmem>>) target(%dma_start3A_45 : memref<12288x1024xf32, #tpu.memory_space<hbm>>) offsets(%dma_start3A_42 : memref<32xi32, #tpu.memory_space<vmem>>) semaphore(%arg11 : memref<!tpu.dma_semaphore, #tpu.memory_space<semaphore_mem>>)
    %dma_wait3A_46 = arith.constant 0 : i32
    %dma_wait3A_47 = tpu.memref_slice %arg2[%add3A_34, %dma_wait3A_46] : memref<8192x1024xf32, #tpu.memory_space<hbm>> -> memref<32x1024xf32, #tpu.memory_space<hbm>>
    %dma_wait3A_48 = arith.constant 0 : i32
    %dma_wait3A_49 = tpu.memref_slice %arg2[%add3A_34, %dma_wait3A_48] : memref<8192x1024xf32, #tpu.memory_space<hbm>> -> memref<32x1024xf32, #tpu.memory_space<hbm>>
    tpu.wait_dma2 semaphore(%arg8 : memref<!tpu.dma_semaphore, #tpu.memory_space<semaphore_mem>>) src(%dma_wait3A_49 : memref<32x1024xf32, #tpu.memory_space<hbm>>) dst(%arg6 : memref<32x1024xf32, #tpu.memory_space<vmem>>)
    %dma_wait3A_50 = arith.constant 1 : i32
    %dma_wait3A_51 = arith.constant 0 : i32
    %dma_wait3A_52 = tpu.memref_slice %arg5[%dma_wait3A_50, %dma_wait3A_51] : memref<8x32xi32, #tpu.memory_space<vmem>> -> memref<1x32xi32, #tpu.memory_space<vmem>>
    %dma_wait3A_53 = tpu.memref_squeeze %dma_wait3A_52 : memref<1x32xi32, #tpu.memory_space<vmem>> -> memref<32xi32, #tpu.memory_space<vmem>>
    %dma_wait3A_54 = arith.constant 0 : i32
    %dma_wait3A_55 = arith.constant 0 : i32
    %dma_wait3A_56 = tpu.memref_slice %arg4[%dma_wait3A_54, %dma_wait3A_55] : memref<12288x1024xf32, #tpu.memory_space<hbm>> -> memref<12288x1024xf32, #tpu.memory_space<hbm>>
    tpu.wait_indirect_dma semaphore(%arg11 : memref<!tpu.dma_semaphore, #tpu.memory_space<semaphore_mem>>) src(%arg7 : memref<32x1024xf32, #tpu.memory_space<vmem>>) dst(%dma_wait3A_56 : memref<12288x1024xf32, #tpu.memory_space<hbm>>)
    %add3A_57 = arith.constant 96 : i32
    %add3A_58 = arith.addi %mul3A_2, %add3A_57 : i32
    %dma_start3A_59 = arith.constant 0 : i32
    %dma_start3A_60 = tpu.memref_slice %arg2[%add3A_58, %dma_start3A_59] : memref<8192x1024xf32, #tpu.memory_space<hbm>> -> memref<32x1024xf32, #tpu.memory_space<hbm>>
    %dma_start3A_61 = arith.constant 0 : i32
    %dma_start3A_62 = tpu.memref_slice %arg2[%add3A_58, %dma_start3A_61] : memref<8192x1024xf32, #tpu.memory_space<hbm>> -> memref<32x1024xf32, #tpu.memory_space<hbm>>
    tpu.enqueue_dma source(%dma_start3A_62 : memref<32x1024xf32, #tpu.memory_space<hbm>>) target(%arg7 : memref<32x1024xf32, #tpu.memory_space<vmem>>) target_semaphore(%arg9 : memref<!tpu.dma_semaphore, #tpu.memory_space<semaphore_mem>>)
    %dma_start3A_63 = arith.constant 2 : i32
    %dma_start3A_64 = arith.constant 0 : i32
    %dma_start3A_65 = tpu.memref_slice %arg5[%dma_start3A_63, %dma_start3A_64] : memref<8x32xi32, #tpu.memory_space<vmem>> -> memref<1x32xi32, #tpu.memory_space<vmem>>
    %dma_start3A_66 = tpu.memref_squeeze %dma_start3A_65 : memref<1x32xi32, #tpu.memory_space<vmem>> -> memref<32xi32, #tpu.memory_space<vmem>>
    %dma_start3A_67 = arith.constant 0 : i32
    %dma_start3A_68 = arith.constant 0 : i32
    %dma_start3A_69 = tpu.memref_slice %arg4[%dma_start3A_67, %dma_start3A_68] : memref<12288x1024xf32, #tpu.memory_space<hbm>> -> memref<12288x1024xf32, #tpu.memory_space<hbm>>
    tpu.enqueue_indirect_dma source(%arg6 : memref<32x1024xf32, #tpu.memory_space<vmem>>) target(%dma_start3A_69 : memref<12288x1024xf32, #tpu.memory_space<hbm>>) offsets(%dma_start3A_66 : memref<32xi32, #tpu.memory_space<vmem>>) semaphore(%arg10 : memref<!tpu.dma_semaphore, #tpu.memory_space<semaphore_mem>>)
    %dma_wait3A_70 = arith.constant 0 : i32
    %dma_wait3A_71 = tpu.memref_slice %arg2[%add3A_58, %dma_wait3A_70] : memref<8192x1024xf32, #tpu.memory_space<hbm>> -> memref<32x1024xf32, #tpu.memory_space<hbm>>
    %dma_wait3A_72 = arith.constant 0 : i32
    %dma_wait3A_73 = tpu.memref_slice %arg2[%add3A_58, %dma_wait3A_72] : memref<8192x1024xf32, #tpu.memory_space<hbm>> -> memref<32x1024xf32, #tpu.memory_space<hbm>>
    tpu.wait_dma2 semaphore(%arg9 : memref<!tpu.dma_semaphore, #tpu.memory_space<semaphore_mem>>) src(%dma_wait3A_73 : memref<32x1024xf32, #tpu.memory_space<hbm>>) dst(%arg7 : memref<32x1024xf32, #tpu.memory_space<vmem>>)
    %dma_wait3A_74 = arith.constant 2 : i32
    %dma_wait3A_75 = arith.constant 0 : i32
    %dma_wait3A_76 = tpu.memref_slice %arg5[%dma_wait3A_74, %dma_wait3A_75] : memref<8x32xi32, #tpu.memory_space<vmem>> -> memref<1x32xi32, #tpu.memory_space<vmem>>
    %dma_wait3A_77 = tpu.memref_squeeze %dma_wait3A_76 : memref<1x32xi32, #tpu.memory_space<vmem>> -> memref<32xi32, #tpu.memory_space<vmem>>
    %dma_wait3A_78 = arith.constant 0 : i32
    %dma_wait3A_79 = arith.constant 0 : i32
    %dma_wait3A_80 = tpu.memref_slice %arg4[%dma_wait3A_78, %dma_wait3A_79] : memref<12288x1024xf32, #tpu.memory_space<hbm>> -> memref<12288x1024xf32, #tpu.memory_space<hbm>>
    tpu.wait_indirect_dma semaphore(%arg10 : memref<!tpu.dma_semaphore, #tpu.memory_space<semaphore_mem>>) src(%arg6 : memref<32x1024xf32, #tpu.memory_space<vmem>>) dst(%dma_wait3A_80 : memref<12288x1024xf32, #tpu.memory_space<hbm>>)
    %add3A_81 = arith.constant 128 : i32
    %add3A_82 = arith.addi %mul3A_2, %add3A_81 : i32
    %dma_start3A_83 = arith.constant 0 : i32
    %dma_start3A_84 = tpu.memref_slice %arg2[%add3A_82, %dma_start3A_83] : memref<8192x1024xf32, #tpu.memory_space<hbm>> -> memref<32x1024xf32, #tpu.memory_space<hbm>>
    %dma_start3A_85 = arith.constant 0 : i32
    %dma_start3A_86 = tpu.memref_slice %arg2[%add3A_82, %dma_start3A_85] : memref<8192x1024xf32, #tpu.memory_space<hbm>> -> memref<32x1024xf32, #tpu.memory_space<hbm>>
    tpu.enqueue_dma source(%dma_start3A_86 : memref<32x1024xf32, #tpu.memory_space<hbm>>) target(%arg6 : memref<32x1024xf32, #tpu.memory_space<vmem>>) target_semaphore(%arg8 : memref<!tpu.dma_semaphore, #tpu.memory_space<semaphore_mem>>)
    %dma_start3A_87 = arith.constant 3 : i32
    %dma_start3A_88 = arith.constant 0 : i32
    %dma_start3A_89 = tpu.memref_slice %arg5[%dma_start3A_87, %dma_start3A_88] : memref<8x32xi32, #tpu.memory_space<vmem>> -> memref<1x32xi32, #tpu.memory_space<vmem>>
    %dma_start3A_90 = tpu.memref_squeeze %dma_start3A_89 : memref<1x32xi32, #tpu.memory_space<vmem>> -> memref<32xi32, #tpu.memory_space<vmem>>
    %dma_start3A_91 = arith.constant 0 : i32
    %dma_start3A_92 = arith.constant 0 : i32
    %dma_start3A_93 = tpu.memref_slice %arg4[%dma_start3A_91, %dma_start3A_92] : memref<12288x1024xf32, #tpu.memory_space<hbm>> -> memref<12288x1024xf32, #tpu.memory_space<hbm>>
    tpu.enqueue_indirect_dma source(%arg7 : memref<32x1024xf32, #tpu.memory_space<vmem>>) target(%dma_start3A_93 : memref<12288x1024xf32, #tpu.memory_space<hbm>>) offsets(%dma_start3A_90 : memref<32xi32, #tpu.memory_space<vmem>>) semaphore(%arg11 : memref<!tpu.dma_semaphore, #tpu.memory_space<semaphore_mem>>)
    %dma_wait3A_94 = arith.constant 0 : i32
    %dma_wait3A_95 = tpu.memref_slice %arg2[%add3A_82, %dma_wait3A_94] : memref<8192x1024xf32, #tpu.memory_space<hbm>> -> memref<32x1024xf32, #tpu.memory_space<hbm>>
    %dma_wait3A_96 = arith.constant 0 : i32
    %dma_wait3A_97 = tpu.memref_slice %arg2[%add3A_82, %dma_wait3A_96] : memref<8192x1024xf32, #tpu.memory_space<hbm>> -> memref<32x1024xf32, #tpu.memory_space<hbm>>
    tpu.wait_dma2 semaphore(%arg8 : memref<!tpu.dma_semaphore, #tpu.memory_space<semaphore_mem>>) src(%dma_wait3A_97 : memref<32x1024xf32, #tpu.memory_space<hbm>>) dst(%arg6 : memref<32x1024xf32, #tpu.memory_space<vmem>>)
    %dma_wait3A_98 = arith.constant 3 : i32
    %dma_wait3A_99 = arith.constant 0 : i32
    %dma_wait3A_100 = tpu.memref_slice %arg5[%dma_wait3A_98, %dma_wait3A_99] : memref<8x32xi32, #tpu.memory_space<vmem>> -> memref<1x32xi32, #tpu.memory_space<vmem>>
    %dma_wait3A_101 = tpu.memref_squeeze %dma_wait3A_100 : memref<1x32xi32, #tpu.memory_space<vmem>> -> memref<32xi32, #tpu.memory_space<vmem>>
    %dma_wait3A_102 = arith.constant 0 : i32
    %dma_wait3A_103 = arith.constant 0 : i32
    %dma_wait3A_104 = tpu.memref_slice %arg4[%dma_wait3A_102, %dma_wait3A_103] : memref<12288x1024xf32, #tpu.memory_space<hbm>> -> memref<12288x1024xf32, #tpu.memory_space<hbm>>
    tpu.wait_indirect_dma semaphore(%arg11 : memref<!tpu.dma_semaphore, #tpu.memory_space<semaphore_mem>>) src(%arg7 : memref<32x1024xf32, #tpu.memory_space<vmem>>) dst(%dma_wait3A_104 : memref<12288x1024xf32, #tpu.memory_space<hbm>>)
    %add3A_105 = arith.constant 160 : i32
    %add3A_106 = arith.addi %mul3A_2, %add3A_105 : i32
    %dma_start3A_107 = arith.constant 0 : i32
    %dma_start3A_108 = tpu.memref_slice %arg2[%add3A_106, %dma_start3A_107] : memref<8192x1024xf32, #tpu.memory_space<hbm>> -> memref<32x1024xf32, #tpu.memory_space<hbm>>
    %dma_start3A_109 = arith.constant 0 : i32
    %dma_start3A_110 = tpu.memref_slice %arg2[%add3A_106, %dma_start3A_109] : memref<8192x1024xf32, #tpu.memory_space<hbm>> -> memref<32x1024xf32, #tpu.memory_space<hbm>>
    tpu.enqueue_dma source(%dma_start3A_110 : memref<32x1024xf32, #tpu.memory_space<hbm>>) target(%arg7 : memref<32x1024xf32, #tpu.memory_space<vmem>>) target_semaphore(%arg9 : memref<!tpu.dma_semaphore, #tpu.memory_space<semaphore_mem>>)
    %dma_start3A_111 = arith.constant 4 : i32
    %dma_start3A_112 = arith.constant 0 : i32
    %dma_start3A_113 = tpu.memref_slice %arg5[%dma_start3A_111, %dma_start3A_112] : memref<8x32xi32, #tpu.memory_space<vmem>> -> memref<1x32xi32, #tpu.memory_space<vmem>>
    %dma_start3A_114 = tpu.memref_squeeze %dma_start3A_113 : memref<1x32xi32, #tpu.memory_space<vmem>> -> memref<32xi32, #tpu.memory_space<vmem>>
    %dma_start3A_115 = arith.constant 0 : i32
    %dma_start3A_116 = arith.constant 0 : i32
    %dma_start3A_117 = tpu.memref_slice %arg4[%dma_start3A_115, %dma_start3A_116] : memref<12288x1024xf32, #tpu.memory_space<hbm>> -> memref<12288x1024xf32, #tpu.memory_space<hbm>>
    tpu.enqueue_indirect_dma source(%arg6 : memref<32x1024xf32, #tpu.memory_space<vmem>>) target(%dma_start3A_117 : memref<12288x1024xf32, #tpu.memory_space<hbm>>) offsets(%dma_start3A_114 : memref<32xi32, #tpu.memory_space<vmem>>) semaphore(%arg10 : memref<!tpu.dma_semaphore, #tpu.memory_space<semaphore_mem>>)
    %dma_wait3A_118 = arith.constant 0 : i32
    %dma_wait3A_119 = tpu.memref_slice %arg2[%add3A_106, %dma_wait3A_118] : memref<8192x1024xf32, #tpu.memory_space<hbm>> -> memref<32x1024xf32, #tpu.memory_space<hbm>>
    %dma_wait3A_120 = arith.constant 0 : i32
    %dma_wait3A_121 = tpu.memref_slice %arg2[%add3A_106, %dma_wait3A_120] : memref<8192x1024xf32, #tpu.memory_space<hbm>> -> memref<32x1024xf32, #tpu.memory_space<hbm>>
    tpu.wait_dma2 semaphore(%arg9 : memref<!tpu.dma_semaphore, #tpu.memory_space<semaphore_mem>>) src(%dma_wait3A_121 : memref<32x1024xf32, #tpu.memory_space<hbm>>) dst(%arg7 : memref<32x1024xf32, #tpu.memory_space<vmem>>)
    %dma_wait3A_122 = arith.constant 4 : i32
    %dma_wait3A_123 = arith.constant 0 : i32
    %dma_wait3A_124 = tpu.memref_slice %arg5[%dma_wait3A_122, %dma_wait3A_123] : memref<8x32xi32, #tpu.memory_space<vmem>> -> memref<1x32xi32, #tpu.memory_space<vmem>>
    %dma_wait3A_125 = tpu.memref_squeeze %dma_wait3A_124 : memref<1x32xi32, #tpu.memory_space<vmem>> -> memref<32xi32, #tpu.memory_space<vmem>>
    %dma_wait3A_126 = arith.constant 0 : i32
    %dma_wait3A_127 = arith.constant 0 : i32
    %dma_wait3A_128 = tpu.memref_slice %arg4[%dma_wait3A_126, %dma_wait3A_127] : memref<12288x1024xf32, #tpu.memory_space<hbm>> -> memref<12288x1024xf32, #tpu.memory_space<hbm>>
    tpu.wait_indirect_dma semaphore(%arg10 : memref<!tpu.dma_semaphore, #tpu.memory_space<semaphore_mem>>) src(%arg6 : memref<32x1024xf32, #tpu.memory_space<vmem>>) dst(%dma_wait3A_128 : memref<12288x1024xf32, #tpu.memory_space<hbm>>)
    %add3A_129 = arith.constant 192 : i32
    %add3A_130 = arith.addi %mul3A_2, %add3A_129 : i32
    %dma_start3A_131 = arith.constant 0 : i32
    %dma_start3A_132 = tpu.memref_slice %arg2[%add3A_130, %dma_start3A_131] : memref<8192x1024xf32, #tpu.memory_space<hbm>> -> memref<32x1024xf32, #tpu.memory_space<hbm>>
    %dma_start3A_133 = arith.constant 0 : i32
    %dma_start3A_134 = tpu.memref_slice %arg2[%add3A_130, %dma_start3A_133] : memref<8192x1024xf32, #tpu.memory_space<hbm>> -> memref<32x1024xf32, #tpu.memory_space<hbm>>
    tpu.enqueue_dma source(%dma_start3A_134 : memref<32x1024xf32, #tpu.memory_space<hbm>>) target(%arg6 : memref<32x1024xf32, #tpu.memory_space<vmem>>) target_semaphore(%arg8 : memref<!tpu.dma_semaphore, #tpu.memory_space<semaphore_mem>>)
    %dma_start3A_135 = arith.constant 5 : i32
    %dma_start3A_136 = arith.constant 0 : i32
    %dma_start3A_137 = tpu.memref_slice %arg5[%dma_start3A_135, %dma_start3A_136] : memref<8x32xi32, #tpu.memory_space<vmem>> -> memref<1x32xi32, #tpu.memory_space<vmem>>
    %dma_start3A_138 = tpu.memref_squeeze %dma_start3A_137 : memref<1x32xi32, #tpu.memory_space<vmem>> -> memref<32xi32, #tpu.memory_space<vmem>>
    %dma_start3A_139 = arith.constant 0 : i32
    %dma_start3A_140 = arith.constant 0 : i32
    %dma_start3A_141 = tpu.memref_slice %arg4[%dma_start3A_139, %dma_start3A_140] : memref<12288x1024xf32, #tpu.memory_space<hbm>> -> memref<12288x1024xf32, #tpu.memory_space<hbm>>
    tpu.enqueue_indirect_dma source(%arg7 : memref<32x1024xf32, #tpu.memory_space<vmem>>) target(%dma_start3A_141 : memref<12288x1024xf32, #tpu.memory_space<hbm>>) offsets(%dma_start3A_138 : memref<32xi32, #tpu.memory_space<vmem>>) semaphore(%arg11 : memref<!tpu.dma_semaphore, #tpu.memory_space<semaphore_mem>>)
    %dma_wait3A_142 = arith.constant 0 : i32
    %dma_wait3A_143 = tpu.memref_slice %arg2[%add3A_130, %dma_wait3A_142] : memref<8192x1024xf32, #tpu.memory_space<hbm>> -> memref<32x1024xf32, #tpu.memory_space<hbm>>
    %dma_wait3A_144 = arith.constant 0 : i32
    %dma_wait3A_145 = tpu.memref_slice %arg2[%add3A_130, %dma_wait3A_144] : memref<8192x1024xf32, #tpu.memory_space<hbm>> -> memref<32x1024xf32, #tpu.memory_space<hbm>>
    tpu.wait_dma2 semaphore(%arg8 : memref<!tpu.dma_semaphore, #tpu.memory_space<semaphore_mem>>) src(%dma_wait3A_145 : memref<32x1024xf32, #tpu.memory_space<hbm>>) dst(%arg6 : memref<32x1024xf32, #tpu.memory_space<vmem>>)
    %dma_wait3A_146 = arith.constant 5 : i32
    %dma_wait3A_147 = arith.constant 0 : i32
    %dma_wait3A_148 = tpu.memref_slice %arg5[%dma_wait3A_146, %dma_wait3A_147] : memref<8x32xi32, #tpu.memory_space<vmem>> -> memref<1x32xi32, #tpu.memory_space<vmem>>
    %dma_wait3A_149 = tpu.memref_squeeze %dma_wait3A_148 : memref<1x32xi32, #tpu.memory_space<vmem>> -> memref<32xi32, #tpu.memory_space<vmem>>
    %dma_wait3A_150 = arith.constant 0 : i32
    %dma_wait3A_151 = arith.constant 0 : i32
    %dma_wait3A_152 = tpu.memref_slice %arg4[%dma_wait3A_150, %dma_wait3A_151] : memref<12288x1024xf32, #tpu.memory_space<hbm>> -> memref<12288x1024xf32, #tpu.memory_space<hbm>>
    tpu.wait_indirect_dma semaphore(%arg11 : memref<!tpu.dma_semaphore, #tpu.memory_space<semaphore_mem>>) src(%arg7 : memref<32x1024xf32, #tpu.memory_space<vmem>>) dst(%dma_wait3A_152 : memref<12288x1024xf32, #tpu.memory_space<hbm>>)
    %add3A_153 = arith.constant 224 : i32
    %add3A_154 = arith.addi %mul3A_2, %add3A_153 : i32
    %dma_start3A_155 = arith.constant 0 : i32
    %dma_start3A_156 = tpu.memref_slice %arg2[%add3A_154, %dma_start3A_155] : memref<8192x1024xf32, #tpu.memory_space<hbm>> -> memref<32x1024xf32, #tpu.memory_space<hbm>>
    %dma_start3A_157 = arith.constant 0 : i32
    %dma_start3A_158 = tpu.memref_slice %arg2[%add3A_154, %dma_start3A_157] : memref<8192x1024xf32, #tpu.memory_space<hbm>> -> memref<32x1024xf32, #tpu.memory_space<hbm>>
    tpu.enqueue_dma source(%dma_start3A_158 : memref<32x1024xf32, #tpu.memory_space<hbm>>) target(%arg7 : memref<32x1024xf32, #tpu.memory_space<vmem>>) target_semaphore(%arg9 : memref<!tpu.dma_semaphore, #tpu.memory_space<semaphore_mem>>)
    %dma_start3A_159 = arith.constant 6 : i32
    %dma_start3A_160 = arith.constant 0 : i32
    %dma_start3A_161 = tpu.memref_slice %arg5[%dma_start3A_159, %dma_start3A_160] : memref<8x32xi32, #tpu.memory_space<vmem>> -> memref<1x32xi32, #tpu.memory_space<vmem>>
    %dma_start3A_162 = tpu.memref_squeeze %dma_start3A_161 : memref<1x32xi32, #tpu.memory_space<vmem>> -> memref<32xi32, #tpu.memory_space<vmem>>
    %dma_start3A_163 = arith.constant 0 : i32
    %dma_start3A_164 = arith.constant 0 : i32
    %dma_start3A_165 = tpu.memref_slice %arg4[%dma_start3A_163, %dma_start3A_164] : memref<12288x1024xf32, #tpu.memory_space<hbm>> -> memref<12288x1024xf32, #tpu.memory_space<hbm>>
    tpu.enqueue_indirect_dma source(%arg6 : memref<32x1024xf32, #tpu.memory_space<vmem>>) target(%dma_start3A_165 : memref<12288x1024xf32, #tpu.memory_space<hbm>>) offsets(%dma_start3A_162 : memref<32xi32, #tpu.memory_space<vmem>>) semaphore(%arg10 : memref<!tpu.dma_semaphore, #tpu.memory_space<semaphore_mem>>)
    %dma_wait3A_166 = arith.constant 0 : i32
    %dma_wait3A_167 = tpu.memref_slice %arg2[%add3A_154, %dma_wait3A_166] : memref<8192x1024xf32, #tpu.memory_space<hbm>> -> memref<32x1024xf32, #tpu.memory_space<hbm>>
    %dma_wait3A_168 = arith.constant 0 : i32
    %dma_wait3A_169 = tpu.memref_slice %arg2[%add3A_154, %dma_wait3A_168] : memref<8192x1024xf32, #tpu.memory_space<hbm>> -> memref<32x1024xf32, #tpu.memory_space<hbm>>
    tpu.wait_dma2 semaphore(%arg9 : memref<!tpu.dma_semaphore, #tpu.memory_space<semaphore_mem>>) src(%dma_wait3A_169 : memref<32x1024xf32, #tpu.memory_space<hbm>>) dst(%arg7 : memref<32x1024xf32, #tpu.memory_space<vmem>>)
    %dma_start3A_170 = arith.constant 7 : i32
    %dma_start3A_171 = arith.constant 0 : i32
    %dma_start3A_172 = tpu.memref_slice %arg5[%dma_start3A_170, %dma_start3A_171] : memref<8x32xi32, #tpu.memory_space<vmem>> -> memref<1x32xi32, #tpu.memory_space<vmem>>
    %dma_start3A_173 = tpu.memref_squeeze %dma_start3A_172 : memref<1x32xi32, #tpu.memory_space<vmem>> -> memref<32xi32, #tpu.memory_space<vmem>>
    %dma_start3A_174 = arith.constant 0 : i32
    %dma_start3A_175 = arith.constant 0 : i32
    %dma_start3A_176 = tpu.memref_slice %arg4[%dma_start3A_174, %dma_start3A_175] : memref<12288x1024xf32, #tpu.memory_space<hbm>> -> memref<12288x1024xf32, #tpu.memory_space<hbm>>
    tpu.enqueue_indirect_dma source(%arg7 : memref<32x1024xf32, #tpu.memory_space<vmem>>) target(%dma_start3A_176 : memref<12288x1024xf32, #tpu.memory_space<hbm>>) offsets(%dma_start3A_173 : memref<32xi32, #tpu.memory_space<vmem>>) semaphore(%arg11 : memref<!tpu.dma_semaphore, #tpu.memory_space<semaphore_mem>>)
    %dma_wait3A_177 = arith.constant 6 : i32
    %dma_wait3A_178 = arith.constant 0 : i32
    %dma_wait3A_179 = tpu.memref_slice %arg5[%dma_wait3A_177, %dma_wait3A_178] : memref<8x32xi32, #tpu.memory_space<vmem>> -> memref<1x32xi32, #tpu.memory_space<vmem>>
    %dma_wait3A_180 = tpu.memref_squeeze %dma_wait3A_179 : memref<1x32xi32, #tpu.memory_space<vmem>> -> memref<32xi32, #tpu.memory_space<vmem>>
    %dma_wait3A_181 = arith.constant 0 : i32
    %dma_wait3A_182 = arith.constant 0 : i32
    %dma_wait3A_183 = tpu.memref_slice %arg4[%dma_wait3A_181, %dma_wait3A_182] : memref<12288x1024xf32, #tpu.memory_space<hbm>> -> memref<12288x1024xf32, #tpu.memory_space<hbm>>
    tpu.wait_indirect_dma semaphore(%arg10 : memref<!tpu.dma_semaphore, #tpu.memory_space<semaphore_mem>>) src(%arg6 : memref<32x1024xf32, #tpu.memory_space<vmem>>) dst(%dma_wait3A_183 : memref<12288x1024xf32, #tpu.memory_space<hbm>>)
    %dma_wait3A_184 = arith.constant 7 : i32
    %dma_wait3A_185 = arith.constant 0 : i32
    %dma_wait3A_186 = tpu.memref_slice %arg5[%dma_wait3A_184, %dma_wait3A_185] : memref<8x32xi32, #tpu.memory_space<vmem>> -> memref<1x32xi32, #tpu.memory_space<vmem>>
    %dma_wait3A_187 = tpu.memref_squeeze %dma_wait3A_186 : memref<1x32xi32, #tpu.memory_space<vmem>> -> memref<32xi32, #tpu.memory_space<vmem>>
    %dma_wait3A_188 = arith.constant 0 : i32
    %dma_wait3A_189 = arith.constant 0 : i32
    %dma_wait3A_190 = tpu.memref_slice %arg4[%dma_wait3A_188, %dma_wait3A_189] : memref<12288x1024xf32, #tpu.memory_space<hbm>> -> memref<12288x1024xf32, #tpu.memory_space<hbm>>
    tpu.wait_indirect_dma semaphore(%arg11 : memref<!tpu.dma_semaphore, #tpu.memory_space<semaphore_mem>>) src(%arg7 : memref<32x1024xf32, #tpu.memory_space<vmem>>) dst(%dma_wait3A_190 : memref<12288x1024xf32, #tpu.memory_space<hbm>>)
    return
  }
}

module attributes {stable_mosaic.version = 14 : i64} {
  func.func @_plan_body(%arg0: memref<2048x4xi32, #tpu.memory_space<vmem>>, %arg1: memref<2048x4xi32, #tpu.memory_space<vmem>>, %arg2: memref<1x96xi32, #tpu.memory_space<vmem>>, %arg3: memref<1x96xi32, #tpu.memory_space<vmem>>, %arg4: memref<1x96xi32, #tpu.memory_space<vmem>>, %arg5: memref<1x96xi32, #tpu.memory_space<vmem>>) attributes {dimension_semantics = [], scalar_prefetch = 0 : i64, scratch_operands = 0 : i64, tpu.core_type = #tpu.core_type<tc>} {
    %get3A = arith.constant 0 : index
    %get3A_0 = arith.constant 0 : index
    %get3A_1 = vector.load %arg0[%get3A, %get3A_0] : memref<2048x4xi32, #tpu.memory_space<vmem>>, vector<2048x4xi32>
    %shift_right_logical3A = arith.constant 16 : i32
    %shift_right_logical3A_2 = vector.broadcast %shift_right_logical3A : i32 to vector<2048x4xi32>
    %shift_right_logical3A_3 = arith.shrui %get3A_1, %shift_right_logical3A_2 : vector<2048x4xi32>
    %xor3A = arith.xori %get3A_1, %shift_right_logical3A_3 : vector<2048x4xi32>
    %mul3A = arith.constant -2048144789 : i32
    %mul3A_4 = vector.broadcast %mul3A : i32 to vector<2048x4xi32>
    %mul3A_5 = arith.muli %xor3A, %mul3A_4 : vector<2048x4xi32>
    %shift_right_logical3A_6 = arith.constant 13 : i32
    %shift_right_logical3A_7 = vector.broadcast %shift_right_logical3A_6 : i32 to vector<2048x4xi32>
    %shift_right_logical3A_8 = arith.shrui %mul3A_5, %shift_right_logical3A_7 : vector<2048x4xi32>
    %xor3A_9 = arith.xori %mul3A_5, %shift_right_logical3A_8 : vector<2048x4xi32>
    %mul3A_10 = arith.constant -1028477387 : i32
    %mul3A_11 = vector.broadcast %mul3A_10 : i32 to vector<2048x4xi32>
    %mul3A_12 = arith.muli %xor3A_9, %mul3A_11 : vector<2048x4xi32>
    %shift_right_logical3A_13 = arith.constant 16 : i32
    %shift_right_logical3A_14 = vector.broadcast %shift_right_logical3A_13 : i32 to vector<2048x4xi32>
    %shift_right_logical3A_15 = arith.shrui %mul3A_12, %shift_right_logical3A_14 : vector<2048x4xi32>
    %xor3A_16 = arith.xori %mul3A_12, %shift_right_logical3A_15 : vector<2048x4xi32>
    %and3A = arith.constant 7 : i32
    %and3A_17 = vector.broadcast %and3A : i32 to vector<2048x4xi32>
    %and3A_18 = arith.andi %xor3A_16, %and3A_17 : vector<2048x4xi32>
    %eq3A = arith.constant 0 : i32
    %eq3A_19 = vector.broadcast %eq3A : i32 to vector<2048x4xi32>
    %eq3A_20 = arith.cmpi eq, %and3A_18, %eq3A_19 : vector<2048x4xi32>
    %convert_element_type3A = arith.extui %eq3A_20 : vector<2048x4xi1> to vector<2048x4xi32>
    %eq3A_21 = arith.constant 1 : i32
    %eq3A_22 = vector.broadcast %eq3A_21 : i32 to vector<2048x4xi32>
    %eq3A_23 = arith.cmpi eq, %and3A_18, %eq3A_22 : vector<2048x4xi32>
    %convert_element_type3A_24 = arith.extui %eq3A_23 : vector<2048x4xi1> to vector<2048x4xi32>
    %eq3A_25 = arith.constant 2 : i32
    %eq3A_26 = vector.broadcast %eq3A_25 : i32 to vector<2048x4xi32>
    %eq3A_27 = arith.cmpi eq, %and3A_18, %eq3A_26 : vector<2048x4xi32>
    %convert_element_type3A_28 = arith.extui %eq3A_27 : vector<2048x4xi1> to vector<2048x4xi32>
    %eq3A_29 = arith.constant 3 : i32
    %eq3A_30 = vector.broadcast %eq3A_29 : i32 to vector<2048x4xi32>
    %eq3A_31 = arith.cmpi eq, %and3A_18, %eq3A_30 : vector<2048x4xi32>
    %convert_element_type3A_32 = arith.extui %eq3A_31 : vector<2048x4xi1> to vector<2048x4xi32>
    %eq3A_33 = arith.constant 4 : i32
    %eq3A_34 = vector.broadcast %eq3A_33 : i32 to vector<2048x4xi32>
    %eq3A_35 = arith.cmpi eq, %and3A_18, %eq3A_34 : vector<2048x4xi32>
    %convert_element_type3A_36 = arith.extui %eq3A_35 : vector<2048x4xi1> to vector<2048x4xi32>
    %eq3A_37 = arith.constant 5 : i32
    %eq3A_38 = vector.broadcast %eq3A_37 : i32 to vector<2048x4xi32>
    %eq3A_39 = arith.cmpi eq, %and3A_18, %eq3A_38 : vector<2048x4xi32>
    %convert_element_type3A_40 = arith.extui %eq3A_39 : vector<2048x4xi1> to vector<2048x4xi32>
    %eq3A_41 = arith.constant 6 : i32
    %eq3A_42 = vector.broadcast %eq3A_41 : i32 to vector<2048x4xi32>
    %eq3A_43 = arith.cmpi eq, %and3A_18, %eq3A_42 : vector<2048x4xi32>
    %convert_element_type3A_44 = arith.extui %eq3A_43 : vector<2048x4xi1> to vector<2048x4xi32>
    %eq3A_45 = arith.constant 7 : i32
    %eq3A_46 = vector.broadcast %eq3A_45 : i32 to vector<2048x4xi32>
    %eq3A_47 = arith.cmpi eq, %and3A_18, %eq3A_46 : vector<2048x4xi32>
    %convert_element_type3A_48 = arith.extui %eq3A_47 : vector<2048x4xi1> to vector<2048x4xi32>
    %concatenate3A = tpu.concatenate %convert_element_type3A, %convert_element_type3A_24, %convert_element_type3A_28, %convert_element_type3A_32, %convert_element_type3A_36, %convert_element_type3A_40, %convert_element_type3A_44, %convert_element_type3A_48 in 1 : vector<2048x4xi32>, vector<2048x4xi32>, vector<2048x4xi32>, vector<2048x4xi32>, vector<2048x4xi32>, vector<2048x4xi32>, vector<2048x4xi32>, vector<2048x4xi32> -> vector<2048x32xi32>
    %broadcast_in_dim3A = arith.constant 0 : i32
    %broadcast_in_dim3A_49 = vector.broadcast %broadcast_in_dim3A : i32 to vector<1x32xi32>
    %slice3A = vector.extract_strided_slice %concatenate3A {offsets = [0, 0], sizes = [2047, 32], strides = [1, 1]} : vector<2048x32xi32> to vector<2047x32xi32>
    %concatenate3A_50 = tpu.concatenate %broadcast_in_dim3A_49, %slice3A in 0 : vector<1x32xi32>, vector<2047x32xi32> -> vector<2048x32xi32>
    %add3A = arith.addi %concatenate3A, %concatenate3A_50 : vector<2048x32xi32>
    %broadcast_in_dim3A_51 = arith.constant 0 : i32
    %broadcast_in_dim3A_52 = vector.broadcast %broadcast_in_dim3A_51 : i32 to vector<2x32xi32>
    %slice3A_53 = vector.extract_strided_slice %add3A {offsets = [0, 0], sizes = [2046, 32], strides = [1, 1]} : vector<2048x32xi32> to vector<2046x32xi32>
    %concatenate3A_54 = tpu.concatenate %broadcast_in_dim3A_52, %slice3A_53 in 0 : vector<2x32xi32>, vector<2046x32xi32> -> vector<2048x32xi32>
    %add3A_55 = arith.addi %add3A, %concatenate3A_54 : vector<2048x32xi32>
    %broadcast_in_dim3A_56 = arith.constant 0 : i32
    %broadcast_in_dim3A_57 = vector.broadcast %broadcast_in_dim3A_56 : i32 to vector<4x32xi32>
    %slice3A_58 = vector.extract_strided_slice %add3A_55 {offsets = [0, 0], sizes = [2044, 32], strides = [1, 1]} : vector<2048x32xi32> to vector<2044x32xi32>
    %concatenate3A_59 = tpu.concatenate %broadcast_in_dim3A_57, %slice3A_58 in 0 : vector<4x32xi32>, vector<2044x32xi32> -> vector<2048x32xi32>
    %add3A_60 = arith.addi %add3A_55, %concatenate3A_59 : vector<2048x32xi32>
    %broadcast_in_dim3A_61 = arith.constant 0 : i32
    %broadcast_in_dim3A_62 = vector.broadcast %broadcast_in_dim3A_61 : i32 to vector<8x32xi32>
    %slice3A_63 = vector.extract_strided_slice %add3A_60 {offsets = [0, 0], sizes = [2040, 32], strides = [1, 1]} : vector<2048x32xi32> to vector<2040x32xi32>
    %concatenate3A_64 = tpu.concatenate %broadcast_in_dim3A_62, %slice3A_63 in 0 : vector<8x32xi32>, vector<2040x32xi32> -> vector<2048x32xi32>
    %add3A_65 = arith.addi %add3A_60, %concatenate3A_64 : vector<2048x32xi32>
    %broadcast_in_dim3A_66 = arith.constant 0 : i32
    %broadcast_in_dim3A_67 = vector.broadcast %broadcast_in_dim3A_66 : i32 to vector<16x32xi32>
    %slice3A_68 = vector.extract_strided_slice %add3A_65 {offsets = [0, 0], sizes = [2032, 32], strides = [1, 1]} : vector<2048x32xi32> to vector<2032x32xi32>
    %concatenate3A_69 = tpu.concatenate %broadcast_in_dim3A_67, %slice3A_68 in 0 : vector<16x32xi32>, vector<2032x32xi32> -> vector<2048x32xi32>
    %add3A_70 = arith.addi %add3A_65, %concatenate3A_69 : vector<2048x32xi32>
    %broadcast_in_dim3A_71 = arith.constant 0 : i32
    %broadcast_in_dim3A_72 = vector.broadcast %broadcast_in_dim3A_71 : i32 to vector<32x32xi32>
    %slice3A_73 = vector.extract_strided_slice %add3A_70 {offsets = [0, 0], sizes = [2016, 32], strides = [1, 1]} : vector<2048x32xi32> to vector<2016x32xi32>
    %concatenate3A_74 = tpu.concatenate %broadcast_in_dim3A_72, %slice3A_73 in 0 : vector<32x32xi32>, vector<2016x32xi32> -> vector<2048x32xi32>
    %add3A_75 = arith.addi %add3A_70, %concatenate3A_74 : vector<2048x32xi32>
    %broadcast_in_dim3A_76 = arith.constant 0 : i32
    %broadcast_in_dim3A_77 = vector.broadcast %broadcast_in_dim3A_76 : i32 to vector<64x32xi32>
    %slice3A_78 = vector.extract_strided_slice %add3A_75 {offsets = [0, 0], sizes = [1984, 32], strides = [1, 1]} : vector<2048x32xi32> to vector<1984x32xi32>
    %concatenate3A_79 = tpu.concatenate %broadcast_in_dim3A_77, %slice3A_78 in 0 : vector<64x32xi32>, vector<1984x32xi32> -> vector<2048x32xi32>
    %add3A_80 = arith.addi %add3A_75, %concatenate3A_79 : vector<2048x32xi32>
    %broadcast_in_dim3A_81 = arith.constant 0 : i32
    %broadcast_in_dim3A_82 = vector.broadcast %broadcast_in_dim3A_81 : i32 to vector<128x32xi32>
    %slice3A_83 = vector.extract_strided_slice %add3A_80 {offsets = [0, 0], sizes = [1920, 32], strides = [1, 1]} : vector<2048x32xi32> to vector<1920x32xi32>
    %concatenate3A_84 = tpu.concatenate %broadcast_in_dim3A_82, %slice3A_83 in 0 : vector<128x32xi32>, vector<1920x32xi32> -> vector<2048x32xi32>
    %add3A_85 = arith.addi %add3A_80, %concatenate3A_84 : vector<2048x32xi32>
    %broadcast_in_dim3A_86 = arith.constant 0 : i32
    %broadcast_in_dim3A_87 = vector.broadcast %broadcast_in_dim3A_86 : i32 to vector<256x32xi32>
    %slice3A_88 = vector.extract_strided_slice %add3A_85 {offsets = [0, 0], sizes = [1792, 32], strides = [1, 1]} : vector<2048x32xi32> to vector<1792x32xi32>
    %concatenate3A_89 = tpu.concatenate %broadcast_in_dim3A_87, %slice3A_88 in 0 : vector<256x32xi32>, vector<1792x32xi32> -> vector<2048x32xi32>
    %add3A_90 = arith.addi %add3A_85, %concatenate3A_89 : vector<2048x32xi32>
    %broadcast_in_dim3A_91 = arith.constant 0 : i32
    %broadcast_in_dim3A_92 = vector.broadcast %broadcast_in_dim3A_91 : i32 to vector<512x32xi32>
    %slice3A_93 = vector.extract_strided_slice %add3A_90 {offsets = [0, 0], sizes = [1536, 32], strides = [1, 1]} : vector<2048x32xi32> to vector<1536x32xi32>
    %concatenate3A_94 = tpu.concatenate %broadcast_in_dim3A_92, %slice3A_93 in 0 : vector<512x32xi32>, vector<1536x32xi32> -> vector<2048x32xi32>
    %add3A_95 = arith.addi %add3A_90, %concatenate3A_94 : vector<2048x32xi32>
    %broadcast_in_dim3A_96 = arith.constant 0 : i32
    %broadcast_in_dim3A_97 = vector.broadcast %broadcast_in_dim3A_96 : i32 to vector<1024x32xi32>
    %slice3A_98 = vector.extract_strided_slice %add3A_95 {offsets = [0, 0], sizes = [1024, 32], strides = [1, 1]} : vector<2048x32xi32> to vector<1024x32xi32>
    %concatenate3A_99 = tpu.concatenate %broadcast_in_dim3A_97, %slice3A_98 in 0 : vector<1024x32xi32>, vector<1024x32xi32> -> vector<2048x32xi32>
    %add3A_100 = arith.addi %add3A_95, %concatenate3A_99 : vector<2048x32xi32>
    %slice3A_101 = vector.extract_strided_slice %add3A_100 {offsets = [2047, 0], sizes = [1, 32], strides = [1, 1]} : vector<2048x32xi32> to vector<1x32xi32>
    %add3A_102 = arith.constant 127 : i32
    %add3A_103 = vector.broadcast %add3A_102 : i32 to vector<1x32xi32>
    %add3A_104 = arith.addi %slice3A_101, %add3A_103 : vector<1x32xi32>
    %jit3A = arith.constant 128 : i64
    %convert_element_type3A_105 = arith.trunci %jit3A : i64 to i32
    %div3A = vector.broadcast %convert_element_type3A_105 : i32 to vector<1x32xi32>
    %div3A_106 = arith.divsi %add3A_104, %div3A : vector<1x32xi32>
    %sign3A = arith.constant 0 : i32
    %sign3A_107 = vector.broadcast %sign3A : i32 to vector<1x32xi32>
    %sign3A_108 = arith.cmpi sgt, %add3A_104, %sign3A_107 : vector<1x32xi32>
    %sign3A_109 = arith.extui %sign3A_108 : vector<1x32xi1> to vector<1x32xi32>
    %sign3A_110 = arith.constant 0 : i32
    %sign3A_111 = vector.broadcast %sign3A_110 : i32 to vector<1x32xi32>
    %sign3A_112 = arith.cmpi slt, %add3A_104, %sign3A_111 : vector<1x32xi32>
    %sign3A_113 = arith.extui %sign3A_112 : vector<1x32xi1> to vector<1x32xi32>
    %sign3A_114 = arith.subi %sign3A_109, %sign3A_113 : vector<1x32xi32>
    %sign3A_115 = arith.constant 0 : i32
    %sign3A_116 = arith.cmpi sgt, %convert_element_type3A_105, %sign3A_115 : i32
    %sign3A_117 = arith.extui %sign3A_116 : i1 to i32
    %sign3A_118 = arith.constant 0 : i32
    %sign3A_119 = arith.cmpi slt, %convert_element_type3A_105, %sign3A_118 : i32
    %sign3A_120 = arith.extui %sign3A_119 : i1 to i32
    %sign3A_121 = arith.subi %sign3A_117, %sign3A_120 : i32
    %ne3A = vector.broadcast %sign3A_121 : i32 to vector<1x32xi32>
    %ne3A_122 = arith.cmpi ne, %sign3A_114, %ne3A : vector<1x32xi32>
    %rem3A = vector.broadcast %convert_element_type3A_105 : i32 to vector<1x32xi32>
    %rem3A_123 = arith.remsi %add3A_104, %rem3A : vector<1x32xi32>
    %ne3A_124 = arith.constant 0 : i32
    %ne3A_125 = vector.broadcast %ne3A_124 : i32 to vector<1x32xi32>
    %ne3A_126 = arith.cmpi ne, %rem3A_123, %ne3A_125 : vector<1x32xi32>
    %and3A_127 = arith.andi %ne3A_122, %ne3A_126 : vector<1x32xi1>
    %sub3A = arith.constant 1 : i32
    %sub3A_128 = vector.broadcast %sub3A : i32 to vector<1x32xi32>
    %sub3A_129 = arith.subi %div3A_106, %sub3A_128 : vector<1x32xi32>
    %select_n3A = arith.select %and3A_127, %sub3A_129, %div3A_106 : vector<1x32xi1>, vector<1x32xi32>
    %mul3A_130 = arith.constant 128 : i32
    %mul3A_131 = vector.broadcast %mul3A_130 : i32 to vector<1x32xi32>
    %mul3A_132 = arith.muli %select_n3A, %mul3A_131 : vector<1x32xi32>
    %broadcast_in_dim3A_133 = arith.constant 0 : i32
    %broadcast_in_dim3A_134 = vector.broadcast %broadcast_in_dim3A_133 : i32 to vector<1x1xi32>
    %slice3A_135 = vector.extract_strided_slice %mul3A_132 {offsets = [0, 0], sizes = [1, 31], strides = [1, 1]} : vector<1x32xi32> to vector<1x31xi32>
    %concatenate3A_136 = tpu.concatenate %broadcast_in_dim3A_134, %slice3A_135 in 1 : vector<1x1xi32>, vector<1x31xi32> -> vector<1x32xi32>
    %broadcast_in_dim3A_137 = arith.constant 0 : i32
    %broadcast_in_dim3A_138 = vector.broadcast %broadcast_in_dim3A_137 : i32 to vector<1x1xi32>
    %slice3A_139 = vector.extract_strided_slice %concatenate3A_136 {offsets = [0, 0], sizes = [1, 31], strides = [1, 1]} : vector<1x32xi32> to vector<1x31xi32>
    %concatenate3A_140 = tpu.concatenate %broadcast_in_dim3A_138, %slice3A_139 in 1 : vector<1x1xi32>, vector<1x31xi32> -> vector<1x32xi32>
    %add3A_141 = arith.addi %concatenate3A_136, %concatenate3A_140 : vector<1x32xi32>
    %broadcast_in_dim3A_142 = arith.constant 0 : i32
    %broadcast_in_dim3A_143 = vector.broadcast %broadcast_in_dim3A_142 : i32 to vector<1x2xi32>
    %slice3A_144 = vector.extract_strided_slice %add3A_141 {offsets = [0, 0], sizes = [1, 30], strides = [1, 1]} : vector<1x32xi32> to vector<1x30xi32>
    %concatenate3A_145 = tpu.concatenate %broadcast_in_dim3A_143, %slice3A_144 in 1 : vector<1x2xi32>, vector<1x30xi32> -> vector<1x32xi32>
    %add3A_146 = arith.addi %add3A_141, %concatenate3A_145 : vector<1x32xi32>
    %broadcast_in_dim3A_147 = arith.constant 0 : i32
    %broadcast_in_dim3A_148 = vector.broadcast %broadcast_in_dim3A_147 : i32 to vector<1x4xi32>
    %slice3A_149 = vector.extract_strided_slice %add3A_146 {offsets = [0, 0], sizes = [1, 28], strides = [1, 1]} : vector<1x32xi32> to vector<1x28xi32>
    %concatenate3A_150 = tpu.concatenate %broadcast_in_dim3A_148, %slice3A_149 in 1 : vector<1x4xi32>, vector<1x28xi32> -> vector<1x32xi32>
    %add3A_151 = arith.addi %add3A_146, %concatenate3A_150 : vector<1x32xi32>
    %broadcast_in_dim3A_152 = arith.constant 0 : i32
    %broadcast_in_dim3A_153 = vector.broadcast %broadcast_in_dim3A_152 : i32 to vector<1x8xi32>
    %slice3A_154 = vector.extract_strided_slice %add3A_151 {offsets = [0, 0], sizes = [1, 24], strides = [1, 1]} : vector<1x32xi32> to vector<1x24xi32>
    %concatenate3A_155 = tpu.concatenate %broadcast_in_dim3A_153, %slice3A_154 in 1 : vector<1x8xi32>, vector<1x24xi32> -> vector<1x32xi32>
    %add3A_156 = arith.addi %add3A_151, %concatenate3A_155 : vector<1x32xi32>
    %broadcast_in_dim3A_157 = arith.constant 0 : i32
    %broadcast_in_dim3A_158 = vector.broadcast %broadcast_in_dim3A_157 : i32 to vector<1x16xi32>
    %slice3A_159 = vector.extract_strided_slice %add3A_156 {offsets = [0, 0], sizes = [1, 16], strides = [1, 1]} : vector<1x32xi32> to vector<1x16xi32>
    %concatenate3A_160 = tpu.concatenate %broadcast_in_dim3A_158, %slice3A_159 in 1 : vector<1x16xi32>, vector<1x16xi32> -> vector<1x32xi32>
    %add3A_161 = arith.addi %add3A_156, %concatenate3A_160 : vector<1x32xi32>
    %slice3A_162 = vector.extract_strided_slice %add3A_161 {offsets = [0, 31], sizes = [1, 1], strides = [1, 1]} : vector<1x32xi32> to vector<1x1xi32>
    %slice3A_163 = vector.extract_strided_slice %mul3A_132 {offsets = [0, 31], sizes = [1, 1], strides = [1, 1]} : vector<1x32xi32> to vector<1x1xi32>
    %add3A_164 = arith.addi %slice3A_162, %slice3A_163 : vector<1x1xi32>
    %add3A_165 = vector.broadcast %add3A_161 : vector<1x32xi32> to vector<2048x32xi32>
    %add3A_166 = arith.addi %add3A_165, %add3A_100 : vector<2048x32xi32>
    %sub3A_167 = arith.constant 1 : i32
    %sub3A_168 = vector.broadcast %sub3A_167 : i32 to vector<2048x32xi32>
    %sub3A_169 = arith.subi %add3A_166, %sub3A_168 : vector<2048x32xi32>
    %mul3A_170 = arith.muli %concatenate3A, %sub3A_169 : vector<2048x32xi32>
    %convert_element_type3A_171 = arith.sitofp %mul3A_170 : vector<2048x32xi32> to vector<2048x32xf32>
    %iota3A = tpu.iota {dimensions = array<i32: 0>} : vector<32x4xi32>
    %iota3A_172 = tpu.iota {dimensions = array<i32: 1>} : vector<32x4xi32>
    %and3A_173 = arith.constant 3 : i32
    %and3A_174 = vector.broadcast %and3A_173 : i32 to vector<32x4xi32>
    %and3A_175 = arith.andi %iota3A, %and3A_174 : vector<32x4xi32>
    %eq3A_176 = arith.cmpi eq, %and3A_175, %iota3A_172 : vector<32x4xi32>
    %convert_element_type3A_177 = arith.extui %eq3A_176 : vector<32x4xi1> to vector<32x4xi32>
    %convert_element_type3A_178 = arith.sitofp %convert_element_type3A_177 : vector<32x4xi32> to vector<32x4xf32>
    %dot_general3A = arith.constant dense<0.000000e+00> : vector<2048x4xf32>
    %dot_general3A_179 = tpu.matmul %convert_element_type3A_171, %convert_element_type3A_178, %dot_general3A {dimension_numbers = #tpu.dot_dimension_numbers<[1], [0], [0], [1], [0, 0, 1, 1], [], []>, precision = #tpu.contract_precision<fp32>, transpose_lhs_hint = false} : vector<2048x32xf32>, vector<32x4xf32>, vector<2048x4xf32> -> vector<2048x4xf32>
    %add3A_180 = arith.constant 5.000000e-01 : f32
    %add3A_181 = vector.broadcast %add3A_180 : f32 to vector<2048x4xf32>
    %add3A_182 = arith.addf %dot_general3A_179, %add3A_181 : vector<2048x4xf32>
    %convert_element_type3A_183 = arith.fptosi %add3A_182 : vector<2048x4xf32> to vector<2048x4xi32>
    %swap3A = arith.constant 0 : index
    %swap3A_184 = arith.constant 0 : index
    %swap3A_185 = vector.load %arg1[%swap3A, %swap3A_184] : memref<2048x4xi32, #tpu.memory_space<vmem>>, vector<2048x4xi32>
    tpu.vector_store %arg1[%swap3A, %swap3A_184], %convert_element_type3A_183 {strides = array<i32>} : memref<2048x4xi32, #tpu.memory_space<vmem>>, vector<2048x4xi32>,
    %iota3A_186 = tpu.iota {dimensions = array<i32: 1>} : vector<1x96xi32>
    %mul3A_187 = arith.constant 128 : i32
    %mul3A_188 = vector.broadcast %mul3A_187 : i32 to vector<1x96xi32>
    %mul3A_189 = arith.muli %iota3A_186, %mul3A_188 : vector<1x96xi32>
    %broadcast_in_dim3A_190 = arith.constant 0 : i32
    %broadcast_in_dim3A_191 = vector.broadcast %broadcast_in_dim3A_190 : i32 to vector<1x96xi32>
    %broadcast_in_dim3A_192 = arith.constant 0 : i32
    %broadcast_in_dim3A_193 = vector.broadcast %broadcast_in_dim3A_192 : i32 to vector<1x96xi32>
    %broadcast_in_dim3A_194 = arith.constant 0 : i32
    %broadcast_in_dim3A_195 = vector.broadcast %broadcast_in_dim3A_194 : i32 to vector<1x96xi32>
    %slice3A_196 = vector.extract_strided_slice %add3A_161 {offsets = [0, 0], sizes = [1, 1], strides = [1, 1]} : vector<1x32xi32> to vector<1x1xi32>
    %slice3A_197 = vector.extract_strided_slice %slice3A_101 {offsets = [0, 0], sizes = [1, 1], strides = [1, 1]} : vector<1x32xi32> to vector<1x1xi32>
    %slice3A_198 = vector.extract_strided_slice %mul3A_132 {offsets = [0, 0], sizes = [1, 1], strides = [1, 1]} : vector<1x32xi32> to vector<1x1xi32>
    %gt3A = arith.constant 0 : i32
    %gt3A_199 = vector.broadcast %gt3A : i32 to vector<1x1xi32>
    %gt3A_200 = arith.cmpi sgt, %slice3A_197, %gt3A_199 : vector<1x1xi32>
    %le3A = vector.broadcast %slice3A_196 : vector<1x1xi32> to vector<1x96xi32>
    %le3A_201 = arith.cmpi sle, %le3A, %mul3A_189 : vector<1x96xi32>
    %and3A_202 = vector.broadcast %gt3A_200 : vector<1x1xi1> to vector<1x96xi1>
    %and3A_203 = arith.andi %and3A_202, %le3A_201 : vector<1x96xi1>
    %jit3A_204 = arith.constant 0 : i32
    %jit3A_205 = arith.constant 0 : i32
    %broadcast_in_dim3A_206 = vector.broadcast %jit3A_204 : i32 to vector<1x96xi32>
    %broadcast_in_dim3A_207 = vector.broadcast %jit3A_205 : i32 to vector<1x96xi32>
    %select_n3A_208 = arith.select %and3A_203, %broadcast_in_dim3A_206, %broadcast_in_dim3A_207 : vector<1x96xi1>, vector<1x96xi32>
    %max3A = arith.maxsi %broadcast_in_dim3A_191, %select_n3A_208 : vector<1x96xi32>
    %le3A_209 = vector.broadcast %slice3A_196 : vector<1x1xi32> to vector<1x96xi32>
    %le3A_210 = arith.cmpi sle, %le3A_209, %mul3A_189 : vector<1x96xi32>
    %add3A_211 = arith.addi %slice3A_196, %slice3A_198 : vector<1x1xi32>
    %lt3A = vector.broadcast %add3A_211 : vector<1x1xi32> to vector<1x96xi32>
    %lt3A_212 = arith.cmpi slt, %mul3A_189, %lt3A : vector<1x96xi32>
    %and3A_213 = arith.andi %le3A_210, %lt3A_212 : vector<1x96xi1>
    %add3A_214 = arith.addi %slice3A_196, %slice3A_197 : vector<1x1xi32>
    %sub3A_215 = vector.broadcast %add3A_214 : vector<1x1xi32> to vector<1x96xi32>
    %sub3A_216 = arith.subi %sub3A_215, %mul3A_189 : vector<1x96xi32>
    %jit3A_217 = arith.constant 0 : i64
    %jit3A_218 = arith.constant 128 : i64
    %convert_element_type3A_219 = arith.trunci %jit3A_217 : i64 to i32
    %max3A_220 = vector.broadcast %convert_element_type3A_219 : i32 to vector<1x96xi32>
    %max3A_221 = arith.maxsi %max3A_220, %sub3A_216 : vector<1x96xi32>
    %convert_element_type3A_222 = arith.trunci %jit3A_218 : i64 to i32
    %min3A = vector.broadcast %convert_element_type3A_222 : i32 to vector<1x96xi32>
    %min3A_223 = arith.minsi %min3A, %max3A_221 : vector<1x96xi32>
    %jit3A_224 = arith.constant 0 : i32
    %broadcast_in_dim3A_225 = vector.broadcast %jit3A_224 : i32 to vector<1x96xi32>
    %select_n3A_226 = arith.select %and3A_213, %min3A_223, %broadcast_in_dim3A_225 : vector<1x96xi1>, vector<1x96xi32>
    %add3A_227 = arith.addi %broadcast_in_dim3A_193, %select_n3A_226 : vector<1x96xi32>
    %eq3A_228 = vector.broadcast %slice3A_196 : vector<1x1xi32> to vector<1x96xi32>
    %eq3A_229 = arith.cmpi eq, %eq3A_228, %mul3A_189 : vector<1x96xi32>
    %and3A_230 = arith.andi %and3A_213, %eq3A_229 : vector<1x96xi1>
    %jit3A_231 = arith.constant 1 : i32
    %jit3A_232 = arith.constant 0 : i32
    %broadcast_in_dim3A_233 = vector.broadcast %jit3A_231 : i32 to vector<1x96xi32>
    %broadcast_in_dim3A_234 = vector.broadcast %jit3A_232 : i32 to vector<1x96xi32>
    %select_n3A_235 = arith.select %and3A_230, %broadcast_in_dim3A_233, %broadcast_in_dim3A_234 : vector<1x96xi1>, vector<1x96xi32>
    %add3A_236 = arith.addi %broadcast_in_dim3A_195, %select_n3A_235 : vector<1x96xi32>
    %slice3A_237 = vector.extract_strided_slice %add3A_161 {offsets = [0, 1], sizes = [1, 1], strides = [1, 1]} : vector<1x32xi32> to vector<1x1xi32>
    %slice3A_238 = vector.extract_strided_slice %slice3A_101 {offsets = [0, 1], sizes = [1, 1], strides = [1, 1]} : vector<1x32xi32> to vector<1x1xi32>
    %slice3A_239 = vector.extract_strided_slice %mul3A_132 {offsets = [0, 1], sizes = [1, 1], strides = [1, 1]} : vector<1x32xi32> to vector<1x1xi32>
    %gt3A_240 = arith.constant 0 : i32
    %gt3A_241 = vector.broadcast %gt3A_240 : i32 to vector<1x1xi32>
    %gt3A_242 = arith.cmpi sgt, %slice3A_238, %gt3A_241 : vector<1x1xi32>
    %le3A_243 = vector.broadcast %slice3A_237 : vector<1x1xi32> to vector<1x96xi32>
    %le3A_244 = arith.cmpi sle, %le3A_243, %mul3A_189 : vector<1x96xi32>
    %and3A_245 = vector.broadcast %gt3A_242 : vector<1x1xi1> to vector<1x96xi1>
    %and3A_246 = arith.andi %and3A_245, %le3A_244 : vector<1x96xi1>
    %jit3A_247 = arith.constant 0 : i32
    %jit3A_248 = arith.constant 0 : i32
    %broadcast_in_dim3A_249 = vector.broadcast %jit3A_247 : i32 to vector<1x96xi32>
    %broadcast_in_dim3A_250 = vector.broadcast %jit3A_248 : i32 to vector<1x96xi32>
    %select_n3A_251 = arith.select %and3A_246, %broadcast_in_dim3A_249, %broadcast_in_dim3A_250 : vector<1x96xi1>, vector<1x96xi32>
    %max3A_252 = arith.maxsi %max3A, %select_n3A_251 : vector<1x96xi32>
    %le3A_253 = vector.broadcast %slice3A_237 : vector<1x1xi32> to vector<1x96xi32>
    %le3A_254 = arith.cmpi sle, %le3A_253, %mul3A_189 : vector<1x96xi32>
    %add3A_255 = arith.addi %slice3A_237, %slice3A_239 : vector<1x1xi32>
    %lt3A_256 = vector.broadcast %add3A_255 : vector<1x1xi32> to vector<1x96xi32>
    %lt3A_257 = arith.cmpi slt, %mul3A_189, %lt3A_256 : vector<1x96xi32>
    %and3A_258 = arith.andi %le3A_254, %lt3A_257 : vector<1x96xi1>
    %add3A_259 = arith.addi %slice3A_237, %slice3A_238 : vector<1x1xi32>
    %sub3A_260 = vector.broadcast %add3A_259 : vector<1x1xi32> to vector<1x96xi32>
    %sub3A_261 = arith.subi %sub3A_260, %mul3A_189 : vector<1x96xi32>
    %jit3A_262 = arith.constant 0 : i64
    %jit3A_263 = arith.constant 128 : i64
    %convert_element_type3A_264 = arith.trunci %jit3A_262 : i64 to i32
    %max3A_265 = vector.broadcast %convert_element_type3A_264 : i32 to vector<1x96xi32>
    %max3A_266 = arith.maxsi %max3A_265, %sub3A_261 : vector<1x96xi32>
    %convert_element_type3A_267 = arith.trunci %jit3A_263 : i64 to i32
    %min3A_268 = vector.broadcast %convert_element_type3A_267 : i32 to vector<1x96xi32>
    %min3A_269 = arith.minsi %min3A_268, %max3A_266 : vector<1x96xi32>
    %jit3A_270 = arith.constant 0 : i32
    %broadcast_in_dim3A_271 = vector.broadcast %jit3A_270 : i32 to vector<1x96xi32>
    %select_n3A_272 = arith.select %and3A_258, %min3A_269, %broadcast_in_dim3A_271 : vector<1x96xi1>, vector<1x96xi32>
    %add3A_273 = arith.addi %add3A_227, %select_n3A_272 : vector<1x96xi32>
    %eq3A_274 = vector.broadcast %slice3A_237 : vector<1x1xi32> to vector<1x96xi32>
    %eq3A_275 = arith.cmpi eq, %eq3A_274, %mul3A_189 : vector<1x96xi32>
    %and3A_276 = arith.andi %and3A_258, %eq3A_275 : vector<1x96xi1>
    %jit3A_277 = arith.constant 1 : i32
    %jit3A_278 = arith.constant 0 : i32
    %broadcast_in_dim3A_279 = vector.broadcast %jit3A_277 : i32 to vector<1x96xi32>
    %broadcast_in_dim3A_280 = vector.broadcast %jit3A_278 : i32 to vector<1x96xi32>
    %select_n3A_281 = arith.select %and3A_276, %broadcast_in_dim3A_279, %broadcast_in_dim3A_280 : vector<1x96xi1>, vector<1x96xi32>
    %add3A_282 = arith.addi %add3A_236, %select_n3A_281 : vector<1x96xi32>
    %slice3A_283 = vector.extract_strided_slice %add3A_161 {offsets = [0, 2], sizes = [1, 1], strides = [1, 1]} : vector<1x32xi32> to vector<1x1xi32>
    %slice3A_284 = vector.extract_strided_slice %slice3A_101 {offsets = [0, 2], sizes = [1, 1], strides = [1, 1]} : vector<1x32xi32> to vector<1x1xi32>
    %slice3A_285 = vector.extract_strided_slice %mul3A_132 {offsets = [0, 2], sizes = [1, 1], strides = [1, 1]} : vector<1x32xi32> to vector<1x1xi32>
    %gt3A_286 = arith.constant 0 : i32
    %gt3A_287 = vector.broadcast %gt3A_286 : i32 to vector<1x1xi32>
    %gt3A_288 = arith.cmpi sgt, %slice3A_284, %gt3A_287 : vector<1x1xi32>
    %le3A_289 = vector.broadcast %slice3A_283 : vector<1x1xi32> to vector<1x96xi32>
    %le3A_290 = arith.cmpi sle, %le3A_289, %mul3A_189 : vector<1x96xi32>
    %and3A_291 = vector.broadcast %gt3A_288 : vector<1x1xi1> to vector<1x96xi1>
    %and3A_292 = arith.andi %and3A_291, %le3A_290 : vector<1x96xi1>
    %jit3A_293 = arith.constant 0 : i32
    %jit3A_294 = arith.constant 0 : i32
    %broadcast_in_dim3A_295 = vector.broadcast %jit3A_293 : i32 to vector<1x96xi32>
    %broadcast_in_dim3A_296 = vector.broadcast %jit3A_294 : i32 to vector<1x96xi32>
    %select_n3A_297 = arith.select %and3A_292, %broadcast_in_dim3A_295, %broadcast_in_dim3A_296 : vector<1x96xi1>, vector<1x96xi32>
    %max3A_298 = arith.maxsi %max3A_252, %select_n3A_297 : vector<1x96xi32>
    %le3A_299 = vector.broadcast %slice3A_283 : vector<1x1xi32> to vector<1x96xi32>
    %le3A_300 = arith.cmpi sle, %le3A_299, %mul3A_189 : vector<1x96xi32>
    %add3A_301 = arith.addi %slice3A_283, %slice3A_285 : vector<1x1xi32>
    %lt3A_302 = vector.broadcast %add3A_301 : vector<1x1xi32> to vector<1x96xi32>
    %lt3A_303 = arith.cmpi slt, %mul3A_189, %lt3A_302 : vector<1x96xi32>
    %and3A_304 = arith.andi %le3A_300, %lt3A_303 : vector<1x96xi1>
    %add3A_305 = arith.addi %slice3A_283, %slice3A_284 : vector<1x1xi32>
    %sub3A_306 = vector.broadcast %add3A_305 : vector<1x1xi32> to vector<1x96xi32>
    %sub3A_307 = arith.subi %sub3A_306, %mul3A_189 : vector<1x96xi32>
    %jit3A_308 = arith.constant 0 : i64
    %jit3A_309 = arith.constant 128 : i64
    %convert_element_type3A_310 = arith.trunci %jit3A_308 : i64 to i32
    %max3A_311 = vector.broadcast %convert_element_type3A_310 : i32 to vector<1x96xi32>
    %max3A_312 = arith.maxsi %max3A_311, %sub3A_307 : vector<1x96xi32>
    %convert_element_type3A_313 = arith.trunci %jit3A_309 : i64 to i32
    %min3A_314 = vector.broadcast %convert_element_type3A_313 : i32 to vector<1x96xi32>
    %min3A_315 = arith.minsi %min3A_314, %max3A_312 : vector<1x96xi32>
    %jit3A_316 = arith.constant 0 : i32
    %broadcast_in_dim3A_317 = vector.broadcast %jit3A_316 : i32 to vector<1x96xi32>
    %select_n3A_318 = arith.select %and3A_304, %min3A_315, %broadcast_in_dim3A_317 : vector<1x96xi1>, vector<1x96xi32>
    %add3A_319 = arith.addi %add3A_273, %select_n3A_318 : vector<1x96xi32>
    %eq3A_320 = vector.broadcast %slice3A_283 : vector<1x1xi32> to vector<1x96xi32>
    %eq3A_321 = arith.cmpi eq, %eq3A_320, %mul3A_189 : vector<1x96xi32>
    %and3A_322 = arith.andi %and3A_304, %eq3A_321 : vector<1x96xi1>
    %jit3A_323 = arith.constant 1 : i32
    %jit3A_324 = arith.constant 0 : i32
    %broadcast_in_dim3A_325 = vector.broadcast %jit3A_323 : i32 to vector<1x96xi32>
    %broadcast_in_dim3A_326 = vector.broadcast %jit3A_324 : i32 to vector<1x96xi32>
    %select_n3A_327 = arith.select %and3A_322, %broadcast_in_dim3A_325, %broadcast_in_dim3A_326 : vector<1x96xi1>, vector<1x96xi32>
    %add3A_328 = arith.addi %add3A_282, %select_n3A_327 : vector<1x96xi32>
    %slice3A_329 = vector.extract_strided_slice %add3A_161 {offsets = [0, 3], sizes = [1, 1], strides = [1, 1]} : vector<1x32xi32> to vector<1x1xi32>
    %slice3A_330 = vector.extract_strided_slice %slice3A_101 {offsets = [0, 3], sizes = [1, 1], strides = [1, 1]} : vector<1x32xi32> to vector<1x1xi32>
    %slice3A_331 = vector.extract_strided_slice %mul3A_132 {offsets = [0, 3], sizes = [1, 1], strides = [1, 1]} : vector<1x32xi32> to vector<1x1xi32>
    %gt3A_332 = arith.constant 0 : i32
    %gt3A_333 = vector.broadcast %gt3A_332 : i32 to vector<1x1xi32>
    %gt3A_334 = arith.cmpi sgt, %slice3A_330, %gt3A_333 : vector<1x1xi32>
    %le3A_335 = vector.broadcast %slice3A_329 : vector<1x1xi32> to vector<1x96xi32>
    %le3A_336 = arith.cmpi sle, %le3A_335, %mul3A_189 : vector<1x96xi32>
    %and3A_337 = vector.broadcast %gt3A_334 : vector<1x1xi1> to vector<1x96xi1>
    %and3A_338 = arith.andi %and3A_337, %le3A_336 : vector<1x96xi1>
    %jit3A_339 = arith.constant 0 : i32
    %jit3A_340 = arith.constant 0 : i32
    %broadcast_in_dim3A_341 = vector.broadcast %jit3A_339 : i32 to vector<1x96xi32>
    %broadcast_in_dim3A_342 = vector.broadcast %jit3A_340 : i32 to vector<1x96xi32>
    %select_n3A_343 = arith.select %and3A_338, %broadcast_in_dim3A_341, %broadcast_in_dim3A_342 : vector<1x96xi1>, vector<1x96xi32>
    %max3A_344 = arith.maxsi %max3A_298, %select_n3A_343 : vector<1x96xi32>
    %le3A_345 = vector.broadcast %slice3A_329 : vector<1x1xi32> to vector<1x96xi32>
    %le3A_346 = arith.cmpi sle, %le3A_345, %mul3A_189 : vector<1x96xi32>
    %add3A_347 = arith.addi %slice3A_329, %slice3A_331 : vector<1x1xi32>
    %lt3A_348 = vector.broadcast %add3A_347 : vector<1x1xi32> to vector<1x96xi32>
    %lt3A_349 = arith.cmpi slt, %mul3A_189, %lt3A_348 : vector<1x96xi32>
    %and3A_350 = arith.andi %le3A_346, %lt3A_349 : vector<1x96xi1>
    %add3A_351 = arith.addi %slice3A_329, %slice3A_330 : vector<1x1xi32>
    %sub3A_352 = vector.broadcast %add3A_351 : vector<1x1xi32> to vector<1x96xi32>
    %sub3A_353 = arith.subi %sub3A_352, %mul3A_189 : vector<1x96xi32>
    %jit3A_354 = arith.constant 0 : i64
    %jit3A_355 = arith.constant 128 : i64
    %convert_element_type3A_356 = arith.trunci %jit3A_354 : i64 to i32
    %max3A_357 = vector.broadcast %convert_element_type3A_356 : i32 to vector<1x96xi32>
    %max3A_358 = arith.maxsi %max3A_357, %sub3A_353 : vector<1x96xi32>
    %convert_element_type3A_359 = arith.trunci %jit3A_355 : i64 to i32
    %min3A_360 = vector.broadcast %convert_element_type3A_359 : i32 to vector<1x96xi32>
    %min3A_361 = arith.minsi %min3A_360, %max3A_358 : vector<1x96xi32>
    %jit3A_362 = arith.constant 0 : i32
    %broadcast_in_dim3A_363 = vector.broadcast %jit3A_362 : i32 to vector<1x96xi32>
    %select_n3A_364 = arith.select %and3A_350, %min3A_361, %broadcast_in_dim3A_363 : vector<1x96xi1>, vector<1x96xi32>
    %add3A_365 = arith.addi %add3A_319, %select_n3A_364 : vector<1x96xi32>
    %eq3A_366 = vector.broadcast %slice3A_329 : vector<1x1xi32> to vector<1x96xi32>
    %eq3A_367 = arith.cmpi eq, %eq3A_366, %mul3A_189 : vector<1x96xi32>
    %and3A_368 = arith.andi %and3A_350, %eq3A_367 : vector<1x96xi1>
    %jit3A_369 = arith.constant 1 : i32
    %jit3A_370 = arith.constant 0 : i32
    %broadcast_in_dim3A_371 = vector.broadcast %jit3A_369 : i32 to vector<1x96xi32>
    %broadcast_in_dim3A_372 = vector.broadcast %jit3A_370 : i32 to vector<1x96xi32>
    %select_n3A_373 = arith.select %and3A_368, %broadcast_in_dim3A_371, %broadcast_in_dim3A_372 : vector<1x96xi1>, vector<1x96xi32>
    %add3A_374 = arith.addi %add3A_328, %select_n3A_373 : vector<1x96xi32>
    %slice3A_375 = vector.extract_strided_slice %add3A_161 {offsets = [0, 4], sizes = [1, 1], strides = [1, 1]} : vector<1x32xi32> to vector<1x1xi32>
    %slice3A_376 = vector.extract_strided_slice %slice3A_101 {offsets = [0, 4], sizes = [1, 1], strides = [1, 1]} : vector<1x32xi32> to vector<1x1xi32>
    %slice3A_377 = vector.extract_strided_slice %mul3A_132 {offsets = [0, 4], sizes = [1, 1], strides = [1, 1]} : vector<1x32xi32> to vector<1x1xi32>
    %gt3A_378 = arith.constant 0 : i32
    %gt3A_379 = vector.broadcast %gt3A_378 : i32 to vector<1x1xi32>
    %gt3A_380 = arith.cmpi sgt, %slice3A_376, %gt3A_379 : vector<1x1xi32>
    %le3A_381 = vector.broadcast %slice3A_375 : vector<1x1xi32> to vector<1x96xi32>
    %le3A_382 = arith.cmpi sle, %le3A_381, %mul3A_189 : vector<1x96xi32>
    %and3A_383 = vector.broadcast %gt3A_380 : vector<1x1xi1> to vector<1x96xi1>
    %and3A_384 = arith.andi %and3A_383, %le3A_382 : vector<1x96xi1>
    %jit3A_385 = arith.constant 1 : i32
    %jit3A_386 = arith.constant 0 : i32
    %broadcast_in_dim3A_387 = vector.broadcast %jit3A_385 : i32 to vector<1x96xi32>
    %broadcast_in_dim3A_388 = vector.broadcast %jit3A_386 : i32 to vector<1x96xi32>
    %select_n3A_389 = arith.select %and3A_384, %broadcast_in_dim3A_387, %broadcast_in_dim3A_388 : vector<1x96xi1>, vector<1x96xi32>
    %max3A_390 = arith.maxsi %max3A_344, %select_n3A_389 : vector<1x96xi32>
    %le3A_391 = vector.broadcast %slice3A_375 : vector<1x1xi32> to vector<1x96xi32>
    %le3A_392 = arith.cmpi sle, %le3A_391, %mul3A_189 : vector<1x96xi32>
    %add3A_393 = arith.addi %slice3A_375, %slice3A_377 : vector<1x1xi32>
    %lt3A_394 = vector.broadcast %add3A_393 : vector<1x1xi32> to vector<1x96xi32>
    %lt3A_395 = arith.cmpi slt, %mul3A_189, %lt3A_394 : vector<1x96xi32>
    %and3A_396 = arith.andi %le3A_392, %lt3A_395 : vector<1x96xi1>
    %add3A_397 = arith.addi %slice3A_375, %slice3A_376 : vector<1x1xi32>
    %sub3A_398 = vector.broadcast %add3A_397 : vector<1x1xi32> to vector<1x96xi32>
    %sub3A_399 = arith.subi %sub3A_398, %mul3A_189 : vector<1x96xi32>
    %jit3A_400 = arith.constant 0 : i64
    %jit3A_401 = arith.constant 128 : i64
    %convert_element_type3A_402 = arith.trunci %jit3A_400 : i64 to i32
    %max3A_403 = vector.broadcast %convert_element_type3A_402 : i32 to vector<1x96xi32>
    %max3A_404 = arith.maxsi %max3A_403, %sub3A_399 : vector<1x96xi32>
    %convert_element_type3A_405 = arith.trunci %jit3A_401 : i64 to i32
    %min3A_406 = vector.broadcast %convert_element_type3A_405 : i32 to vector<1x96xi32>
    %min3A_407 = arith.minsi %min3A_406, %max3A_404 : vector<1x96xi32>
    %jit3A_408 = arith.constant 0 : i32
    %broadcast_in_dim3A_409 = vector.broadcast %jit3A_408 : i32 to vector<1x96xi32>
    %select_n3A_410 = arith.select %and3A_396, %min3A_407, %broadcast_in_dim3A_409 : vector<1x96xi1>, vector<1x96xi32>
    %add3A_411 = arith.addi %add3A_365, %select_n3A_410 : vector<1x96xi32>
    %eq3A_412 = vector.broadcast %slice3A_375 : vector<1x1xi32> to vector<1x96xi32>
    %eq3A_413 = arith.cmpi eq, %eq3A_412, %mul3A_189 : vector<1x96xi32>
    %and3A_414 = arith.andi %and3A_396, %eq3A_413 : vector<1x96xi1>
    %jit3A_415 = arith.constant 1 : i32
    %jit3A_416 = arith.constant 0 : i32
    %broadcast_in_dim3A_417 = vector.broadcast %jit3A_415 : i32 to vector<1x96xi32>
    %broadcast_in_dim3A_418 = vector.broadcast %jit3A_416 : i32 to vector<1x96xi32>
    %select_n3A_419 = arith.select %and3A_414, %broadcast_in_dim3A_417, %broadcast_in_dim3A_418 : vector<1x96xi1>, vector<1x96xi32>
    %add3A_420 = arith.addi %add3A_374, %select_n3A_419 : vector<1x96xi32>
    %slice3A_421 = vector.extract_strided_slice %add3A_161 {offsets = [0, 5], sizes = [1, 1], strides = [1, 1]} : vector<1x32xi32> to vector<1x1xi32>
    %slice3A_422 = vector.extract_strided_slice %slice3A_101 {offsets = [0, 5], sizes = [1, 1], strides = [1, 1]} : vector<1x32xi32> to vector<1x1xi32>
    %slice3A_423 = vector.extract_strided_slice %mul3A_132 {offsets = [0, 5], sizes = [1, 1], strides = [1, 1]} : vector<1x32xi32> to vector<1x1xi32>
    %gt3A_424 = arith.constant 0 : i32
    %gt3A_425 = vector.broadcast %gt3A_424 : i32 to vector<1x1xi32>
    %gt3A_426 = arith.cmpi sgt, %slice3A_422, %gt3A_425 : vector<1x1xi32>
    %le3A_427 = vector.broadcast %slice3A_421 : vector<1x1xi32> to vector<1x96xi32>
    %le3A_428 = arith.cmpi sle, %le3A_427, %mul3A_189 : vector<1x96xi32>
    %and3A_429 = vector.broadcast %gt3A_426 : vector<1x1xi1> to vector<1x96xi1>
    %and3A_430 = arith.andi %and3A_429, %le3A_428 : vector<1x96xi1>
    %jit3A_431 = arith.constant 1 : i32
    %jit3A_432 = arith.constant 0 : i32
    %broadcast_in_dim3A_433 = vector.broadcast %jit3A_431 : i32 to vector<1x96xi32>
    %broadcast_in_dim3A_434 = vector.broadcast %jit3A_432 : i32 to vector<1x96xi32>
    %select_n3A_435 = arith.select %and3A_430, %broadcast_in_dim3A_433, %broadcast_in_dim3A_434 : vector<1x96xi1>, vector<1x96xi32>
    %max3A_436 = arith.maxsi %max3A_390, %select_n3A_435 : vector<1x96xi32>
    %le3A_437 = vector.broadcast %slice3A_421 : vector<1x1xi32> to vector<1x96xi32>
    %le3A_438 = arith.cmpi sle, %le3A_437, %mul3A_189 : vector<1x96xi32>
    %add3A_439 = arith.addi %slice3A_421, %slice3A_423 : vector<1x1xi32>
    %lt3A_440 = vector.broadcast %add3A_439 : vector<1x1xi32> to vector<1x96xi32>
    %lt3A_441 = arith.cmpi slt, %mul3A_189, %lt3A_440 : vector<1x96xi32>
    %and3A_442 = arith.andi %le3A_438, %lt3A_441 : vector<1x96xi1>
    %add3A_443 = arith.addi %slice3A_421, %slice3A_422 : vector<1x1xi32>
    %sub3A_444 = vector.broadcast %add3A_443 : vector<1x1xi32> to vector<1x96xi32>
    %sub3A_445 = arith.subi %sub3A_444, %mul3A_189 : vector<1x96xi32>
    %jit3A_446 = arith.constant 0 : i64
    %jit3A_447 = arith.constant 128 : i64
    %convert_element_type3A_448 = arith.trunci %jit3A_446 : i64 to i32
    %max3A_449 = vector.broadcast %convert_element_type3A_448 : i32 to vector<1x96xi32>
    %max3A_450 = arith.maxsi %max3A_449, %sub3A_445 : vector<1x96xi32>
    %convert_element_type3A_451 = arith.trunci %jit3A_447 : i64 to i32
    %min3A_452 = vector.broadcast %convert_element_type3A_451 : i32 to vector<1x96xi32>
    %min3A_453 = arith.minsi %min3A_452, %max3A_450 : vector<1x96xi32>
    %jit3A_454 = arith.constant 0 : i32
    %broadcast_in_dim3A_455 = vector.broadcast %jit3A_454 : i32 to vector<1x96xi32>
    %select_n3A_456 = arith.select %and3A_442, %min3A_453, %broadcast_in_dim3A_455 : vector<1x96xi1>, vector<1x96xi32>
    %add3A_457 = arith.addi %add3A_411, %select_n3A_456 : vector<1x96xi32>
    %eq3A_458 = vector.broadcast %slice3A_421 : vector<1x1xi32> to vector<1x96xi32>
    %eq3A_459 = arith.cmpi eq, %eq3A_458, %mul3A_189 : vector<1x96xi32>
    %and3A_460 = arith.andi %and3A_442, %eq3A_459 : vector<1x96xi1>
    %jit3A_461 = arith.constant 1 : i32
    %jit3A_462 = arith.constant 0 : i32
    %broadcast_in_dim3A_463 = vector.broadcast %jit3A_461 : i32 to vector<1x96xi32>
    %broadcast_in_dim3A_464 = vector.broadcast %jit3A_462 : i32 to vector<1x96xi32>
    %select_n3A_465 = arith.select %and3A_460, %broadcast_in_dim3A_463, %broadcast_in_dim3A_464 : vector<1x96xi1>, vector<1x96xi32>
    %add3A_466 = arith.addi %add3A_420, %select_n3A_465 : vector<1x96xi32>
    %slice3A_467 = vector.extract_strided_slice %add3A_161 {offsets = [0, 6], sizes = [1, 1], strides = [1, 1]} : vector<1x32xi32> to vector<1x1xi32>
    %slice3A_468 = vector.extract_strided_slice %slice3A_101 {offsets = [0, 6], sizes = [1, 1], strides = [1, 1]} : vector<1x32xi32> to vector<1x1xi32>
    %slice3A_469 = vector.extract_strided_slice %mul3A_132 {offsets = [0, 6], sizes = [1, 1], strides = [1, 1]} : vector<1x32xi32> to vector<1x1xi32>
    %gt3A_470 = arith.constant 0 : i32
    %gt3A_471 = vector.broadcast %gt3A_470 : i32 to vector<1x1xi32>
    %gt3A_472 = arith.cmpi sgt, %slice3A_468, %gt3A_471 : vector<1x1xi32>
    %le3A_473 = vector.broadcast %slice3A_467 : vector<1x1xi32> to vector<1x96xi32>
    %le3A_474 = arith.cmpi sle, %le3A_473, %mul3A_189 : vector<1x96xi32>
    %and3A_475 = vector.broadcast %gt3A_472 : vector<1x1xi1> to vector<1x96xi1>
    %and3A_476 = arith.andi %and3A_475, %le3A_474 : vector<1x96xi1>
    %jit3A_477 = arith.constant 1 : i32
    %jit3A_478 = arith.constant 0 : i32
    %broadcast_in_dim3A_479 = vector.broadcast %jit3A_477 : i32 to vector<1x96xi32>
    %broadcast_in_dim3A_480 = vector.broadcast %jit3A_478 : i32 to vector<1x96xi32>
    %select_n3A_481 = arith.select %and3A_476, %broadcast_in_dim3A_479, %broadcast_in_dim3A_480 : vector<1x96xi1>, vector<1x96xi32>
    %max3A_482 = arith.maxsi %max3A_436, %select_n3A_481 : vector<1x96xi32>
    %le3A_483 = vector.broadcast %slice3A_467 : vector<1x1xi32> to vector<1x96xi32>
    %le3A_484 = arith.cmpi sle, %le3A_483, %mul3A_189 : vector<1x96xi32>
    %add3A_485 = arith.addi %slice3A_467, %slice3A_469 : vector<1x1xi32>
    %lt3A_486 = vector.broadcast %add3A_485 : vector<1x1xi32> to vector<1x96xi32>
    %lt3A_487 = arith.cmpi slt, %mul3A_189, %lt3A_486 : vector<1x96xi32>
    %and3A_488 = arith.andi %le3A_484, %lt3A_487 : vector<1x96xi1>
    %add3A_489 = arith.addi %slice3A_467, %slice3A_468 : vector<1x1xi32>
    %sub3A_490 = vector.broadcast %add3A_489 : vector<1x1xi32> to vector<1x96xi32>
    %sub3A_491 = arith.subi %sub3A_490, %mul3A_189 : vector<1x96xi32>
    %jit3A_492 = arith.constant 0 : i64
    %jit3A_493 = arith.constant 128 : i64
    %convert_element_type3A_494 = arith.trunci %jit3A_492 : i64 to i32
    %max3A_495 = vector.broadcast %convert_element_type3A_494 : i32 to vector<1x96xi32>
    %max3A_496 = arith.maxsi %max3A_495, %sub3A_491 : vector<1x96xi32>
    %convert_element_type3A_497 = arith.trunci %jit3A_493 : i64 to i32
    %min3A_498 = vector.broadcast %convert_element_type3A_497 : i32 to vector<1x96xi32>
    %min3A_499 = arith.minsi %min3A_498, %max3A_496 : vector<1x96xi32>
    %jit3A_500 = arith.constant 0 : i32
    %broadcast_in_dim3A_501 = vector.broadcast %jit3A_500 : i32 to vector<1x96xi32>
    %select_n3A_502 = arith.select %and3A_488, %min3A_499, %broadcast_in_dim3A_501 : vector<1x96xi1>, vector<1x96xi32>
    %add3A_503 = arith.addi %add3A_457, %select_n3A_502 : vector<1x96xi32>
    %eq3A_504 = vector.broadcast %slice3A_467 : vector<1x1xi32> to vector<1x96xi32>
    %eq3A_505 = arith.cmpi eq, %eq3A_504, %mul3A_189 : vector<1x96xi32>
    %and3A_506 = arith.andi %and3A_488, %eq3A_505 : vector<1x96xi1>
    %jit3A_507 = arith.constant 1 : i32
    %jit3A_508 = arith.constant 0 : i32
    %broadcast_in_dim3A_509 = vector.broadcast %jit3A_507 : i32 to vector<1x96xi32>
    %broadcast_in_dim3A_510 = vector.broadcast %jit3A_508 : i32 to vector<1x96xi32>
    %select_n3A_511 = arith.select %and3A_506, %broadcast_in_dim3A_509, %broadcast_in_dim3A_510 : vector<1x96xi1>, vector<1x96xi32>
    %add3A_512 = arith.addi %add3A_466, %select_n3A_511 : vector<1x96xi32>
    %slice3A_513 = vector.extract_strided_slice %add3A_161 {offsets = [0, 7], sizes = [1, 1], strides = [1, 1]} : vector<1x32xi32> to vector<1x1xi32>
    %slice3A_514 = vector.extract_strided_slice %slice3A_101 {offsets = [0, 7], sizes = [1, 1], strides = [1, 1]} : vector<1x32xi32> to vector<1x1xi32>
    %slice3A_515 = vector.extract_strided_slice %mul3A_132 {offsets = [0, 7], sizes = [1, 1], strides = [1, 1]} : vector<1x32xi32> to vector<1x1xi32>
    %gt3A_516 = arith.constant 0 : i32
    %gt3A_517 = vector.broadcast %gt3A_516 : i32 to vector<1x1xi32>
    %gt3A_518 = arith.cmpi sgt, %slice3A_514, %gt3A_517 : vector<1x1xi32>
    %le3A_519 = vector.broadcast %slice3A_513 : vector<1x1xi32> to vector<1x96xi32>
    %le3A_520 = arith.cmpi sle, %le3A_519, %mul3A_189 : vector<1x96xi32>
    %and3A_521 = vector.broadcast %gt3A_518 : vector<1x1xi1> to vector<1x96xi1>
    %and3A_522 = arith.andi %and3A_521, %le3A_520 : vector<1x96xi1>
    %jit3A_523 = arith.constant 1 : i32
    %jit3A_524 = arith.constant 0 : i32
    %broadcast_in_dim3A_525 = vector.broadcast %jit3A_523 : i32 to vector<1x96xi32>
    %broadcast_in_dim3A_526 = vector.broadcast %jit3A_524 : i32 to vector<1x96xi32>
    %select_n3A_527 = arith.select %and3A_522, %broadcast_in_dim3A_525, %broadcast_in_dim3A_526 : vector<1x96xi1>, vector<1x96xi32>
    %max3A_528 = arith.maxsi %max3A_482, %select_n3A_527 : vector<1x96xi32>
    %le3A_529 = vector.broadcast %slice3A_513 : vector<1x1xi32> to vector<1x96xi32>
    %le3A_530 = arith.cmpi sle, %le3A_529, %mul3A_189 : vector<1x96xi32>
    %add3A_531 = arith.addi %slice3A_513, %slice3A_515 : vector<1x1xi32>
    %lt3A_532 = vector.broadcast %add3A_531 : vector<1x1xi32> to vector<1x96xi32>
    %lt3A_533 = arith.cmpi slt, %mul3A_189, %lt3A_532 : vector<1x96xi32>
    %and3A_534 = arith.andi %le3A_530, %lt3A_533 : vector<1x96xi1>
    %add3A_535 = arith.addi %slice3A_513, %slice3A_514 : vector<1x1xi32>
    %sub3A_536 = vector.broadcast %add3A_535 : vector<1x1xi32> to vector<1x96xi32>
    %sub3A_537 = arith.subi %sub3A_536, %mul3A_189 : vector<1x96xi32>
    %jit3A_538 = arith.constant 0 : i64
    %jit3A_539 = arith.constant 128 : i64
    %convert_element_type3A_540 = arith.trunci %jit3A_538 : i64 to i32
    %max3A_541 = vector.broadcast %convert_element_type3A_540 : i32 to vector<1x96xi32>
    %max3A_542 = arith.maxsi %max3A_541, %sub3A_537 : vector<1x96xi32>
    %convert_element_type3A_543 = arith.trunci %jit3A_539 : i64 to i32
    %min3A_544 = vector.broadcast %convert_element_type3A_543 : i32 to vector<1x96xi32>
    %min3A_545 = arith.minsi %min3A_544, %max3A_542 : vector<1x96xi32>
    %jit3A_546 = arith.constant 0 : i32
    %broadcast_in_dim3A_547 = vector.broadcast %jit3A_546 : i32 to vector<1x96xi32>
    %select_n3A_548 = arith.select %and3A_534, %min3A_545, %broadcast_in_dim3A_547 : vector<1x96xi1>, vector<1x96xi32>
    %add3A_549 = arith.addi %add3A_503, %select_n3A_548 : vector<1x96xi32>
    %eq3A_550 = vector.broadcast %slice3A_513 : vector<1x1xi32> to vector<1x96xi32>
    %eq3A_551 = arith.cmpi eq, %eq3A_550, %mul3A_189 : vector<1x96xi32>
    %and3A_552 = arith.andi %and3A_534, %eq3A_551 : vector<1x96xi1>
    %jit3A_553 = arith.constant 1 : i32
    %jit3A_554 = arith.constant 0 : i32
    %broadcast_in_dim3A_555 = vector.broadcast %jit3A_553 : i32 to vector<1x96xi32>
    %broadcast_in_dim3A_556 = vector.broadcast %jit3A_554 : i32 to vector<1x96xi32>
    %select_n3A_557 = arith.select %and3A_552, %broadcast_in_dim3A_555, %broadcast_in_dim3A_556 : vector<1x96xi1>, vector<1x96xi32>
    %add3A_558 = arith.addi %add3A_512, %select_n3A_557 : vector<1x96xi32>
    %slice3A_559 = vector.extract_strided_slice %add3A_161 {offsets = [0, 8], sizes = [1, 1], strides = [1, 1]} : vector<1x32xi32> to vector<1x1xi32>
    %slice3A_560 = vector.extract_strided_slice %slice3A_101 {offsets = [0, 8], sizes = [1, 1], strides = [1, 1]} : vector<1x32xi32> to vector<1x1xi32>
    %slice3A_561 = vector.extract_strided_slice %mul3A_132 {offsets = [0, 8], sizes = [1, 1], strides = [1, 1]} : vector<1x32xi32> to vector<1x1xi32>
    %gt3A_562 = arith.constant 0 : i32
    %gt3A_563 = vector.broadcast %gt3A_562 : i32 to vector<1x1xi32>
    %gt3A_564 = arith.cmpi sgt, %slice3A_560, %gt3A_563 : vector<1x1xi32>
    %le3A_565 = vector.broadcast %slice3A_559 : vector<1x1xi32> to vector<1x96xi32>
    %le3A_566 = arith.cmpi sle, %le3A_565, %mul3A_189 : vector<1x96xi32>
    %and3A_567 = vector.broadcast %gt3A_564 : vector<1x1xi1> to vector<1x96xi1>
    %and3A_568 = arith.andi %and3A_567, %le3A_566 : vector<1x96xi1>
    %jit3A_569 = arith.constant 2 : i32
    %jit3A_570 = arith.constant 0 : i32
    %broadcast_in_dim3A_571 = vector.broadcast %jit3A_569 : i32 to vector<1x96xi32>
    %broadcast_in_dim3A_572 = vector.broadcast %jit3A_570 : i32 to vector<1x96xi32>
    %select_n3A_573 = arith.select %and3A_568, %broadcast_in_dim3A_571, %broadcast_in_dim3A_572 : vector<1x96xi1>, vector<1x96xi32>
    %max3A_574 = arith.maxsi %max3A_528, %select_n3A_573 : vector<1x96xi32>
    %le3A_575 = vector.broadcast %slice3A_559 : vector<1x1xi32> to vector<1x96xi32>
    %le3A_576 = arith.cmpi sle, %le3A_575, %mul3A_189 : vector<1x96xi32>
    %add3A_577 = arith.addi %slice3A_559, %slice3A_561 : vector<1x1xi32>
    %lt3A_578 = vector.broadcast %add3A_577 : vector<1x1xi32> to vector<1x96xi32>
    %lt3A_579 = arith.cmpi slt, %mul3A_189, %lt3A_578 : vector<1x96xi32>
    %and3A_580 = arith.andi %le3A_576, %lt3A_579 : vector<1x96xi1>
    %add3A_581 = arith.addi %slice3A_559, %slice3A_560 : vector<1x1xi32>
    %sub3A_582 = vector.broadcast %add3A_581 : vector<1x1xi32> to vector<1x96xi32>
    %sub3A_583 = arith.subi %sub3A_582, %mul3A_189 : vector<1x96xi32>
    %jit3A_584 = arith.constant 0 : i64
    %jit3A_585 = arith.constant 128 : i64
    %convert_element_type3A_586 = arith.trunci %jit3A_584 : i64 to i32
    %max3A_587 = vector.broadcast %convert_element_type3A_586 : i32 to vector<1x96xi32>
    %max3A_588 = arith.maxsi %max3A_587, %sub3A_583 : vector<1x96xi32>
    %convert_element_type3A_589 = arith.trunci %jit3A_585 : i64 to i32
    %min3A_590 = vector.broadcast %convert_element_type3A_589 : i32 to vector<1x96xi32>
    %min3A_591 = arith.minsi %min3A_590, %max3A_588 : vector<1x96xi32>
    %jit3A_592 = arith.constant 0 : i32
    %broadcast_in_dim3A_593 = vector.broadcast %jit3A_592 : i32 to vector<1x96xi32>
    %select_n3A_594 = arith.select %and3A_580, %min3A_591, %broadcast_in_dim3A_593 : vector<1x96xi1>, vector<1x96xi32>
    %add3A_595 = arith.addi %add3A_549, %select_n3A_594 : vector<1x96xi32>
    %eq3A_596 = vector.broadcast %slice3A_559 : vector<1x1xi32> to vector<1x96xi32>
    %eq3A_597 = arith.cmpi eq, %eq3A_596, %mul3A_189 : vector<1x96xi32>
    %and3A_598 = arith.andi %and3A_580, %eq3A_597 : vector<1x96xi1>
    %jit3A_599 = arith.constant 1 : i32
    %jit3A_600 = arith.constant 0 : i32
    %broadcast_in_dim3A_601 = vector.broadcast %jit3A_599 : i32 to vector<1x96xi32>
    %broadcast_in_dim3A_602 = vector.broadcast %jit3A_600 : i32 to vector<1x96xi32>
    %select_n3A_603 = arith.select %and3A_598, %broadcast_in_dim3A_601, %broadcast_in_dim3A_602 : vector<1x96xi1>, vector<1x96xi32>
    %add3A_604 = arith.addi %add3A_558, %select_n3A_603 : vector<1x96xi32>
    %slice3A_605 = vector.extract_strided_slice %add3A_161 {offsets = [0, 9], sizes = [1, 1], strides = [1, 1]} : vector<1x32xi32> to vector<1x1xi32>
    %slice3A_606 = vector.extract_strided_slice %slice3A_101 {offsets = [0, 9], sizes = [1, 1], strides = [1, 1]} : vector<1x32xi32> to vector<1x1xi32>
    %slice3A_607 = vector.extract_strided_slice %mul3A_132 {offsets = [0, 9], sizes = [1, 1], strides = [1, 1]} : vector<1x32xi32> to vector<1x1xi32>
    %gt3A_608 = arith.constant 0 : i32
    %gt3A_609 = vector.broadcast %gt3A_608 : i32 to vector<1x1xi32>
    %gt3A_610 = arith.cmpi sgt, %slice3A_606, %gt3A_609 : vector<1x1xi32>
    %le3A_611 = vector.broadcast %slice3A_605 : vector<1x1xi32> to vector<1x96xi32>
    %le3A_612 = arith.cmpi sle, %le3A_611, %mul3A_189 : vector<1x96xi32>
    %and3A_613 = vector.broadcast %gt3A_610 : vector<1x1xi1> to vector<1x96xi1>
    %and3A_614 = arith.andi %and3A_613, %le3A_612 : vector<1x96xi1>
    %jit3A_615 = arith.constant 2 : i32
    %jit3A_616 = arith.constant 0 : i32
    %broadcast_in_dim3A_617 = vector.broadcast %jit3A_615 : i32 to vector<1x96xi32>
    %broadcast_in_dim3A_618 = vector.broadcast %jit3A_616 : i32 to vector<1x96xi32>
    %select_n3A_619 = arith.select %and3A_614, %broadcast_in_dim3A_617, %broadcast_in_dim3A_618 : vector<1x96xi1>, vector<1x96xi32>
    %max3A_620 = arith.maxsi %max3A_574, %select_n3A_619 : vector<1x96xi32>
    %le3A_621 = vector.broadcast %slice3A_605 : vector<1x1xi32> to vector<1x96xi32>
    %le3A_622 = arith.cmpi sle, %le3A_621, %mul3A_189 : vector<1x96xi32>
    %add3A_623 = arith.addi %slice3A_605, %slice3A_607 : vector<1x1xi32>
    %lt3A_624 = vector.broadcast %add3A_623 : vector<1x1xi32> to vector<1x96xi32>
    %lt3A_625 = arith.cmpi slt, %mul3A_189, %lt3A_624 : vector<1x96xi32>
    %and3A_626 = arith.andi %le3A_622, %lt3A_625 : vector<1x96xi1>
    %add3A_627 = arith.addi %slice3A_605, %slice3A_606 : vector<1x1xi32>
    %sub3A_628 = vector.broadcast %add3A_627 : vector<1x1xi32> to vector<1x96xi32>
    %sub3A_629 = arith.subi %sub3A_628, %mul3A_189 : vector<1x96xi32>
    %jit3A_630 = arith.constant 0 : i64
    %jit3A_631 = arith.constant 128 : i64
    %convert_element_type3A_632 = arith.trunci %jit3A_630 : i64 to i32
    %max3A_633 = vector.broadcast %convert_element_type3A_632 : i32 to vector<1x96xi32>
    %max3A_634 = arith.maxsi %max3A_633, %sub3A_629 : vector<1x96xi32>
    %convert_element_type3A_635 = arith.trunci %jit3A_631 : i64 to i32
    %min3A_636 = vector.broadcast %convert_element_type3A_635 : i32 to vector<1x96xi32>
    %min3A_637 = arith.minsi %min3A_636, %max3A_634 : vector<1x96xi32>
    %jit3A_638 = arith.constant 0 : i32
    %broadcast_in_dim3A_639 = vector.broadcast %jit3A_638 : i32 to vector<1x96xi32>
    %select_n3A_640 = arith.select %and3A_626, %min3A_637, %broadcast_in_dim3A_639 : vector<1x96xi1>, vector<1x96xi32>
    %add3A_641 = arith.addi %add3A_595, %select_n3A_640 : vector<1x96xi32>
    %eq3A_642 = vector.broadcast %slice3A_605 : vector<1x1xi32> to vector<1x96xi32>
    %eq3A_643 = arith.cmpi eq, %eq3A_642, %mul3A_189 : vector<1x96xi32>
    %and3A_644 = arith.andi %and3A_626, %eq3A_643 : vector<1x96xi1>
    %jit3A_645 = arith.constant 1 : i32
    %jit3A_646 = arith.constant 0 : i32
    %broadcast_in_dim3A_647 = vector.broadcast %jit3A_645 : i32 to vector<1x96xi32>
    %broadcast_in_dim3A_648 = vector.broadcast %jit3A_646 : i32 to vector<1x96xi32>
    %select_n3A_649 = arith.select %and3A_644, %broadcast_in_dim3A_647, %broadcast_in_dim3A_648 : vector<1x96xi1>, vector<1x96xi32>
    %add3A_650 = arith.addi %add3A_604, %select_n3A_649 : vector<1x96xi32>
    %slice3A_651 = vector.extract_strided_slice %add3A_161 {offsets = [0, 10], sizes = [1, 1], strides = [1, 1]} : vector<1x32xi32> to vector<1x1xi32>
    %slice3A_652 = vector.extract_strided_slice %slice3A_101 {offsets = [0, 10], sizes = [1, 1], strides = [1, 1]} : vector<1x32xi32> to vector<1x1xi32>
    %slice3A_653 = vector.extract_strided_slice %mul3A_132 {offsets = [0, 10], sizes = [1, 1], strides = [1, 1]} : vector<1x32xi32> to vector<1x1xi32>
    %gt3A_654 = arith.constant 0 : i32
    %gt3A_655 = vector.broadcast %gt3A_654 : i32 to vector<1x1xi32>
    %gt3A_656 = arith.cmpi sgt, %slice3A_652, %gt3A_655 : vector<1x1xi32>
    %le3A_657 = vector.broadcast %slice3A_651 : vector<1x1xi32> to vector<1x96xi32>
    %le3A_658 = arith.cmpi sle, %le3A_657, %mul3A_189 : vector<1x96xi32>
    %and3A_659 = vector.broadcast %gt3A_656 : vector<1x1xi1> to vector<1x96xi1>
    %and3A_660 = arith.andi %and3A_659, %le3A_658 : vector<1x96xi1>
    %jit3A_661 = arith.constant 2 : i32
    %jit3A_662 = arith.constant 0 : i32
    %broadcast_in_dim3A_663 = vector.broadcast %jit3A_661 : i32 to vector<1x96xi32>
    %broadcast_in_dim3A_664 = vector.broadcast %jit3A_662 : i32 to vector<1x96xi32>
    %select_n3A_665 = arith.select %and3A_660, %broadcast_in_dim3A_663, %broadcast_in_dim3A_664 : vector<1x96xi1>, vector<1x96xi32>
    %max3A_666 = arith.maxsi %max3A_620, %select_n3A_665 : vector<1x96xi32>
    %le3A_667 = vector.broadcast %slice3A_651 : vector<1x1xi32> to vector<1x96xi32>
    %le3A_668 = arith.cmpi sle, %le3A_667, %mul3A_189 : vector<1x96xi32>
    %add3A_669 = arith.addi %slice3A_651, %slice3A_653 : vector<1x1xi32>
    %lt3A_670 = vector.broadcast %add3A_669 : vector<1x1xi32> to vector<1x96xi32>
    %lt3A_671 = arith.cmpi slt, %mul3A_189, %lt3A_670 : vector<1x96xi32>
    %and3A_672 = arith.andi %le3A_668, %lt3A_671 : vector<1x96xi1>
    %add3A_673 = arith.addi %slice3A_651, %slice3A_652 : vector<1x1xi32>
    %sub3A_674 = vector.broadcast %add3A_673 : vector<1x1xi32> to vector<1x96xi32>
    %sub3A_675 = arith.subi %sub3A_674, %mul3A_189 : vector<1x96xi32>
    %jit3A_676 = arith.constant 0 : i64
    %jit3A_677 = arith.constant 128 : i64
    %convert_element_type3A_678 = arith.trunci %jit3A_676 : i64 to i32
    %max3A_679 = vector.broadcast %convert_element_type3A_678 : i32 to vector<1x96xi32>
    %max3A_680 = arith.maxsi %max3A_679, %sub3A_675 : vector<1x96xi32>
    %convert_element_type3A_681 = arith.trunci %jit3A_677 : i64 to i32
    %min3A_682 = vector.broadcast %convert_element_type3A_681 : i32 to vector<1x96xi32>
    %min3A_683 = arith.minsi %min3A_682, %max3A_680 : vector<1x96xi32>
    %jit3A_684 = arith.constant 0 : i32
    %broadcast_in_dim3A_685 = vector.broadcast %jit3A_684 : i32 to vector<1x96xi32>
    %select_n3A_686 = arith.select %and3A_672, %min3A_683, %broadcast_in_dim3A_685 : vector<1x96xi1>, vector<1x96xi32>
    %add3A_687 = arith.addi %add3A_641, %select_n3A_686 : vector<1x96xi32>
    %eq3A_688 = vector.broadcast %slice3A_651 : vector<1x1xi32> to vector<1x96xi32>
    %eq3A_689 = arith.cmpi eq, %eq3A_688, %mul3A_189 : vector<1x96xi32>
    %and3A_690 = arith.andi %and3A_672, %eq3A_689 : vector<1x96xi1>
    %jit3A_691 = arith.constant 1 : i32
    %jit3A_692 = arith.constant 0 : i32
    %broadcast_in_dim3A_693 = vector.broadcast %jit3A_691 : i32 to vector<1x96xi32>
    %broadcast_in_dim3A_694 = vector.broadcast %jit3A_692 : i32 to vector<1x96xi32>
    %select_n3A_695 = arith.select %and3A_690, %broadcast_in_dim3A_693, %broadcast_in_dim3A_694 : vector<1x96xi1>, vector<1x96xi32>
    %add3A_696 = arith.addi %add3A_650, %select_n3A_695 : vector<1x96xi32>
    %slice3A_697 = vector.extract_strided_slice %add3A_161 {offsets = [0, 11], sizes = [1, 1], strides = [1, 1]} : vector<1x32xi32> to vector<1x1xi32>
    %slice3A_698 = vector.extract_strided_slice %slice3A_101 {offsets = [0, 11], sizes = [1, 1], strides = [1, 1]} : vector<1x32xi32> to vector<1x1xi32>
    %slice3A_699 = vector.extract_strided_slice %mul3A_132 {offsets = [0, 11], sizes = [1, 1], strides = [1, 1]} : vector<1x32xi32> to vector<1x1xi32>
    %gt3A_700 = arith.constant 0 : i32
    %gt3A_701 = vector.broadcast %gt3A_700 : i32 to vector<1x1xi32>
    %gt3A_702 = arith.cmpi sgt, %slice3A_698, %gt3A_701 : vector<1x1xi32>
    %le3A_703 = vector.broadcast %slice3A_697 : vector<1x1xi32> to vector<1x96xi32>
    %le3A_704 = arith.cmpi sle, %le3A_703, %mul3A_189 : vector<1x96xi32>
    %and3A_705 = vector.broadcast %gt3A_702 : vector<1x1xi1> to vector<1x96xi1>
    %and3A_706 = arith.andi %and3A_705, %le3A_704 : vector<1x96xi1>
    %jit3A_707 = arith.constant 2 : i32
    %jit3A_708 = arith.constant 0 : i32
    %broadcast_in_dim3A_709 = vector.broadcast %jit3A_707 : i32 to vector<1x96xi32>
    %broadcast_in_dim3A_710 = vector.broadcast %jit3A_708 : i32 to vector<1x96xi32>
    %select_n3A_711 = arith.select %and3A_706, %broadcast_in_dim3A_709, %broadcast_in_dim3A_710 : vector<1x96xi1>, vector<1x96xi32>
    %max3A_712 = arith.maxsi %max3A_666, %select_n3A_711 : vector<1x96xi32>
    %le3A_713 = vector.broadcast %slice3A_697 : vector<1x1xi32> to vector<1x96xi32>
    %le3A_714 = arith.cmpi sle, %le3A_713, %mul3A_189 : vector<1x96xi32>
    %add3A_715 = arith.addi %slice3A_697, %slice3A_699 : vector<1x1xi32>
    %lt3A_716 = vector.broadcast %add3A_715 : vector<1x1xi32> to vector<1x96xi32>
    %lt3A_717 = arith.cmpi slt, %mul3A_189, %lt3A_716 : vector<1x96xi32>
    %and3A_718 = arith.andi %le3A_714, %lt3A_717 : vector<1x96xi1>
    %add3A_719 = arith.addi %slice3A_697, %slice3A_698 : vector<1x1xi32>
    %sub3A_720 = vector.broadcast %add3A_719 : vector<1x1xi32> to vector<1x96xi32>
    %sub3A_721 = arith.subi %sub3A_720, %mul3A_189 : vector<1x96xi32>
    %jit3A_722 = arith.constant 0 : i64
    %jit3A_723 = arith.constant 128 : i64
    %convert_element_type3A_724 = arith.trunci %jit3A_722 : i64 to i32
    %max3A_725 = vector.broadcast %convert_element_type3A_724 : i32 to vector<1x96xi32>
    %max3A_726 = arith.maxsi %max3A_725, %sub3A_721 : vector<1x96xi32>
    %convert_element_type3A_727 = arith.trunci %jit3A_723 : i64 to i32
    %min3A_728 = vector.broadcast %convert_element_type3A_727 : i32 to vector<1x96xi32>
    %min3A_729 = arith.minsi %min3A_728, %max3A_726 : vector<1x96xi32>
    %jit3A_730 = arith.constant 0 : i32
    %broadcast_in_dim3A_731 = vector.broadcast %jit3A_730 : i32 to vector<1x96xi32>
    %select_n3A_732 = arith.select %and3A_718, %min3A_729, %broadcast_in_dim3A_731 : vector<1x96xi1>, vector<1x96xi32>
    %add3A_733 = arith.addi %add3A_687, %select_n3A_732 : vector<1x96xi32>
    %eq3A_734 = vector.broadcast %slice3A_697 : vector<1x1xi32> to vector<1x96xi32>
    %eq3A_735 = arith.cmpi eq, %eq3A_734, %mul3A_189 : vector<1x96xi32>
    %and3A_736 = arith.andi %and3A_718, %eq3A_735 : vector<1x96xi1>
    %jit3A_737 = arith.constant 1 : i32
    %jit3A_738 = arith.constant 0 : i32
    %broadcast_in_dim3A_739 = vector.broadcast %jit3A_737 : i32 to vector<1x96xi32>
    %broadcast_in_dim3A_740 = vector.broadcast %jit3A_738 : i32 to vector<1x96xi32>
    %select_n3A_741 = arith.select %and3A_736, %broadcast_in_dim3A_739, %broadcast_in_dim3A_740 : vector<1x96xi1>, vector<1x96xi32>
    %add3A_742 = arith.addi %add3A_696, %select_n3A_741 : vector<1x96xi32>
    %slice3A_743 = vector.extract_strided_slice %add3A_161 {offsets = [0, 12], sizes = [1, 1], strides = [1, 1]} : vector<1x32xi32> to vector<1x1xi32>
    %slice3A_744 = vector.extract_strided_slice %slice3A_101 {offsets = [0, 12], sizes = [1, 1], strides = [1, 1]} : vector<1x32xi32> to vector<1x1xi32>
    %slice3A_745 = vector.extract_strided_slice %mul3A_132 {offsets = [0, 12], sizes = [1, 1], strides = [1, 1]} : vector<1x32xi32> to vector<1x1xi32>
    %gt3A_746 = arith.constant 0 : i32
    %gt3A_747 = vector.broadcast %gt3A_746 : i32 to vector<1x1xi32>
    %gt3A_748 = arith.cmpi sgt, %slice3A_744, %gt3A_747 : vector<1x1xi32>
    %le3A_749 = vector.broadcast %slice3A_743 : vector<1x1xi32> to vector<1x96xi32>
    %le3A_750 = arith.cmpi sle, %le3A_749, %mul3A_189 : vector<1x96xi32>
    %and3A_751 = vector.broadcast %gt3A_748 : vector<1x1xi1> to vector<1x96xi1>
    %and3A_752 = arith.andi %and3A_751, %le3A_750 : vector<1x96xi1>
    %jit3A_753 = arith.constant 3 : i32
    %jit3A_754 = arith.constant 0 : i32
    %broadcast_in_dim3A_755 = vector.broadcast %jit3A_753 : i32 to vector<1x96xi32>
    %broadcast_in_dim3A_756 = vector.broadcast %jit3A_754 : i32 to vector<1x96xi32>
    %select_n3A_757 = arith.select %and3A_752, %broadcast_in_dim3A_755, %broadcast_in_dim3A_756 : vector<1x96xi1>, vector<1x96xi32>
    %max3A_758 = arith.maxsi %max3A_712, %select_n3A_757 : vector<1x96xi32>
    %le3A_759 = vector.broadcast %slice3A_743 : vector<1x1xi32> to vector<1x96xi32>
    %le3A_760 = arith.cmpi sle, %le3A_759, %mul3A_189 : vector<1x96xi32>
    %add3A_761 = arith.addi %slice3A_743, %slice3A_745 : vector<1x1xi32>
    %lt3A_762 = vector.broadcast %add3A_761 : vector<1x1xi32> to vector<1x96xi32>
    %lt3A_763 = arith.cmpi slt, %mul3A_189, %lt3A_762 : vector<1x96xi32>
    %and3A_764 = arith.andi %le3A_760, %lt3A_763 : vector<1x96xi1>
    %add3A_765 = arith.addi %slice3A_743, %slice3A_744 : vector<1x1xi32>
    %sub3A_766 = vector.broadcast %add3A_765 : vector<1x1xi32> to vector<1x96xi32>
    %sub3A_767 = arith.subi %sub3A_766, %mul3A_189 : vector<1x96xi32>
    %jit3A_768 = arith.constant 0 : i64
    %jit3A_769 = arith.constant 128 : i64
    %convert_element_type3A_770 = arith.trunci %jit3A_768 : i64 to i32
    %max3A_771 = vector.broadcast %convert_element_type3A_770 : i32 to vector<1x96xi32>
    %max3A_772 = arith.maxsi %max3A_771, %sub3A_767 : vector<1x96xi32>
    %convert_element_type3A_773 = arith.trunci %jit3A_769 : i64 to i32
    %min3A_774 = vector.broadcast %convert_element_type3A_773 : i32 to vector<1x96xi32>
    %min3A_775 = arith.minsi %min3A_774, %max3A_772 : vector<1x96xi32>
    %jit3A_776 = arith.constant 0 : i32
    %broadcast_in_dim3A_777 = vector.broadcast %jit3A_776 : i32 to vector<1x96xi32>
    %select_n3A_778 = arith.select %and3A_764, %min3A_775, %broadcast_in_dim3A_777 : vector<1x96xi1>, vector<1x96xi32>
    %add3A_779 = arith.addi %add3A_733, %select_n3A_778 : vector<1x96xi32>
    %eq3A_780 = vector.broadcast %slice3A_743 : vector<1x1xi32> to vector<1x96xi32>
    %eq3A_781 = arith.cmpi eq, %eq3A_780, %mul3A_189 : vector<1x96xi32>
    %and3A_782 = arith.andi %and3A_764, %eq3A_781 : vector<1x96xi1>
    %jit3A_783 = arith.constant 1 : i32
    %jit3A_784 = arith.constant 0 : i32
    %broadcast_in_dim3A_785 = vector.broadcast %jit3A_783 : i32 to vector<1x96xi32>
    %broadcast_in_dim3A_786 = vector.broadcast %jit3A_784 : i32 to vector<1x96xi32>
    %select_n3A_787 = arith.select %and3A_782, %broadcast_in_dim3A_785, %broadcast_in_dim3A_786 : vector<1x96xi1>, vector<1x96xi32>
    %add3A_788 = arith.addi %add3A_742, %select_n3A_787 : vector<1x96xi32>
    %slice3A_789 = vector.extract_strided_slice %add3A_161 {offsets = [0, 13], sizes = [1, 1], strides = [1, 1]} : vector<1x32xi32> to vector<1x1xi32>
    %slice3A_790 = vector.extract_strided_slice %slice3A_101 {offsets = [0, 13], sizes = [1, 1], strides = [1, 1]} : vector<1x32xi32> to vector<1x1xi32>
    %slice3A_791 = vector.extract_strided_slice %mul3A_132 {offsets = [0, 13], sizes = [1, 1], strides = [1, 1]} : vector<1x32xi32> to vector<1x1xi32>
    %gt3A_792 = arith.constant 0 : i32
    %gt3A_793 = vector.broadcast %gt3A_792 : i32 to vector<1x1xi32>
    %gt3A_794 = arith.cmpi sgt, %slice3A_790, %gt3A_793 : vector<1x1xi32>
    %le3A_795 = vector.broadcast %slice3A_789 : vector<1x1xi32> to vector<1x96xi32>
    %le3A_796 = arith.cmpi sle, %le3A_795, %mul3A_189 : vector<1x96xi32>
    %and3A_797 = vector.broadcast %gt3A_794 : vector<1x1xi1> to vector<1x96xi1>
    %and3A_798 = arith.andi %and3A_797, %le3A_796 : vector<1x96xi1>
    %jit3A_799 = arith.constant 3 : i32
    %jit3A_800 = arith.constant 0 : i32
    %broadcast_in_dim3A_801 = vector.broadcast %jit3A_799 : i32 to vector<1x96xi32>
    %broadcast_in_dim3A_802 = vector.broadcast %jit3A_800 : i32 to vector<1x96xi32>
    %select_n3A_803 = arith.select %and3A_798, %broadcast_in_dim3A_801, %broadcast_in_dim3A_802 : vector<1x96xi1>, vector<1x96xi32>
    %max3A_804 = arith.maxsi %max3A_758, %select_n3A_803 : vector<1x96xi32>
    %le3A_805 = vector.broadcast %slice3A_789 : vector<1x1xi32> to vector<1x96xi32>
    %le3A_806 = arith.cmpi sle, %le3A_805, %mul3A_189 : vector<1x96xi32>
    %add3A_807 = arith.addi %slice3A_789, %slice3A_791 : vector<1x1xi32>
    %lt3A_808 = vector.broadcast %add3A_807 : vector<1x1xi32> to vector<1x96xi32>
    %lt3A_809 = arith.cmpi slt, %mul3A_189, %lt3A_808 : vector<1x96xi32>
    %and3A_810 = arith.andi %le3A_806, %lt3A_809 : vector<1x96xi1>
    %add3A_811 = arith.addi %slice3A_789, %slice3A_790 : vector<1x1xi32>
    %sub3A_812 = vector.broadcast %add3A_811 : vector<1x1xi32> to vector<1x96xi32>
    %sub3A_813 = arith.subi %sub3A_812, %mul3A_189 : vector<1x96xi32>
    %jit3A_814 = arith.constant 0 : i64
    %jit3A_815 = arith.constant 128 : i64
    %convert_element_type3A_816 = arith.trunci %jit3A_814 : i64 to i32
    %max3A_817 = vector.broadcast %convert_element_type3A_816 : i32 to vector<1x96xi32>
    %max3A_818 = arith.maxsi %max3A_817, %sub3A_813 : vector<1x96xi32>
    %convert_element_type3A_819 = arith.trunci %jit3A_815 : i64 to i32
    %min3A_820 = vector.broadcast %convert_element_type3A_819 : i32 to vector<1x96xi32>
    %min3A_821 = arith.minsi %min3A_820, %max3A_818 : vector<1x96xi32>
    %jit3A_822 = arith.constant 0 : i32
    %broadcast_in_dim3A_823 = vector.broadcast %jit3A_822 : i32 to vector<1x96xi32>
    %select_n3A_824 = arith.select %and3A_810, %min3A_821, %broadcast_in_dim3A_823 : vector<1x96xi1>, vector<1x96xi32>
    %add3A_825 = arith.addi %add3A_779, %select_n3A_824 : vector<1x96xi32>
    %eq3A_826 = vector.broadcast %slice3A_789 : vector<1x1xi32> to vector<1x96xi32>
    %eq3A_827 = arith.cmpi eq, %eq3A_826, %mul3A_189 : vector<1x96xi32>
    %and3A_828 = arith.andi %and3A_810, %eq3A_827 : vector<1x96xi1>
    %jit3A_829 = arith.constant 1 : i32
    %jit3A_830 = arith.constant 0 : i32
    %broadcast_in_dim3A_831 = vector.broadcast %jit3A_829 : i32 to vector<1x96xi32>
    %broadcast_in_dim3A_832 = vector.broadcast %jit3A_830 : i32 to vector<1x96xi32>
    %select_n3A_833 = arith.select %and3A_828, %broadcast_in_dim3A_831, %broadcast_in_dim3A_832 : vector<1x96xi1>, vector<1x96xi32>
    %add3A_834 = arith.addi %add3A_788, %select_n3A_833 : vector<1x96xi32>
    %slice3A_835 = vector.extract_strided_slice %add3A_161 {offsets = [0, 14], sizes = [1, 1], strides = [1, 1]} : vector<1x32xi32> to vector<1x1xi32>
    %slice3A_836 = vector.extract_strided_slice %slice3A_101 {offsets = [0, 14], sizes = [1, 1], strides = [1, 1]} : vector<1x32xi32> to vector<1x1xi32>
    %slice3A_837 = vector.extract_strided_slice %mul3A_132 {offsets = [0, 14], sizes = [1, 1], strides = [1, 1]} : vector<1x32xi32> to vector<1x1xi32>
    %gt3A_838 = arith.constant 0 : i32
    %gt3A_839 = vector.broadcast %gt3A_838 : i32 to vector<1x1xi32>
    %gt3A_840 = arith.cmpi sgt, %slice3A_836, %gt3A_839 : vector<1x1xi32>
    %le3A_841 = vector.broadcast %slice3A_835 : vector<1x1xi32> to vector<1x96xi32>
    %le3A_842 = arith.cmpi sle, %le3A_841, %mul3A_189 : vector<1x96xi32>
    %and3A_843 = vector.broadcast %gt3A_840 : vector<1x1xi1> to vector<1x96xi1>
    %and3A_844 = arith.andi %and3A_843, %le3A_842 : vector<1x96xi1>
    %jit3A_845 = arith.constant 3 : i32
    %jit3A_846 = arith.constant 0 : i32
    %broadcast_in_dim3A_847 = vector.broadcast %jit3A_845 : i32 to vector<1x96xi32>
    %broadcast_in_dim3A_848 = vector.broadcast %jit3A_846 : i32 to vector<1x96xi32>
    %select_n3A_849 = arith.select %and3A_844, %broadcast_in_dim3A_847, %broadcast_in_dim3A_848 : vector<1x96xi1>, vector<1x96xi32>
    %max3A_850 = arith.maxsi %max3A_804, %select_n3A_849 : vector<1x96xi32>
    %le3A_851 = vector.broadcast %slice3A_835 : vector<1x1xi32> to vector<1x96xi32>
    %le3A_852 = arith.cmpi sle, %le3A_851, %mul3A_189 : vector<1x96xi32>
    %add3A_853 = arith.addi %slice3A_835, %slice3A_837 : vector<1x1xi32>
    %lt3A_854 = vector.broadcast %add3A_853 : vector<1x1xi32> to vector<1x96xi32>
    %lt3A_855 = arith.cmpi slt, %mul3A_189, %lt3A_854 : vector<1x96xi32>
    %and3A_856 = arith.andi %le3A_852, %lt3A_855 : vector<1x96xi1>
    %add3A_857 = arith.addi %slice3A_835, %slice3A_836 : vector<1x1xi32>
    %sub3A_858 = vector.broadcast %add3A_857 : vector<1x1xi32> to vector<1x96xi32>
    %sub3A_859 = arith.subi %sub3A_858, %mul3A_189 : vector<1x96xi32>
    %jit3A_860 = arith.constant 0 : i64
    %jit3A_861 = arith.constant 128 : i64
    %convert_element_type3A_862 = arith.trunci %jit3A_860 : i64 to i32
    %max3A_863 = vector.broadcast %convert_element_type3A_862 : i32 to vector<1x96xi32>
    %max3A_864 = arith.maxsi %max3A_863, %sub3A_859 : vector<1x96xi32>
    %convert_element_type3A_865 = arith.trunci %jit3A_861 : i64 to i32
    %min3A_866 = vector.broadcast %convert_element_type3A_865 : i32 to vector<1x96xi32>
    %min3A_867 = arith.minsi %min3A_866, %max3A_864 : vector<1x96xi32>
    %jit3A_868 = arith.constant 0 : i32
    %broadcast_in_dim3A_869 = vector.broadcast %jit3A_868 : i32 to vector<1x96xi32>
    %select_n3A_870 = arith.select %and3A_856, %min3A_867, %broadcast_in_dim3A_869 : vector<1x96xi1>, vector<1x96xi32>
    %add3A_871 = arith.addi %add3A_825, %select_n3A_870 : vector<1x96xi32>
    %eq3A_872 = vector.broadcast %slice3A_835 : vector<1x1xi32> to vector<1x96xi32>
    %eq3A_873 = arith.cmpi eq, %eq3A_872, %mul3A_189 : vector<1x96xi32>
    %and3A_874 = arith.andi %and3A_856, %eq3A_873 : vector<1x96xi1>
    %jit3A_875 = arith.constant 1 : i32
    %jit3A_876 = arith.constant 0 : i32
    %broadcast_in_dim3A_877 = vector.broadcast %jit3A_875 : i32 to vector<1x96xi32>
    %broadcast_in_dim3A_878 = vector.broadcast %jit3A_876 : i32 to vector<1x96xi32>
    %select_n3A_879 = arith.select %and3A_874, %broadcast_in_dim3A_877, %broadcast_in_dim3A_878 : vector<1x96xi1>, vector<1x96xi32>
    %add3A_880 = arith.addi %add3A_834, %select_n3A_879 : vector<1x96xi32>
    %slice3A_881 = vector.extract_strided_slice %add3A_161 {offsets = [0, 15], sizes = [1, 1], strides = [1, 1]} : vector<1x32xi32> to vector<1x1xi32>
    %slice3A_882 = vector.extract_strided_slice %slice3A_101 {offsets = [0, 15], sizes = [1, 1], strides = [1, 1]} : vector<1x32xi32> to vector<1x1xi32>
    %slice3A_883 = vector.extract_strided_slice %mul3A_132 {offsets = [0, 15], sizes = [1, 1], strides = [1, 1]} : vector<1x32xi32> to vector<1x1xi32>
    %gt3A_884 = arith.constant 0 : i32
    %gt3A_885 = vector.broadcast %gt3A_884 : i32 to vector<1x1xi32>
    %gt3A_886 = arith.cmpi sgt, %slice3A_882, %gt3A_885 : vector<1x1xi32>
    %le3A_887 = vector.broadcast %slice3A_881 : vector<1x1xi32> to vector<1x96xi32>
    %le3A_888 = arith.cmpi sle, %le3A_887, %mul3A_189 : vector<1x96xi32>
    %and3A_889 = vector.broadcast %gt3A_886 : vector<1x1xi1> to vector<1x96xi1>
    %and3A_890 = arith.andi %and3A_889, %le3A_888 : vector<1x96xi1>
    %jit3A_891 = arith.constant 3 : i32
    %jit3A_892 = arith.constant 0 : i32
    %broadcast_in_dim3A_893 = vector.broadcast %jit3A_891 : i32 to vector<1x96xi32>
    %broadcast_in_dim3A_894 = vector.broadcast %jit3A_892 : i32 to vector<1x96xi32>
    %select_n3A_895 = arith.select %and3A_890, %broadcast_in_dim3A_893, %broadcast_in_dim3A_894 : vector<1x96xi1>, vector<1x96xi32>
    %max3A_896 = arith.maxsi %max3A_850, %select_n3A_895 : vector<1x96xi32>
    %le3A_897 = vector.broadcast %slice3A_881 : vector<1x1xi32> to vector<1x96xi32>
    %le3A_898 = arith.cmpi sle, %le3A_897, %mul3A_189 : vector<1x96xi32>
    %add3A_899 = arith.addi %slice3A_881, %slice3A_883 : vector<1x1xi32>
    %lt3A_900 = vector.broadcast %add3A_899 : vector<1x1xi32> to vector<1x96xi32>
    %lt3A_901 = arith.cmpi slt, %mul3A_189, %lt3A_900 : vector<1x96xi32>
    %and3A_902 = arith.andi %le3A_898, %lt3A_901 : vector<1x96xi1>
    %add3A_903 = arith.addi %slice3A_881, %slice3A_882 : vector<1x1xi32>
    %sub3A_904 = vector.broadcast %add3A_903 : vector<1x1xi32> to vector<1x96xi32>
    %sub3A_905 = arith.subi %sub3A_904, %mul3A_189 : vector<1x96xi32>
    %jit3A_906 = arith.constant 0 : i64
    %jit3A_907 = arith.constant 128 : i64
    %convert_element_type3A_908 = arith.trunci %jit3A_906 : i64 to i32
    %max3A_909 = vector.broadcast %convert_element_type3A_908 : i32 to vector<1x96xi32>
    %max3A_910 = arith.maxsi %max3A_909, %sub3A_905 : vector<1x96xi32>
    %convert_element_type3A_911 = arith.trunci %jit3A_907 : i64 to i32
    %min3A_912 = vector.broadcast %convert_element_type3A_911 : i32 to vector<1x96xi32>
    %min3A_913 = arith.minsi %min3A_912, %max3A_910 : vector<1x96xi32>
    %jit3A_914 = arith.constant 0 : i32
    %broadcast_in_dim3A_915 = vector.broadcast %jit3A_914 : i32 to vector<1x96xi32>
    %select_n3A_916 = arith.select %and3A_902, %min3A_913, %broadcast_in_dim3A_915 : vector<1x96xi1>, vector<1x96xi32>
    %add3A_917 = arith.addi %add3A_871, %select_n3A_916 : vector<1x96xi32>
    %eq3A_918 = vector.broadcast %slice3A_881 : vector<1x1xi32> to vector<1x96xi32>
    %eq3A_919 = arith.cmpi eq, %eq3A_918, %mul3A_189 : vector<1x96xi32>
    %and3A_920 = arith.andi %and3A_902, %eq3A_919 : vector<1x96xi1>
    %jit3A_921 = arith.constant 1 : i32
    %jit3A_922 = arith.constant 0 : i32
    %broadcast_in_dim3A_923 = vector.broadcast %jit3A_921 : i32 to vector<1x96xi32>
    %broadcast_in_dim3A_924 = vector.broadcast %jit3A_922 : i32 to vector<1x96xi32>
    %select_n3A_925 = arith.select %and3A_920, %broadcast_in_dim3A_923, %broadcast_in_dim3A_924 : vector<1x96xi1>, vector<1x96xi32>
    %add3A_926 = arith.addi %add3A_880, %select_n3A_925 : vector<1x96xi32>
    %slice3A_927 = vector.extract_strided_slice %add3A_161 {offsets = [0, 16], sizes = [1, 1], strides = [1, 1]} : vector<1x32xi32> to vector<1x1xi32>
    %slice3A_928 = vector.extract_strided_slice %slice3A_101 {offsets = [0, 16], sizes = [1, 1], strides = [1, 1]} : vector<1x32xi32> to vector<1x1xi32>
    %slice3A_929 = vector.extract_strided_slice %mul3A_132 {offsets = [0, 16], sizes = [1, 1], strides = [1, 1]} : vector<1x32xi32> to vector<1x1xi32>
    %gt3A_930 = arith.constant 0 : i32
    %gt3A_931 = vector.broadcast %gt3A_930 : i32 to vector<1x1xi32>
    %gt3A_932 = arith.cmpi sgt, %slice3A_928, %gt3A_931 : vector<1x1xi32>
    %le3A_933 = vector.broadcast %slice3A_927 : vector<1x1xi32> to vector<1x96xi32>
    %le3A_934 = arith.cmpi sle, %le3A_933, %mul3A_189 : vector<1x96xi32>
    %and3A_935 = vector.broadcast %gt3A_932 : vector<1x1xi1> to vector<1x96xi1>
    %and3A_936 = arith.andi %and3A_935, %le3A_934 : vector<1x96xi1>
    %jit3A_937 = arith.constant 4 : i32
    %jit3A_938 = arith.constant 0 : i32
    %broadcast_in_dim3A_939 = vector.broadcast %jit3A_937 : i32 to vector<1x96xi32>
    %broadcast_in_dim3A_940 = vector.broadcast %jit3A_938 : i32 to vector<1x96xi32>
    %select_n3A_941 = arith.select %and3A_936, %broadcast_in_dim3A_939, %broadcast_in_dim3A_940 : vector<1x96xi1>, vector<1x96xi32>
    %max3A_942 = arith.maxsi %max3A_896, %select_n3A_941 : vector<1x96xi32>
    %le3A_943 = vector.broadcast %slice3A_927 : vector<1x1xi32> to vector<1x96xi32>
    %le3A_944 = arith.cmpi sle, %le3A_943, %mul3A_189 : vector<1x96xi32>
    %add3A_945 = arith.addi %slice3A_927, %slice3A_929 : vector<1x1xi32>
    %lt3A_946 = vector.broadcast %add3A_945 : vector<1x1xi32> to vector<1x96xi32>
    %lt3A_947 = arith.cmpi slt, %mul3A_189, %lt3A_946 : vector<1x96xi32>
    %and3A_948 = arith.andi %le3A_944, %lt3A_947 : vector<1x96xi1>
    %add3A_949 = arith.addi %slice3A_927, %slice3A_928 : vector<1x1xi32>
    %sub3A_950 = vector.broadcast %add3A_949 : vector<1x1xi32> to vector<1x96xi32>
    %sub3A_951 = arith.subi %sub3A_950, %mul3A_189 : vector<1x96xi32>
    %jit3A_952 = arith.constant 0 : i64
    %jit3A_953 = arith.constant 128 : i64
    %convert_element_type3A_954 = arith.trunci %jit3A_952 : i64 to i32
    %max3A_955 = vector.broadcast %convert_element_type3A_954 : i32 to vector<1x96xi32>
    %max3A_956 = arith.maxsi %max3A_955, %sub3A_951 : vector<1x96xi32>
    %convert_element_type3A_957 = arith.trunci %jit3A_953 : i64 to i32
    %min3A_958 = vector.broadcast %convert_element_type3A_957 : i32 to vector<1x96xi32>
    %min3A_959 = arith.minsi %min3A_958, %max3A_956 : vector<1x96xi32>
    %jit3A_960 = arith.constant 0 : i32
    %broadcast_in_dim3A_961 = vector.broadcast %jit3A_960 : i32 to vector<1x96xi32>
    %select_n3A_962 = arith.select %and3A_948, %min3A_959, %broadcast_in_dim3A_961 : vector<1x96xi1>, vector<1x96xi32>
    %add3A_963 = arith.addi %add3A_917, %select_n3A_962 : vector<1x96xi32>
    %eq3A_964 = vector.broadcast %slice3A_927 : vector<1x1xi32> to vector<1x96xi32>
    %eq3A_965 = arith.cmpi eq, %eq3A_964, %mul3A_189 : vector<1x96xi32>
    %and3A_966 = arith.andi %and3A_948, %eq3A_965 : vector<1x96xi1>
    %jit3A_967 = arith.constant 1 : i32
    %jit3A_968 = arith.constant 0 : i32
    %broadcast_in_dim3A_969 = vector.broadcast %jit3A_967 : i32 to vector<1x96xi32>
    %broadcast_in_dim3A_970 = vector.broadcast %jit3A_968 : i32 to vector<1x96xi32>
    %select_n3A_971 = arith.select %and3A_966, %broadcast_in_dim3A_969, %broadcast_in_dim3A_970 : vector<1x96xi1>, vector<1x96xi32>
    %add3A_972 = arith.addi %add3A_926, %select_n3A_971 : vector<1x96xi32>
    %slice3A_973 = vector.extract_strided_slice %add3A_161 {offsets = [0, 17], sizes = [1, 1], strides = [1, 1]} : vector<1x32xi32> to vector<1x1xi32>
    %slice3A_974 = vector.extract_strided_slice %slice3A_101 {offsets = [0, 17], sizes = [1, 1], strides = [1, 1]} : vector<1x32xi32> to vector<1x1xi32>
    %slice3A_975 = vector.extract_strided_slice %mul3A_132 {offsets = [0, 17], sizes = [1, 1], strides = [1, 1]} : vector<1x32xi32> to vector<1x1xi32>
    %gt3A_976 = arith.constant 0 : i32
    %gt3A_977 = vector.broadcast %gt3A_976 : i32 to vector<1x1xi32>
    %gt3A_978 = arith.cmpi sgt, %slice3A_974, %gt3A_977 : vector<1x1xi32>
    %le3A_979 = vector.broadcast %slice3A_973 : vector<1x1xi32> to vector<1x96xi32>
    %le3A_980 = arith.cmpi sle, %le3A_979, %mul3A_189 : vector<1x96xi32>
    %and3A_981 = vector.broadcast %gt3A_978 : vector<1x1xi1> to vector<1x96xi1>
    %and3A_982 = arith.andi %and3A_981, %le3A_980 : vector<1x96xi1>
    %jit3A_983 = arith.constant 4 : i32
    %jit3A_984 = arith.constant 0 : i32
    %broadcast_in_dim3A_985 = vector.broadcast %jit3A_983 : i32 to vector<1x96xi32>
    %broadcast_in_dim3A_986 = vector.broadcast %jit3A_984 : i32 to vector<1x96xi32>
    %select_n3A_987 = arith.select %and3A_982, %broadcast_in_dim3A_985, %broadcast_in_dim3A_986 : vector<1x96xi1>, vector<1x96xi32>
    %max3A_988 = arith.maxsi %max3A_942, %select_n3A_987 : vector<1x96xi32>
    %le3A_989 = vector.broadcast %slice3A_973 : vector<1x1xi32> to vector<1x96xi32>
    %le3A_990 = arith.cmpi sle, %le3A_989, %mul3A_189 : vector<1x96xi32>
    %add3A_991 = arith.addi %slice3A_973, %slice3A_975 : vector<1x1xi32>
    %lt3A_992 = vector.broadcast %add3A_991 : vector<1x1xi32> to vector<1x96xi32>
    %lt3A_993 = arith.cmpi slt, %mul3A_189, %lt3A_992 : vector<1x96xi32>
    %and3A_994 = arith.andi %le3A_990, %lt3A_993 : vector<1x96xi1>
    %add3A_995 = arith.addi %slice3A_973, %slice3A_974 : vector<1x1xi32>
    %sub3A_996 = vector.broadcast %add3A_995 : vector<1x1xi32> to vector<1x96xi32>
    %sub3A_997 = arith.subi %sub3A_996, %mul3A_189 : vector<1x96xi32>
    %jit3A_998 = arith.constant 0 : i64
    %jit3A_999 = arith.constant 128 : i64
    %convert_element_type3A_1000 = arith.trunci %jit3A_998 : i64 to i32
    %max3A_1001 = vector.broadcast %convert_element_type3A_1000 : i32 to vector<1x96xi32>
    %max3A_1002 = arith.maxsi %max3A_1001, %sub3A_997 : vector<1x96xi32>
    %convert_element_type3A_1003 = arith.trunci %jit3A_999 : i64 to i32
    %min3A_1004 = vector.broadcast %convert_element_type3A_1003 : i32 to vector<1x96xi32>
    %min3A_1005 = arith.minsi %min3A_1004, %max3A_1002 : vector<1x96xi32>
    %jit3A_1006 = arith.constant 0 : i32
    %broadcast_in_dim3A_1007 = vector.broadcast %jit3A_1006 : i32 to vector<1x96xi32>
    %select_n3A_1008 = arith.select %and3A_994, %min3A_1005, %broadcast_in_dim3A_1007 : vector<1x96xi1>, vector<1x96xi32>
    %add3A_1009 = arith.addi %add3A_963, %select_n3A_1008 : vector<1x96xi32>
    %eq3A_1010 = vector.broadcast %slice3A_973 : vector<1x1xi32> to vector<1x96xi32>
    %eq3A_1011 = arith.cmpi eq, %eq3A_1010, %mul3A_189 : vector<1x96xi32>
    %and3A_1012 = arith.andi %and3A_994, %eq3A_1011 : vector<1x96xi1>
    %jit3A_1013 = arith.constant 1 : i32
    %jit3A_1014 = arith.constant 0 : i32
    %broadcast_in_dim3A_1015 = vector.broadcast %jit3A_1013 : i32 to vector<1x96xi32>
    %broadcast_in_dim3A_1016 = vector.broadcast %jit3A_1014 : i32 to vector<1x96xi32>
    %select_n3A_1017 = arith.select %and3A_1012, %broadcast_in_dim3A_1015, %broadcast_in_dim3A_1016 : vector<1x96xi1>, vector<1x96xi32>
    %add3A_1018 = arith.addi %add3A_972, %select_n3A_1017 : vector<1x96xi32>
    %slice3A_1019 = vector.extract_strided_slice %add3A_161 {offsets = [0, 18], sizes = [1, 1], strides = [1, 1]} : vector<1x32xi32> to vector<1x1xi32>
    %slice3A_1020 = vector.extract_strided_slice %slice3A_101 {offsets = [0, 18], sizes = [1, 1], strides = [1, 1]} : vector<1x32xi32> to vector<1x1xi32>
    %slice3A_1021 = vector.extract_strided_slice %mul3A_132 {offsets = [0, 18], sizes = [1, 1], strides = [1, 1]} : vector<1x32xi32> to vector<1x1xi32>
    %gt3A_1022 = arith.constant 0 : i32
    %gt3A_1023 = vector.broadcast %gt3A_1022 : i32 to vector<1x1xi32>
    %gt3A_1024 = arith.cmpi sgt, %slice3A_1020, %gt3A_1023 : vector<1x1xi32>
    %le3A_1025 = vector.broadcast %slice3A_1019 : vector<1x1xi32> to vector<1x96xi32>
    %le3A_1026 = arith.cmpi sle, %le3A_1025, %mul3A_189 : vector<1x96xi32>
    %and3A_1027 = vector.broadcast %gt3A_1024 : vector<1x1xi1> to vector<1x96xi1>
    %and3A_1028 = arith.andi %and3A_1027, %le3A_1026 : vector<1x96xi1>
    %jit3A_1029 = arith.constant 4 : i32
    %jit3A_1030 = arith.constant 0 : i32
    %broadcast_in_dim3A_1031 = vector.broadcast %jit3A_1029 : i32 to vector<1x96xi32>
    %broadcast_in_dim3A_1032 = vector.broadcast %jit3A_1030 : i32 to vector<1x96xi32>
    %select_n3A_1033 = arith.select %and3A_1028, %broadcast_in_dim3A_1031, %broadcast_in_dim3A_1032 : vector<1x96xi1>, vector<1x96xi32>
    %max3A_1034 = arith.maxsi %max3A_988, %select_n3A_1033 : vector<1x96xi32>
    %le3A_1035 = vector.broadcast %slice3A_1019 : vector<1x1xi32> to vector<1x96xi32>
    %le3A_1036 = arith.cmpi sle, %le3A_1035, %mul3A_189 : vector<1x96xi32>
    %add3A_1037 = arith.addi %slice3A_1019, %slice3A_1021 : vector<1x1xi32>
    %lt3A_1038 = vector.broadcast %add3A_1037 : vector<1x1xi32> to vector<1x96xi32>
    %lt3A_1039 = arith.cmpi slt, %mul3A_189, %lt3A_1038 : vector<1x96xi32>
    %and3A_1040 = arith.andi %le3A_1036, %lt3A_1039 : vector<1x96xi1>
    %add3A_1041 = arith.addi %slice3A_1019, %slice3A_1020 : vector<1x1xi32>
    %sub3A_1042 = vector.broadcast %add3A_1041 : vector<1x1xi32> to vector<1x96xi32>
    %sub3A_1043 = arith.subi %sub3A_1042, %mul3A_189 : vector<1x96xi32>
    %jit3A_1044 = arith.constant 0 : i64
    %jit3A_1045 = arith.constant 128 : i64
    %convert_element_type3A_1046 = arith.trunci %jit3A_1044 : i64 to i32
    %max3A_1047 = vector.broadcast %convert_element_type3A_1046 : i32 to vector<1x96xi32>
    %max3A_1048 = arith.maxsi %max3A_1047, %sub3A_1043 : vector<1x96xi32>
    %convert_element_type3A_1049 = arith.trunci %jit3A_1045 : i64 to i32
    %min3A_1050 = vector.broadcast %convert_element_type3A_1049 : i32 to vector<1x96xi32>
    %min3A_1051 = arith.minsi %min3A_1050, %max3A_1048 : vector<1x96xi32>
    %jit3A_1052 = arith.constant 0 : i32
    %broadcast_in_dim3A_1053 = vector.broadcast %jit3A_1052 : i32 to vector<1x96xi32>
    %select_n3A_1054 = arith.select %and3A_1040, %min3A_1051, %broadcast_in_dim3A_1053 : vector<1x96xi1>, vector<1x96xi32>
    %add3A_1055 = arith.addi %add3A_1009, %select_n3A_1054 : vector<1x96xi32>
    %eq3A_1056 = vector.broadcast %slice3A_1019 : vector<1x1xi32> to vector<1x96xi32>
    %eq3A_1057 = arith.cmpi eq, %eq3A_1056, %mul3A_189 : vector<1x96xi32>
    %and3A_1058 = arith.andi %and3A_1040, %eq3A_1057 : vector<1x96xi1>
    %jit3A_1059 = arith.constant 1 : i32
    %jit3A_1060 = arith.constant 0 : i32
    %broadcast_in_dim3A_1061 = vector.broadcast %jit3A_1059 : i32 to vector<1x96xi32>
    %broadcast_in_dim3A_1062 = vector.broadcast %jit3A_1060 : i32 to vector<1x96xi32>
    %select_n3A_1063 = arith.select %and3A_1058, %broadcast_in_dim3A_1061, %broadcast_in_dim3A_1062 : vector<1x96xi1>, vector<1x96xi32>
    %add3A_1064 = arith.addi %add3A_1018, %select_n3A_1063 : vector<1x96xi32>
    %slice3A_1065 = vector.extract_strided_slice %add3A_161 {offsets = [0, 19], sizes = [1, 1], strides = [1, 1]} : vector<1x32xi32> to vector<1x1xi32>
    %slice3A_1066 = vector.extract_strided_slice %slice3A_101 {offsets = [0, 19], sizes = [1, 1], strides = [1, 1]} : vector<1x32xi32> to vector<1x1xi32>
    %slice3A_1067 = vector.extract_strided_slice %mul3A_132 {offsets = [0, 19], sizes = [1, 1], strides = [1, 1]} : vector<1x32xi32> to vector<1x1xi32>
    %gt3A_1068 = arith.constant 0 : i32
    %gt3A_1069 = vector.broadcast %gt3A_1068 : i32 to vector<1x1xi32>
    %gt3A_1070 = arith.cmpi sgt, %slice3A_1066, %gt3A_1069 : vector<1x1xi32>
    %le3A_1071 = vector.broadcast %slice3A_1065 : vector<1x1xi32> to vector<1x96xi32>
    %le3A_1072 = arith.cmpi sle, %le3A_1071, %mul3A_189 : vector<1x96xi32>
    %and3A_1073 = vector.broadcast %gt3A_1070 : vector<1x1xi1> to vector<1x96xi1>
    %and3A_1074 = arith.andi %and3A_1073, %le3A_1072 : vector<1x96xi1>
    %jit3A_1075 = arith.constant 4 : i32
    %jit3A_1076 = arith.constant 0 : i32
    %broadcast_in_dim3A_1077 = vector.broadcast %jit3A_1075 : i32 to vector<1x96xi32>
    %broadcast_in_dim3A_1078 = vector.broadcast %jit3A_1076 : i32 to vector<1x96xi32>
    %select_n3A_1079 = arith.select %and3A_1074, %broadcast_in_dim3A_1077, %broadcast_in_dim3A_1078 : vector<1x96xi1>, vector<1x96xi32>
    %max3A_1080 = arith.maxsi %max3A_1034, %select_n3A_1079 : vector<1x96xi32>
    %le3A_1081 = vector.broadcast %slice3A_1065 : vector<1x1xi32> to vector<1x96xi32>
    %le3A_1082 = arith.cmpi sle, %le3A_1081, %mul3A_189 : vector<1x96xi32>
    %add3A_1083 = arith.addi %slice3A_1065, %slice3A_1067 : vector<1x1xi32>
    %lt3A_1084 = vector.broadcast %add3A_1083 : vector<1x1xi32> to vector<1x96xi32>
    %lt3A_1085 = arith.cmpi slt, %mul3A_189, %lt3A_1084 : vector<1x96xi32>
    %and3A_1086 = arith.andi %le3A_1082, %lt3A_1085 : vector<1x96xi1>
    %add3A_1087 = arith.addi %slice3A_1065, %slice3A_1066 : vector<1x1xi32>
    %sub3A_1088 = vector.broadcast %add3A_1087 : vector<1x1xi32> to vector<1x96xi32>
    %sub3A_1089 = arith.subi %sub3A_1088, %mul3A_189 : vector<1x96xi32>
    %jit3A_1090 = arith.constant 0 : i64
    %jit3A_1091 = arith.constant 128 : i64
    %convert_element_type3A_1092 = arith.trunci %jit3A_1090 : i64 to i32
    %max3A_1093 = vector.broadcast %convert_element_type3A_1092 : i32 to vector<1x96xi32>
    %max3A_1094 = arith.maxsi %max3A_1093, %sub3A_1089 : vector<1x96xi32>
    %convert_element_type3A_1095 = arith.trunci %jit3A_1091 : i64 to i32
    %min3A_1096 = vector.broadcast %convert_element_type3A_1095 : i32 to vector<1x96xi32>
    %min3A_1097 = arith.minsi %min3A_1096, %max3A_1094 : vector<1x96xi32>
    %jit3A_1098 = arith.constant 0 : i32
    %broadcast_in_dim3A_1099 = vector.broadcast %jit3A_1098 : i32 to vector<1x96xi32>
    %select_n3A_1100 = arith.select %and3A_1086, %min3A_1097, %broadcast_in_dim3A_1099 : vector<1x96xi1>, vector<1x96xi32>
    %add3A_1101 = arith.addi %add3A_1055, %select_n3A_1100 : vector<1x96xi32>
    %eq3A_1102 = vector.broadcast %slice3A_1065 : vector<1x1xi32> to vector<1x96xi32>
    %eq3A_1103 = arith.cmpi eq, %eq3A_1102, %mul3A_189 : vector<1x96xi32>
    %and3A_1104 = arith.andi %and3A_1086, %eq3A_1103 : vector<1x96xi1>
    %jit3A_1105 = arith.constant 1 : i32
    %jit3A_1106 = arith.constant 0 : i32
    %broadcast_in_dim3A_1107 = vector.broadcast %jit3A_1105 : i32 to vector<1x96xi32>
    %broadcast_in_dim3A_1108 = vector.broadcast %jit3A_1106 : i32 to vector<1x96xi32>
    %select_n3A_1109 = arith.select %and3A_1104, %broadcast_in_dim3A_1107, %broadcast_in_dim3A_1108 : vector<1x96xi1>, vector<1x96xi32>
    %add3A_1110 = arith.addi %add3A_1064, %select_n3A_1109 : vector<1x96xi32>
    %slice3A_1111 = vector.extract_strided_slice %add3A_161 {offsets = [0, 20], sizes = [1, 1], strides = [1, 1]} : vector<1x32xi32> to vector<1x1xi32>
    %slice3A_1112 = vector.extract_strided_slice %slice3A_101 {offsets = [0, 20], sizes = [1, 1], strides = [1, 1]} : vector<1x32xi32> to vector<1x1xi32>
    %slice3A_1113 = vector.extract_strided_slice %mul3A_132 {offsets = [0, 20], sizes = [1, 1], strides = [1, 1]} : vector<1x32xi32> to vector<1x1xi32>
    %gt3A_1114 = arith.constant 0 : i32
    %gt3A_1115 = vector.broadcast %gt3A_1114 : i32 to vector<1x1xi32>
    %gt3A_1116 = arith.cmpi sgt, %slice3A_1112, %gt3A_1115 : vector<1x1xi32>
    %le3A_1117 = vector.broadcast %slice3A_1111 : vector<1x1xi32> to vector<1x96xi32>
    %le3A_1118 = arith.cmpi sle, %le3A_1117, %mul3A_189 : vector<1x96xi32>
    %and3A_1119 = vector.broadcast %gt3A_1116 : vector<1x1xi1> to vector<1x96xi1>
    %and3A_1120 = arith.andi %and3A_1119, %le3A_1118 : vector<1x96xi1>
    %jit3A_1121 = arith.constant 5 : i32
    %jit3A_1122 = arith.constant 0 : i32
    %broadcast_in_dim3A_1123 = vector.broadcast %jit3A_1121 : i32 to vector<1x96xi32>
    %broadcast_in_dim3A_1124 = vector.broadcast %jit3A_1122 : i32 to vector<1x96xi32>
    %select_n3A_1125 = arith.select %and3A_1120, %broadcast_in_dim3A_1123, %broadcast_in_dim3A_1124 : vector<1x96xi1>, vector<1x96xi32>
    %max3A_1126 = arith.maxsi %max3A_1080, %select_n3A_1125 : vector<1x96xi32>
    %le3A_1127 = vector.broadcast %slice3A_1111 : vector<1x1xi32> to vector<1x96xi32>
    %le3A_1128 = arith.cmpi sle, %le3A_1127, %mul3A_189 : vector<1x96xi32>
    %add3A_1129 = arith.addi %slice3A_1111, %slice3A_1113 : vector<1x1xi32>
    %lt3A_1130 = vector.broadcast %add3A_1129 : vector<1x1xi32> to vector<1x96xi32>
    %lt3A_1131 = arith.cmpi slt, %mul3A_189, %lt3A_1130 : vector<1x96xi32>
    %and3A_1132 = arith.andi %le3A_1128, %lt3A_1131 : vector<1x96xi1>
    %add3A_1133 = arith.addi %slice3A_1111, %slice3A_1112 : vector<1x1xi32>
    %sub3A_1134 = vector.broadcast %add3A_1133 : vector<1x1xi32> to vector<1x96xi32>
    %sub3A_1135 = arith.subi %sub3A_1134, %mul3A_189 : vector<1x96xi32>
    %jit3A_1136 = arith.constant 0 : i64
    %jit3A_1137 = arith.constant 128 : i64
    %convert_element_type3A_1138 = arith.trunci %jit3A_1136 : i64 to i32
    %max3A_1139 = vector.broadcast %convert_element_type3A_1138 : i32 to vector<1x96xi32>
    %max3A_1140 = arith.maxsi %max3A_1139, %sub3A_1135 : vector<1x96xi32>
    %convert_element_type3A_1141 = arith.trunci %jit3A_1137 : i64 to i32
    %min3A_1142 = vector.broadcast %convert_element_type3A_1141 : i32 to vector<1x96xi32>
    %min3A_1143 = arith.minsi %min3A_1142, %max3A_1140 : vector<1x96xi32>
    %jit3A_1144 = arith.constant 0 : i32
    %broadcast_in_dim3A_1145 = vector.broadcast %jit3A_1144 : i32 to vector<1x96xi32>
    %select_n3A_1146 = arith.select %and3A_1132, %min3A_1143, %broadcast_in_dim3A_1145 : vector<1x96xi1>, vector<1x96xi32>
    %add3A_1147 = arith.addi %add3A_1101, %select_n3A_1146 : vector<1x96xi32>
    %eq3A_1148 = vector.broadcast %slice3A_1111 : vector<1x1xi32> to vector<1x96xi32>
    %eq3A_1149 = arith.cmpi eq, %eq3A_1148, %mul3A_189 : vector<1x96xi32>
    %and3A_1150 = arith.andi %and3A_1132, %eq3A_1149 : vector<1x96xi1>
    %jit3A_1151 = arith.constant 1 : i32
    %jit3A_1152 = arith.constant 0 : i32
    %broadcast_in_dim3A_1153 = vector.broadcast %jit3A_1151 : i32 to vector<1x96xi32>
    %broadcast_in_dim3A_1154 = vector.broadcast %jit3A_1152 : i32 to vector<1x96xi32>
    %select_n3A_1155 = arith.select %and3A_1150, %broadcast_in_dim3A_1153, %broadcast_in_dim3A_1154 : vector<1x96xi1>, vector<1x96xi32>
    %add3A_1156 = arith.addi %add3A_1110, %select_n3A_1155 : vector<1x96xi32>
    %slice3A_1157 = vector.extract_strided_slice %add3A_161 {offsets = [0, 21], sizes = [1, 1], strides = [1, 1]} : vector<1x32xi32> to vector<1x1xi32>
    %slice3A_1158 = vector.extract_strided_slice %slice3A_101 {offsets = [0, 21], sizes = [1, 1], strides = [1, 1]} : vector<1x32xi32> to vector<1x1xi32>
    %slice3A_1159 = vector.extract_strided_slice %mul3A_132 {offsets = [0, 21], sizes = [1, 1], strides = [1, 1]} : vector<1x32xi32> to vector<1x1xi32>
    %gt3A_1160 = arith.constant 0 : i32
    %gt3A_1161 = vector.broadcast %gt3A_1160 : i32 to vector<1x1xi32>
    %gt3A_1162 = arith.cmpi sgt, %slice3A_1158, %gt3A_1161 : vector<1x1xi32>
    %le3A_1163 = vector.broadcast %slice3A_1157 : vector<1x1xi32> to vector<1x96xi32>
    %le3A_1164 = arith.cmpi sle, %le3A_1163, %mul3A_189 : vector<1x96xi32>
    %and3A_1165 = vector.broadcast %gt3A_1162 : vector<1x1xi1> to vector<1x96xi1>
    %and3A_1166 = arith.andi %and3A_1165, %le3A_1164 : vector<1x96xi1>
    %jit3A_1167 = arith.constant 5 : i32
    %jit3A_1168 = arith.constant 0 : i32
    %broadcast_in_dim3A_1169 = vector.broadcast %jit3A_1167 : i32 to vector<1x96xi32>
    %broadcast_in_dim3A_1170 = vector.broadcast %jit3A_1168 : i32 to vector<1x96xi32>
    %select_n3A_1171 = arith.select %and3A_1166, %broadcast_in_dim3A_1169, %broadcast_in_dim3A_1170 : vector<1x96xi1>, vector<1x96xi32>
    %max3A_1172 = arith.maxsi %max3A_1126, %select_n3A_1171 : vector<1x96xi32>
    %le3A_1173 = vector.broadcast %slice3A_1157 : vector<1x1xi32> to vector<1x96xi32>
    %le3A_1174 = arith.cmpi sle, %le3A_1173, %mul3A_189 : vector<1x96xi32>
    %add3A_1175 = arith.addi %slice3A_1157, %slice3A_1159 : vector<1x1xi32>
    %lt3A_1176 = vector.broadcast %add3A_1175 : vector<1x1xi32> to vector<1x96xi32>
    %lt3A_1177 = arith.cmpi slt, %mul3A_189, %lt3A_1176 : vector<1x96xi32>
    %and3A_1178 = arith.andi %le3A_1174, %lt3A_1177 : vector<1x96xi1>
    %add3A_1179 = arith.addi %slice3A_1157, %slice3A_1158 : vector<1x1xi32>
    %sub3A_1180 = vector.broadcast %add3A_1179 : vector<1x1xi32> to vector<1x96xi32>
    %sub3A_1181 = arith.subi %sub3A_1180, %mul3A_189 : vector<1x96xi32>
    %jit3A_1182 = arith.constant 0 : i64
    %jit3A_1183 = arith.constant 128 : i64
    %convert_element_type3A_1184 = arith.trunci %jit3A_1182 : i64 to i32
    %max3A_1185 = vector.broadcast %convert_element_type3A_1184 : i32 to vector<1x96xi32>
    %max3A_1186 = arith.maxsi %max3A_1185, %sub3A_1181 : vector<1x96xi32>
    %convert_element_type3A_1187 = arith.trunci %jit3A_1183 : i64 to i32
    %min3A_1188 = vector.broadcast %convert_element_type3A_1187 : i32 to vector<1x96xi32>
    %min3A_1189 = arith.minsi %min3A_1188, %max3A_1186 : vector<1x96xi32>
    %jit3A_1190 = arith.constant 0 : i32
    %broadcast_in_dim3A_1191 = vector.broadcast %jit3A_1190 : i32 to vector<1x96xi32>
    %select_n3A_1192 = arith.select %and3A_1178, %min3A_1189, %broadcast_in_dim3A_1191 : vector<1x96xi1>, vector<1x96xi32>
    %add3A_1193 = arith.addi %add3A_1147, %select_n3A_1192 : vector<1x96xi32>
    %eq3A_1194 = vector.broadcast %slice3A_1157 : vector<1x1xi32> to vector<1x96xi32>
    %eq3A_1195 = arith.cmpi eq, %eq3A_1194, %mul3A_189 : vector<1x96xi32>
    %and3A_1196 = arith.andi %and3A_1178, %eq3A_1195 : vector<1x96xi1>
    %jit3A_1197 = arith.constant 1 : i32
    %jit3A_1198 = arith.constant 0 : i32
    %broadcast_in_dim3A_1199 = vector.broadcast %jit3A_1197 : i32 to vector<1x96xi32>
    %broadcast_in_dim3A_1200 = vector.broadcast %jit3A_1198 : i32 to vector<1x96xi32>
    %select_n3A_1201 = arith.select %and3A_1196, %broadcast_in_dim3A_1199, %broadcast_in_dim3A_1200 : vector<1x96xi1>, vector<1x96xi32>
    %add3A_1202 = arith.addi %add3A_1156, %select_n3A_1201 : vector<1x96xi32>
    %slice3A_1203 = vector.extract_strided_slice %add3A_161 {offsets = [0, 22], sizes = [1, 1], strides = [1, 1]} : vector<1x32xi32> to vector<1x1xi32>
    %slice3A_1204 = vector.extract_strided_slice %slice3A_101 {offsets = [0, 22], sizes = [1, 1], strides = [1, 1]} : vector<1x32xi32> to vector<1x1xi32>
    %slice3A_1205 = vector.extract_strided_slice %mul3A_132 {offsets = [0, 22], sizes = [1, 1], strides = [1, 1]} : vector<1x32xi32> to vector<1x1xi32>
    %gt3A_1206 = arith.constant 0 : i32
    %gt3A_1207 = vector.broadcast %gt3A_1206 : i32 to vector<1x1xi32>
    %gt3A_1208 = arith.cmpi sgt, %slice3A_1204, %gt3A_1207 : vector<1x1xi32>
    %le3A_1209 = vector.broadcast %slice3A_1203 : vector<1x1xi32> to vector<1x96xi32>
    %le3A_1210 = arith.cmpi sle, %le3A_1209, %mul3A_189 : vector<1x96xi32>
    %and3A_1211 = vector.broadcast %gt3A_1208 : vector<1x1xi1> to vector<1x96xi1>
    %and3A_1212 = arith.andi %and3A_1211, %le3A_1210 : vector<1x96xi1>
    %jit3A_1213 = arith.constant 5 : i32
    %jit3A_1214 = arith.constant 0 : i32
    %broadcast_in_dim3A_1215 = vector.broadcast %jit3A_1213 : i32 to vector<1x96xi32>
    %broadcast_in_dim3A_1216 = vector.broadcast %jit3A_1214 : i32 to vector<1x96xi32>
    %select_n3A_1217 = arith.select %and3A_1212, %broadcast_in_dim3A_1215, %broadcast_in_dim3A_1216 : vector<1x96xi1>, vector<1x96xi32>
    %max3A_1218 = arith.maxsi %max3A_1172, %select_n3A_1217 : vector<1x96xi32>
    %le3A_1219 = vector.broadcast %slice3A_1203 : vector<1x1xi32> to vector<1x96xi32>
    %le3A_1220 = arith.cmpi sle, %le3A_1219, %mul3A_189 : vector<1x96xi32>
    %add3A_1221 = arith.addi %slice3A_1203, %slice3A_1205 : vector<1x1xi32>
    %lt3A_1222 = vector.broadcast %add3A_1221 : vector<1x1xi32> to vector<1x96xi32>
    %lt3A_1223 = arith.cmpi slt, %mul3A_189, %lt3A_1222 : vector<1x96xi32>
    %and3A_1224 = arith.andi %le3A_1220, %lt3A_1223 : vector<1x96xi1>
    %add3A_1225 = arith.addi %slice3A_1203, %slice3A_1204 : vector<1x1xi32>
    %sub3A_1226 = vector.broadcast %add3A_1225 : vector<1x1xi32> to vector<1x96xi32>
    %sub3A_1227 = arith.subi %sub3A_1226, %mul3A_189 : vector<1x96xi32>
    %jit3A_1228 = arith.constant 0 : i64
    %jit3A_1229 = arith.constant 128 : i64
    %convert_element_type3A_1230 = arith.trunci %jit3A_1228 : i64 to i32
    %max3A_1231 = vector.broadcast %convert_element_type3A_1230 : i32 to vector<1x96xi32>
    %max3A_1232 = arith.maxsi %max3A_1231, %sub3A_1227 : vector<1x96xi32>
    %convert_element_type3A_1233 = arith.trunci %jit3A_1229 : i64 to i32
    %min3A_1234 = vector.broadcast %convert_element_type3A_1233 : i32 to vector<1x96xi32>
    %min3A_1235 = arith.minsi %min3A_1234, %max3A_1232 : vector<1x96xi32>
    %jit3A_1236 = arith.constant 0 : i32
    %broadcast_in_dim3A_1237 = vector.broadcast %jit3A_1236 : i32 to vector<1x96xi32>
    %select_n3A_1238 = arith.select %and3A_1224, %min3A_1235, %broadcast_in_dim3A_1237 : vector<1x96xi1>, vector<1x96xi32>
    %add3A_1239 = arith.addi %add3A_1193, %select_n3A_1238 : vector<1x96xi32>
    %eq3A_1240 = vector.broadcast %slice3A_1203 : vector<1x1xi32> to vector<1x96xi32>
    %eq3A_1241 = arith.cmpi eq, %eq3A_1240, %mul3A_189 : vector<1x96xi32>
    %and3A_1242 = arith.andi %and3A_1224, %eq3A_1241 : vector<1x96xi1>
    %jit3A_1243 = arith.constant 1 : i32
    %jit3A_1244 = arith.constant 0 : i32
    %broadcast_in_dim3A_1245 = vector.broadcast %jit3A_1243 : i32 to vector<1x96xi32>
    %broadcast_in_dim3A_1246 = vector.broadcast %jit3A_1244 : i32 to vector<1x96xi32>
    %select_n3A_1247 = arith.select %and3A_1242, %broadcast_in_dim3A_1245, %broadcast_in_dim3A_1246 : vector<1x96xi1>, vector<1x96xi32>
    %add3A_1248 = arith.addi %add3A_1202, %select_n3A_1247 : vector<1x96xi32>
    %slice3A_1249 = vector.extract_strided_slice %add3A_161 {offsets = [0, 23], sizes = [1, 1], strides = [1, 1]} : vector<1x32xi32> to vector<1x1xi32>
    %slice3A_1250 = vector.extract_strided_slice %slice3A_101 {offsets = [0, 23], sizes = [1, 1], strides = [1, 1]} : vector<1x32xi32> to vector<1x1xi32>
    %slice3A_1251 = vector.extract_strided_slice %mul3A_132 {offsets = [0, 23], sizes = [1, 1], strides = [1, 1]} : vector<1x32xi32> to vector<1x1xi32>
    %gt3A_1252 = arith.constant 0 : i32
    %gt3A_1253 = vector.broadcast %gt3A_1252 : i32 to vector<1x1xi32>
    %gt3A_1254 = arith.cmpi sgt, %slice3A_1250, %gt3A_1253 : vector<1x1xi32>
    %le3A_1255 = vector.broadcast %slice3A_1249 : vector<1x1xi32> to vector<1x96xi32>
    %le3A_1256 = arith.cmpi sle, %le3A_1255, %mul3A_189 : vector<1x96xi32>
    %and3A_1257 = vector.broadcast %gt3A_1254 : vector<1x1xi1> to vector<1x96xi1>
    %and3A_1258 = arith.andi %and3A_1257, %le3A_1256 : vector<1x96xi1>
    %jit3A_1259 = arith.constant 5 : i32
    %jit3A_1260 = arith.constant 0 : i32
    %broadcast_in_dim3A_1261 = vector.broadcast %jit3A_1259 : i32 to vector<1x96xi32>
    %broadcast_in_dim3A_1262 = vector.broadcast %jit3A_1260 : i32 to vector<1x96xi32>
    %select_n3A_1263 = arith.select %and3A_1258, %broadcast_in_dim3A_1261, %broadcast_in_dim3A_1262 : vector<1x96xi1>, vector<1x96xi32>
    %max3A_1264 = arith.maxsi %max3A_1218, %select_n3A_1263 : vector<1x96xi32>
    %le3A_1265 = vector.broadcast %slice3A_1249 : vector<1x1xi32> to vector<1x96xi32>
    %le3A_1266 = arith.cmpi sle, %le3A_1265, %mul3A_189 : vector<1x96xi32>
    %add3A_1267 = arith.addi %slice3A_1249, %slice3A_1251 : vector<1x1xi32>
    %lt3A_1268 = vector.broadcast %add3A_1267 : vector<1x1xi32> to vector<1x96xi32>
    %lt3A_1269 = arith.cmpi slt, %mul3A_189, %lt3A_1268 : vector<1x96xi32>
    %and3A_1270 = arith.andi %le3A_1266, %lt3A_1269 : vector<1x96xi1>
    %add3A_1271 = arith.addi %slice3A_1249, %slice3A_1250 : vector<1x1xi32>
    %sub3A_1272 = vector.broadcast %add3A_1271 : vector<1x1xi32> to vector<1x96xi32>
    %sub3A_1273 = arith.subi %sub3A_1272, %mul3A_189 : vector<1x96xi32>
    %jit3A_1274 = arith.constant 0 : i64
    %jit3A_1275 = arith.constant 128 : i64
    %convert_element_type3A_1276 = arith.trunci %jit3A_1274 : i64 to i32
    %max3A_1277 = vector.broadcast %convert_element_type3A_1276 : i32 to vector<1x96xi32>
    %max3A_1278 = arith.maxsi %max3A_1277, %sub3A_1273 : vector<1x96xi32>
    %convert_element_type3A_1279 = arith.trunci %jit3A_1275 : i64 to i32
    %min3A_1280 = vector.broadcast %convert_element_type3A_1279 : i32 to vector<1x96xi32>
    %min3A_1281 = arith.minsi %min3A_1280, %max3A_1278 : vector<1x96xi32>
    %jit3A_1282 = arith.constant 0 : i32
    %broadcast_in_dim3A_1283 = vector.broadcast %jit3A_1282 : i32 to vector<1x96xi32>
    %select_n3A_1284 = arith.select %and3A_1270, %min3A_1281, %broadcast_in_dim3A_1283 : vector<1x96xi1>, vector<1x96xi32>
    %add3A_1285 = arith.addi %add3A_1239, %select_n3A_1284 : vector<1x96xi32>
    %eq3A_1286 = vector.broadcast %slice3A_1249 : vector<1x1xi32> to vector<1x96xi32>
    %eq3A_1287 = arith.cmpi eq, %eq3A_1286, %mul3A_189 : vector<1x96xi32>
    %and3A_1288 = arith.andi %and3A_1270, %eq3A_1287 : vector<1x96xi1>
    %jit3A_1289 = arith.constant 1 : i32
    %jit3A_1290 = arith.constant 0 : i32
    %broadcast_in_dim3A_1291 = vector.broadcast %jit3A_1289 : i32 to vector<1x96xi32>
    %broadcast_in_dim3A_1292 = vector.broadcast %jit3A_1290 : i32 to vector<1x96xi32>
    %select_n3A_1293 = arith.select %and3A_1288, %broadcast_in_dim3A_1291, %broadcast_in_dim3A_1292 : vector<1x96xi1>, vector<1x96xi32>
    %add3A_1294 = arith.addi %add3A_1248, %select_n3A_1293 : vector<1x96xi32>
    %slice3A_1295 = vector.extract_strided_slice %add3A_161 {offsets = [0, 24], sizes = [1, 1], strides = [1, 1]} : vector<1x32xi32> to vector<1x1xi32>
    %slice3A_1296 = vector.extract_strided_slice %slice3A_101 {offsets = [0, 24], sizes = [1, 1], strides = [1, 1]} : vector<1x32xi32> to vector<1x1xi32>
    %slice3A_1297 = vector.extract_strided_slice %mul3A_132 {offsets = [0, 24], sizes = [1, 1], strides = [1, 1]} : vector<1x32xi32> to vector<1x1xi32>
    %gt3A_1298 = arith.constant 0 : i32
    %gt3A_1299 = vector.broadcast %gt3A_1298 : i32 to vector<1x1xi32>
    %gt3A_1300 = arith.cmpi sgt, %slice3A_1296, %gt3A_1299 : vector<1x1xi32>
    %le3A_1301 = vector.broadcast %slice3A_1295 : vector<1x1xi32> to vector<1x96xi32>
    %le3A_1302 = arith.cmpi sle, %le3A_1301, %mul3A_189 : vector<1x96xi32>
    %and3A_1303 = vector.broadcast %gt3A_1300 : vector<1x1xi1> to vector<1x96xi1>
    %and3A_1304 = arith.andi %and3A_1303, %le3A_1302 : vector<1x96xi1>
    %jit3A_1305 = arith.constant 6 : i32
    %jit3A_1306 = arith.constant 0 : i32
    %broadcast_in_dim3A_1307 = vector.broadcast %jit3A_1305 : i32 to vector<1x96xi32>
    %broadcast_in_dim3A_1308 = vector.broadcast %jit3A_1306 : i32 to vector<1x96xi32>
    %select_n3A_1309 = arith.select %and3A_1304, %broadcast_in_dim3A_1307, %broadcast_in_dim3A_1308 : vector<1x96xi1>, vector<1x96xi32>
    %max3A_1310 = arith.maxsi %max3A_1264, %select_n3A_1309 : vector<1x96xi32>
    %le3A_1311 = vector.broadcast %slice3A_1295 : vector<1x1xi32> to vector<1x96xi32>
    %le3A_1312 = arith.cmpi sle, %le3A_1311, %mul3A_189 : vector<1x96xi32>
    %add3A_1313 = arith.addi %slice3A_1295, %slice3A_1297 : vector<1x1xi32>
    %lt3A_1314 = vector.broadcast %add3A_1313 : vector<1x1xi32> to vector<1x96xi32>
    %lt3A_1315 = arith.cmpi slt, %mul3A_189, %lt3A_1314 : vector<1x96xi32>
    %and3A_1316 = arith.andi %le3A_1312, %lt3A_1315 : vector<1x96xi1>
    %add3A_1317 = arith.addi %slice3A_1295, %slice3A_1296 : vector<1x1xi32>
    %sub3A_1318 = vector.broadcast %add3A_1317 : vector<1x1xi32> to vector<1x96xi32>
    %sub3A_1319 = arith.subi %sub3A_1318, %mul3A_189 : vector<1x96xi32>
    %jit3A_1320 = arith.constant 0 : i64
    %jit3A_1321 = arith.constant 128 : i64
    %convert_element_type3A_1322 = arith.trunci %jit3A_1320 : i64 to i32
    %max3A_1323 = vector.broadcast %convert_element_type3A_1322 : i32 to vector<1x96xi32>
    %max3A_1324 = arith.maxsi %max3A_1323, %sub3A_1319 : vector<1x96xi32>
    %convert_element_type3A_1325 = arith.trunci %jit3A_1321 : i64 to i32
    %min3A_1326 = vector.broadcast %convert_element_type3A_1325 : i32 to vector<1x96xi32>
    %min3A_1327 = arith.minsi %min3A_1326, %max3A_1324 : vector<1x96xi32>
    %jit3A_1328 = arith.constant 0 : i32
    %broadcast_in_dim3A_1329 = vector.broadcast %jit3A_1328 : i32 to vector<1x96xi32>
    %select_n3A_1330 = arith.select %and3A_1316, %min3A_1327, %broadcast_in_dim3A_1329 : vector<1x96xi1>, vector<1x96xi32>
    %add3A_1331 = arith.addi %add3A_1285, %select_n3A_1330 : vector<1x96xi32>
    %eq3A_1332 = vector.broadcast %slice3A_1295 : vector<1x1xi32> to vector<1x96xi32>
    %eq3A_1333 = arith.cmpi eq, %eq3A_1332, %mul3A_189 : vector<1x96xi32>
    %and3A_1334 = arith.andi %and3A_1316, %eq3A_1333 : vector<1x96xi1>
    %jit3A_1335 = arith.constant 1 : i32
    %jit3A_1336 = arith.constant 0 : i32
    %broadcast_in_dim3A_1337 = vector.broadcast %jit3A_1335 : i32 to vector<1x96xi32>
    %broadcast_in_dim3A_1338 = vector.broadcast %jit3A_1336 : i32 to vector<1x96xi32>
    %select_n3A_1339 = arith.select %and3A_1334, %broadcast_in_dim3A_1337, %broadcast_in_dim3A_1338 : vector<1x96xi1>, vector<1x96xi32>
    %add3A_1340 = arith.addi %add3A_1294, %select_n3A_1339 : vector<1x96xi32>
    %slice3A_1341 = vector.extract_strided_slice %add3A_161 {offsets = [0, 25], sizes = [1, 1], strides = [1, 1]} : vector<1x32xi32> to vector<1x1xi32>
    %slice3A_1342 = vector.extract_strided_slice %slice3A_101 {offsets = [0, 25], sizes = [1, 1], strides = [1, 1]} : vector<1x32xi32> to vector<1x1xi32>
    %slice3A_1343 = vector.extract_strided_slice %mul3A_132 {offsets = [0, 25], sizes = [1, 1], strides = [1, 1]} : vector<1x32xi32> to vector<1x1xi32>
    %gt3A_1344 = arith.constant 0 : i32
    %gt3A_1345 = vector.broadcast %gt3A_1344 : i32 to vector<1x1xi32>
    %gt3A_1346 = arith.cmpi sgt, %slice3A_1342, %gt3A_1345 : vector<1x1xi32>
    %le3A_1347 = vector.broadcast %slice3A_1341 : vector<1x1xi32> to vector<1x96xi32>
    %le3A_1348 = arith.cmpi sle, %le3A_1347, %mul3A_189 : vector<1x96xi32>
    %and3A_1349 = vector.broadcast %gt3A_1346 : vector<1x1xi1> to vector<1x96xi1>
    %and3A_1350 = arith.andi %and3A_1349, %le3A_1348 : vector<1x96xi1>
    %jit3A_1351 = arith.constant 6 : i32
    %jit3A_1352 = arith.constant 0 : i32
    %broadcast_in_dim3A_1353 = vector.broadcast %jit3A_1351 : i32 to vector<1x96xi32>
    %broadcast_in_dim3A_1354 = vector.broadcast %jit3A_1352 : i32 to vector<1x96xi32>
    %select_n3A_1355 = arith.select %and3A_1350, %broadcast_in_dim3A_1353, %broadcast_in_dim3A_1354 : vector<1x96xi1>, vector<1x96xi32>
    %max3A_1356 = arith.maxsi %max3A_1310, %select_n3A_1355 : vector<1x96xi32>
    %le3A_1357 = vector.broadcast %slice3A_1341 : vector<1x1xi32> to vector<1x96xi32>
    %le3A_1358 = arith.cmpi sle, %le3A_1357, %mul3A_189 : vector<1x96xi32>
    %add3A_1359 = arith.addi %slice3A_1341, %slice3A_1343 : vector<1x1xi32>
    %lt3A_1360 = vector.broadcast %add3A_1359 : vector<1x1xi32> to vector<1x96xi32>
    %lt3A_1361 = arith.cmpi slt, %mul3A_189, %lt3A_1360 : vector<1x96xi32>
    %and3A_1362 = arith.andi %le3A_1358, %lt3A_1361 : vector<1x96xi1>
    %add3A_1363 = arith.addi %slice3A_1341, %slice3A_1342 : vector<1x1xi32>
    %sub3A_1364 = vector.broadcast %add3A_1363 : vector<1x1xi32> to vector<1x96xi32>
    %sub3A_1365 = arith.subi %sub3A_1364, %mul3A_189 : vector<1x96xi32>
    %jit3A_1366 = arith.constant 0 : i64
    %jit3A_1367 = arith.constant 128 : i64
    %convert_element_type3A_1368 = arith.trunci %jit3A_1366 : i64 to i32
    %max3A_1369 = vector.broadcast %convert_element_type3A_1368 : i32 to vector<1x96xi32>
    %max3A_1370 = arith.maxsi %max3A_1369, %sub3A_1365 : vector<1x96xi32>
    %convert_element_type3A_1371 = arith.trunci %jit3A_1367 : i64 to i32
    %min3A_1372 = vector.broadcast %convert_element_type3A_1371 : i32 to vector<1x96xi32>
    %min3A_1373 = arith.minsi %min3A_1372, %max3A_1370 : vector<1x96xi32>
    %jit3A_1374 = arith.constant 0 : i32
    %broadcast_in_dim3A_1375 = vector.broadcast %jit3A_1374 : i32 to vector<1x96xi32>
    %select_n3A_1376 = arith.select %and3A_1362, %min3A_1373, %broadcast_in_dim3A_1375 : vector<1x96xi1>, vector<1x96xi32>
    %add3A_1377 = arith.addi %add3A_1331, %select_n3A_1376 : vector<1x96xi32>
    %eq3A_1378 = vector.broadcast %slice3A_1341 : vector<1x1xi32> to vector<1x96xi32>
    %eq3A_1379 = arith.cmpi eq, %eq3A_1378, %mul3A_189 : vector<1x96xi32>
    %and3A_1380 = arith.andi %and3A_1362, %eq3A_1379 : vector<1x96xi1>
    %jit3A_1381 = arith.constant 1 : i32
    %jit3A_1382 = arith.constant 0 : i32
    %broadcast_in_dim3A_1383 = vector.broadcast %jit3A_1381 : i32 to vector<1x96xi32>
    %broadcast_in_dim3A_1384 = vector.broadcast %jit3A_1382 : i32 to vector<1x96xi32>
    %select_n3A_1385 = arith.select %and3A_1380, %broadcast_in_dim3A_1383, %broadcast_in_dim3A_1384 : vector<1x96xi1>, vector<1x96xi32>
    %add3A_1386 = arith.addi %add3A_1340, %select_n3A_1385 : vector<1x96xi32>
    %slice3A_1387 = vector.extract_strided_slice %add3A_161 {offsets = [0, 26], sizes = [1, 1], strides = [1, 1]} : vector<1x32xi32> to vector<1x1xi32>
    %slice3A_1388 = vector.extract_strided_slice %slice3A_101 {offsets = [0, 26], sizes = [1, 1], strides = [1, 1]} : vector<1x32xi32> to vector<1x1xi32>
    %slice3A_1389 = vector.extract_strided_slice %mul3A_132 {offsets = [0, 26], sizes = [1, 1], strides = [1, 1]} : vector<1x32xi32> to vector<1x1xi32>
    %gt3A_1390 = arith.constant 0 : i32
    %gt3A_1391 = vector.broadcast %gt3A_1390 : i32 to vector<1x1xi32>
    %gt3A_1392 = arith.cmpi sgt, %slice3A_1388, %gt3A_1391 : vector<1x1xi32>
    %le3A_1393 = vector.broadcast %slice3A_1387 : vector<1x1xi32> to vector<1x96xi32>
    %le3A_1394 = arith.cmpi sle, %le3A_1393, %mul3A_189 : vector<1x96xi32>
    %and3A_1395 = vector.broadcast %gt3A_1392 : vector<1x1xi1> to vector<1x96xi1>
    %and3A_1396 = arith.andi %and3A_1395, %le3A_1394 : vector<1x96xi1>
    %jit3A_1397 = arith.constant 6 : i32
    %jit3A_1398 = arith.constant 0 : i32
    %broadcast_in_dim3A_1399 = vector.broadcast %jit3A_1397 : i32 to vector<1x96xi32>
    %broadcast_in_dim3A_1400 = vector.broadcast %jit3A_1398 : i32 to vector<1x96xi32>
    %select_n3A_1401 = arith.select %and3A_1396, %broadcast_in_dim3A_1399, %broadcast_in_dim3A_1400 : vector<1x96xi1>, vector<1x96xi32>
    %max3A_1402 = arith.maxsi %max3A_1356, %select_n3A_1401 : vector<1x96xi32>
    %le3A_1403 = vector.broadcast %slice3A_1387 : vector<1x1xi32> to vector<1x96xi32>
    %le3A_1404 = arith.cmpi sle, %le3A_1403, %mul3A_189 : vector<1x96xi32>
    %add3A_1405 = arith.addi %slice3A_1387, %slice3A_1389 : vector<1x1xi32>
    %lt3A_1406 = vector.broadcast %add3A_1405 : vector<1x1xi32> to vector<1x96xi32>
    %lt3A_1407 = arith.cmpi slt, %mul3A_189, %lt3A_1406 : vector<1x96xi32>
    %and3A_1408 = arith.andi %le3A_1404, %lt3A_1407 : vector<1x96xi1>
    %add3A_1409 = arith.addi %slice3A_1387, %slice3A_1388 : vector<1x1xi32>
    %sub3A_1410 = vector.broadcast %add3A_1409 : vector<1x1xi32> to vector<1x96xi32>
    %sub3A_1411 = arith.subi %sub3A_1410, %mul3A_189 : vector<1x96xi32>
    %jit3A_1412 = arith.constant 0 : i64
    %jit3A_1413 = arith.constant 128 : i64
    %convert_element_type3A_1414 = arith.trunci %jit3A_1412 : i64 to i32
    %max3A_1415 = vector.broadcast %convert_element_type3A_1414 : i32 to vector<1x96xi32>
    %max3A_1416 = arith.maxsi %max3A_1415, %sub3A_1411 : vector<1x96xi32>
    %convert_element_type3A_1417 = arith.trunci %jit3A_1413 : i64 to i32
    %min3A_1418 = vector.broadcast %convert_element_type3A_1417 : i32 to vector<1x96xi32>
    %min3A_1419 = arith.minsi %min3A_1418, %max3A_1416 : vector<1x96xi32>
    %jit3A_1420 = arith.constant 0 : i32
    %broadcast_in_dim3A_1421 = vector.broadcast %jit3A_1420 : i32 to vector<1x96xi32>
    %select_n3A_1422 = arith.select %and3A_1408, %min3A_1419, %broadcast_in_dim3A_1421 : vector<1x96xi1>, vector<1x96xi32>
    %add3A_1423 = arith.addi %add3A_1377, %select_n3A_1422 : vector<1x96xi32>
    %eq3A_1424 = vector.broadcast %slice3A_1387 : vector<1x1xi32> to vector<1x96xi32>
    %eq3A_1425 = arith.cmpi eq, %eq3A_1424, %mul3A_189 : vector<1x96xi32>
    %and3A_1426 = arith.andi %and3A_1408, %eq3A_1425 : vector<1x96xi1>
    %jit3A_1427 = arith.constant 1 : i32
    %jit3A_1428 = arith.constant 0 : i32
    %broadcast_in_dim3A_1429 = vector.broadcast %jit3A_1427 : i32 to vector<1x96xi32>
    %broadcast_in_dim3A_1430 = vector.broadcast %jit3A_1428 : i32 to vector<1x96xi32>
    %select_n3A_1431 = arith.select %and3A_1426, %broadcast_in_dim3A_1429, %broadcast_in_dim3A_1430 : vector<1x96xi1>, vector<1x96xi32>
    %add3A_1432 = arith.addi %add3A_1386, %select_n3A_1431 : vector<1x96xi32>
    %slice3A_1433 = vector.extract_strided_slice %add3A_161 {offsets = [0, 27], sizes = [1, 1], strides = [1, 1]} : vector<1x32xi32> to vector<1x1xi32>
    %slice3A_1434 = vector.extract_strided_slice %slice3A_101 {offsets = [0, 27], sizes = [1, 1], strides = [1, 1]} : vector<1x32xi32> to vector<1x1xi32>
    %slice3A_1435 = vector.extract_strided_slice %mul3A_132 {offsets = [0, 27], sizes = [1, 1], strides = [1, 1]} : vector<1x32xi32> to vector<1x1xi32>
    %gt3A_1436 = arith.constant 0 : i32
    %gt3A_1437 = vector.broadcast %gt3A_1436 : i32 to vector<1x1xi32>
    %gt3A_1438 = arith.cmpi sgt, %slice3A_1434, %gt3A_1437 : vector<1x1xi32>
    %le3A_1439 = vector.broadcast %slice3A_1433 : vector<1x1xi32> to vector<1x96xi32>
    %le3A_1440 = arith.cmpi sle, %le3A_1439, %mul3A_189 : vector<1x96xi32>
    %and3A_1441 = vector.broadcast %gt3A_1438 : vector<1x1xi1> to vector<1x96xi1>
    %and3A_1442 = arith.andi %and3A_1441, %le3A_1440 : vector<1x96xi1>
    %jit3A_1443 = arith.constant 6 : i32
    %jit3A_1444 = arith.constant 0 : i32
    %broadcast_in_dim3A_1445 = vector.broadcast %jit3A_1443 : i32 to vector<1x96xi32>
    %broadcast_in_dim3A_1446 = vector.broadcast %jit3A_1444 : i32 to vector<1x96xi32>
    %select_n3A_1447 = arith.select %and3A_1442, %broadcast_in_dim3A_1445, %broadcast_in_dim3A_1446 : vector<1x96xi1>, vector<1x96xi32>
    %max3A_1448 = arith.maxsi %max3A_1402, %select_n3A_1447 : vector<1x96xi32>
    %le3A_1449 = vector.broadcast %slice3A_1433 : vector<1x1xi32> to vector<1x96xi32>
    %le3A_1450 = arith.cmpi sle, %le3A_1449, %mul3A_189 : vector<1x96xi32>
    %add3A_1451 = arith.addi %slice3A_1433, %slice3A_1435 : vector<1x1xi32>
    %lt3A_1452 = vector.broadcast %add3A_1451 : vector<1x1xi32> to vector<1x96xi32>
    %lt3A_1453 = arith.cmpi slt, %mul3A_189, %lt3A_1452 : vector<1x96xi32>
    %and3A_1454 = arith.andi %le3A_1450, %lt3A_1453 : vector<1x96xi1>
    %add3A_1455 = arith.addi %slice3A_1433, %slice3A_1434 : vector<1x1xi32>
    %sub3A_1456 = vector.broadcast %add3A_1455 : vector<1x1xi32> to vector<1x96xi32>
    %sub3A_1457 = arith.subi %sub3A_1456, %mul3A_189 : vector<1x96xi32>
    %jit3A_1458 = arith.constant 0 : i64
    %jit3A_1459 = arith.constant 128 : i64
    %convert_element_type3A_1460 = arith.trunci %jit3A_1458 : i64 to i32
    %max3A_1461 = vector.broadcast %convert_element_type3A_1460 : i32 to vector<1x96xi32>
    %max3A_1462 = arith.maxsi %max3A_1461, %sub3A_1457 : vector<1x96xi32>
    %convert_element_type3A_1463 = arith.trunci %jit3A_1459 : i64 to i32
    %min3A_1464 = vector.broadcast %convert_element_type3A_1463 : i32 to vector<1x96xi32>
    %min3A_1465 = arith.minsi %min3A_1464, %max3A_1462 : vector<1x96xi32>
    %jit3A_1466 = arith.constant 0 : i32
    %broadcast_in_dim3A_1467 = vector.broadcast %jit3A_1466 : i32 to vector<1x96xi32>
    %select_n3A_1468 = arith.select %and3A_1454, %min3A_1465, %broadcast_in_dim3A_1467 : vector<1x96xi1>, vector<1x96xi32>
    %add3A_1469 = arith.addi %add3A_1423, %select_n3A_1468 : vector<1x96xi32>
    %eq3A_1470 = vector.broadcast %slice3A_1433 : vector<1x1xi32> to vector<1x96xi32>
    %eq3A_1471 = arith.cmpi eq, %eq3A_1470, %mul3A_189 : vector<1x96xi32>
    %and3A_1472 = arith.andi %and3A_1454, %eq3A_1471 : vector<1x96xi1>
    %jit3A_1473 = arith.constant 1 : i32
    %jit3A_1474 = arith.constant 0 : i32
    %broadcast_in_dim3A_1475 = vector.broadcast %jit3A_1473 : i32 to vector<1x96xi32>
    %broadcast_in_dim3A_1476 = vector.broadcast %jit3A_1474 : i32 to vector<1x96xi32>
    %select_n3A_1477 = arith.select %and3A_1472, %broadcast_in_dim3A_1475, %broadcast_in_dim3A_1476 : vector<1x96xi1>, vector<1x96xi32>
    %add3A_1478 = arith.addi %add3A_1432, %select_n3A_1477 : vector<1x96xi32>
    %slice3A_1479 = vector.extract_strided_slice %add3A_161 {offsets = [0, 28], sizes = [1, 1], strides = [1, 1]} : vector<1x32xi32> to vector<1x1xi32>
    %slice3A_1480 = vector.extract_strided_slice %slice3A_101 {offsets = [0, 28], sizes = [1, 1], strides = [1, 1]} : vector<1x32xi32> to vector<1x1xi32>
    %slice3A_1481 = vector.extract_strided_slice %mul3A_132 {offsets = [0, 28], sizes = [1, 1], strides = [1, 1]} : vector<1x32xi32> to vector<1x1xi32>
    %gt3A_1482 = arith.constant 0 : i32
    %gt3A_1483 = vector.broadcast %gt3A_1482 : i32 to vector<1x1xi32>
    %gt3A_1484 = arith.cmpi sgt, %slice3A_1480, %gt3A_1483 : vector<1x1xi32>
    %le3A_1485 = vector.broadcast %slice3A_1479 : vector<1x1xi32> to vector<1x96xi32>
    %le3A_1486 = arith.cmpi sle, %le3A_1485, %mul3A_189 : vector<1x96xi32>
    %and3A_1487 = vector.broadcast %gt3A_1484 : vector<1x1xi1> to vector<1x96xi1>
    %and3A_1488 = arith.andi %and3A_1487, %le3A_1486 : vector<1x96xi1>
    %jit3A_1489 = arith.constant 7 : i32
    %jit3A_1490 = arith.constant 0 : i32
    %broadcast_in_dim3A_1491 = vector.broadcast %jit3A_1489 : i32 to vector<1x96xi32>
    %broadcast_in_dim3A_1492 = vector.broadcast %jit3A_1490 : i32 to vector<1x96xi32>
    %select_n3A_1493 = arith.select %and3A_1488, %broadcast_in_dim3A_1491, %broadcast_in_dim3A_1492 : vector<1x96xi1>, vector<1x96xi32>
    %max3A_1494 = arith.maxsi %max3A_1448, %select_n3A_1493 : vector<1x96xi32>
    %le3A_1495 = vector.broadcast %slice3A_1479 : vector<1x1xi32> to vector<1x96xi32>
    %le3A_1496 = arith.cmpi sle, %le3A_1495, %mul3A_189 : vector<1x96xi32>
    %add3A_1497 = arith.addi %slice3A_1479, %slice3A_1481 : vector<1x1xi32>
    %lt3A_1498 = vector.broadcast %add3A_1497 : vector<1x1xi32> to vector<1x96xi32>
    %lt3A_1499 = arith.cmpi slt, %mul3A_189, %lt3A_1498 : vector<1x96xi32>
    %and3A_1500 = arith.andi %le3A_1496, %lt3A_1499 : vector<1x96xi1>
    %add3A_1501 = arith.addi %slice3A_1479, %slice3A_1480 : vector<1x1xi32>
    %sub3A_1502 = vector.broadcast %add3A_1501 : vector<1x1xi32> to vector<1x96xi32>
    %sub3A_1503 = arith.subi %sub3A_1502, %mul3A_189 : vector<1x96xi32>
    %jit3A_1504 = arith.constant 0 : i64
    %jit3A_1505 = arith.constant 128 : i64
    %convert_element_type3A_1506 = arith.trunci %jit3A_1504 : i64 to i32
    %max3A_1507 = vector.broadcast %convert_element_type3A_1506 : i32 to vector<1x96xi32>
    %max3A_1508 = arith.maxsi %max3A_1507, %sub3A_1503 : vector<1x96xi32>
    %convert_element_type3A_1509 = arith.trunci %jit3A_1505 : i64 to i32
    %min3A_1510 = vector.broadcast %convert_element_type3A_1509 : i32 to vector<1x96xi32>
    %min3A_1511 = arith.minsi %min3A_1510, %max3A_1508 : vector<1x96xi32>
    %jit3A_1512 = arith.constant 0 : i32
    %broadcast_in_dim3A_1513 = vector.broadcast %jit3A_1512 : i32 to vector<1x96xi32>
    %select_n3A_1514 = arith.select %and3A_1500, %min3A_1511, %broadcast_in_dim3A_1513 : vector<1x96xi1>, vector<1x96xi32>
    %add3A_1515 = arith.addi %add3A_1469, %select_n3A_1514 : vector<1x96xi32>
    %eq3A_1516 = vector.broadcast %slice3A_1479 : vector<1x1xi32> to vector<1x96xi32>
    %eq3A_1517 = arith.cmpi eq, %eq3A_1516, %mul3A_189 : vector<1x96xi32>
    %and3A_1518 = arith.andi %and3A_1500, %eq3A_1517 : vector<1x96xi1>
    %jit3A_1519 = arith.constant 1 : i32
    %jit3A_1520 = arith.constant 0 : i32
    %broadcast_in_dim3A_1521 = vector.broadcast %jit3A_1519 : i32 to vector<1x96xi32>
    %broadcast_in_dim3A_1522 = vector.broadcast %jit3A_1520 : i32 to vector<1x96xi32>
    %select_n3A_1523 = arith.select %and3A_1518, %broadcast_in_dim3A_1521, %broadcast_in_dim3A_1522 : vector<1x96xi1>, vector<1x96xi32>
    %add3A_1524 = arith.addi %add3A_1478, %select_n3A_1523 : vector<1x96xi32>
    %slice3A_1525 = vector.extract_strided_slice %add3A_161 {offsets = [0, 29], sizes = [1, 1], strides = [1, 1]} : vector<1x32xi32> to vector<1x1xi32>
    %slice3A_1526 = vector.extract_strided_slice %slice3A_101 {offsets = [0, 29], sizes = [1, 1], strides = [1, 1]} : vector<1x32xi32> to vector<1x1xi32>
    %slice3A_1527 = vector.extract_strided_slice %mul3A_132 {offsets = [0, 29], sizes = [1, 1], strides = [1, 1]} : vector<1x32xi32> to vector<1x1xi32>
    %gt3A_1528 = arith.constant 0 : i32
    %gt3A_1529 = vector.broadcast %gt3A_1528 : i32 to vector<1x1xi32>
    %gt3A_1530 = arith.cmpi sgt, %slice3A_1526, %gt3A_1529 : vector<1x1xi32>
    %le3A_1531 = vector.broadcast %slice3A_1525 : vector<1x1xi32> to vector<1x96xi32>
    %le3A_1532 = arith.cmpi sle, %le3A_1531, %mul3A_189 : vector<1x96xi32>
    %and3A_1533 = vector.broadcast %gt3A_1530 : vector<1x1xi1> to vector<1x96xi1>
    %and3A_1534 = arith.andi %and3A_1533, %le3A_1532 : vector<1x96xi1>
    %jit3A_1535 = arith.constant 7 : i32
    %jit3A_1536 = arith.constant 0 : i32
    %broadcast_in_dim3A_1537 = vector.broadcast %jit3A_1535 : i32 to vector<1x96xi32>
    %broadcast_in_dim3A_1538 = vector.broadcast %jit3A_1536 : i32 to vector<1x96xi32>
    %select_n3A_1539 = arith.select %and3A_1534, %broadcast_in_dim3A_1537, %broadcast_in_dim3A_1538 : vector<1x96xi1>, vector<1x96xi32>
    %max3A_1540 = arith.maxsi %max3A_1494, %select_n3A_1539 : vector<1x96xi32>
    %le3A_1541 = vector.broadcast %slice3A_1525 : vector<1x1xi32> to vector<1x96xi32>
    %le3A_1542 = arith.cmpi sle, %le3A_1541, %mul3A_189 : vector<1x96xi32>
    %add3A_1543 = arith.addi %slice3A_1525, %slice3A_1527 : vector<1x1xi32>
    %lt3A_1544 = vector.broadcast %add3A_1543 : vector<1x1xi32> to vector<1x96xi32>
    %lt3A_1545 = arith.cmpi slt, %mul3A_189, %lt3A_1544 : vector<1x96xi32>
    %and3A_1546 = arith.andi %le3A_1542, %lt3A_1545 : vector<1x96xi1>
    %add3A_1547 = arith.addi %slice3A_1525, %slice3A_1526 : vector<1x1xi32>
    %sub3A_1548 = vector.broadcast %add3A_1547 : vector<1x1xi32> to vector<1x96xi32>
    %sub3A_1549 = arith.subi %sub3A_1548, %mul3A_189 : vector<1x96xi32>
    %jit3A_1550 = arith.constant 0 : i64
    %jit3A_1551 = arith.constant 128 : i64
    %convert_element_type3A_1552 = arith.trunci %jit3A_1550 : i64 to i32
    %max3A_1553 = vector.broadcast %convert_element_type3A_1552 : i32 to vector<1x96xi32>
    %max3A_1554 = arith.maxsi %max3A_1553, %sub3A_1549 : vector<1x96xi32>
    %convert_element_type3A_1555 = arith.trunci %jit3A_1551 : i64 to i32
    %min3A_1556 = vector.broadcast %convert_element_type3A_1555 : i32 to vector<1x96xi32>
    %min3A_1557 = arith.minsi %min3A_1556, %max3A_1554 : vector<1x96xi32>
    %jit3A_1558 = arith.constant 0 : i32
    %broadcast_in_dim3A_1559 = vector.broadcast %jit3A_1558 : i32 to vector<1x96xi32>
    %select_n3A_1560 = arith.select %and3A_1546, %min3A_1557, %broadcast_in_dim3A_1559 : vector<1x96xi1>, vector<1x96xi32>
    %add3A_1561 = arith.addi %add3A_1515, %select_n3A_1560 : vector<1x96xi32>
    %eq3A_1562 = vector.broadcast %slice3A_1525 : vector<1x1xi32> to vector<1x96xi32>
    %eq3A_1563 = arith.cmpi eq, %eq3A_1562, %mul3A_189 : vector<1x96xi32>
    %and3A_1564 = arith.andi %and3A_1546, %eq3A_1563 : vector<1x96xi1>
    %jit3A_1565 = arith.constant 1 : i32
    %jit3A_1566 = arith.constant 0 : i32
    %broadcast_in_dim3A_1567 = vector.broadcast %jit3A_1565 : i32 to vector<1x96xi32>
    %broadcast_in_dim3A_1568 = vector.broadcast %jit3A_1566 : i32 to vector<1x96xi32>
    %select_n3A_1569 = arith.select %and3A_1564, %broadcast_in_dim3A_1567, %broadcast_in_dim3A_1568 : vector<1x96xi1>, vector<1x96xi32>
    %add3A_1570 = arith.addi %add3A_1524, %select_n3A_1569 : vector<1x96xi32>
    %slice3A_1571 = vector.extract_strided_slice %add3A_161 {offsets = [0, 30], sizes = [1, 1], strides = [1, 1]} : vector<1x32xi32> to vector<1x1xi32>
    %slice3A_1572 = vector.extract_strided_slice %slice3A_101 {offsets = [0, 30], sizes = [1, 1], strides = [1, 1]} : vector<1x32xi32> to vector<1x1xi32>
    %slice3A_1573 = vector.extract_strided_slice %mul3A_132 {offsets = [0, 30], sizes = [1, 1], strides = [1, 1]} : vector<1x32xi32> to vector<1x1xi32>
    %gt3A_1574 = arith.constant 0 : i32
    %gt3A_1575 = vector.broadcast %gt3A_1574 : i32 to vector<1x1xi32>
    %gt3A_1576 = arith.cmpi sgt, %slice3A_1572, %gt3A_1575 : vector<1x1xi32>
    %le3A_1577 = vector.broadcast %slice3A_1571 : vector<1x1xi32> to vector<1x96xi32>
    %le3A_1578 = arith.cmpi sle, %le3A_1577, %mul3A_189 : vector<1x96xi32>
    %and3A_1579 = vector.broadcast %gt3A_1576 : vector<1x1xi1> to vector<1x96xi1>
    %and3A_1580 = arith.andi %and3A_1579, %le3A_1578 : vector<1x96xi1>
    %jit3A_1581 = arith.constant 7 : i32
    %jit3A_1582 = arith.constant 0 : i32
    %broadcast_in_dim3A_1583 = vector.broadcast %jit3A_1581 : i32 to vector<1x96xi32>
    %broadcast_in_dim3A_1584 = vector.broadcast %jit3A_1582 : i32 to vector<1x96xi32>
    %select_n3A_1585 = arith.select %and3A_1580, %broadcast_in_dim3A_1583, %broadcast_in_dim3A_1584 : vector<1x96xi1>, vector<1x96xi32>
    %max3A_1586 = arith.maxsi %max3A_1540, %select_n3A_1585 : vector<1x96xi32>
    %le3A_1587 = vector.broadcast %slice3A_1571 : vector<1x1xi32> to vector<1x96xi32>
    %le3A_1588 = arith.cmpi sle, %le3A_1587, %mul3A_189 : vector<1x96xi32>
    %add3A_1589 = arith.addi %slice3A_1571, %slice3A_1573 : vector<1x1xi32>
    %lt3A_1590 = vector.broadcast %add3A_1589 : vector<1x1xi32> to vector<1x96xi32>
    %lt3A_1591 = arith.cmpi slt, %mul3A_189, %lt3A_1590 : vector<1x96xi32>
    %and3A_1592 = arith.andi %le3A_1588, %lt3A_1591 : vector<1x96xi1>
    %add3A_1593 = arith.addi %slice3A_1571, %slice3A_1572 : vector<1x1xi32>
    %sub3A_1594 = vector.broadcast %add3A_1593 : vector<1x1xi32> to vector<1x96xi32>
    %sub3A_1595 = arith.subi %sub3A_1594, %mul3A_189 : vector<1x96xi32>
    %jit3A_1596 = arith.constant 0 : i64
    %jit3A_1597 = arith.constant 128 : i64
    %convert_element_type3A_1598 = arith.trunci %jit3A_1596 : i64 to i32
    %max3A_1599 = vector.broadcast %convert_element_type3A_1598 : i32 to vector<1x96xi32>
    %max3A_1600 = arith.maxsi %max3A_1599, %sub3A_1595 : vector<1x96xi32>
    %convert_element_type3A_1601 = arith.trunci %jit3A_1597 : i64 to i32
    %min3A_1602 = vector.broadcast %convert_element_type3A_1601 : i32 to vector<1x96xi32>
    %min3A_1603 = arith.minsi %min3A_1602, %max3A_1600 : vector<1x96xi32>
    %jit3A_1604 = arith.constant 0 : i32
    %broadcast_in_dim3A_1605 = vector.broadcast %jit3A_1604 : i32 to vector<1x96xi32>
    %select_n3A_1606 = arith.select %and3A_1592, %min3A_1603, %broadcast_in_dim3A_1605 : vector<1x96xi1>, vector<1x96xi32>
    %add3A_1607 = arith.addi %add3A_1561, %select_n3A_1606 : vector<1x96xi32>
    %eq3A_1608 = vector.broadcast %slice3A_1571 : vector<1x1xi32> to vector<1x96xi32>
    %eq3A_1609 = arith.cmpi eq, %eq3A_1608, %mul3A_189 : vector<1x96xi32>
    %and3A_1610 = arith.andi %and3A_1592, %eq3A_1609 : vector<1x96xi1>
    %jit3A_1611 = arith.constant 1 : i32
    %jit3A_1612 = arith.constant 0 : i32
    %broadcast_in_dim3A_1613 = vector.broadcast %jit3A_1611 : i32 to vector<1x96xi32>
    %broadcast_in_dim3A_1614 = vector.broadcast %jit3A_1612 : i32 to vector<1x96xi32>
    %select_n3A_1615 = arith.select %and3A_1610, %broadcast_in_dim3A_1613, %broadcast_in_dim3A_1614 : vector<1x96xi1>, vector<1x96xi32>
    %add3A_1616 = arith.addi %add3A_1570, %select_n3A_1615 : vector<1x96xi32>
    %slice3A_1617 = vector.extract_strided_slice %add3A_161 {offsets = [0, 31], sizes = [1, 1], strides = [1, 1]} : vector<1x32xi32> to vector<1x1xi32>
    %slice3A_1618 = vector.extract_strided_slice %slice3A_101 {offsets = [0, 31], sizes = [1, 1], strides = [1, 1]} : vector<1x32xi32> to vector<1x1xi32>
    %slice3A_1619 = vector.extract_strided_slice %mul3A_132 {offsets = [0, 31], sizes = [1, 1], strides = [1, 1]} : vector<1x32xi32> to vector<1x1xi32>
    %gt3A_1620 = arith.constant 0 : i32
    %gt3A_1621 = vector.broadcast %gt3A_1620 : i32 to vector<1x1xi32>
    %gt3A_1622 = arith.cmpi sgt, %slice3A_1618, %gt3A_1621 : vector<1x1xi32>
    %le3A_1623 = vector.broadcast %slice3A_1617 : vector<1x1xi32> to vector<1x96xi32>
    %le3A_1624 = arith.cmpi sle, %le3A_1623, %mul3A_189 : vector<1x96xi32>
    %and3A_1625 = vector.broadcast %gt3A_1622 : vector<1x1xi1> to vector<1x96xi1>
    %and3A_1626 = arith.andi %and3A_1625, %le3A_1624 : vector<1x96xi1>
    %jit3A_1627 = arith.constant 7 : i32
    %jit3A_1628 = arith.constant 0 : i32
    %broadcast_in_dim3A_1629 = vector.broadcast %jit3A_1627 : i32 to vector<1x96xi32>
    %broadcast_in_dim3A_1630 = vector.broadcast %jit3A_1628 : i32 to vector<1x96xi32>
    %select_n3A_1631 = arith.select %and3A_1626, %broadcast_in_dim3A_1629, %broadcast_in_dim3A_1630 : vector<1x96xi1>, vector<1x96xi32>
    %max3A_1632 = arith.maxsi %max3A_1586, %select_n3A_1631 : vector<1x96xi32>
    %le3A_1633 = vector.broadcast %slice3A_1617 : vector<1x1xi32> to vector<1x96xi32>
    %le3A_1634 = arith.cmpi sle, %le3A_1633, %mul3A_189 : vector<1x96xi32>
    %add3A_1635 = arith.addi %slice3A_1617, %slice3A_1619 : vector<1x1xi32>
    %lt3A_1636 = vector.broadcast %add3A_1635 : vector<1x1xi32> to vector<1x96xi32>
    %lt3A_1637 = arith.cmpi slt, %mul3A_189, %lt3A_1636 : vector<1x96xi32>
    %and3A_1638 = arith.andi %le3A_1634, %lt3A_1637 : vector<1x96xi1>
    %add3A_1639 = arith.addi %slice3A_1617, %slice3A_1618 : vector<1x1xi32>
    %sub3A_1640 = vector.broadcast %add3A_1639 : vector<1x1xi32> to vector<1x96xi32>
    %sub3A_1641 = arith.subi %sub3A_1640, %mul3A_189 : vector<1x96xi32>
    %jit3A_1642 = arith.constant 0 : i64
    %jit3A_1643 = arith.constant 128 : i64
    %convert_element_type3A_1644 = arith.trunci %jit3A_1642 : i64 to i32
    %max3A_1645 = vector.broadcast %convert_element_type3A_1644 : i32 to vector<1x96xi32>
    %max3A_1646 = arith.maxsi %max3A_1645, %sub3A_1641 : vector<1x96xi32>
    %convert_element_type3A_1647 = arith.trunci %jit3A_1643 : i64 to i32
    %min3A_1648 = vector.broadcast %convert_element_type3A_1647 : i32 to vector<1x96xi32>
    %min3A_1649 = arith.minsi %min3A_1648, %max3A_1646 : vector<1x96xi32>
    %jit3A_1650 = arith.constant 0 : i32
    %broadcast_in_dim3A_1651 = vector.broadcast %jit3A_1650 : i32 to vector<1x96xi32>
    %select_n3A_1652 = arith.select %and3A_1638, %min3A_1649, %broadcast_in_dim3A_1651 : vector<1x96xi1>, vector<1x96xi32>
    %add3A_1653 = arith.addi %add3A_1607, %select_n3A_1652 : vector<1x96xi32>
    %eq3A_1654 = vector.broadcast %slice3A_1617 : vector<1x1xi32> to vector<1x96xi32>
    %eq3A_1655 = arith.cmpi eq, %eq3A_1654, %mul3A_189 : vector<1x96xi32>
    %and3A_1656 = arith.andi %and3A_1638, %eq3A_1655 : vector<1x96xi1>
    %jit3A_1657 = arith.constant 1 : i32
    %jit3A_1658 = arith.constant 0 : i32
    %broadcast_in_dim3A_1659 = vector.broadcast %jit3A_1657 : i32 to vector<1x96xi32>
    %broadcast_in_dim3A_1660 = vector.broadcast %jit3A_1658 : i32 to vector<1x96xi32>
    %select_n3A_1661 = arith.select %and3A_1656, %broadcast_in_dim3A_1659, %broadcast_in_dim3A_1660 : vector<1x96xi1>, vector<1x96xi32>
    %add3A_1662 = arith.addi %add3A_1616, %select_n3A_1661 : vector<1x96xi32>
    %swap3A_1663 = arith.constant 0 : index
    %swap3A_1664 = arith.constant 0 : index
    %swap3A_1665 = vector.load %arg2[%swap3A_1663, %swap3A_1664] : memref<1x96xi32, #tpu.memory_space<vmem>>, vector<1x96xi32>
    tpu.vector_store %arg2[%swap3A_1663, %swap3A_1664], %max3A_1632 {strides = array<i32>} : memref<1x96xi32, #tpu.memory_space<vmem>>, vector<1x96xi32>,
    %lt3A_1666 = vector.broadcast %add3A_164 : vector<1x1xi32> to vector<1x96xi32>
    %lt3A_1667 = arith.cmpi slt, %mul3A_189, %lt3A_1666 : vector<1x96xi32>
    %convert_element_type3A_1668 = arith.extui %lt3A_1667 : vector<1x96xi1> to vector<1x96xi32>
    %swap3A_1669 = arith.constant 0 : index
    %swap3A_1670 = arith.constant 0 : index
    %swap3A_1671 = vector.load %arg3[%swap3A_1669, %swap3A_1670] : memref<1x96xi32, #tpu.memory_space<vmem>>, vector<1x96xi32>
    tpu.vector_store %arg3[%swap3A_1669, %swap3A_1670], %convert_element_type3A_1668 {strides = array<i32>} : memref<1x96xi32, #tpu.memory_space<vmem>>, vector<1x96xi32>,
    %swap3A_1672 = arith.constant 0 : index
    %swap3A_1673 = arith.constant 0 : index
    %swap3A_1674 = vector.load %arg4[%swap3A_1672, %swap3A_1673] : memref<1x96xi32, #tpu.memory_space<vmem>>, vector<1x96xi32>
    tpu.vector_store %arg4[%swap3A_1672, %swap3A_1673], %add3A_1653 {strides = array<i32>} : memref<1x96xi32, #tpu.memory_space<vmem>>, vector<1x96xi32>,
    %swap3A_1675 = arith.constant 0 : index
    %swap3A_1676 = arith.constant 0 : index
    %swap3A_1677 = vector.load %arg5[%swap3A_1675, %swap3A_1676] : memref<1x96xi32, #tpu.memory_space<vmem>>, vector<1x96xi32>
    tpu.vector_store %arg5[%swap3A_1675, %swap3A_1676], %add3A_1662 {strides = array<i32>} : memref<1x96xi32, #tpu.memory_space<vmem>>, vector<1x96xi32>,
    return
  }
}

module attributes {stable_mosaic.version = 14 : i64} {
  func.func @_moe_body(%arg0: i32, %arg1: memref<96xi32, #tpu.memory_space<smem>>, %arg2: memref<96xi32, #tpu.memory_space<smem>>, %arg3: memref<96xi32, #tpu.memory_space<smem>>, %arg4: memref<96xi32, #tpu.memory_space<smem>>, %arg5: memref<1x128x1024xf32, #tpu.memory_space<vmem>>, %arg6: memref<8x1024x384xbf16, #tpu.memory_space<vmem>>, %arg7: memref<8x256x512xbf16, #tpu.memory_space<vmem>>, %arg8: memref<8x128x1024xbf16, #tpu.memory_space<vmem>>, %arg9: memref<8x1x128xf32, #tpu.memory_space<vmem>>, %arg10: memref<1x128x1024xf32, #tpu.memory_space<vmem>>, %arg11: memref<8x128xf32, #tpu.memory_space<vmem>>) attributes {dimension_semantics = [#tpu.dimension_semantics<arbitrary>], iteration_bounds = array<i64: 96>, scalar_prefetch = 4 : i64, scratch_operands = 1 : i64, tpu.core_type = #tpu.core_type<tc>, window_params = [{transform_indices = @transform_0, window_bounds = array<i64: 1, 128, 1024>}, {transform_indices = @transform_1, window_bounds = array<i64: 8, 1024, 384>}, {transform_indices = @transform_2, window_bounds = array<i64: 8, 256, 512>}, {transform_indices = @transform_3, window_bounds = array<i64: 8, 128, 1024>}, {transform_indices = @transform_4, window_bounds = array<i64: 8, 1, 128>}, {transform_indices = @transform_5, window_bounds = array<i64: 1, 128, 1024>}]} {
    %eq3A = arith.constant 0 : i32
    %eq3A_0 = arith.cmpi eq, %arg0, %eq3A : i32
    %convert_element_type3A = arith.extui %eq3A_0 : i1 to i32
    %cond3A = arith.constant 0 : i32
    %cond3A_1 = arith.cmpi ne, %convert_element_type3A, %cond3A : i32
    scf.if %cond3A_1 {
      %broadcast_in_dim3A = arith.constant 0.000000e+00 : f32
      %broadcast_in_dim3A_7 = vector.broadcast %broadcast_in_dim3A : f32 to vector<8x128xf32>
      %swap3A = arith.constant 0 : index
      %swap3A_8 = arith.constant 0 : index
      %swap3A_9 = vector.load %arg11[%swap3A, %swap3A_8] : memref<8x128xf32, #tpu.memory_space<vmem>>, vector<8x128xf32>
      tpu.vector_store %arg11[%swap3A, %swap3A_8], %broadcast_in_dim3A_7 {strides = array<i32>} : memref<8x128xf32, #tpu.memory_space<vmem>>, vector<8x128xf32>,
    } else {
    }
    %get3A = arith.index_cast %arg0 : i32 to index
    %get3A_2 = memref.load %arg2[%get3A] : memref<96xi32, #tpu.memory_space<smem>>
    %gt3A = arith.constant 0 : i32
    %gt3A_3 = arith.cmpi sgt, %get3A_2, %gt3A : i32
    %convert_element_type3A_4 = arith.extui %gt3A_3 : i1 to i32
    %cond3A_5 = arith.constant 0 : i32
    %cond3A_6 = arith.cmpi ne, %convert_element_type3A_4, %cond3A_5 : i32
    scf.if %cond3A_6 {
      %get3A_7 = arith.index_cast %arg0 : i32 to index
      %get3A_8 = memref.load %arg1[%get3A_7] : memref<96xi32, #tpu.memory_space<smem>>
      %get3A_9 = arith.constant 0 : index
      %get3A_10 = arith.constant 0 : index
      %get3A_11 = arith.constant 0 : index
      %get3A_12 = vector.load %arg5[%get3A_9, %get3A_10, %get3A_11] : memref<1x128x1024xf32, #tpu.memory_space<vmem>>, vector<1x128x1024xf32>
      %get3A_13 = vector.shape_cast %get3A_12 : vector<1x128x1024xf32> to vector<128x1024xf32>
      %convert_element_type3A_14 = arith.truncf %get3A_13 : vector<128x1024xf32> to vector<128x1024xbf16>
      %get3A_15 = arith.index_cast %get3A_8 : i32 to index
      %get3A_16 = arith.constant 0 : index
      %get3A_17 = arith.constant 0 : index
      %get3A_18 = vector.load %arg6[%get3A_15, %get3A_16, %get3A_17] : memref<8x1024x384xbf16, #tpu.memory_space<vmem>>, vector<1x1024x384xbf16>
      %get3A_19 = vector.shape_cast %get3A_18 : vector<1x1024x384xbf16> to vector<1024x384xbf16>
      %dot_general3A = arith.constant dense<0.000000e+00> : vector<128x384xf32>
      %dot_general3A_20 = tpu.matmul %convert_element_type3A_14, %get3A_19, %dot_general3A {dimension_numbers = #tpu.dot_dimension_numbers<[1], [0], [0], [1], [0, 0, 1, 1], [], []>, transpose_lhs_hint = false} : vector<128x1024xbf16>, vector<1024x384xbf16>, vector<128x384xf32> -> vector<128x384xf32>
      %slice3A = vector.extract_strided_slice %dot_general3A_20 {offsets = [0, 0], sizes = [128, 128], strides = [1, 1]} : vector<128x384xf32> to vector<128x128xf32>
      %slice3A_21 = vector.extract_strided_slice %dot_general3A_20 {offsets = [0, 128], sizes = [128, 256], strides = [1, 1]} : vector<128x384xf32> to vector<128x256xf32>
      %logistic3A = arith.negf %slice3A_21 : vector<128x256xf32>
      %logistic3A_22 = math.exp %logistic3A : vector<128x256xf32>
      %logistic3A_23 = arith.constant 1.000000e+00 : f32
      %logistic3A_24 = vector.broadcast %logistic3A_23 : f32 to vector<128x256xf32>
      %logistic3A_25 = arith.addf %logistic3A_24, %logistic3A_22 : vector<128x256xf32>
      %logistic3A_26 = arith.divf %logistic3A_24, %logistic3A_25 : vector<128x256xf32>
      %mul3A = arith.mulf %slice3A_21, %logistic3A_26 : vector<128x256xf32>
      %convert_element_type3A_27 = arith.truncf %mul3A : vector<128x256xf32> to vector<128x256xbf16>
      %get3A_28 = arith.index_cast %get3A_8 : i32 to index
      %get3A_29 = arith.constant 0 : index
      %get3A_30 = arith.constant 0 : index
      %get3A_31 = vector.load %arg7[%get3A_28, %get3A_29, %get3A_30] : memref<8x256x512xbf16, #tpu.memory_space<vmem>>, vector<1x256x512xbf16>
      %get3A_32 = vector.shape_cast %get3A_31 : vector<1x256x512xbf16> to vector<256x512xbf16>
      %dot_general3A_33 = arith.constant dense<0.000000e+00> : vector<128x512xf32>
      %dot_general3A_34 = tpu.matmul %convert_element_type3A_27, %get3A_32, %dot_general3A_33 {dimension_numbers = #tpu.dot_dimension_numbers<[1], [0], [0], [1], [0, 0, 1, 1], [], []>, transpose_lhs_hint = false} : vector<128x256xbf16>, vector<256x512xbf16>, vector<128x512xf32> -> vector<128x512xf32>
      %slice3A_35 = vector.extract_strided_slice %dot_general3A_34 {offsets = [0, 0], sizes = [128, 128], strides = [1, 1]} : vector<128x512xf32> to vector<128x128xf32>
      %slice3A_36 = vector.extract_strided_slice %dot_general3A_34 {offsets = [0, 128], sizes = [128, 128], strides = [1, 1]} : vector<128x512xf32> to vector<128x128xf32>
      %slice3A_37 = vector.extract_strided_slice %dot_general3A_34 {offsets = [0, 256], sizes = [128, 128], strides = [1, 1]} : vector<128x512xf32> to vector<128x128xf32>
      %slice3A_38 = vector.extract_strided_slice %dot_general3A_34 {offsets = [0, 384], sizes = [128, 128], strides = [1, 1]} : vector<128x512xf32> to vector<128x128xf32>
      %iota3A = tpu.iota {dimensions = array<i32: 0>} : vector<128x1xi32>
      %get3A_39 = arith.index_cast %arg0 : i32 to index
      %get3A_40 = memref.load %arg3[%get3A_39] : memref<96xi32, #tpu.memory_space<smem>>
      %lt3A = vector.broadcast %get3A_40 : i32 to vector<128x1xi32>
      %lt3A_41 = arith.cmpi slt, %iota3A, %lt3A : vector<128x1xi32>
      %gt3A_42 = arith.constant 0 : i32
      %gt3A_43 = vector.broadcast %gt3A_42 : i32 to vector<128x1xi32>
      %gt3A_44 = arith.cmpi sgt, %iota3A, %gt3A_43 : vector<128x1xi32>
      %get3A_45 = arith.index_cast %arg0 : i32 to index
      %get3A_46 = memref.load %arg4[%get3A_45] : memref<96xi32, #tpu.memory_space<smem>>
      %eq3A_47 = arith.constant 0 : i32
      %eq3A_48 = arith.cmpi eq, %get3A_46, %eq3A_47 : i32
      %or3A = vector.broadcast %eq3A_48 : i1 to vector<128x1xi1>
      %or3A_49 = arith.ori %gt3A_44, %or3A : vector<128x1xi1>
      %and3A = arith.andi %lt3A_41, %or3A_49 : vector<128x1xi1>
      %logistic3A_50 = arith.negf %slice3A_35 : vector<128x128xf32>
      %logistic3A_51 = math.exp %logistic3A_50 : vector<128x128xf32>
      %logistic3A_52 = arith.constant 1.000000e+00 : f32
      %logistic3A_53 = vector.broadcast %logistic3A_52 : f32 to vector<128x128xf32>
      %logistic3A_54 = arith.addf %logistic3A_53, %logistic3A_51 : vector<128x128xf32>
      %logistic3A_55 = arith.divf %logistic3A_53, %logistic3A_54 : vector<128x128xf32>
      %jit3A = arith.constant 0.000000e+00 : f64
      %convert_element_type3A_56 = arith.truncf %jit3A : f64 to f32
      %broadcast_in_dim3A = vector.shape_cast %and3A : vector<128x1xi1> to vector<128x1xi1>
      %broadcast_in_dim3A_57 = vector.broadcast %broadcast_in_dim3A : vector<128x1xi1> to vector<128x128xi1>
      %broadcast_in_dim3A_58 = vector.broadcast %convert_element_type3A_56 : f32 to vector<128x128xf32>
      %select_n3A = arith.select %broadcast_in_dim3A_57, %logistic3A_55, %broadcast_in_dim3A_58 : vector<128x128xi1>, vector<128x128xf32>
      %tanh3A = math.tanh %slice3A_36 : vector<128x128xf32>
      %mul3A_59 = arith.mulf %tanh3A, %slice3A : vector<128x128xf32>
      %jit3A_60 = arith.constant 0.000000e+00 : f64
      %convert_element_type3A_61 = arith.truncf %jit3A_60 : f64 to f32
      %broadcast_in_dim3A_62 = vector.shape_cast %lt3A_41 : vector<128x1xi1> to vector<128x1xi1>
      %broadcast_in_dim3A_63 = vector.broadcast %broadcast_in_dim3A_62 : vector<128x1xi1> to vector<128x128xi1>
      %broadcast_in_dim3A_64 = vector.broadcast %convert_element_type3A_61 : f32 to vector<128x128xf32>
      %select_n3A_65 = arith.select %broadcast_in_dim3A_63, %mul3A_59, %broadcast_in_dim3A_64 : vector<128x128xi1>, vector<128x128xf32>
      %broadcast_in_dim3A_66 = arith.constant 0.000000e+00 : f32
      %broadcast_in_dim3A_67 = vector.broadcast %broadcast_in_dim3A_66 : f32 to vector<1x128xf32>
      %slice3A_68 = vector.extract_strided_slice %select_n3A_65 {offsets = [0, 0], sizes = [127, 128], strides = [1, 1]} : vector<128x128xf32> to vector<127x128xf32>
      %concatenate3A = tpu.concatenate %broadcast_in_dim3A_67, %slice3A_68 in 0 : vector<1x128xf32>, vector<127x128xf32> -> vector<128x128xf32>
      %mul3A_69 = arith.mulf %select_n3A, %concatenate3A : vector<128x128xf32>
      %add3A = arith.addf %select_n3A_65, %mul3A_69 : vector<128x128xf32>
      %broadcast_in_dim3A_70 = arith.constant 1.000000e+00 : f32
      %broadcast_in_dim3A_71 = vector.broadcast %broadcast_in_dim3A_70 : f32 to vector<1x128xf32>
      %slice3A_72 = vector.extract_strided_slice %select_n3A {offsets = [0, 0], sizes = [127, 128], strides = [1, 1]} : vector<128x128xf32> to vector<127x128xf32>
      %concatenate3A_73 = tpu.concatenate %broadcast_in_dim3A_71, %slice3A_72 in 0 : vector<1x128xf32>, vector<127x128xf32> -> vector<128x128xf32>
      %mul3A_74 = arith.mulf %select_n3A, %concatenate3A_73 : vector<128x128xf32>
      %broadcast_in_dim3A_75 = arith.constant 0.000000e+00 : f32
      %broadcast_in_dim3A_76 = vector.broadcast %broadcast_in_dim3A_75 : f32 to vector<2x128xf32>
      %slice3A_77 = vector.extract_strided_slice %add3A {offsets = [0, 0], sizes = [126, 128], strides = [1, 1]} : vector<128x128xf32> to vector<126x128xf32>
      %concatenate3A_78 = tpu.concatenate %broadcast_in_dim3A_76, %slice3A_77 in 0 : vector<2x128xf32>, vector<126x128xf32> -> vector<128x128xf32>
      %mul3A_79 = arith.mulf %mul3A_74, %concatenate3A_78 : vector<128x128xf32>
      %add3A_80 = arith.addf %add3A, %mul3A_79 : vector<128x128xf32>
      %broadcast_in_dim3A_81 = arith.constant 1.000000e+00 : f32
      %broadcast_in_dim3A_82 = vector.broadcast %broadcast_in_dim3A_81 : f32 to vector<2x128xf32>
      %slice3A_83 = vector.extract_strided_slice %mul3A_74 {offsets = [0, 0], sizes = [126, 128], strides = [1, 1]} : vector<128x128xf32> to vector<126x128xf32>
      %concatenate3A_84 = tpu.concatenate %broadcast_in_dim3A_82, %slice3A_83 in 0 : vector<2x128xf32>, vector<126x128xf32> -> vector<128x128xf32>
      %mul3A_85 = arith.mulf %mul3A_74, %concatenate3A_84 : vector<128x128xf32>
      %broadcast_in_dim3A_86 = arith.constant 0.000000e+00 : f32
      %broadcast_in_dim3A_87 = vector.broadcast %broadcast_in_dim3A_86 : f32 to vector<4x128xf32>
      %slice3A_88 = vector.extract_strided_slice %add3A_80 {offsets = [0, 0], sizes = [124, 128], strides = [1, 1]} : vector<128x128xf32> to vector<124x128xf32>
      %concatenate3A_89 = tpu.concatenate %broadcast_in_dim3A_87, %slice3A_88 in 0 : vector<4x128xf32>, vector<124x128xf32> -> vector<128x128xf32>
      %mul3A_90 = arith.mulf %mul3A_85, %concatenate3A_89 : vector<128x128xf32>
      %add3A_91 = arith.addf %add3A_80, %mul3A_90 : vector<128x128xf32>
      %broadcast_in_dim3A_92 = arith.constant 1.000000e+00 : f32
      %broadcast_in_dim3A_93 = vector.broadcast %broadcast_in_dim3A_92 : f32 to vector<4x128xf32>
      %slice3A_94 = vector.extract_strided_slice %mul3A_85 {offsets = [0, 0], sizes = [124, 128], strides = [1, 1]} : vector<128x128xf32> to vector<124x128xf32>
      %concatenate3A_95 = tpu.concatenate %broadcast_in_dim3A_93, %slice3A_94 in 0 : vector<4x128xf32>, vector<124x128xf32> -> vector<128x128xf32>
      %mul3A_96 = arith.mulf %mul3A_85, %concatenate3A_95 : vector<128x128xf32>
      %broadcast_in_dim3A_97 = arith.constant 0.000000e+00 : f32
      %broadcast_in_dim3A_98 = vector.broadcast %broadcast_in_dim3A_97 : f32 to vector<8x128xf32>
      %slice3A_99 = vector.extract_strided_slice %add3A_91 {offsets = [0, 0], sizes = [120, 128], strides = [1, 1]} : vector<128x128xf32> to vector<120x128xf32>
      %concatenate3A_100 = tpu.concatenate %broadcast_in_dim3A_98, %slice3A_99 in 0 : vector<8x128xf32>, vector<120x128xf32> -> vector<128x128xf32>
      %mul3A_101 = arith.mulf %mul3A_96, %concatenate3A_100 : vector<128x128xf32>
      %add3A_102 = arith.addf %add3A_91, %mul3A_101 : vector<128x128xf32>
      %broadcast_in_dim3A_103 = arith.constant 1.000000e+00 : f32
      %broadcast_in_dim3A_104 = vector.broadcast %broadcast_in_dim3A_103 : f32 to vector<8x128xf32>
      %slice3A_105 = vector.extract_strided_slice %mul3A_96 {offsets = [0, 0], sizes = [120, 128], strides = [1, 1]} : vector<128x128xf32> to vector<120x128xf32>
      %concatenate3A_106 = tpu.concatenate %broadcast_in_dim3A_104, %slice3A_105 in 0 : vector<8x128xf32>, vector<120x128xf32> -> vector<128x128xf32>
      %mul3A_107 = arith.mulf %mul3A_96, %concatenate3A_106 : vector<128x128xf32>
      %broadcast_in_dim3A_108 = arith.constant 0.000000e+00 : f32
      %broadcast_in_dim3A_109 = vector.broadcast %broadcast_in_dim3A_108 : f32 to vector<16x128xf32>
      %slice3A_110 = vector.extract_strided_slice %add3A_102 {offsets = [0, 0], sizes = [112, 128], strides = [1, 1]} : vector<128x128xf32> to vector<112x128xf32>
      %concatenate3A_111 = tpu.concatenate %broadcast_in_dim3A_109, %slice3A_110 in 0 : vector<16x128xf32>, vector<112x128xf32> -> vector<128x128xf32>
      %mul3A_112 = arith.mulf %mul3A_107, %concatenate3A_111 : vector<128x128xf32>
      %add3A_113 = arith.addf %add3A_102, %mul3A_112 : vector<128x128xf32>
      %broadcast_in_dim3A_114 = arith.constant 1.000000e+00 : f32
      %broadcast_in_dim3A_115 = vector.broadcast %broadcast_in_dim3A_114 : f32 to vector<16x128xf32>
      %slice3A_116 = vector.extract_strided_slice %mul3A_107 {offsets = [0, 0], sizes = [112, 128], strides = [1, 1]} : vector<128x128xf32> to vector<112x128xf32>
      %concatenate3A_117 = tpu.concatenate %broadcast_in_dim3A_115, %slice3A_116 in 0 : vector<16x128xf32>, vector<112x128xf32> -> vector<128x128xf32>
      %mul3A_118 = arith.mulf %mul3A_107, %concatenate3A_117 : vector<128x128xf32>
      %broadcast_in_dim3A_119 = arith.constant 0.000000e+00 : f32
      %broadcast_in_dim3A_120 = vector.broadcast %broadcast_in_dim3A_119 : f32 to vector<32x128xf32>
      %slice3A_121 = vector.extract_strided_slice %add3A_113 {offsets = [0, 0], sizes = [96, 128], strides = [1, 1]} : vector<128x128xf32> to vector<96x128xf32>
      %concatenate3A_122 = tpu.concatenate %broadcast_in_dim3A_120, %slice3A_121 in 0 : vector<32x128xf32>, vector<96x128xf32> -> vector<128x128xf32>
      %mul3A_123 = arith.mulf %mul3A_118, %concatenate3A_122 : vector<128x128xf32>
      %add3A_124 = arith.addf %add3A_113, %mul3A_123 : vector<128x128xf32>
      %broadcast_in_dim3A_125 = arith.constant 1.000000e+00 : f32
      %broadcast_in_dim3A_126 = vector.broadcast %broadcast_in_dim3A_125 : f32 to vector<32x128xf32>
      %slice3A_127 = vector.extract_strided_slice %mul3A_118 {offsets = [0, 0], sizes = [96, 128], strides = [1, 1]} : vector<128x128xf32> to vector<96x128xf32>
      %concatenate3A_128 = tpu.concatenate %broadcast_in_dim3A_126, %slice3A_127 in 0 : vector<32x128xf32>, vector<96x128xf32> -> vector<128x128xf32>
      %mul3A_129 = arith.mulf %mul3A_118, %concatenate3A_128 : vector<128x128xf32>
      %broadcast_in_dim3A_130 = arith.constant 0.000000e+00 : f32
      %broadcast_in_dim3A_131 = vector.broadcast %broadcast_in_dim3A_130 : f32 to vector<64x128xf32>
      %slice3A_132 = vector.extract_strided_slice %add3A_124 {offsets = [0, 0], sizes = [64, 128], strides = [1, 1]} : vector<128x128xf32> to vector<64x128xf32>
      %concatenate3A_133 = tpu.concatenate %broadcast_in_dim3A_131, %slice3A_132 in 0 : vector<64x128xf32>, vector<64x128xf32> -> vector<128x128xf32>
      %mul3A_134 = arith.mulf %mul3A_129, %concatenate3A_133 : vector<128x128xf32>
      %add3A_135 = arith.addf %add3A_124, %mul3A_134 : vector<128x128xf32>
      %broadcast_in_dim3A_136 = arith.constant 1.000000e+00 : f32
      %broadcast_in_dim3A_137 = vector.broadcast %broadcast_in_dim3A_136 : f32 to vector<64x128xf32>
      %slice3A_138 = vector.extract_strided_slice %mul3A_129 {offsets = [0, 0], sizes = [64, 128], strides = [1, 1]} : vector<128x128xf32> to vector<64x128xf32>
      %concatenate3A_139 = tpu.concatenate %broadcast_in_dim3A_137, %slice3A_138 in 0 : vector<64x128xf32>, vector<64x128xf32> -> vector<128x128xf32>
      %mul3A_140 = arith.mulf %mul3A_129, %concatenate3A_139 : vector<128x128xf32>
      %get3A_141 = arith.constant 0 : index
      %get3A_142 = arith.constant 0 : index
      %get3A_143 = vector.load %arg11[%get3A_141, %get3A_142] : memref<8x128xf32, #tpu.memory_space<vmem>>, vector<1x128xf32>
      %mul3A_144 = vector.broadcast %get3A_143 : vector<1x128xf32> to vector<128x128xf32>
      %mul3A_145 = arith.mulf %mul3A_140, %mul3A_144 : vector<128x128xf32>
      %add3A_146 = arith.addf %add3A_135, %mul3A_145 : vector<128x128xf32>
      %slice3A_147 = vector.extract_strided_slice %add3A_146 {offsets = [127, 0], sizes = [1, 128], strides = [1, 1]} : vector<128x128xf32> to vector<1x128xf32>
      %swap3A = arith.constant 0 : index
      %swap3A_148 = arith.constant 0 : index
      %swap3A_149 = vector.load %arg11[%swap3A, %swap3A_148] : memref<8x128xf32, #tpu.memory_space<vmem>>, vector<1x128xf32>
      tpu.vector_store %arg11[%swap3A, %swap3A_148], %slice3A_147 {strides = array<i32>} : memref<8x128xf32, #tpu.memory_space<vmem>>, vector<1x128xf32>,
      %get3A_150 = arith.index_cast %get3A_8 : i32 to index
      %get3A_151 = arith.constant 0 : index
      %get3A_152 = arith.constant 0 : index
      %get3A_153 = vector.load %arg9[%get3A_150, %get3A_151, %get3A_152] : memref<8x1x128xf32, #tpu.memory_space<vmem>>, vector<1x1x128xf32>
      %get3A_154 = vector.shape_cast %get3A_153 : vector<1x1x128xf32> to vector<1x128xf32>
      %tanh3A_155 = math.tanh %slice3A_37 : vector<128x128xf32>
      %mul3A_156 = arith.mulf %tanh3A_155, %add3A_146 : vector<128x128xf32>
      %logistic3A_157 = arith.negf %slice3A_38 : vector<128x128xf32>
      %logistic3A_158 = math.exp %logistic3A_157 : vector<128x128xf32>
      %logistic3A_159 = arith.constant 1.000000e+00 : f32
      %logistic3A_160 = vector.broadcast %logistic3A_159 : f32 to vector<128x128xf32>
      %logistic3A_161 = arith.addf %logistic3A_160, %logistic3A_158 : vector<128x128xf32>
      %logistic3A_162 = arith.divf %logistic3A_160, %logistic3A_161 : vector<128x128xf32>
      %mul3A_163 = vector.broadcast %get3A_154 : vector<1x128xf32> to vector<128x128xf32>
      %mul3A_164 = arith.mulf %mul3A_163, %logistic3A_162 : vector<128x128xf32>
      %mul3A_165 = arith.mulf %mul3A_164, %slice3A : vector<128x128xf32>
      %add3A_166 = arith.addf %mul3A_156, %mul3A_165 : vector<128x128xf32>
      %convert_element_type3A_167 = arith.truncf %add3A_166 : vector<128x128xf32> to vector<128x128xbf16>
      %get3A_168 = arith.index_cast %get3A_8 : i32 to index
      %get3A_169 = arith.constant 0 : index
      %get3A_170 = arith.constant 0 : index
      %get3A_171 = vector.load %arg8[%get3A_168, %get3A_169, %get3A_170] : memref<8x128x1024xbf16, #tpu.memory_space<vmem>>, vector<1x128x1024xbf16>
      %get3A_172 = vector.shape_cast %get3A_171 : vector<1x128x1024xbf16> to vector<128x1024xbf16>
      %dot_general3A_173 = arith.constant dense<0.000000e+00> : vector<128x1024xf32>
      %dot_general3A_174 = tpu.matmul %convert_element_type3A_167, %get3A_172, %dot_general3A_173 {dimension_numbers = #tpu.dot_dimension_numbers<[1], [0], [0], [1], [0, 0, 1, 1], [], []>, transpose_lhs_hint = false} : vector<128x128xbf16>, vector<128x1024xbf16>, vector<128x1024xf32> -> vector<128x1024xf32>
      %swap3A_175 = arith.constant 0 : index
      %swap3A_176 = arith.constant 0 : index
      %swap3A_177 = arith.constant 0 : index
      %swap3A_178 = vector.load %arg10[%swap3A_175, %swap3A_176, %swap3A_177] : memref<1x128x1024xf32, #tpu.memory_space<vmem>>, vector<1x128x1024xf32>
      %swap3A_179 = vector.shape_cast %swap3A_178 : vector<1x128x1024xf32> to vector<128x1024xf32>
      %swap3A_180 = vector.shape_cast %dot_general3A_174 : vector<128x1024xf32> to vector<1x128x1024xf32>
      tpu.vector_store %arg10[%swap3A_175, %swap3A_176, %swap3A_177], %swap3A_180 {strides = array<i32>} : memref<1x128x1024xf32, #tpu.memory_space<vmem>>, vector<1x128x1024xf32>,
    } else {
    }
    return
  }
  func.func @transform_0(%arg0: i32, %arg1: memref<96xi32, #tpu.memory_space<smem>>, %arg2: memref<96xi32, #tpu.memory_space<smem>>, %arg3: memref<96xi32, #tpu.memory_space<smem>>, %arg4: memref<96xi32, #tpu.memory_space<smem>>) -> (i32, i32, i32) {
    %get3A = arith.index_cast %arg0 : i32 to index
    %get3A_0 = memref.load %arg2[%get3A] : memref<96xi32, #tpu.memory_space<smem>>
    %gt3A = arith.constant 0 : i32
    %gt3A_1 = arith.cmpi sgt, %get3A_0, %gt3A : i32
    %jit3A = arith.constant 95 : i64
    %convert_element_type3A = arith.trunci %jit3A : i64 to i32
    %select_n3A = arith.select %gt3A_1, %arg0, %convert_element_type3A : i32
    %mul3A = arith.constant 0 : i32
    %mul3A_2 = arith.muli %arg0, %mul3A : i32
    %mul3A_3 = arith.constant 0 : i32
    %mul3A_4 = arith.muli %arg0, %mul3A_3 : i32
    %c0_i32 = arith.constant 0 : i32
    return %select_n3A, %mul3A_2, %mul3A_4 : i32, i32, i32
  }
  func.func @transform_1(%arg0: i32, %arg1: memref<96xi32, #tpu.memory_space<smem>>, %arg2: memref<96xi32, #tpu.memory_space<smem>>, %arg3: memref<96xi32, #tpu.memory_space<smem>>, %arg4: memref<96xi32, #tpu.memory_space<smem>>) -> (i32, i32, i32) {
    %mul3A = arith.constant 0 : i32
    %mul3A_0 = arith.muli %arg0, %mul3A : i32
    %mul3A_1 = arith.constant 0 : i32
    %mul3A_2 = arith.muli %arg0, %mul3A_1 : i32
    %mul3A_3 = arith.constant 0 : i32
    %mul3A_4 = arith.muli %arg0, %mul3A_3 : i32
    %c0_i32 = arith.constant 0 : i32
    return %mul3A_0, %mul3A_2, %mul3A_4 : i32, i32, i32
  }
  func.func @transform_2(%arg0: i32, %arg1: memref<96xi32, #tpu.memory_space<smem>>, %arg2: memref<96xi32, #tpu.memory_space<smem>>, %arg3: memref<96xi32, #tpu.memory_space<smem>>, %arg4: memref<96xi32, #tpu.memory_space<smem>>) -> (i32, i32, i32) {
    %mul3A = arith.constant 0 : i32
    %mul3A_0 = arith.muli %arg0, %mul3A : i32
    %mul3A_1 = arith.constant 0 : i32
    %mul3A_2 = arith.muli %arg0, %mul3A_1 : i32
    %mul3A_3 = arith.constant 0 : i32
    %mul3A_4 = arith.muli %arg0, %mul3A_3 : i32
    %c0_i32 = arith.constant 0 : i32
    return %mul3A_0, %mul3A_2, %mul3A_4 : i32, i32, i32
  }
  func.func @transform_3(%arg0: i32, %arg1: memref<96xi32, #tpu.memory_space<smem>>, %arg2: memref<96xi32, #tpu.memory_space<smem>>, %arg3: memref<96xi32, #tpu.memory_space<smem>>, %arg4: memref<96xi32, #tpu.memory_space<smem>>) -> (i32, i32, i32) {
    %mul3A = arith.constant 0 : i32
    %mul3A_0 = arith.muli %arg0, %mul3A : i32
    %mul3A_1 = arith.constant 0 : i32
    %mul3A_2 = arith.muli %arg0, %mul3A_1 : i32
    %mul3A_3 = arith.constant 0 : i32
    %mul3A_4 = arith.muli %arg0, %mul3A_3 : i32
    %c0_i32 = arith.constant 0 : i32
    return %mul3A_0, %mul3A_2, %mul3A_4 : i32, i32, i32
  }
  func.func @transform_4(%arg0: i32, %arg1: memref<96xi32, #tpu.memory_space<smem>>, %arg2: memref<96xi32, #tpu.memory_space<smem>>, %arg3: memref<96xi32, #tpu.memory_space<smem>>, %arg4: memref<96xi32, #tpu.memory_space<smem>>) -> (i32, i32, i32) {
    %mul3A = arith.constant 0 : i32
    %mul3A_0 = arith.muli %arg0, %mul3A : i32
    %mul3A_1 = arith.constant 0 : i32
    %mul3A_2 = arith.muli %arg0, %mul3A_1 : i32
    %mul3A_3 = arith.constant 0 : i32
    %mul3A_4 = arith.muli %arg0, %mul3A_3 : i32
    %c0_i32 = arith.constant 0 : i32
    return %mul3A_0, %mul3A_2, %mul3A_4 : i32, i32, i32
  }
  func.func @transform_5(%arg0: i32, %arg1: memref<96xi32, #tpu.memory_space<smem>>, %arg2: memref<96xi32, #tpu.memory_space<smem>>, %arg3: memref<96xi32, #tpu.memory_space<smem>>, %arg4: memref<96xi32, #tpu.memory_space<smem>>) -> (i32, i32, i32) {
    %get3A = arith.index_cast %arg0 : i32 to index
    %get3A_0 = memref.load %arg2[%get3A] : memref<96xi32, #tpu.memory_space<smem>>
    %gt3A = arith.constant 0 : i32
    %gt3A_1 = arith.cmpi sgt, %get3A_0, %gt3A : i32
    %jit3A = arith.constant 95 : i64
    %convert_element_type3A = arith.trunci %jit3A : i64 to i32
    %select_n3A = arith.select %gt3A_1, %arg0, %convert_element_type3A : i32
    %mul3A = arith.constant 0 : i32
    %mul3A_2 = arith.muli %arg0, %mul3A : i32
    %mul3A_3 = arith.constant 0 : i32
    %mul3A_4 = arith.muli %arg0, %mul3A_3 : i32
    %c0_i32 = arith.constant 0 : i32
    return %select_n3A, %mul3A_2, %mul3A_4 : i32, i32, i32
  }
}

</mosaic_0001>

<sc_bundles>
// kernel: kernel.6.cloned.1.call-start
scs
__scs_entry_jumppad:
0x0: {  	(pc) =	sbr.rel $0x88, $3  }
0x1: {  	(tag) =	ssettag $0x0;
	lr =	simm.s32 $0x1  }
0x2: {  	[smem:$0x3F9A] =	sst lr;
	_ =	strace $0xD0000000  }
0x3: {  	_ = 	snop  }
0x4: {  	_ = 	snop  }
0x5: {  	_ = 	snop  }
0x6: {  	_ = 	snop  }
0x7: {  	_ = 	snop  }
__scs_overlays_trampoline_lowered:
0x8: {  	[smem:$0x3FA9] =	sst s0  }
0x9: {  	[smem:$0x3FAA] =	sst s1  }
0xa: {  	[smem:$0x3FAB] =	sst s2  }
0xb: {  	[smem:$0x3FAC] =	sst s3  }
0xc: {  	[smem:$0x3FAD] =	sst s4  }
0xd: {  	[smem:$0x3FAE] =	sst s5  }
0xe: {  	[smem:$0x3FAF] =	sst s6  }
0xf: {  	[smem:$0x3FB0] =	sst s7  }
0x10: {  	[smem:$0x3FB1] =	sst s8  }
0x11: {  	[smem:$0x3FB2] =	sst s9;
	s0 =	simm.s32 @!p0 $0x0  }
0x12: {  	s1 =	sld [smem:$0x3F98];
	s0 =	simm.s32 @p0 $0x1  }
0x13: {  	[smem:$0x3FB3] =	sst s0;
	s0 =	simm.s32 @!p1 $0x0  }
0x14: {  	s2 =	sld [smem:$0x3F97];
	s0 =	simm.s32 @p1 $0x1  }
0x15: {  	[smem:$0x3FB4] =	sst s0;
	s0 =	simm.s32 @!p2 $0x0  }
0x16: {  	s3 =	sld [smem:$0x3FDB];
	s0 =	simm.s32 @p2 $0x1  }
0x17: {  	s4 =	simm.s32 $0x1BF5;
	[smem:$0x3FB6] =	sst s0  }
0x18: {  	s0 =	sld [smem:$0x3F99];
	_ =	swait.ge [sflag:s4], $0x0  }
0x19: {  	s7 =	sld [smem:$0x3F9A]  }
0x1a: {  	s8 =	sadd.s32 $0xFFFFE003, lr  }
0x1b: {  	s9 =	sadd.s32 $0xFFFFFEF7, lr;
	s5 =	simm.s32 $0xFFFFFFFF;
	p2 =	slt.u32 s8, $0xFFFFF086  }
0x1c: {  	p1 =	slt.u32 s9, $0xF7A;
	s5 =	simm.s32 @!p2 $0x0  }
0x1d: {  	s5 =	simm.s32 @p1 $0x1;
	p0 =	seq.s32 s7, s2  }
0x1e: {  	s7 =	smul.u32 @!p0 $0xF7A, s2;
	p2 =	seq.s32 @!p0 s5, $0x0  }
0x1f: {  	s9 =	smul.u32 $0xF7A, s1;
	s8 =	simm.s32 @!p0 $0x1BF5;
	p2 =	por !p2, p0  }
0x20: {  	[sflag:s8] =	ssyncset.s32 @!p0 $0xFFFFF086;
	s6 =	sadd.s32 @!p0 s3, s7;
	s7 =	simm.s32 @!p0 $0x108  }
0x21: {  	s3 =	sadd.s32 s3, s9;
	s6 =	sadd.s32 @!p0 $0x88, s6;
	s7 =	simm.s32 @p2 $0x1082  }
0x22: {  	[simem:s7], [sflag:s8] =	dma.local @!p0 [hbm:s6], $0xF7A  }
0x23: {  	s9 =	sor.u32 $0xD0000000, s2;
	s6 =	simm.s32 $0x108;
	_ =	swait.ge @!p0 [sflag:s8], $0x0  }
0x24: {  	s3 =	sadd.s32 $0x88, s3;
	s6 =	simm.s32 @!p1 $0x1082;
	[sflag:s4] =	ssyncset.s32 $0xFFFFF086  }
0x25: {  	[simem:s6], [sflag:s4] =	dma.local [hbm:s3], $0xF7A  }
0x26: {  	[smem:$0x3F9A] =	sst s1;
	(tag) =	ssettag s2;
	_ =	strace s9  }
0x27: {  	s1 =	sld [smem:$0x3FAA]  }
0x28: {  	s2 =	sld [smem:$0x3FAB]  }
0x29: {  	s4 =	sld [smem:$0x3FAD]  }
0x2a: {  	p0 =	seq.s32 s5, $0x0;
	s5 =	sld [smem:$0x3FAE]  }
0x2b: {  	s6 =	sld [smem:$0x3FAF]  }
0x2c: {  	s7 =	sld [smem:$0x3FB0]  }
0x2d: {  	s3 =	simm.s32 $0x108;
	s8 =	sld [smem:$0x3FB1]  }
0x2e: {  	s3 =	simm.s32 @!p0 $0x1082;
	s9 =	sld [smem:$0x3FB2]  }
0x2f: {  	lr =	sadd.s32 s0, s3;
	s0 =	sld [smem:$0x3FA9]  }
0x30: {  	s3 =	sld [smem:$0x3FAC]  }
0x31: {  	[smem:$0x3FB5] =	sst s10  }
0x32: {  	s10 =	sld [smem:$0x3FB3];
	_ =	sdelay $0x3  }
0x33: {  	p0 =	seq.s32 s10, $0x1;
	s10 =	sld [smem:$0x3FB5];
	_ =	sdelay $0x3  }
0x34: {  	[smem:$0x3FB5] =	sst s10  }
0x35: {  	s10 =	sld [smem:$0x3FB4];
	_ =	sdelay $0x3  }
0x36: {  	p1 =	seq.s32 s10, $0x1;
	s10 =	sld [smem:$0x3FB5];
	_ =	sdelay $0x3  }
0x37: {  	[smem:$0x3FB5] =	sst s10  }
0x38: {  	s10 =	sld [smem:$0x3FB6]  }
0x39: {  	_ = 	snop;
	(pc) =	sbr.ind lr, $3  }
0x3a: {  	_ = 	snop  }
0x3b: {  	_ = 	snop  }
0x3c: {  	p2 =	seq.s32 s10, $0x1;
	s10 =	sld [smem:$0x3FB5]  }
0x3d: {  	_ =	shalt  }
0x3e: {  	_ =	shalt  }
0x3f: {  	_ =	shalt  }
0x40: {  	_ =	shalt  }
0x41: {  	_ =	shalt  }
0x42: {  	_ =	shalt  }
0x43: {  	_ =	shalt  }
0x44: {  	_ =	shalt  }
0x45: {  	_ =	shalt  }
0x46: {  	_ =	shalt  }
0x47: {  	_ =	shalt  }
0x48: {  	_ =	shalt  }
0x49: {  	_ =	shalt  }
0x4a: {  	_ =	shalt  }
0x4b: {  	_ =	shalt  }
0x4c: {  	_ =	shalt  }
0x4d: {  	_ =	shalt  }
0x4e: {  	_ =	shalt  }
0x4f: {  	_ =	shalt  }
0x50: {  	_ =	shalt  }
0x51: {  	_ =	shalt  }
0x52: {  	_ =	shalt  }
0x53: {  	_ =	shalt  }
0x54: {  	_ =	shalt  }
0x55: {  	_ =	shalt  }
0x56: {  	_ =	shalt  }
0x57: {  	_ =	shalt  }
0x58: {  	_ =	shalt  }
0x59: {  	_ =	shalt  }
0x5a: {  	_ =	shalt  }
0x5b: {  	_ =	shalt  }
0x5c: {  	_ =	shalt  }
0x5d: {  	_ =	shalt  }
0x5e: {  	_ =	shalt  }
0x5f: {  	_ =	shalt  }
0x60: {  	_ =	shalt  }
0x61: {  	_ =	shalt  }
0x62: {  	_ =	shalt  }
0x63: {  	_ =	shalt  }
0x64: {  	_ =	shalt  }
0x65: {  	_ =	shalt  }
0x66: {  	_ =	shalt  }
0x67: {  	_ =	shalt  }
0x68: {  	_ =	shalt  }
0x69: {  	_ =	shalt  }
0x6a: {  	_ =	shalt  }
0x6b: {  	_ =	shalt  }
0x6c: {  	_ =	shalt  }
0x6d: {  	_ =	shalt  }
0x6e: {  	_ =	shalt  }
0x6f: {  	_ =	shalt  }
0x70: {  	_ =	shalt  }
0x71: {  	_ =	shalt  }
0x72: {  	_ =	shalt  }
0x73: {  	_ =	shalt  }
0x74: {  	_ =	shalt  }
0x75: {  	_ =	shalt  }
0x76: {  	_ =	shalt  }
0x77: {  	_ =	shalt  }
0x78: {  	_ =	shalt  }
0x79: {  	_ =	shalt  }
0x7a: {  	_ =	shalt  }
0x7b: {  	_ =	shalt  }
0x7c: {  	_ =	shalt  }
0x7d: {  	_ =	shalt  }
0x7e: {  	_ =	shalt  }
0x7f: {  	_ =	shalt  }
0x80: {  	_ =	shalt  }
0x81: {  	_ =	shalt  }
0x82: {  	_ =	shalt  }
0x83: {  	_ =	shalt  }
0x84: {  	_ =	shalt  }
0x85: {  	_ =	shalt  }
0x86: {  	_ =	shalt  }
0x87: {  	_ =	shalt  }
.Lfunc_end0:
.L_simem_size_0:
called_computation_lowered:
.L_overlay_start_0:
0x88: {  	s2 =	sld [smem:$0x3FD9]  }
0x89: {  	s3 =	sld [smem:$0x3FFE];
	_ =	sdelay $0x1  }
0x8a: {  	s1 =	srdreg.scid  }
0x8b: {  	s0 =	sand.u32 $0x1, s1  }
0x8c: {  	s17 =	sshll.u32 s0, $0xA;
	s2 =	sadd.s32 s3, s2  }
0x8d: {  	s2 =	sadd.s32 s2, s17  }
0x8e: {  	[smem:$0x3FC1] =	sst s2  }
0x8f: {  	_ = 	snop  }
0x90: {  	s2 =	sld [smem:$0x3FC9];
	(tm) =	ssettm $0x1  }
0x91: {  	s18 =	sld [smem:$0x3FFB];
	_ =	sdelay $0x3  }
0x92: {  	_ =	strace s18  }
0x93: {  	s3 =	sld [smem:$0x3FFC];
	_ =	sdelay $0x3  }
0x94: {  	_ =	strace s3  }
0x95: {  	s3 =	sld [smem:$0x3FFD];
	_ =	sdelay $0x3  }
0x96: {  	_ =	strace s3  }
0x97: {  	_ =	strace $0x8FFFFFFF  }
0x98: {  	s19 =	sld [smem:$0x3FDB];
	_ =	sdelay $0x1  }
0x99: {  	s4 =	simm.s32 $_scs_section_size  }
0x9a: {  	s5 =	simm.s32 $_size__tile_overlayer_lowered;
	s6 =	simm.s32 $_tile_overlayer_lowered  }
0x9b: {  	s22 =	simm.s32 $0x1BFF;
	s21 =	sshll.u32 s6, $0x1;
	s3 =	sadd.s32 s4, s19  }
0x9c: {  	s7 =	simm.s32 $0x0;
	s20 =	sshll.u32 s5, $0x1;
	s5 =	sadd.s32 s21, s3  }
0x9d: {  	[timem:s7], [sflag:s22] =	dma.local [hbm:s5], s20  }
0x9e: {  	_ =	swait.ge [sflag:s22], s20  }
0x9f: {  	s4 =	ssub.s32 $0x0, s20;
	[sflag:s22] =	ssyncset.done $0x0  }
0xa0: {  	[sflag:s22] =	ssyncadd.s32 s4;
	_ =	sdelay $0x1  }
0xa1: {  	s23 =	simm.s32 $0x1B8B  }
0xa2: {  	_ =	swait.ge [sflag:s23], $0x1  }
0xa3: {  	[sflag:s23] =	ssyncset.done $0x0  }
0xa4: {  	s25 =	simm.s32 $0x1B8E;
	s24 =	sld [smem:$0x3FFE];
	[sflag:s23] =	ssyncadd.s32 $0xFFFFFFFF  }
0xa5: {  	s26 =	simm.s32 $execute0_lowered;
	[smem:$0x3FD2] =	sst s25  }
0xa6: {  	s5 =	sshll.u32 s26, $0x1;
	_ =	strace $0x80000046;
	[dreg:$0x1] =	wrdreg $0xFFFFFFFF  }
0xa7: {  	s28 =	simm.s32 $_size_execute0_lowered;
	s3 =	sadd.s32 s3, s5;
	[dreg:$0x0] =	wrdreg $0x0  }
0xa8: {  	s5 =	sshll.u32 s28, $0x1;
	[dreg:$0x2] =	wrdreg s3  }
0xa9: {  	[dreg:$0x3] =	wrdreg s5  }
0xaa: {  	[dreg:$0x4] =	wrdreg $0xC0  }
0xab: {  	_ =	task [dreg:s7], $0x5FFFF  }
0xac: {  	[dreg:$0x1] =	wrdreg $0xFFFFFFFF  }
0xad: {  	[dreg:$0x0] =	wrdreg $0x60  }
0xae: {  	[dreg:$0x2] =	wrdreg s2  }
0xaf: {  	[dreg:$0x3] =	wrdreg s24  }
0xb0: {  	[dreg:$0x4] =	wrdreg $0x9  }
0xb1: {  	_ =	task.clear_ibuf [dreg:s7], $0x5FFFF;
	_ =	strace $0x90000046  }
0xb2: {  	s29 =	simm.s32 $0x9;
	_ =	strace $0x80000048  }
0xb3: {  	_ =	swait.ge [sflag:s29], $0x1  }
0xb4: {  	[sflag:s29] =	ssyncadd.s32 $0xFFFFFFFF  }
0xb5: {  	_ =	strace $0x90000048  }
0xb6: {  	_ =	sfence  }
0xb7: {  	s30 =	sld [smem:$0x0];
	_ =	sdelay $0x2  }
0xb8: {  	s31 =	sshll.u32 s1, $0xD;
	s1 =	sshrl.u32 s1, $0x2  }
0xb9: {  	s3 =	sand.u32 $0x4000, s31;
	s1 =	sadd.s32 s1, s30  }
0xba: {  	s0 =	sor.u32 s3, s0;
	s1 =	sshll.u32 s1, $0x11  }
0xbb: {  	s0 =	sor.u32 s1, s0  }
0xbc: {  	s0 =	sadd.s32 $0x8F2B, s0  }
0xbd: {  	[sflag:s0] =	ssyncadd.remote.s32 $0x1  }
0xbe: {  	_ =	sfence.sel $0xFFFF  }
0xbf: {  	[dreg:$0x0] =	wrdreg $0xFFFFFFFF;
	(pc) =	sbr.abs _section_cstart, $3  }
0xc0: {  	[dreg:$0x1] =	wrdreg $0xFFFFFFFF  }
0xc1: {  	_ =	task.clear_ibuf [dreg:s7], $0x2FFFF;
	_ =	strace $0x9FFFFFFF  }
0xc2: {  	(tm) =	ssettm $0x7FFFFFFF  }
0xc3: {  	_ =	shalt  }
tec
execute0_lowered:
.L_overlay_start_1:
0x0: {  	(tag) =	ssettag $0x1  }
0x1: {  	s0 =	srdreg.scid;
	s1 =	rddreg [dreg:$0x0]  }
0x2: {  	s2 =	stileid.u32;
	s3 =	rddreg [dreg:$0x1];
	s11 =	simm.s32 $0x1  }
0x3: {  	s29 =	simm.s32 $0x2;
	s0 =	sand.u32 $0x1, s0;
	s2 =	sshll.u32 s2, $0x1  }
0x4: {  	s30 =	simm.s32 $0x3;
	s10 =	simm.s32 $0x8400;
	s4 =	sor.u32 s0, s2  }
0x5: {  	s2 =	simm.s32 $0x0;
	s5 =	sshll.u32 s4, $0x7;
	s4 =	sshll.u32 s4, $0xF  }
0x6: {  	[smem:$0x7FF] =	sst s2;
	s5 =	sadd.s32 s5, s3;
	s8 =	sadd.s32 s1, s4  }
0x7: {  	_ =	strace $0x80000047;
	s5 =	sadd.s32 $0x1A00, s5;
	[dreg:$0xb] =	wrdreg s8  }
0x8: {  	s6 =	sadd.s32 $0x2C00, s3;
	s1 =	sadd.s32 $0x1000, s8;
	[dreg:$0x3] =	wrdreg s5  }
0x9: {  	s7 =	sadd.s32 $0x2D00, s3;
	s22 =	sadd.s32 $0x2000, s8;
	[dreg:$0x4] =	wrdreg s1  }
0xa: {  	s0 =	ssub.s32 $0x2, s0;
	s24 =	sadd.s32 $0x3000, s8;
	[dreg:$0x5] =	wrdreg s22  }
0xb: {  	s23 =	sshrl.u32 s0, $0x1;
	s25 =	sadd.s32 $0x4000, s8;
	[dreg:$0x6] =	wrdreg s24  }
0xc: {  	s4 =	sadd.s32 $0x2A00, s3;
	s26 =	sadd.s32 $0x5000, s8;
	[dreg:$0x7] =	wrdreg s25  }
0xd: {  	v2 =	vlaneseq.u32;
	s0 =	ssub.s32 s0, s23;
	s28 =	sadd.s32 $0x6000, s8;
	[dreg:$0x8] =	wrdreg s26  }
0xe: {  	vm0 =	vmmov $0xffff;
	v1 =	vshrl.u32 v2, $0x3;
	s23 =	simm.s32 $0x4;
	s31 =	sadd.s32 $0x7000, s8;
	[dreg:$0x9] =	wrdreg s28  }
0xf: {  	v0 =	vand.u32 $0x7, v2;
	v2 =	vor.u32 $0x8, v2;
	v1 =	vmul.u32 $0x8, v1;
	s8 =	smax.u32 s0, $0x1;
	s5 =	sadd.s32 $0x2B00, s3;
	[dreg:$0xa] =	wrdreg s31  }
.LBB2_1:
0x10: {  	s24 =	rddreg [dreg:$0x3];
	s16 =	simm.s32 $0x5  }
0x11: {  	[tilespmem:s2], [sflag:$0x5] =	stream.linear.gather [hbm4b:s24+s2], $0x400, $0x38;
	[tilespmem:$0x10400] =	vst v63  }
0x12: {  	_ =	swait.ge [sflag:s16], $0x400  }
0x13: {  	[sflag:s16] =	ssyncset.done $0x0  }
0x14: {  	s12 =	simm.s32 $0x400;
	s17 =	rddreg [dreg:$0xb];
	[sflag:s16] =	ssyncadd.s32 $0xFFFFFC00  }
0x15: {  	[tilespmem:s12], [sflag:$0x1] =	stream.linear.gather [hbm4b:s17+s2], $0x8000, $0x38;
	[tilespmem:$0x10400] =	vst v63  }
0x16: {  	_ =	swait.ge [sflag:s11], $0x8000  }
0x17: {  	[sflag:s11] =	ssyncset.done $0x0  }
0x18: {  	s18 =	rddreg [dreg:$0x4];
	[sflag:s11] =	ssyncadd.s32 $0xFFFF8000  }
0x19: {  	[tilespmem:s10], [sflag:$0x2] =	stream.linear.gather [hbm4b:s18+s2], $0x8000, $0x38;
	[tilespmem:$0x10400] =	vst v63  }
0x1a: {  	v3 =	vld [tilespmem:$0x0];
	_ =	sdelay $0x4  }
0x1b: {  	v4 =	vshll.u32 v3, $0x3  }
0x1c: {  	v3 =	vand.u32 $0x7, v3;
	v4 =	vand.u32 $0xFFFFFFC0, v4  }
0x1d: {  	v3 =	vor.u32 v3, v4  }
0x1e: {  	v4 =	vperm.xlane v3, v0;
	_ =	sdelay $0x1  }
0x1f: {  	v4 =	vadd.s32 v1, v4;
	_ =	sdelay $0x4  }
0x20: {  	[hbm4b:s4+s2] =	stream.indirect_vreg.scatter [tilespmem:s12], [sflag:$0x3], $0x80, v4, vm0, $0xb8;
	[tilespmem:$0x10400] =	vst v63  }
0x21: {  	s0 =	simm.s32 $0xC00;
	v3 =	vperm.xlane v3, v2  }
0x22: {  	[hbm4b:s5+s2] =	stream.indirect_vreg.scatter [tilespmem:s0], [sflag:$0x3], $0x80, v4, vm0, $0xb8;
	[tilespmem:$0x10400] =	vst v63  }
0x23: {  	s19 =	simm.s32 $0x1400;
	v3 =	vadd.s32 v1, v3  }
0x24: {  	[hbm4b:s6+s2] =	stream.indirect_vreg.scatter [tilespmem:s19], [sflag:$0x3], $0x80, v4, vm0, $0xb8;
	[tilespmem:$0x10400] =	vst v63  }
0x25: {  	s20 =	simm.s32 $0x1C00  }
0x26: {  	[hbm4b:s7+s2] =	stream.indirect_vreg.scatter [tilespmem:s20], [sflag:$0x3], $0x80, v4, vm0, $0xb8;
	[tilespmem:$0x10400] =	vst v63  }
0x27: {  	s21 =	simm.s32 $0x2400  }
0x28: {  	[hbm4b:s4+s2] =	stream.indirect_vreg.scatter [tilespmem:s21], [sflag:$0x3], $0x80, v3, vm0, $0xb8;
	[tilespmem:$0x10400] =	vst v63  }
0x29: {  	s22 =	simm.s32 $0x2C00  }
0x2a: {  	[hbm4b:s5+s2] =	stream.indirect_vreg.scatter [tilespmem:s22], [sflag:$0x3], $0x80, v3, vm0, $0xb8;
	[tilespmem:$0x10400] =	vst v63  }
0x2b: {  	s24 =	simm.s32 $0x3400  }
0x2c: {  	[hbm4b:s6+s2] =	stream.indirect_vreg.scatter [tilespmem:s24], [sflag:$0x3], $0x80, v3, vm0, $0xb8;
	[tilespmem:$0x10400] =	vst v63  }
0x2d: {  	s25 =	simm.s32 $0x3C00  }
0x2e: {  	[hbm4b:s7+s2] =	stream.indirect_vreg.scatter [tilespmem:s25], [sflag:$0x3], $0x80, v3, vm0, $0xb8;
	[tilespmem:$0x10400] =	vst v63  }
0x2f: {  	v3 =	vld [tilespmem:$0x10];
	_ =	sdelay $0x4  }
0x30: {  	v49 =	vshll.u32 v3, $0x3  }
0x31: {  	v3 =	vand.u32 $0x7, v3;
	v4 =	vand.u32 $0xFFFFFFC0, v49  }
0x32: {  	v3 =	vor.u32 v3, v4  }
0x33: {  	v4 =	vperm.xlane v3, v0;
	_ =	sdelay $0x1  }
0x34: {  	v4 =	vadd.s32 v1, v4;
	_ =	sdelay $0x3  }
0x35: {  	s26 =	simm.s32 $0x4400  }
0x36: {  	[hbm4b:s4+s2] =	stream.indirect_vreg.scatter [tilespmem:s26], [sflag:$0x3], $0x80, v4, vm0, $0xb8;
	[tilespmem:$0x10400] =	vst v63  }
0x37: {  	s28 =	simm.s32 $0x4C00;
	v3 =	vperm.xlane v3, v2  }
0x38: {  	[hbm4b:s5+s2] =	stream.indirect_vreg.scatter [tilespmem:s28], [sflag:$0x3], $0x80, v4, vm0, $0xb8;
	[tilespmem:$0x10400] =	vst v63  }
0x39: {  	s31 =	simm.s32 $0x5400;
	v3 =	vadd.s32 v1, v3  }
0x3a: {  	[hbm4b:s6+s2] =	stream.indirect_vreg.scatter [tilespmem:s31], [sflag:$0x3], $0x80, v4, vm0, $0xb8;
	[tilespmem:$0x10400] =	vst v63  }
0x3b: {  	s16 =	simm.s32 $0x5C00  }
0x3c: {  	[hbm4b:s7+s2] =	stream.indirect_vreg.scatter [tilespmem:s16], [sflag:$0x3], $0x80, v4, vm0, $0xb8;
	[tilespmem:$0x10400] =	vst v63  }
0x3d: {  	s17 =	simm.s32 $0x6400  }
0x3e: {  	[hbm4b:s4+s2] =	stream.indirect_vreg.scatter [tilespmem:s17], [sflag:$0x3], $0x80, v3, vm0, $0xb8;
	[tilespmem:$0x10400] =	vst v63  }
0x3f: {  	s18 =	simm.s32 $0x6C00  }
0x40: {  	[hbm4b:s5+s2] =	stream.indirect_vreg.scatter [tilespmem:s18], [sflag:$0x3], $0x80, v3, vm0, $0xb8;
	[tilespmem:$0x10400] =	vst v63  }
0x41: {  	s19 =	simm.s32 $0x7400  }
0x42: {  	[hbm4b:s6+s2] =	stream.indirect_vreg.scatter [tilespmem:s19], [sflag:$0x3], $0x80, v3, vm0, $0xb8;
	[tilespmem:$0x10400] =	vst v63  }
0x43: {  	s20 =	simm.s32 $0x7C00  }
0x44: {  	[hbm4b:s7+s2] =	stream.indirect_vreg.scatter [tilespmem:s20], [sflag:$0x3], $0x80, v3, vm0, $0xb8;
	[tilespmem:$0x10400] =	vst v63  }
0x45: {  	_ =	swait.ge [sflag:s29], $0x8000  }
0x46: {  	[sflag:s29] =	ssyncset.done $0x0  }
0x47: {  	[sflag:s29] =	ssyncadd.s32 $0xFFFF8000  }
0x48: {  	_ =	swait.ge [sflag:s30], $0x8000  }
0x49: {  	[sflag:s30] =	ssyncset.done $0x0  }
0x4a: {  	s21 =	rddreg [dreg:$0x5];
	[sflag:s30] =	ssyncadd.s32 $0xFFFF8000  }
0x4b: {  	[tilespmem:s12], [sflag:$0x1] =	stream.linear.gather [hbm4b:s21+s2], $0x8000, $0x38;
	[tilespmem:$0x10400] =	vst v63  }
0x4c: {  	v3 =	vld [tilespmem:$0x80];
	_ =	sdelay $0x4  }
0x4d: {  	v50 =	vshll.u32 v3, $0x3  }
0x4e: {  	v3 =	vand.u32 $0x7, v3;
	v4 =	vand.u32 $0xFFFFFFC0, v50  }
0x4f: {  	v3 =	vor.u32 v3, v4  }
0x50: {  	v4 =	vperm.xlane v3, v0;
	_ =	sdelay $0x1  }
0x51: {  	v4 =	vadd.s32 v1, v4;
	_ =	sdelay $0x4  }
0x52: {  	[hbm4b:s4+s2] =	stream.indirect_vreg.scatter [tilespmem:s10], [sflag:$0x4], $0x80, v4, vm0, $0xb8;
	[tilespmem:$0x10400] =	vst v63  }
0x53: {  	s22 =	simm.s32 $0x8C00;
	v3 =	vperm.xlane v3, v2  }
0x54: {  	[hbm4b:s5+s2] =	stream.indirect_vreg.scatter [tilespmem:s22], [sflag:$0x4], $0x80, v4, vm0, $0xb8;
	[tilespmem:$0x10400] =	vst v63  }
0x55: {  	s24 =	simm.s32 $0x9400;
	v3 =	vadd.s32 v1, v3  }
0x56: {  	[hbm4b:s6+s2] =	stream.indirect_vreg.scatter [tilespmem:s24], [sflag:$0x4], $0x80, v4, vm0, $0xb8;
	[tilespmem:$0x10400] =	vst v63  }
0x57: {  	s25 =	simm.s32 $0x9C00  }
0x58: {  	[hbm4b:s7+s2] =	stream.indirect_vreg.scatter [tilespmem:s25], [sflag:$0x4], $0x80, v4, vm0, $0xb8;
	[tilespmem:$0x10400] =	vst v63  }
0x59: {  	s26 =	simm.s32 $0xA400  }
0x5a: {  	[hbm4b:s4+s2] =	stream.indirect_vreg.scatter [tilespmem:s26], [sflag:$0x4], $0x80, v3, vm0, $0xb8;
	[tilespmem:$0x10400] =	vst v63  }
0x5b: {  	s28 =	simm.s32 $0xAC00  }
0x5c: {  	[hbm4b:s5+s2] =	stream.indirect_vreg.scatter [tilespmem:s28], [sflag:$0x4], $0x80, v3, vm0, $0xb8;
	[tilespmem:$0x10400] =	vst v63  }
0x5d: {  	s31 =	simm.s32 $0xB400  }
0x5e: {  	[hbm4b:s6+s2] =	stream.indirect_vreg.scatter [tilespmem:s31], [sflag:$0x4], $0x80, v3, vm0, $0xb8;
	[tilespmem:$0x10400] =	vst v63  }
0x5f: {  	s18 =	simm.s32 $0xBC00  }
0x60: {  	[hbm4b:s7+s2] =	stream.indirect_vreg.scatter [tilespmem:s18], [sflag:$0x4], $0x80, v3, vm0, $0xb8;
	[tilespmem:$0x10400] =	vst v63  }
0x61: {  	v3 =	vld [tilespmem:$0x90];
	_ =	sdelay $0x4  }
0x62: {  	v51 =	vshll.u32 v3, $0x3  }
0x63: {  	v3 =	vand.u32 $0x7, v3;
	v4 =	vand.u32 $0xFFFFFFC0, v51  }
0x64: {  	v3 =	vor.u32 v3, v4  }
0x65: {  	v4 =	vperm.xlane v3, v0;
	_ =	sdelay $0x1  }
0x66: {  	v4 =	vadd.s32 v1, v4;
	_ =	sdelay $0x3  }
0x67: {  	s19 =	simm.s32 $0xC400  }
0x68: {  	[hbm4b:s4+s2] =	stream.indirect_vreg.scatter [tilespmem:s19], [sflag:$0x4], $0x80, v4, vm0, $0xb8;
	[tilespmem:$0x10400] =	vst v63  }
0x69: {  	s21 =	simm.s32 $0xCC00;
	v3 =	vperm.xlane v3, v2  }
0x6a: {  	[hbm4b:s5+s2] =	stream.indirect_vreg.scatter [tilespmem:s21], [sflag:$0x4], $0x80, v4, vm0, $0xb8;
	[tilespmem:$0x10400] =	vst v63  }
0x6b: {  	s22 =	simm.s32 $0xD400;
	v3 =	vadd.s32 v1, v3  }
0x6c: {  	[hbm4b:s6+s2] =	stream.indirect_vreg.scatter [tilespmem:s22], [sflag:$0x4], $0x80, v4, vm0, $0xb8;
	[tilespmem:$0x10400] =	vst v63  }
0x6d: {  	s24 =	simm.s32 $0xDC00  }
0x6e: {  	[hbm4b:s7+s2] =	stream.indirect_vreg.scatter [tilespmem:s24], [sflag:$0x4], $0x80, v4, vm0, $0xb8;
	[tilespmem:$0x10400] =	vst v63  }
0x6f: {  	s25 =	simm.s32 $0xE400  }
0x70: {  	[hbm4b:s4+s2] =	stream.indirect_vreg.scatter [tilespmem:s25], [sflag:$0x4], $0x80, v3, vm0, $0xb8;
	[tilespmem:$0x10400] =	vst v63  }
0x71: {  	s26 =	simm.s32 $0xEC00  }
0x72: {  	[hbm4b:s5+s2] =	stream.indirect_vreg.scatter [tilespmem:s26], [sflag:$0x4], $0x80, v3, vm0, $0xb8;
	[tilespmem:$0x10400] =	vst v63  }
0x73: {  	s28 =	simm.s32 $0xF400  }
0x74: {  	[hbm4b:s6+s2] =	stream.indirect_vreg.scatter [tilespmem:s28], [sflag:$0x4], $0x80, v3, vm0, $0xb8;
	[tilespmem:$0x10400] =	vst v63  }
0x75: {  	s31 =	simm.s32 $0xFC00  }
0x76: {  	[hbm4b:s7+s2] =	stream.indirect_vreg.scatter [tilespmem:s31], [sflag:$0x4], $0x80, v3, vm0, $0xb8;
	[tilespmem:$0x10400] =	vst v63  }
0x77: {  	_ =	swait.ge [sflag:s11], $0x8000  }
0x78: {  	[sflag:s11] =	ssyncset.done $0x0  }
0x79: {  	[sflag:s11] =	ssyncadd.s32 $0xFFFF8000  }
0x7a: {  	_ =	swait.ge [sflag:s23], $0x8000  }
0x7b: {  	[sflag:s23] =	ssyncset.done $0x0  }
0x7c: {  	s0 =	rddreg [dreg:$0x6];
	[sflag:s23] =	ssyncadd.s32 $0xFFFF8000  }
0x7d: {  	[tilespmem:s10], [sflag:$0x2] =	stream.linear.gather [hbm4b:s0+s2], $0x8000, $0x38;
	[tilespmem:$0x10400] =	vst v63  }
0x7e: {  	v3 =	vld [tilespmem:$0x100];
	_ =	sdelay $0x4  }
0x7f: {  	v52 =	vshll.u32 v3, $0x3  }
0x80: {  	v3 =	vand.u32 $0x7, v3;
	v4 =	vand.u32 $0xFFFFFFC0, v52  }
0x81: {  	v3 =	vor.u32 v3, v4  }
0x82: {  	v4 =	vperm.xlane v3, v0;
	_ =	sdelay $0x1  }
0x83: {  	v4 =	vadd.s32 v1, v4;
	_ =	sdelay $0x4  }
0x84: {  	[hbm4b:s4+s2] =	stream.indirect_vreg.scatter [tilespmem:s12], [sflag:$0x3], $0x80, v4, vm0, $0xb8;
	[tilespmem:$0x10400] =	vst v63  }
0x85: {  	s9 =	simm.s32 $0xC00;
	v3 =	vperm.xlane v3, v2  }
0x86: {  	[hbm4b:s5+s2] =	stream.indirect_vreg.scatter [tilespmem:s9], [sflag:$0x3], $0x80, v4, vm0, $0xb8;
	[tilespmem:$0x10400] =	vst v63  }
0x87: {  	s15 =	simm.s32 $0x1400;
	v3 =	vadd.s32 v1, v3  }
0x88: {  	[hbm4b:s6+s2] =	stream.indirect_vreg.scatter [tilespmem:s15], [sflag:$0x3], $0x80, v4, vm0, $0xb8;
	[tilespmem:$0x10400] =	vst v63  }
0x89: {  	s1 =	simm.s32 $0x1C00  }
0x8a: {  	[hbm4b:s7+s2] =	stream.indirect_vreg.scatter [tilespmem:s1], [sflag:$0x3], $0x80, v4, vm0, $0xb8;
	[tilespmem:$0x10400] =	vst v63  }
0x8b: {  	s3 =	simm.s32 $0x2400  }
0x8c: {  	[hbm4b:s4+s2] =	stream.indirect_vreg.scatter [tilespmem:s3], [sflag:$0x3], $0x80, v3, vm0, $0xb8;
	[tilespmem:$0x10400] =	vst v63  }
0x8d: {  	s0 =	simm.s32 $0x2C00  }
0x8e: {  	[hbm4b:s5+s2] =	stream.indirect_vreg.scatter [tilespmem:s0], [sflag:$0x3], $0x80, v3, vm0, $0xb8;
	[tilespmem:$0x10400] =	vst v63  }
0x8f: {  	s26 =	simm.s32 $0x3400  }
0x90: {  	[hbm4b:s6+s2] =	stream.indirect_vreg.scatter [tilespmem:s26], [sflag:$0x3], $0x80, v3, vm0, $0xb8;
	[tilespmem:$0x10400] =	vst v63  }
0x91: {  	s13 =	simm.s32 $0x3C00  }
0x92: {  	[hbm4b:s7+s2] =	stream.indirect_vreg.scatter [tilespmem:s13], [sflag:$0x3], $0x80, v3, vm0, $0xb8;
	[tilespmem:$0x10400] =	vst v63  }
0x93: {  	v3 =	vld [tilespmem:$0x110];
	_ =	sdelay $0x4  }
0x94: {  	v53 =	vshll.u32 v3, $0x3  }
0x95: {  	v3 =	vand.u32 $0x7, v3;
	v4 =	vand.u32 $0xFFFFFFC0, v53  }
0x96: {  	v3 =	vor.u32 v3, v4  }
0x97: {  	v4 =	vperm.xlane v3, v0;
	_ =	sdelay $0x1  }
0x98: {  	v4 =	vadd.s32 v1, v4;
	_ =	sdelay $0x3  }
0x99: {  	s14 =	simm.s32 $0x4400  }
0x9a: {  	[hbm4b:s4+s2] =	stream.indirect_vreg.scatter [tilespmem:s14], [sflag:$0x3], $0x80, v4, vm0, $0xb8;
	[tilespmem:$0x10400] =	vst v63  }
0x9b: {  	s15 =	simm.s32 $0x4C00;
	v3 =	vperm.xlane v3, v2  }
0x9c: {  	[hbm4b:s5+s2] =	stream.indirect_vreg.scatter [tilespmem:s15], [sflag:$0x3], $0x80, v4, vm0, $0xb8;
	[tilespmem:$0x10400] =	vst v63  }
0x9d: {  	s1 =	simm.s32 $0x5400;
	v3 =	vadd.s32 v1, v3  }
0x9e: {  	[hbm4b:s6+s2] =	stream.indirect_vreg.scatter [tilespmem:s1], [sflag:$0x3], $0x80, v4, vm0, $0xb8;
	[tilespmem:$0x10400] =	vst v63  }
0x9f: {  	s3 =	simm.s32 $0x5C00  }
0xa0: {  	[hbm4b:s7+s2] =	stream.indirect_vreg.scatter [tilespmem:s3], [sflag:$0x3], $0x80, v4, vm0, $0xb8;
	[tilespmem:$0x10400] =	vst v63  }
0xa1: {  	s9 =	simm.s32 $0x6400  }
0xa2: {  	[hbm4b:s4+s2] =	stream.indirect_vreg.scatter [tilespmem:s9], [sflag:$0x3], $0x80, v3, vm0, $0xb8;
	[tilespmem:$0x10400] =	vst v63  }
0xa3: {  	s13 =	simm.s32 $0x6C00  }
0xa4: {  	[hbm4b:s5+s2] =	stream.indirect_vreg.scatter [tilespmem:s13], [sflag:$0x3], $0x80, v3, vm0, $0xb8;
	[tilespmem:$0x10400] =	vst v63  }
0xa5: {  	s14 =	simm.s32 $0x7400  }
0xa6: {  	[hbm4b:s6+s2] =	stream.indirect_vreg.scatter [tilespmem:s14], [sflag:$0x3], $0x80, v3, vm0, $0xb8;
	[tilespmem:$0x10400] =	vst v63  }
0xa7: {  	s17 =	simm.s32 $0x7C00  }
0xa8: {  	[hbm4b:s7+s2] =	stream.indirect_vreg.scatter [tilespmem:s17], [sflag:$0x3], $0x80, v3, vm0, $0xb8;
	[tilespmem:$0x10400] =	vst v63  }
0xa9: {  	_ =	swait.ge [sflag:s29], $0x8000  }
0xaa: {  	[sflag:s29] =	ssyncset.done $0x0  }
0xab: {  	[sflag:s29] =	ssyncadd.s32 $0xFFFF8000  }
0xac: {  	_ =	swait.ge [sflag:s30], $0x8000  }
0xad: {  	[sflag:s30] =	ssyncset.done $0x0  }
0xae: {  	s17 =	rddreg [dreg:$0x7];
	[sflag:s30] =	ssyncadd.s32 $0xFFFF8000  }
0xaf: {  	[tilespmem:s12], [sflag:$0x1] =	stream.linear.gather [hbm4b:s17+s2], $0x8000, $0x38;
	[tilespmem:$0x10400] =	vst v63  }
0xb0: {  	v3 =	vld [tilespmem:$0x180];
	_ =	sdelay $0x4  }
0xb1: {  	v54 =	vshll.u32 v3, $0x3  }
0xb2: {  	v3 =	vand.u32 $0x7, v3;
	v4 =	vand.u32 $0xFFFFFFC0, v54  }
0xb3: {  	v3 =	vor.u32 v3, v4  }
0xb4: {  	v4 =	vperm.xlane v3, v0;
	_ =	sdelay $0x1  }
0xb5: {  	v4 =	vadd.s32 v1, v4;
	_ =	sdelay $0x4  }
0xb6: {  	[hbm4b:s4+s2] =	stream.indirect_vreg.scatter [tilespmem:s10], [sflag:$0x4], $0x80, v4, vm0, $0xb8;
	[tilespmem:$0x10400] =	vst v63  }
0xb7: {  	s22 =	simm.s32 $0x8C00;
	v3 =	vperm.xlane v3, v2  }
0xb8: {  	[hbm4b:s5+s2] =	stream.indirect_vreg.scatter [tilespmem:s22], [sflag:$0x4], $0x80, v4, vm0, $0xb8;
	[tilespmem:$0x10400] =	vst v63  }
0xb9: {  	s16 =	simm.s32 $0x9400;
	v3 =	vadd.s32 v1, v3  }
0xba: {  	[hbm4b:s6+s2] =	stream.indirect_vreg.scatter [tilespmem:s16], [sflag:$0x4], $0x80, v4, vm0, $0xb8;
	[tilespmem:$0x10400] =	vst v63  }
0xbb: {  	s20 =	simm.s32 $0x9C00  }
0xbc: {  	[hbm4b:s7+s2] =	stream.indirect_vreg.scatter [tilespmem:s20], [sflag:$0x4], $0x80, v4, vm0, $0xb8;
	[tilespmem:$0x10400] =	vst v63  }
0xbd: {  	s25 =	simm.s32 $0xA400  }
0xbe: {  	[hbm4b:s4+s2] =	stream.indirect_vreg.scatter [tilespmem:s25], [sflag:$0x4], $0x80, v3, vm0, $0xb8;
	[tilespmem:$0x10400] =	vst v63  }
0xbf: {  	s28 =	simm.s32 $0xAC00  }
0xc0: {  	[hbm4b:s5+s2] =	stream.indirect_vreg.scatter [tilespmem:s28], [sflag:$0x4], $0x80, v3, vm0, $0xb8;
	[tilespmem:$0x10400] =	vst v63  }
0xc1: {  	s31 =	simm.s32 $0xB400  }
0xc2: {  	[hbm4b:s6+s2] =	stream.indirect_vreg.scatter [tilespmem:s31], [sflag:$0x4], $0x80, v3, vm0, $0xb8;
	[tilespmem:$0x10400] =	vst v63  }
0xc3: {  	s18 =	simm.s32 $0xBC00  }
0xc4: {  	[hbm4b:s7+s2] =	stream.indirect_vreg.scatter [tilespmem:s18], [sflag:$0x4], $0x80, v3, vm0, $0xb8;
	[tilespmem:$0x10400] =	vst v63  }
0xc5: {  	v3 =	vld [tilespmem:$0x190];
	_ =	sdelay $0x4  }
0xc6: {  	v55 =	vshll.u32 v3, $0x3  }
0xc7: {  	v3 =	vand.u32 $0x7, v3;
	v4 =	vand.u32 $0xFFFFFFC0, v55  }
0xc8: {  	v3 =	vor.u32 v3, v4  }
0xc9: {  	v4 =	vperm.xlane v3, v0;
	_ =	sdelay $0x1  }
0xca: {  	v4 =	vadd.s32 v1, v4;
	_ =	sdelay $0x3  }
0xcb: {  	s19 =	simm.s32 $0xC400  }
0xcc: {  	[hbm4b:s4+s2] =	stream.indirect_vreg.scatter [tilespmem:s19], [sflag:$0x4], $0x80, v4, vm0, $0xb8;
	[tilespmem:$0x10400] =	vst v63  }
0xcd: {  	s20 =	simm.s32 $0xCC00;
	v3 =	vperm.xlane v3, v2  }
0xce: {  	[hbm4b:s5+s2] =	stream.indirect_vreg.scatter [tilespmem:s20], [sflag:$0x4], $0x80, v4, vm0, $0xb8;
	[tilespmem:$0x10400] =	vst v63  }
0xcf: {  	s17 =	simm.s32 $0xD400;
	v3 =	vadd.s32 v1, v3  }
0xd0: {  	[hbm4b:s6+s2] =	stream.indirect_vreg.scatter [tilespmem:s17], [sflag:$0x4], $0x80, v4, vm0, $0xb8;
	[tilespmem:$0x10400] =	vst v63  }
0xd1: {  	s16 =	simm.s32 $0xDC00  }
0xd2: {  	[hbm4b:s7+s2] =	stream.indirect_vreg.scatter [tilespmem:s16], [sflag:$0x4], $0x80, v4, vm0, $0xb8;
	[tilespmem:$0x10400] =	vst v63  }
0xd3: {  	s18 =	simm.s32 $0xE400  }
0xd4: {  	[hbm4b:s4+s2] =	stream.indirect_vreg.scatter [tilespmem:s18], [sflag:$0x4], $0x80, v3, vm0, $0xb8;
	[tilespmem:$0x10400] =	vst v63  }
0xd5: {  	s19 =	simm.s32 $0xEC00  }
0xd6: {  	[hbm4b:s5+s2] =	stream.indirect_vreg.scatter [tilespmem:s19], [sflag:$0x4], $0x80, v3, vm0, $0xb8;
	[tilespmem:$0x10400] =	vst v63  }
0xd7: {  	s24 =	simm.s32 $0xF400  }
0xd8: {  	[hbm4b:s6+s2] =	stream.indirect_vreg.scatter [tilespmem:s24], [sflag:$0x4], $0x80, v3, vm0, $0xb8;
	[tilespmem:$0x10400] =	vst v63  }
0xd9: {  	s21 =	simm.s32 $0xFC00  }
0xda: {  	[hbm4b:s7+s2] =	stream.indirect_vreg.scatter [tilespmem:s21], [sflag:$0x4], $0x80, v3, vm0, $0xb8;
	[tilespmem:$0x10400] =	vst v63  }
0xdb: {  	_ =	swait.ge [sflag:s11], $0x8000  }
0xdc: {  	[sflag:s11] =	ssyncset.done $0x0  }
0xdd: {  	[sflag:s11] =	ssyncadd.s32 $0xFFFF8000  }
0xde: {  	_ =	swait.ge [sflag:s23], $0x8000  }
0xdf: {  	[sflag:s23] =	ssyncset.done $0x0  }
0xe0: {  	s21 =	rddreg [dreg:$0x8];
	[sflag:s23] =	ssyncadd.s32 $0xFFFF8000  }
0xe1: {  	[tilespmem:s10], [sflag:$0x2] =	stream.linear.gather [hbm4b:s21+s2], $0x8000, $0x38;
	[tilespmem:$0x10400] =	vst v63  }
0xe2: {  	v3 =	vld [tilespmem:$0x200];
	_ =	sdelay $0x4  }
0xe3: {  	v56 =	vshll.u32 v3, $0x3  }
0xe4: {  	v3 =	vand.u32 $0x7, v3;
	v4 =	vand.u32 $0xFFFFFFC0, v56  }
0xe5: {  	v3 =	vor.u32 v3, v4  }
0xe6: {  	v4 =	vperm.xlane v3, v0;
	_ =	sdelay $0x1  }
0xe7: {  	v4 =	vadd.s32 v1, v4;
	_ =	sdelay $0x4  }
0xe8: {  	[hbm4b:s4+s2] =	stream.indirect_vreg.scatter [tilespmem:s12], [sflag:$0x3], $0x80, v4, vm0, $0xb8;
	[tilespmem:$0x10400] =	vst v63  }
0xe9: {  	s24 =	simm.s32 $0xC00;
	v3 =	vperm.xlane v3, v2  }
0xea: {  	[hbm4b:s5+s2] =	stream.indirect_vreg.scatter [tilespmem:s24], [sflag:$0x3], $0x80, v4, vm0, $0xb8;
	[tilespmem:$0x10400] =	vst v63  }
0xeb: {  	v3 =	vadd.s32 v1, v3;
	s24 =	simm.s32 $0x1400  }
0xec: {  	[hbm4b:s6+s2] =	stream.indirect_vreg.scatter [tilespmem:s24], [sflag:$0x3], $0x80, v4, vm0, $0xb8;
	[tilespmem:$0x10400] =	vst v63  }
0xed: {  	s24 =	simm.s32 $0x1C00  }
0xee: {  	[hbm4b:s7+s2] =	stream.indirect_vreg.scatter [tilespmem:s24], [sflag:$0x3], $0x80, v4, vm0, $0xb8;
	[tilespmem:$0x10400] =	vst v63  }
0xef: {  	s24 =	simm.s32 $0x2400  }
0xf0: {  	[hbm4b:s4+s2] =	stream.indirect_vreg.scatter [tilespmem:s24], [sflag:$0x3], $0x80, v3, vm0, $0xb8;
	[tilespmem:$0x10400] =	vst v63  }
0xf1: {  	_ = 	snop  }
0xf2: {  	[hbm4b:s5+s2] =	stream.indirect_vreg.scatter [tilespmem:s0], [sflag:$0x3], $0x80, v3, vm0, $0xb8;
	[tilespmem:$0x10400] =	vst v63  }
0xf3: {  	_ = 	snop  }
0xf4: {  	[hbm4b:s6+s2] =	stream.indirect_vreg.scatter [tilespmem:s26], [sflag:$0x3], $0x80, v3, vm0, $0xb8;
	[tilespmem:$0x10400] =	vst v63  }
0xf5: {  	s26 =	simm.s32 $0x3C00  }
0xf6: {  	[hbm4b:s7+s2] =	stream.indirect_vreg.scatter [tilespmem:s26], [sflag:$0x3], $0x80, v3, vm0, $0xb8;
	[tilespmem:$0x10400] =	vst v63  }
0xf7: {  	v3 =	vld [tilespmem:$0x210];
	_ =	sdelay $0x4  }
0xf8: {  	v57 =	vshll.u32 v3, $0x3  }
0xf9: {  	v3 =	vand.u32 $0x7, v3;
	v4 =	vand.u32 $0xFFFFFFC0, v57  }
0xfa: {  	v3 =	vor.u32 v3, v4  }
0xfb: {  	v4 =	vperm.xlane v3, v0;
	_ =	sdelay $0x1  }
0xfc: {  	v4 =	vadd.s32 v1, v4;
	_ =	sdelay $0x3  }
0xfd: {  	s0 =	simm.s32 $0x4400  }
0xfe: {  	[hbm4b:s4+s2] =	stream.indirect_vreg.scatter [tilespmem:s0], [sflag:$0x3], $0x80, v4, vm0, $0xb8;
	[tilespmem:$0x10400] =	vst v63  }
0xff: {  	v3 =	vperm.xlane v3, v2  }
0x100: {  	[hbm4b:s5+s2] =	stream.indirect_vreg.scatter [tilespmem:s15], [sflag:$0x3], $0x80, v4, vm0, $0xb8;
	[tilespmem:$0x10400] =	vst v63  }
0x101: {  	v3 =	vadd.s32 v1, v3  }
0x102: {  	[hbm4b:s6+s2] =	stream.indirect_vreg.scatter [tilespmem:s1], [sflag:$0x3], $0x80, v4, vm0, $0xb8;
	[tilespmem:$0x10400] =	vst v63  }
0x103: {  	_ = 	snop  }
0x104: {  	[hbm4b:s7+s2] =	stream.indirect_vreg.scatter [tilespmem:s3], [sflag:$0x3], $0x80, v4, vm0, $0xb8;
	[tilespmem:$0x10400] =	vst v63  }
0x105: {  	_ = 	snop  }
0x106: {  	[hbm4b:s4+s2] =	stream.indirect_vreg.scatter [tilespmem:s9], [sflag:$0x3], $0x80, v3, vm0, $0xb8;
	[tilespmem:$0x10400] =	vst v63  }
0x107: {  	_ = 	snop  }
0x108: {  	[hbm4b:s5+s2] =	stream.indirect_vreg.scatter [tilespmem:s13], [sflag:$0x3], $0x80, v3, vm0, $0xb8;
	[tilespmem:$0x10400] =	vst v63  }
0x109: {  	_ = 	snop  }
0x10a: {  	[hbm4b:s6+s2] =	stream.indirect_vreg.scatter [tilespmem:s14], [sflag:$0x3], $0x80, v3, vm0, $0xb8;
	[tilespmem:$0x10400] =	vst v63  }
0x10b: {  	s9 =	simm.s32 $0x7C00  }
0x10c: {  	[hbm4b:s7+s2] =	stream.indirect_vreg.scatter [tilespmem:s9], [sflag:$0x3], $0x80, v3, vm0, $0xb8;
	[tilespmem:$0x10400] =	vst v63  }
0x10d: {  	_ =	swait.ge [sflag:s29], $0x8000  }
0x10e: {  	[sflag:s29] =	ssyncset.done $0x0  }
0x10f: {  	[sflag:s29] =	ssyncadd.s32 $0xFFFF8000  }
0x110: {  	_ =	swait.ge [sflag:s30], $0x8000  }
0x111: {  	[sflag:s30] =	ssyncset.done $0x0  }
0x112: {  	s21 =	rddreg [dreg:$0x9];
	[sflag:s30] =	ssyncadd.s32 $0xFFFF8000  }
0x113: {  	[tilespmem:s12], [sflag:$0x1] =	stream.linear.gather [hbm4b:s21+s2], $0x8000, $0x38;
	[tilespmem:$0x10400] =	vst v63  }
0x114: {  	v3 =	vld [tilespmem:$0x280];
	_ =	sdelay $0x4  }
0x115: {  	v58 =	vshll.u32 v3, $0x3  }
0x116: {  	v3 =	vand.u32 $0x7, v3;
	v4 =	vand.u32 $0xFFFFFFC0, v58  }
0x117: {  	v3 =	vor.u32 v3, v4  }
0x118: {  	v4 =	vperm.xlane v3, v0;
	_ =	sdelay $0x1  }
0x119: {  	v4 =	vadd.s32 v1, v4;
	_ =	sdelay $0x4  }
0x11a: {  	[hbm4b:s4+s2] =	stream.indirect_vreg.scatter [tilespmem:s10], [sflag:$0x4], $0x80, v4, vm0, $0xb8;
	[tilespmem:$0x10400] =	vst v63  }
0x11b: {  	v3 =	vperm.xlane v3, v2  }
0x11c: {  	[hbm4b:s5+s2] =	stream.indirect_vreg.scatter [tilespmem:s22], [sflag:$0x4], $0x80, v4, vm0, $0xb8;
	[tilespmem:$0x10400] =	vst v63  }
0x11d: {  	s0 =	simm.s32 $0x9400;
	v3 =	vadd.s32 v1, v3  }
0x11e: {  	[hbm4b:s6+s2] =	stream.indirect_vreg.scatter [tilespmem:s0], [sflag:$0x4], $0x80, v4, vm0, $0xb8;
	[tilespmem:$0x10400] =	vst v63  }
0x11f: {  	s3 =	simm.s32 $0x9C00  }
0x120: {  	[hbm4b:s7+s2] =	stream.indirect_vreg.scatter [tilespmem:s3], [sflag:$0x4], $0x80, v4, vm0, $0xb8;
	[tilespmem:$0x10400] =	vst v63  }
0x121: {  	_ = 	snop  }
0x122: {  	[hbm4b:s4+s2] =	stream.indirect_vreg.scatter [tilespmem:s25], [sflag:$0x4], $0x80, v3, vm0, $0xb8;
	[tilespmem:$0x10400] =	vst v63  }
0x123: {  	_ = 	snop  }
0x124: {  	[hbm4b:s5+s2] =	stream.indirect_vreg.scatter [tilespmem:s28], [sflag:$0x4], $0x80, v3, vm0, $0xb8;
	[tilespmem:$0x10400] =	vst v63  }
0x125: {  	_ = 	snop  }
0x126: {  	[hbm4b:s6+s2] =	stream.indirect_vreg.scatter [tilespmem:s31], [sflag:$0x4], $0x80, v3, vm0, $0xb8;
	[tilespmem:$0x10400] =	vst v63  }
0x127: {  	s26 =	simm.s32 $0xBC00  }
0x128: {  	[hbm4b:s7+s2] =	stream.indirect_vreg.scatter [tilespmem:s26], [sflag:$0x4], $0x80, v3, vm0, $0xb8;
	[tilespmem:$0x10400] =	vst v63  }
0x129: {  	v3 =	vld [tilespmem:$0x290];
	_ =	sdelay $0x4  }
0x12a: {  	v59 =	vshll.u32 v3, $0x3  }
0x12b: {  	v3 =	vand.u32 $0x7, v3;
	v4 =	vand.u32 $0xFFFFFFC0, v59  }
0x12c: {  	v3 =	vor.u32 v3, v4  }
0x12d: {  	v4 =	vperm.xlane v3, v0;
	_ =	sdelay $0x1  }
0x12e: {  	v4 =	vadd.s32 v1, v4;
	_ =	sdelay $0x3  }
0x12f: {  	s1 =	simm.s32 $0xC400  }
0x130: {  	[hbm4b:s4+s2] =	stream.indirect_vreg.scatter [tilespmem:s1], [sflag:$0x4], $0x80, v4, vm0, $0xb8;
	[tilespmem:$0x10400] =	vst v63  }
0x131: {  	v3 =	vperm.xlane v3, v2  }
0x132: {  	[hbm4b:s5+s2] =	stream.indirect_vreg.scatter [tilespmem:s20], [sflag:$0x4], $0x80, v4, vm0, $0xb8;
	[tilespmem:$0x10400] =	vst v63  }
0x133: {  	v3 =	vadd.s32 v1, v3  }
0x134: {  	[hbm4b:s6+s2] =	stream.indirect_vreg.scatter [tilespmem:s17], [sflag:$0x4], $0x80, v4, vm0, $0xb8;
	[tilespmem:$0x10400] =	vst v63  }
0x135: {  	_ = 	snop  }
0x136: {  	[hbm4b:s7+s2] =	stream.indirect_vreg.scatter [tilespmem:s16], [sflag:$0x4], $0x80, v4, vm0, $0xb8;
	[tilespmem:$0x10400] =	vst v63  }
0x137: {  	_ = 	snop  }
0x138: {  	[hbm4b:s4+s2] =	stream.indirect_vreg.scatter [tilespmem:s18], [sflag:$0x4], $0x80, v3, vm0, $0xb8;
	[tilespmem:$0x10400] =	vst v63  }
0x139: {  	_ = 	snop  }
0x13a: {  	[hbm4b:s5+s2] =	stream.indirect_vreg.scatter [tilespmem:s19], [sflag:$0x4], $0x80, v3, vm0, $0xb8;
	[tilespmem:$0x10400] =	vst v63  }
0x13b: {  	s31 =	simm.s32 $0xF400  }
0x13c: {  	[hbm4b:s6+s2] =	stream.indirect_vreg.scatter [tilespmem:s31], [sflag:$0x4], $0x80, v3, vm0, $0xb8;
	[tilespmem:$0x10400] =	vst v63  }
0x13d: {  	s9 =	simm.s32 $0xFC00  }
0x13e: {  	[hbm4b:s7+s2] =	stream.indirect_vreg.scatter [tilespmem:s9], [sflag:$0x4], $0x80, v3, vm0, $0xb8;
	[tilespmem:$0x10400] =	vst v63  }
0x13f: {  	_ =	swait.ge [sflag:s11], $0x8000  }
0x140: {  	[sflag:s11] =	ssyncset.done $0x0  }
0x141: {  	[sflag:s11] =	ssyncadd.s32 $0xFFFF8000  }
0x142: {  	_ =	swait.ge [sflag:s23], $0x8000  }
0x143: {  	[sflag:s23] =	ssyncset.done $0x0  }
0x144: {  	s24 =	rddreg [dreg:$0xa];
	[sflag:s23] =	ssyncadd.s32 $0xFFFF8000  }
0x145: {  	[tilespmem:s10], [sflag:$0x2] =	stream.linear.gather [hbm4b:s24+s2], $0x8000, $0x38;
	[tilespmem:$0x10400] =	vst v63  }
0x146: {  	v3 =	vld [tilespmem:$0x300];
	_ =	sdelay $0x4  }
0x147: {  	v60 =	vshll.u32 v3, $0x3  }
0x148: {  	v3 =	vand.u32 $0x7, v3;
	v4 =	vand.u32 $0xFFFFFFC0, v60  }
0x149: {  	v3 =	vor.u32 v3, v4  }
0x14a: {  	v4 =	vperm.xlane v3, v0;
	_ =	sdelay $0x1  }
0x14b: {  	v4 =	vadd.s32 v1, v4;
	_ =	sdelay $0x4  }
0x14c: {  	[hbm4b:s4+s2] =	stream.indirect_vreg.scatter [tilespmem:s12], [sflag:$0x3], $0x80, v4, vm0, $0xb8;
	[tilespmem:$0x10400] =	vst v63  }
0x14d: {  	s24 =	simm.s32 $0xC00;
	v3 =	vperm.xlane v3, v2  }
0x14e: {  	[hbm4b:s5+s2] =	stream.indirect_vreg.scatter [tilespmem:s24], [sflag:$0x3], $0x80, v4, vm0, $0xb8;
	[tilespmem:$0x10400] =	vst v63  }
0x14f: {  	v3 =	vadd.s32 v1, v3;
	s24 =	simm.s32 $0x1400  }
0x150: {  	[hbm4b:s6+s2] =	stream.indirect_vreg.scatter [tilespmem:s24], [sflag:$0x3], $0x80, v4, vm0, $0xb8;
	[tilespmem:$0x10400] =	vst v63  }
0x151: {  	s24 =	simm.s32 $0x1C00  }
0x152: {  	[hbm4b:s7+s2] =	stream.indirect_vreg.scatter [tilespmem:s24], [sflag:$0x3], $0x80, v4, vm0, $0xb8;
	[tilespmem:$0x10400] =	vst v63  }
0x153: {  	s24 =	simm.s32 $0x2400  }
0x154: {  	[hbm4b:s4+s2] =	stream.indirect_vreg.scatter [tilespmem:s24], [sflag:$0x3], $0x80, v3, vm0, $0xb8;
	[tilespmem:$0x10400] =	vst v63  }
0x155: {  	s24 =	simm.s32 $0x2C00  }
0x156: {  	[hbm4b:s5+s2] =	stream.indirect_vreg.scatter [tilespmem:s24], [sflag:$0x3], $0x80, v3, vm0, $0xb8;
	[tilespmem:$0x10400] =	vst v63  }
0x157: {  	s24 =	simm.s32 $0x3400  }
0x158: {  	[hbm4b:s6+s2] =	stream.indirect_vreg.scatter [tilespmem:s24], [sflag:$0x3], $0x80, v3, vm0, $0xb8;
	[tilespmem:$0x10400] =	vst v63  }
0x159: {  	s24 =	simm.s32 $0x3C00  }
0x15a: {  	[hbm4b:s7+s2] =	stream.indirect_vreg.scatter [tilespmem:s24], [sflag:$0x3], $0x80, v3, vm0, $0xb8;
	[tilespmem:$0x10400] =	vst v63  }
0x15b: {  	v3 =	vld [tilespmem:$0x310];
	_ =	sdelay $0x4  }
0x15c: {  	v61 =	vshll.u32 v3, $0x3  }
0x15d: {  	v3 =	vand.u32 $0x7, v3;
	v4 =	vand.u32 $0xFFFFFFC0, v61  }
0x15e: {  	v3 =	vor.u32 v3, v4  }
0x15f: {  	v4 =	vperm.xlane v3, v0;
	_ =	sdelay $0x1  }
0x160: {  	v4 =	vadd.s32 v1, v4;
	_ =	sdelay $0x3  }
0x161: {  	s24 =	simm.s32 $0x4400  }
0x162: {  	[hbm4b:s4+s2] =	stream.indirect_vreg.scatter [tilespmem:s24], [sflag:$0x3], $0x80, v4, vm0, $0xb8;
	[tilespmem:$0x10400] =	vst v63  }
0x163: {  	s15 =	simm.s32 $0x4C00;
	v3 =	vperm.xlane v3, v2  }
0x164: {  	[hbm4b:s5+s2] =	stream.indirect_vreg.scatter [tilespmem:s15], [sflag:$0x3], $0x80, v4, vm0, $0xb8;
	[tilespmem:$0x10400] =	vst v63  }
0x165: {  	v3 =	vadd.s32 v1, v3;
	s15 =	simm.s32 $0x5400  }
0x166: {  	[hbm4b:s6+s2] =	stream.indirect_vreg.scatter [tilespmem:s15], [sflag:$0x3], $0x80, v4, vm0, $0xb8;
	[tilespmem:$0x10400] =	vst v63  }
0x167: {  	s24 =	simm.s32 $0x5C00  }
0x168: {  	[hbm4b:s7+s2] =	stream.indirect_vreg.scatter [tilespmem:s24], [sflag:$0x3], $0x80, v4, vm0, $0xb8;
	[tilespmem:$0x10400] =	vst v63  }
0x169: {  	s15 =	simm.s32 $0x6400  }
0x16a: {  	[hbm4b:s4+s2] =	stream.indirect_vreg.scatter [tilespmem:s15], [sflag:$0x3], $0x80, v3, vm0, $0xb8;
	[tilespmem:$0x10400] =	vst v63  }
0x16b: {  	s13 =	simm.s32 $0x6C00  }
0x16c: {  	[hbm4b:s5+s2] =	stream.indirect_vreg.scatter [tilespmem:s13], [sflag:$0x3], $0x80, v3, vm0, $0xb8;
	[tilespmem:$0x10400] =	vst v63  }
0x16d: {  	s14 =	simm.s32 $0x7400  }
0x16e: {  	[hbm4b:s6+s2] =	stream.indirect_vreg.scatter [tilespmem:s14], [sflag:$0x3], $0x80, v3, vm0, $0xb8;
	[tilespmem:$0x10400] =	vst v63  }
0x16f: {  	s24 =	simm.s32 $0x7C00  }
0x170: {  	[hbm4b:s7+s2] =	stream.indirect_vreg.scatter [tilespmem:s24], [sflag:$0x3], $0x80, v3, vm0, $0xb8;
	[tilespmem:$0x10400] =	vst v63  }
0x171: {  	_ =	swait.ge [sflag:s29], $0x8000  }
0x172: {  	[sflag:s29] =	ssyncset.done $0x0  }
0x173: {  	[sflag:s29] =	ssyncadd.s32 $0xFFFF8000  }
0x174: {  	v3 =	vld [tilespmem:$0x380];
	_ =	sdelay $0x4  }
0x175: {  	v62 =	vshll.u32 v3, $0x3  }
0x176: {  	v3 =	vand.u32 $0x7, v3;
	v4 =	vand.u32 $0xFFFFFFC0, v62  }
0x177: {  	v3 =	vor.u32 v3, v4  }
0x178: {  	v4 =	vperm.xlane v3, v0;
	_ =	sdelay $0x1  }
0x179: {  	v4 =	vadd.s32 v1, v4;
	_ =	sdelay $0x4  }
0x17a: {  	[hbm4b:s4+s2] =	stream.indirect_vreg.scatter [tilespmem:s10], [sflag:$0x4], $0x80, v4, vm0, $0xb8;
	[tilespmem:$0x10400] =	vst v63  }
0x17b: {  	s21 =	simm.s32 $0x8C00;
	v3 =	vperm.xlane v3, v2  }
0x17c: {  	[hbm4b:s5+s2] =	stream.indirect_vreg.scatter [tilespmem:s21], [sflag:$0x4], $0x80, v4, vm0, $0xb8;
	[tilespmem:$0x10400] =	vst v63  }
0x17d: {  	v3 =	vadd.s32 v1, v3  }
0x17e: {  	[hbm4b:s6+s2] =	stream.indirect_vreg.scatter [tilespmem:s0], [sflag:$0x4], $0x80, v4, vm0, $0xb8;
	[tilespmem:$0x10400] =	vst v63  }
0x17f: {  	_ = 	snop  }
0x180: {  	[hbm4b:s7+s2] =	stream.indirect_vreg.scatter [tilespmem:s3], [sflag:$0x4], $0x80, v4, vm0, $0xb8;
	[tilespmem:$0x10400] =	vst v63  }
0x181: {  	s22 =	simm.s32 $0xA400  }
0x182: {  	[hbm4b:s4+s2] =	stream.indirect_vreg.scatter [tilespmem:s22], [sflag:$0x4], $0x80, v3, vm0, $0xb8;
	[tilespmem:$0x10400] =	vst v63  }
0x183: {  	s25 =	simm.s32 $0xAC00  }
0x184: {  	[hbm4b:s5+s2] =	stream.indirect_vreg.scatter [tilespmem:s25], [sflag:$0x4], $0x80, v3, vm0, $0xb8;
	[tilespmem:$0x10400] =	vst v63  }
0x185: {  	s28 =	simm.s32 $0xB400  }
0x186: {  	[hbm4b:s6+s2] =	stream.indirect_vreg.scatter [tilespmem:s28], [sflag:$0x4], $0x80, v3, vm0, $0xb8;
	[tilespmem:$0x10400] =	vst v63  }
0x187: {  	_ = 	snop  }
0x188: {  	[hbm4b:s7+s2] =	stream.indirect_vreg.scatter [tilespmem:s26], [sflag:$0x4], $0x80, v3, vm0, $0xb8;
	[tilespmem:$0x10400] =	vst v63  }
0x189: {  	v3 =	vld [tilespmem:$0x390];
	_ =	sdelay $0x4  }
0x18a: {  	v63 =	vshll.u32 v3, $0x3  }
0x18b: {  	v3 =	vand.u32 $0x7, v3;
	v4 =	vand.u32 $0xFFFFFFC0, v63  }
0x18c: {  	v3 =	vor.u32 v3, v4  }
0x18d: {  	v4 =	vperm.xlane v3, v0;
	_ =	sdelay $0x1  }
0x18e: {  	v4 =	vadd.s32 v1, v4;
	_ =	sdelay $0x4  }
0x18f: {  	[hbm4b:s4+s2] =	stream.indirect_vreg.scatter [tilespmem:s1], [sflag:$0x4], $0x80, v4, vm0, $0xb8;
	[tilespmem:$0x10400] =	vst v63  }
0x190: {  	s20 =	simm.s32 $0xCC00;
	v3 =	vperm.xlane v3, v2  }
0x191: {  	[hbm4b:s5+s2] =	stream.indirect_vreg.scatter [tilespmem:s20], [sflag:$0x4], $0x80, v4, vm0, $0xb8;
	[tilespmem:$0x10400] =	vst v63  }
0x192: {  	s17 =	simm.s32 $0xD400;
	v3 =	vadd.s32 v1, v3  }
0x193: {  	[hbm4b:s6+s2] =	stream.indirect_vreg.scatter [tilespmem:s17], [sflag:$0x4], $0x80, v4, vm0, $0xb8;
	[tilespmem:$0x10400] =	vst v63  }
0x194: {  	s16 =	simm.s32 $0xDC00  }
0x195: {  	[hbm4b:s7+s2] =	stream.indirect_vreg.scatter [tilespmem:s16], [sflag:$0x4], $0x80, v4, vm0, $0xb8;
	[tilespmem:$0x10400] =	vst v63  }
0x196: {  	s18 =	simm.s32 $0xE400  }
0x197: {  	[hbm4b:s4+s2] =	stream.indirect_vreg.scatter [tilespmem:s18], [sflag:$0x4], $0x80, v3, vm0, $0xb8;
	[tilespmem:$0x10400] =	vst v63  }
0x198: {  	s19 =	simm.s32 $0xEC00  }
0x199: {  	[hbm4b:s5+s2] =	stream.indirect_vreg.scatter [tilespmem:s19], [sflag:$0x4], $0x80, v3, vm0, $0xb8;
	[tilespmem:$0x10400] =	vst v63  }
0x19a: {  	_ = 	snop  }
0x19b: {  	[hbm4b:s6+s2] =	stream.indirect_vreg.scatter [tilespmem:s31], [sflag:$0x4], $0x80, v3, vm0, $0xb8;
	[tilespmem:$0x10400] =	vst v63  }
0x19c: {  	_ = 	snop  }
0x19d: {  	[hbm4b:s7+s2] =	stream.indirect_vreg.scatter [tilespmem:s9], [sflag:$0x4], $0x80, v3, vm0, $0xb8;
	[tilespmem:$0x10400] =	vst v63  }
0x19e: {  	p0 =	sne.s32 s8, $0x1;
	_ =	swait.ge [sflag:s30], $0x8000  }
.Ltmp0:
0x19f: {  	[sflag:s30] =	ssyncset.done $0x0;
	(pc) =	sbr.rel @p0 .LBB2_1-.Ltmp0, $4  }
0x1a0: {  	[sflag:s30] =	ssyncadd.s32 $0xFFFF8000  }
0x1a1: {  	_ =	swait.ge [sflag:s23], $0x8000  }
0x1a2: {  	[sflag:s23] =	ssyncset.done $0x0  }
0x1a3: {  	s8 =	sadd.s32 $0xFFFFFFFF, s8;
	[sflag:s23] =	ssyncadd.s32 $0xFFFF8000  }
0x1a4: {  	_ =	sfence.sel $0x180000  }
0x1a5: {  	[bflag:$0x0] =	sbarrier.arrive $0xFFFF  }
0x1a6: {  	_ =	strace $0x90000047  }
0x1a7: {  	s0 =	stileid.u32;
	[bflag:$0x2] =	sbarrier.arrive $0xFFFF  }
0x1a8: {  	p0 =	sne.s32 s0, $0x0;
	s0 =	rddreg [dreg:$0x2]  }
0x1a9: {  	s0 =	sadd.s32 @!p0 $0x100000, s0  }
0x1aa: {  	[sflag:s0] =	ssyncadd.tile.s32 @!p0 $0x1;
	_ =	shalt  }
.Lfunc_end2:
_tile_overlayer_lowered:
.L_overlay_start_2:
0x1ab: {  	(tag) =	ssettag $0x2  }
0x1ac: {  	s0 =	rddreg [dreg:$0x0];
	s2 =	stileid.u32  }
0x1ad: {  	s1 =	rddreg [dreg:$0x1];
	p0 =	sne.s32 s2, $0x0  }
0x1ae: {  	s3 =	rddreg [dreg:$0x2];
	[bflag:$0x3] =	sbarrier.arrive $0xFFFF;
	s2 =	simm.s32 @!p0 $0x1C05  }
0x1af: {  	[timem:s3], [sflag:s2] =	dma.local @!p0 [hbm:s0], s1  }
0x1b0: {  	s0 =	simm.s32 @!p0 $0x5  }
0x1b1: {  	_ =	swait.ge @!p0 [sflag:s0], s1  }
0x1b2: {  	s1 =	ssub.s32 @!p0 $0x0, s1;
	[sflag:s0] =	ssyncset.done @!p0 $0x0  }
0x1b3: {  	[sflag:s0] =	ssyncadd.s32 @!p0 s1  }
0x1b4: {  	[bflag:$0x3] =	sbarrier.arrive $0xFFFF  }
0x1b5: {  	_ =	shalt  }

// kernel: kernel.9.cloned.1.call-start
scs
__scs_entry_jumppad:
0x0: {  	(pc) =	sbr.rel $0x88, $3  }
0x1: {  	(tag) =	ssettag $0x0;
	lr =	simm.s32 $0x1  }
0x2: {  	[smem:$0x3F9A] =	sst lr;
	_ =	strace $0xD0000000  }
0x3: {  	_ = 	snop  }
0x4: {  	_ = 	snop  }
0x5: {  	_ = 	snop  }
0x6: {  	_ = 	snop  }
0x7: {  	_ = 	snop  }
__scs_overlays_trampoline_lowered:
0x8: {  	[smem:$0x3FA9] =	sst s0  }
0x9: {  	[smem:$0x3FAA] =	sst s1  }
0xa: {  	[smem:$0x3FAB] =	sst s2  }
0xb: {  	[smem:$0x3FAC] =	sst s3  }
0xc: {  	[smem:$0x3FAD] =	sst s4  }
0xd: {  	[smem:$0x3FAE] =	sst s5  }
0xe: {  	[smem:$0x3FAF] =	sst s6  }
0xf: {  	[smem:$0x3FB0] =	sst s7  }
0x10: {  	[smem:$0x3FB1] =	sst s8  }
0x11: {  	[smem:$0x3FB2] =	sst s9;
	s0 =	simm.s32 @!p0 $0x0  }
0x12: {  	s1 =	sld [smem:$0x3F98];
	s0 =	simm.s32 @p0 $0x1  }
0x13: {  	[smem:$0x3FB3] =	sst s0;
	s0 =	simm.s32 @!p1 $0x0  }
0x14: {  	s2 =	sld [smem:$0x3F97];
	s0 =	simm.s32 @p1 $0x1  }
0x15: {  	[smem:$0x3FB4] =	sst s0;
	s0 =	simm.s32 @!p2 $0x0  }
0x16: {  	s3 =	sld [smem:$0x3FDB];
	s0 =	simm.s32 @p2 $0x1  }
0x17: {  	s4 =	simm.s32 $0x1BF5;
	[smem:$0x3FB6] =	sst s0  }
0x18: {  	s0 =	sld [smem:$0x3F99];
	_ =	swait.ge [sflag:s4], $0x0  }
0x19: {  	s7 =	sld [smem:$0x3F9A]  }
0x1a: {  	s8 =	sadd.s32 $0xFFFFE003, lr  }
0x1b: {  	s9 =	sadd.s32 $0xFFFFFEF7, lr;
	s5 =	simm.s32 $0xFFFFFFFF;
	p2 =	slt.u32 s8, $0xFFFFF086  }
0x1c: {  	p1 =	slt.u32 s9, $0xF7A;
	s5 =	simm.s32 @!p2 $0x0  }
0x1d: {  	s5 =	simm.s32 @p1 $0x1;
	p0 =	seq.s32 s7, s2  }
0x1e: {  	s7 =	smul.u32 @!p0 $0xF7A, s2;
	p2 =	seq.s32 @!p0 s5, $0x0  }
0x1f: {  	s9 =	smul.u32 $0xF7A, s1;
	s8 =	simm.s32 @!p0 $0x1BF5;
	p2 =	por !p2, p0  }
0x20: {  	[sflag:s8] =	ssyncset.s32 @!p0 $0xFFFFF086;
	s6 =	sadd.s32 @!p0 s3, s7;
	s7 =	simm.s32 @!p0 $0x108  }
0x21: {  	s3 =	sadd.s32 s3, s9;
	s6 =	sadd.s32 @!p0 $0x88, s6;
	s7 =	simm.s32 @p2 $0x1082  }
0x22: {  	[simem:s7], [sflag:s8] =	dma.local @!p0 [hbm:s6], $0xF7A  }
0x23: {  	s9 =	sor.u32 $0xD0000000, s2;
	s6 =	simm.s32 $0x108;
	_ =	swait.ge @!p0 [sflag:s8], $0x0  }
0x24: {  	s3 =	sadd.s32 $0x88, s3;
	s6 =	simm.s32 @!p1 $0x1082;
	[sflag:s4] =	ssyncset.s32 $0xFFFFF086  }
0x25: {  	[simem:s6], [sflag:s4] =	dma.local [hbm:s3], $0xF7A  }
0x26: {  	[smem:$0x3F9A] =	sst s1;
	(tag) =	ssettag s2;
	_ =	strace s9  }
0x27: {  	s1 =	sld [smem:$0x3FAA]  }
0x28: {  	s2 =	sld [smem:$0x3FAB]  }
0x29: {  	s4 =	sld [smem:$0x3FAD]  }
0x2a: {  	p0 =	seq.s32 s5, $0x0;
	s5 =	sld [smem:$0x3FAE]  }
0x2b: {  	s6 =	sld [smem:$0x3FAF]  }
0x2c: {  	s7 =	sld [smem:$0x3FB0]  }
0x2d: {  	s3 =	simm.s32 $0x108;
	s8 =	sld [smem:$0x3FB1]  }
0x2e: {  	s3 =	simm.s32 @!p0 $0x1082;
	s9 =	sld [smem:$0x3FB2]  }
0x2f: {  	lr =	sadd.s32 s0, s3;
	s0 =	sld [smem:$0x3FA9]  }
0x30: {  	s3 =	sld [smem:$0x3FAC]  }
0x31: {  	[smem:$0x3FB5] =	sst s10  }
0x32: {  	s10 =	sld [smem:$0x3FB3];
	_ =	sdelay $0x3  }
0x33: {  	p0 =	seq.s32 s10, $0x1;
	s10 =	sld [smem:$0x3FB5];
	_ =	sdelay $0x3  }
0x34: {  	[smem:$0x3FB5] =	sst s10  }
0x35: {  	s10 =	sld [smem:$0x3FB4];
	_ =	sdelay $0x3  }
0x36: {  	p1 =	seq.s32 s10, $0x1;
	s10 =	sld [smem:$0x3FB5];
	_ =	sdelay $0x3  }
0x37: {  	[smem:$0x3FB5] =	sst s10  }
0x38: {  	s10 =	sld [smem:$0x3FB6]  }
0x39: {  	_ = 	snop;
	(pc) =	sbr.ind lr, $3  }
0x3a: {  	_ = 	snop  }
0x3b: {  	_ = 	snop  }
0x3c: {  	p2 =	seq.s32 s10, $0x1;
	s10 =	sld [smem:$0x3FB5]  }
0x3d: {  	_ =	shalt  }
0x3e: {  	_ =	shalt  }
0x3f: {  	_ =	shalt  }
0x40: {  	_ =	shalt  }
0x41: {  	_ =	shalt  }
0x42: {  	_ =	shalt  }
0x43: {  	_ =	shalt  }
0x44: {  	_ =	shalt  }
0x45: {  	_ =	shalt  }
0x46: {  	_ =	shalt  }
0x47: {  	_ =	shalt  }
0x48: {  	_ =	shalt  }
0x49: {  	_ =	shalt  }
0x4a: {  	_ =	shalt  }
0x4b: {  	_ =	shalt  }
0x4c: {  	_ =	shalt  }
0x4d: {  	_ =	shalt  }
0x4e: {  	_ =	shalt  }
0x4f: {  	_ =	shalt  }
0x50: {  	_ =	shalt  }
0x51: {  	_ =	shalt  }
0x52: {  	_ =	shalt  }
0x53: {  	_ =	shalt  }
0x54: {  	_ =	shalt  }
0x55: {  	_ =	shalt  }
0x56: {  	_ =	shalt  }
0x57: {  	_ =	shalt  }
0x58: {  	_ =	shalt  }
0x59: {  	_ =	shalt  }
0x5a: {  	_ =	shalt  }
0x5b: {  	_ =	shalt  }
0x5c: {  	_ =	shalt  }
0x5d: {  	_ =	shalt  }
0x5e: {  	_ =	shalt  }
0x5f: {  	_ =	shalt  }
0x60: {  	_ =	shalt  }
0x61: {  	_ =	shalt  }
0x62: {  	_ =	shalt  }
0x63: {  	_ =	shalt  }
0x64: {  	_ =	shalt  }
0x65: {  	_ =	shalt  }
0x66: {  	_ =	shalt  }
0x67: {  	_ =	shalt  }
0x68: {  	_ =	shalt  }
0x69: {  	_ =	shalt  }
0x6a: {  	_ =	shalt  }
0x6b: {  	_ =	shalt  }
0x6c: {  	_ =	shalt  }
0x6d: {  	_ =	shalt  }
0x6e: {  	_ =	shalt  }
0x6f: {  	_ =	shalt  }
0x70: {  	_ =	shalt  }
0x71: {  	_ =	shalt  }
0x72: {  	_ =	shalt  }
0x73: {  	_ =	shalt  }
0x74: {  	_ =	shalt  }
0x75: {  	_ =	shalt  }
0x76: {  	_ =	shalt  }
0x77: {  	_ =	shalt  }
0x78: {  	_ =	shalt  }
0x79: {  	_ =	shalt  }
0x7a: {  	_ =	shalt  }
0x7b: {  	_ =	shalt  }
0x7c: {  	_ =	shalt  }
0x7d: {  	_ =	shalt  }
0x7e: {  	_ =	shalt  }
0x7f: {  	_ =	shalt  }
0x80: {  	_ =	shalt  }
0x81: {  	_ =	shalt  }
0x82: {  	_ =	shalt  }
0x83: {  	_ =	shalt  }
0x84: {  	_ =	shalt  }
0x85: {  	_ =	shalt  }
0x86: {  	_ =	shalt  }
0x87: {  	_ =	shalt  }
.Lfunc_end0:
.L_simem_size_0:
called_computation.1_lowered:
.L_overlay_start_0:
0x88: {  	s2 =	sld [smem:$0x3FD9]  }
0x89: {  	s3 =	sld [smem:$0x3FFE];
	_ =	sdelay $0x1  }
0x8a: {  	s1 =	srdreg.scid  }
0x8b: {  	s0 =	sand.u32 $0x1, s1  }
0x8c: {  	s17 =	sshll.u32 s0, $0xA;
	s2 =	sadd.s32 s3, s2  }
0x8d: {  	s2 =	sadd.s32 s2, s17  }
0x8e: {  	[smem:$0x3FC1] =	sst s2  }
0x8f: {  	_ = 	snop  }
0x90: {  	s2 =	sld [smem:$0x3FD0];
	(tm) =	ssettm $0x1  }
0x91: {  	s18 =	sld [smem:$0x3FFB];
	_ =	sdelay $0x3  }
0x92: {  	_ =	strace s18  }
0x93: {  	s3 =	sld [smem:$0x3FFC];
	_ =	sdelay $0x3  }
0x94: {  	_ =	strace s3  }
0x95: {  	s3 =	sld [smem:$0x3FFD];
	_ =	sdelay $0x3  }
0x96: {  	_ =	strace s3  }
0x97: {  	_ =	strace $0x8FFFFFFF  }
0x98: {  	s19 =	sld [smem:$0x3FDB];
	_ =	sdelay $0x1  }
0x99: {  	s4 =	simm.s32 $_scs_section_size  }
0x9a: {  	s5 =	simm.s32 $_size__tile_overlayer_lowered;
	s6 =	simm.s32 $_tile_overlayer_lowered  }
0x9b: {  	s22 =	simm.s32 $0x1BFF;
	s21 =	sshll.u32 s6, $0x1;
	s3 =	sadd.s32 s4, s19  }
0x9c: {  	s7 =	simm.s32 $0x0;
	s20 =	sshll.u32 s5, $0x1;
	s5 =	sadd.s32 s21, s3  }
0x9d: {  	[timem:s7], [sflag:s22] =	dma.local [hbm:s5], s20  }
0x9e: {  	_ =	swait.ge [sflag:s22], s20  }
0x9f: {  	s4 =	ssub.s32 $0x0, s20;
	[sflag:s22] =	ssyncset.done $0x0  }
0xa0: {  	[sflag:s22] =	ssyncadd.s32 s4;
	_ =	sdelay $0x1  }
0xa1: {  	s23 =	simm.s32 $0x1B8B  }
0xa2: {  	_ =	swait.ge [sflag:s23], $0x1  }
0xa3: {  	[sflag:s23] =	ssyncset.done $0x0  }
0xa4: {  	s25 =	simm.s32 $0x1B8E;
	s24 =	sld [smem:$0x3FFE];
	[sflag:s23] =	ssyncadd.s32 $0xFFFFFFFF  }
0xa5: {  	s26 =	simm.s32 $execute0_lowered;
	[smem:$0x3FD2] =	sst s25  }
0xa6: {  	s5 =	sshll.u32 s26, $0x1;
	_ =	strace $0x80000049;
	[dreg:$0x1] =	wrdreg $0xFFFFFFFF  }
0xa7: {  	s28 =	simm.s32 $_size_execute0_lowered;
	s3 =	sadd.s32 s3, s5;
	[dreg:$0x0] =	wrdreg $0x0  }
0xa8: {  	s5 =	sshll.u32 s28, $0x1;
	[dreg:$0x2] =	wrdreg s3  }
0xa9: {  	[dreg:$0x3] =	wrdreg s5  }
0xaa: {  	[dreg:$0x4] =	wrdreg $0xC0  }
0xab: {  	_ =	task [dreg:s7], $0x5FFFF  }
0xac: {  	[dreg:$0x1] =	wrdreg $0xFFFFFFFF  }
0xad: {  	[dreg:$0x0] =	wrdreg $0x60  }
0xae: {  	[dreg:$0x2] =	wrdreg s24  }
0xaf: {  	[dreg:$0x3] =	wrdreg s2  }
0xb0: {  	[dreg:$0x4] =	wrdreg $0x9  }
0xb1: {  	_ =	task.clear_ibuf [dreg:s7], $0x5FFFF;
	_ =	strace $0x90000049  }
0xb2: {  	s29 =	simm.s32 $0x9;
	_ =	strace $0x8000004B  }
0xb3: {  	_ =	swait.ge [sflag:s29], $0x1  }
0xb4: {  	[sflag:s29] =	ssyncadd.s32 $0xFFFFFFFF  }
0xb5: {  	_ =	strace $0x9000004B  }
0xb6: {  	_ =	sfence  }
0xb7: {  	s30 =	sld [smem:$0x0];
	_ =	sdelay $0x2  }
0xb8: {  	s31 =	sshll.u32 s1, $0xD;
	s1 =	sshrl.u32 s1, $0x2  }
0xb9: {  	s3 =	sand.u32 $0x4000, s31;
	s1 =	sadd.s32 s1, s30  }
0xba: {  	s0 =	sor.u32 s3, s0;
	s1 =	sshll.u32 s1, $0x11  }
0xbb: {  	s0 =	sor.u32 s1, s0  }
0xbc: {  	s0 =	sadd.s32 $0x8F2B, s0  }
0xbd: {  	[sflag:s0] =	ssyncadd.remote.s32 $0x1  }
0xbe: {  	_ =	sfence.sel $0xFFFF  }
0xbf: {  	[dreg:$0x0] =	wrdreg $0xFFFFFFFF;
	(pc) =	sbr.abs _section_cstart, $3  }
0xc0: {  	[dreg:$0x1] =	wrdreg $0xFFFFFFFF  }
0xc1: {  	_ =	task.clear_ibuf [dreg:s7], $0x2FFFF;
	_ =	strace $0x9FFFFFFF  }
0xc2: {  	(tm) =	ssettm $0x7FFFFFFF  }
0xc3: {  	_ =	shalt  }
tec
execute0_lowered:
.L_overlay_start_1:
0x0: {  	(tag) =	ssettag $0x1  }
0x1: {  	s0 =	srdreg.scid  }
0x2: {  	s2 =	stileid.u32;
	s1 =	rddreg [dreg:$0x0]  }
0x3: {  	s3 =	rddreg [dreg:$0x1];
	s18 =	simm.s32 $0x400;
	s28 =	simm.s32 $0x8400  }
0x4: {  	s19 =	simm.s32 $0x2;
	s0 =	sand.u32 $0x1, s0;
	s2 =	sshll.u32 s2, $0x1  }
0x5: {  	s20 =	simm.s32 $0x3;
	s21 =	simm.s32 $0x4;
	s4 =	sor.u32 s0, s2  }
0x6: {  	s2 =	simm.s32 $0x0;
	s5 =	sshll.u32 s4, $0x7;
	s4 =	sshll.u32 s4, $0xF  }
0x7: {  	[smem:$0x7FF] =	sst s2;
	s5 =	sadd.s32 s5, s1;
	s8 =	sadd.s32 s3, s4  }
0x8: {  	_ =	strace $0x8000004A;
	s5 =	sadd.s32 $0x1A00, s5;
	[dreg:$0xb] =	wrdreg s8  }
0x9: {  	s6 =	sadd.s32 $0x182C00, s1;
	s3 =	sadd.s32 $0x1000, s8;
	[dreg:$0x3] =	wrdreg s5  }
0xa: {  	s7 =	sadd.s32 $0x182D00, s1;
	s23 =	sadd.s32 $0x2000, s8;
	[dreg:$0x4] =	wrdreg s3  }
0xb: {  	s0 =	ssub.s32 $0x2, s0;
	s25 =	sadd.s32 $0x3000, s8;
	[dreg:$0x5] =	wrdreg s23  }
0xc: {  	s24 =	sshrl.u32 s0, $0x1;
	s26 =	sadd.s32 $0x4000, s8;
	[dreg:$0x6] =	wrdreg s25  }
0xd: {  	s4 =	sadd.s32 $0x182A00, s1;
	s29 =	sadd.s32 $0x5000, s8;
	[dreg:$0x7] =	wrdreg s26  }
0xe: {  	v2 =	vlaneseq.u32;
	s0 =	ssub.s32 s0, s24;
	s30 =	sadd.s32 $0x6000, s8;
	[dreg:$0x8] =	wrdreg s29  }
0xf: {  	vm0 =	vmmov $0xffff;
	v1 =	vshrl.u32 v2, $0x3;
	s31 =	sadd.s32 $0x7000, s8;
	s8 =	smax.u32 s0, $0x1;
	[dreg:$0x9] =	wrdreg s30  }
0x10: {  	v0 =	vand.u32 $0x7, v2;
	v2 =	vor.u32 $0x8, v2;
	v1 =	vmul.u32 $0x8, v1;
	s5 =	sadd.s32 $0x182B00, s1;
	[dreg:$0xa] =	wrdreg s31;
	s26 =	simm.s32 $0x1  }
.LBB2_1:
0x11: {  	s22 =	rddreg [dreg:$0x3];
	s3 =	simm.s32 $0x5  }
0x12: {  	[tilespmem:s2], [sflag:$0x5] =	stream.linear.gather [hbm4b:s22+s2], $0x400, $0x38;
	[tilespmem:$0x10400] =	vst v63  }
0x13: {  	_ =	swait.ge [sflag:s3], $0x400  }
0x14: {  	[sflag:s3] =	ssyncset.done $0x0  }
0x15: {  	[sflag:s3] =	ssyncadd.s32 $0xFFFFFC00  }
0x16: {  	v3 =	vld [tilespmem:$0x0];
	_ =	sdelay $0x4  }
0x17: {  	v4 =	vshll.u32 v3, $0x3  }
0x18: {  	v3 =	vand.u32 $0x7, v3;
	v4 =	vand.u32 $0xFFFFFFC0, v4  }
0x19: {  	v3 =	vor.u32 v3, v4  }
0x1a: {  	v4 =	vperm.xlane v3, v0;
	_ =	sdelay $0x1  }
0x1b: {  	v4 =	vadd.s32 v1, v4;
	_ =	sdelay $0x4  }
0x1c: {  	[tilespmem:s18], [sflag:$0x1] =	stream.indirect_vreg.gather [hbm4b:s4+s2], $0x80, v4, vm0, $0xb8;
	[tilespmem:$0x10400] =	vst v63  }
0x1d: {  	s0 =	simm.s32 $0xC00;
	v3 =	vperm.xlane v3, v2  }
0x1e: {  	[tilespmem:s0], [sflag:$0x1] =	stream.indirect_vreg.gather [hbm4b:s5+s2], $0x80, v4, vm0, $0xb8;
	[tilespmem:$0x10400] =	vst v63  }
0x1f: {  	s9 =	simm.s32 $0x1400;
	v3 =	vadd.s32 v1, v3  }
0x20: {  	[tilespmem:s9], [sflag:$0x1] =	stream.indirect_vreg.gather [hbm4b:s6+s2], $0x80, v4, vm0, $0xb8;
	[tilespmem:$0x10400] =	vst v63  }
0x21: {  	s10 =	simm.s32 $0x1C00  }
0x22: {  	[tilespmem:s10], [sflag:$0x1] =	stream.indirect_vreg.gather [hbm4b:s7+s2], $0x80, v4, vm0, $0xb8;
	[tilespmem:$0x10400] =	vst v63  }
0x23: {  	s11 =	simm.s32 $0x2400  }
0x24: {  	[tilespmem:s11], [sflag:$0x1] =	stream.indirect_vreg.gather [hbm4b:s4+s2], $0x80, v3, vm0, $0xb8;
	[tilespmem:$0x10400] =	vst v63  }
0x25: {  	s12 =	simm.s32 $0x2C00  }
0x26: {  	[tilespmem:s12], [sflag:$0x1] =	stream.indirect_vreg.gather [hbm4b:s5+s2], $0x80, v3, vm0, $0xb8;
	[tilespmem:$0x10400] =	vst v63  }
0x27: {  	s13 =	simm.s32 $0x3400  }
0x28: {  	[tilespmem:s13], [sflag:$0x1] =	stream.indirect_vreg.gather [hbm4b:s6+s2], $0x80, v3, vm0, $0xb8;
	[tilespmem:$0x10400] =	vst v63  }
0x29: {  	s14 =	simm.s32 $0x3C00  }
0x2a: {  	[tilespmem:s14], [sflag:$0x1] =	stream.indirect_vreg.gather [hbm4b:s7+s2], $0x80, v3, vm0, $0xb8;
	[tilespmem:$0x10400] =	vst v63  }
0x2b: {  	v3 =	vld [tilespmem:$0x10];
	_ =	sdelay $0x4  }
0x2c: {  	v49 =	vshll.u32 v3, $0x3  }
0x2d: {  	v3 =	vand.u32 $0x7, v3;
	v4 =	vand.u32 $0xFFFFFFC0, v49  }
0x2e: {  	v3 =	vor.u32 v3, v4  }
0x2f: {  	v4 =	vperm.xlane v3, v0;
	_ =	sdelay $0x1  }
0x30: {  	v4 =	vadd.s32 v1, v4;
	_ =	sdelay $0x3  }
0x31: {  	s15 =	simm.s32 $0x4400  }
0x32: {  	[tilespmem:s15], [sflag:$0x1] =	stream.indirect_vreg.gather [hbm4b:s4+s2], $0x80, v4, vm0, $0xb8;
	[tilespmem:$0x10400] =	vst v63  }
0x33: {  	s16 =	simm.s32 $0x4C00;
	v3 =	vperm.xlane v3, v2  }
0x34: {  	[tilespmem:s16], [sflag:$0x1] =	stream.indirect_vreg.gather [hbm4b:s5+s2], $0x80, v4, vm0, $0xb8;
	[tilespmem:$0x10400] =	vst v63  }
0x35: {  	s22 =	simm.s32 $0x5400;
	v3 =	vadd.s32 v1, v3  }
0x36: {  	[tilespmem:s22], [sflag:$0x1] =	stream.indirect_vreg.gather [hbm4b:s6+s2], $0x80, v4, vm0, $0xb8;
	[tilespmem:$0x10400] =	vst v63  }
0x37: {  	s23 =	simm.s32 $0x5C00  }
0x38: {  	[tilespmem:s23], [sflag:$0x1] =	stream.indirect_vreg.gather [hbm4b:s7+s2], $0x80, v4, vm0, $0xb8;
	[tilespmem:$0x10400] =	vst v63  }
0x39: {  	s1 =	simm.s32 $0x6400  }
0x3a: {  	[tilespmem:s1], [sflag:$0x1] =	stream.indirect_vreg.gather [hbm4b:s4+s2], $0x80, v3, vm0, $0xb8;
	[tilespmem:$0x10400] =	vst v63  }
0x3b: {  	s3 =	simm.s32 $0x6C00  }
0x3c: {  	[tilespmem:s3], [sflag:$0x1] =	stream.indirect_vreg.gather [hbm4b:s5+s2], $0x80, v3, vm0, $0xb8;
	[tilespmem:$0x10400] =	vst v63  }
0x3d: {  	s9 =	simm.s32 $0x7400  }
0x3e: {  	[tilespmem:s9], [sflag:$0x1] =	stream.indirect_vreg.gather [hbm4b:s6+s2], $0x80, v3, vm0, $0xb8;
	[tilespmem:$0x10400] =	vst v63  }
0x3f: {  	s10 =	simm.s32 $0x7C00  }
0x40: {  	[tilespmem:s10], [sflag:$0x1] =	stream.indirect_vreg.gather [hbm4b:s7+s2], $0x80, v3, vm0, $0xb8;
	[tilespmem:$0x10400] =	vst v63  }
0x41: {  	_ =	swait.ge [sflag:s26], $0x8000  }
0x42: {  	[sflag:s26] =	ssyncset.done $0x0  }
0x43: {  	[sflag:s26] =	ssyncadd.s32 $0xFFFF8000  }
0x44: {  	v3 =	vld [tilespmem:$0x80];
	_ =	sdelay $0x4  }
0x45: {  	v50 =	vshll.u32 v3, $0x3  }
0x46: {  	v3 =	vand.u32 $0x7, v3;
	v4 =	vand.u32 $0xFFFFFFC0, v50  }
0x47: {  	v3 =	vor.u32 v3, v4  }
0x48: {  	v4 =	vperm.xlane v3, v0;
	_ =	sdelay $0x1  }
0x49: {  	v4 =	vadd.s32 v1, v4;
	_ =	sdelay $0x4  }
0x4a: {  	[tilespmem:s28], [sflag:$0x2] =	stream.indirect_vreg.gather [hbm4b:s4+s2], $0x80, v4, vm0, $0xb8;
	[tilespmem:$0x10400] =	vst v63  }
0x4b: {  	s15 =	simm.s32 $0x8C00;
	v3 =	vperm.xlane v3, v2  }
0x4c: {  	[tilespmem:s15], [sflag:$0x2] =	stream.indirect_vreg.gather [hbm4b:s5+s2], $0x80, v4, vm0, $0xb8;
	[tilespmem:$0x10400] =	vst v63  }
0x4d: {  	s11 =	simm.s32 $0x9400;
	v3 =	vadd.s32 v1, v3  }
0x4e: {  	[tilespmem:s11], [sflag:$0x2] =	stream.indirect_vreg.gather [hbm4b:s6+s2], $0x80, v4, vm0, $0xb8;
	[tilespmem:$0x10400] =	vst v63  }
0x4f: {  	s15 =	simm.s32 $0x9C00  }
0x50: {  	[tilespmem:s15], [sflag:$0x2] =	stream.indirect_vreg.gather [hbm4b:s7+s2], $0x80, v4, vm0, $0xb8;
	[tilespmem:$0x10400] =	vst v63  }
0x51: {  	s22 =	simm.s32 $0xA400  }
0x52: {  	[tilespmem:s22], [sflag:$0x2] =	stream.indirect_vreg.gather [hbm4b:s4+s2], $0x80, v3, vm0, $0xb8;
	[tilespmem:$0x10400] =	vst v63  }
0x53: {  	s23 =	simm.s32 $0xAC00  }
0x54: {  	[tilespmem:s23], [sflag:$0x2] =	stream.indirect_vreg.gather [hbm4b:s5+s2], $0x80, v3, vm0, $0xb8;
	[tilespmem:$0x10400] =	vst v63  }
0x55: {  	s9 =	simm.s32 $0xB400  }
0x56: {  	[tilespmem:s9], [sflag:$0x2] =	stream.indirect_vreg.gather [hbm4b:s6+s2], $0x80, v3, vm0, $0xb8;
	[tilespmem:$0x10400] =	vst v63  }
0x57: {  	s10 =	simm.s32 $0xBC00  }
0x58: {  	[tilespmem:s10], [sflag:$0x2] =	stream.indirect_vreg.gather [hbm4b:s7+s2], $0x80, v3, vm0, $0xb8;
	[tilespmem:$0x10400] =	vst v63  }
0x59: {  	v3 =	vld [tilespmem:$0x90];
	_ =	sdelay $0x4  }
0x5a: {  	v51 =	vshll.u32 v3, $0x3  }
0x5b: {  	v3 =	vand.u32 $0x7, v3;
	v4 =	vand.u32 $0xFFFFFFC0, v51  }
0x5c: {  	v3 =	vor.u32 v3, v4  }
0x5d: {  	v4 =	vperm.xlane v3, v0;
	_ =	sdelay $0x1  }
0x5e: {  	v4 =	vadd.s32 v1, v4;
	_ =	sdelay $0x3  }
0x5f: {  	s11 =	simm.s32 $0xC400  }
0x60: {  	[tilespmem:s11], [sflag:$0x2] =	stream.indirect_vreg.gather [hbm4b:s4+s2], $0x80, v4, vm0, $0xb8;
	[tilespmem:$0x10400] =	vst v63  }
0x61: {  	s22 =	simm.s32 $0xCC00;
	v3 =	vperm.xlane v3, v2  }
0x62: {  	[tilespmem:s22], [sflag:$0x2] =	stream.indirect_vreg.gather [hbm4b:s5+s2], $0x80, v4, vm0, $0xb8;
	[tilespmem:$0x10400] =	vst v63  }
0x63: {  	s23 =	simm.s32 $0xD400;
	v3 =	vadd.s32 v1, v3  }
0x64: {  	[tilespmem:s23], [sflag:$0x2] =	stream.indirect_vreg.gather [hbm4b:s6+s2], $0x80, v4, vm0, $0xb8;
	[tilespmem:$0x10400] =	vst v63  }
0x65: {  	s22 =	simm.s32 $0xDC00  }
0x66: {  	[tilespmem:s22], [sflag:$0x2] =	stream.indirect_vreg.gather [hbm4b:s7+s2], $0x80, v4, vm0, $0xb8;
	[tilespmem:$0x10400] =	vst v63  }
0x67: {  	s23 =	simm.s32 $0xE400  }
0x68: {  	[tilespmem:s23], [sflag:$0x2] =	stream.indirect_vreg.gather [hbm4b:s4+s2], $0x80, v3, vm0, $0xb8;
	[tilespmem:$0x10400] =	vst v63  }
0x69: {  	s22 =	simm.s32 $0xEC00  }
0x6a: {  	[tilespmem:s22], [sflag:$0x2] =	stream.indirect_vreg.gather [hbm4b:s5+s2], $0x80, v3, vm0, $0xb8;
	[tilespmem:$0x10400] =	vst v63  }
0x6b: {  	s23 =	simm.s32 $0xF400  }
0x6c: {  	[tilespmem:s23], [sflag:$0x2] =	stream.indirect_vreg.gather [hbm4b:s6+s2], $0x80, v3, vm0, $0xb8;
	[tilespmem:$0x10400] =	vst v63  }
0x6d: {  	s15 =	simm.s32 $0xFC00  }
0x6e: {  	[tilespmem:s15], [sflag:$0x2] =	stream.indirect_vreg.gather [hbm4b:s7+s2], $0x80, v3, vm0, $0xb8;
	[tilespmem:$0x10400] =	vst v63  }
0x6f: {  	s15 =	rddreg [dreg:$0xb]  }
0x70: {  	[hbm4b:s15+s2] =	stream.linear.scatter [tilespmem:s18], [sflag:$0x3], $0x8000, $0x38;
	[tilespmem:$0x10400] =	vst v63  }
0x71: {  	_ =	swait.ge [sflag:s19], $0x8000  }
0x72: {  	[sflag:s19] =	ssyncset.done $0x0  }
0x73: {  	[sflag:s19] =	ssyncadd.s32 $0xFFFF8000  }
0x74: {  	_ =	swait.ge [sflag:s20], $0x8000  }
0x75: {  	[sflag:s20] =	ssyncset.done $0x0  }
0x76: {  	[sflag:s20] =	ssyncadd.s32 $0xFFFF8000  }
0x77: {  	v3 =	vld [tilespmem:$0x100];
	_ =	sdelay $0x4  }
0x78: {  	v52 =	vshll.u32 v3, $0x3  }
0x79: {  	v3 =	vand.u32 $0x7, v3;
	v4 =	vand.u32 $0xFFFFFFC0, v52  }
0x7a: {  	v3 =	vor.u32 v3, v4  }
0x7b: {  	v4 =	vperm.xlane v3, v0;
	_ =	sdelay $0x1  }
0x7c: {  	v4 =	vadd.s32 v1, v4;
	_ =	sdelay $0x4  }
0x7d: {  	[tilespmem:s18], [sflag:$0x1] =	stream.indirect_vreg.gather [hbm4b:s4+s2], $0x80, v4, vm0, $0xb8;
	[tilespmem:$0x10400] =	vst v63  }
0x7e: {  	s17 =	simm.s32 $0xC00;
	v3 =	vperm.xlane v3, v2  }
0x7f: {  	[tilespmem:s17], [sflag:$0x1] =	stream.indirect_vreg.gather [hbm4b:s5+s2], $0x80, v4, vm0, $0xb8;
	[tilespmem:$0x10400] =	vst v63  }
0x80: {  	s24 =	simm.s32 $0x1400;
	v3 =	vadd.s32 v1, v3  }
0x81: {  	[tilespmem:s24], [sflag:$0x1] =	stream.indirect_vreg.gather [hbm4b:s6+s2], $0x80, v4, vm0, $0xb8;
	[tilespmem:$0x10400] =	vst v63  }
0x82: {  	s25 =	simm.s32 $0x1C00  }
0x83: {  	[tilespmem:s25], [sflag:$0x1] =	stream.indirect_vreg.gather [hbm4b:s7+s2], $0x80, v4, vm0, $0xb8;
	[tilespmem:$0x10400] =	vst v63  }
0x84: {  	s29 =	simm.s32 $0x2400  }
0x85: {  	[tilespmem:s29], [sflag:$0x1] =	stream.indirect_vreg.gather [hbm4b:s4+s2], $0x80, v3, vm0, $0xb8;
	[tilespmem:$0x10400] =	vst v63  }
0x86: {  	s30 =	simm.s32 $0x2C00  }
0x87: {  	[tilespmem:s30], [sflag:$0x1] =	stream.indirect_vreg.gather [hbm4b:s5+s2], $0x80, v3, vm0, $0xb8;
	[tilespmem:$0x10400] =	vst v63  }
0x88: {  	s31 =	simm.s32 $0x3400  }
0x89: {  	[tilespmem:s31], [sflag:$0x1] =	stream.indirect_vreg.gather [hbm4b:s6+s2], $0x80, v3, vm0, $0xb8;
	[tilespmem:$0x10400] =	vst v63  }
0x8a: {  	s14 =	simm.s32 $0x3C00  }
0x8b: {  	[tilespmem:s14], [sflag:$0x1] =	stream.indirect_vreg.gather [hbm4b:s7+s2], $0x80, v3, vm0, $0xb8;
	[tilespmem:$0x10400] =	vst v63  }
0x8c: {  	v3 =	vld [tilespmem:$0x110];
	_ =	sdelay $0x4  }
0x8d: {  	v53 =	vshll.u32 v3, $0x3  }
0x8e: {  	v3 =	vand.u32 $0x7, v3;
	v4 =	vand.u32 $0xFFFFFFC0, v53  }
0x8f: {  	v3 =	vor.u32 v3, v4  }
0x90: {  	v4 =	vperm.xlane v3, v0;
	_ =	sdelay $0x1  }
0x91: {  	v4 =	vadd.s32 v1, v4;
	_ =	sdelay $0x3  }
0x92: {  	s13 =	simm.s32 $0x4400  }
0x93: {  	[tilespmem:s13], [sflag:$0x1] =	stream.indirect_vreg.gather [hbm4b:s4+s2], $0x80, v4, vm0, $0xb8;
	[tilespmem:$0x10400] =	vst v63  }
0x94: {  	s16 =	simm.s32 $0x4C00;
	v3 =	vperm.xlane v3, v2  }
0x95: {  	[tilespmem:s16], [sflag:$0x1] =	stream.indirect_vreg.gather [hbm4b:s5+s2], $0x80, v4, vm0, $0xb8;
	[tilespmem:$0x10400] =	vst v63  }
0x96: {  	v3 =	vadd.s32 v1, v3;
	s13 =	simm.s32 $0x5400  }
0x97: {  	[tilespmem:s13], [sflag:$0x1] =	stream.indirect_vreg.gather [hbm4b:s6+s2], $0x80, v4, vm0, $0xb8;
	[tilespmem:$0x10400] =	vst v63  }
0x98: {  	s14 =	simm.s32 $0x5C00  }
0x99: {  	[tilespmem:s14], [sflag:$0x1] =	stream.indirect_vreg.gather [hbm4b:s7+s2], $0x80, v4, vm0, $0xb8;
	[tilespmem:$0x10400] =	vst v63  }
0x9a: {  	s15 =	simm.s32 $0x6400  }
0x9b: {  	[tilespmem:s15], [sflag:$0x1] =	stream.indirect_vreg.gather [hbm4b:s4+s2], $0x80, v3, vm0, $0xb8;
	[tilespmem:$0x10400] =	vst v63  }
0x9c: {  	s16 =	simm.s32 $0x6C00  }
0x9d: {  	[tilespmem:s16], [sflag:$0x1] =	stream.indirect_vreg.gather [hbm4b:s5+s2], $0x80, v3, vm0, $0xb8;
	[tilespmem:$0x10400] =	vst v63  }
0x9e: {  	s17 =	simm.s32 $0x7400  }
0x9f: {  	[tilespmem:s17], [sflag:$0x1] =	stream.indirect_vreg.gather [hbm4b:s6+s2], $0x80, v3, vm0, $0xb8;
	[tilespmem:$0x10400] =	vst v63  }
0xa0: {  	s12 =	simm.s32 $0x7C00  }
0xa1: {  	[tilespmem:s12], [sflag:$0x1] =	stream.indirect_vreg.gather [hbm4b:s7+s2], $0x80, v3, vm0, $0xb8;
	[tilespmem:$0x10400] =	vst v63  }
0xa2: {  	s31 =	rddreg [dreg:$0x4]  }
0xa3: {  	[hbm4b:s31+s2] =	stream.linear.scatter [tilespmem:s28], [sflag:$0x4], $0x8000, $0x38;
	[tilespmem:$0x10400] =	vst v63  }
0xa4: {  	_ =	swait.ge [sflag:s26], $0x8000  }
0xa5: {  	[sflag:s26] =	ssyncset.done $0x0  }
0xa6: {  	[sflag:s26] =	ssyncadd.s32 $0xFFFF8000  }
0xa7: {  	_ =	swait.ge [sflag:s21], $0x8000  }
0xa8: {  	[sflag:s21] =	ssyncset.done $0x0  }
0xa9: {  	[sflag:s21] =	ssyncadd.s32 $0xFFFF8000  }
0xaa: {  	v3 =	vld [tilespmem:$0x180];
	_ =	sdelay $0x4  }
0xab: {  	v54 =	vshll.u32 v3, $0x3  }
0xac: {  	v3 =	vand.u32 $0x7, v3;
	v4 =	vand.u32 $0xFFFFFFC0, v54  }
0xad: {  	v3 =	vor.u32 v3, v4  }
0xae: {  	v4 =	vperm.xlane v3, v0;
	_ =	sdelay $0x1  }
0xaf: {  	v4 =	vadd.s32 v1, v4;
	_ =	sdelay $0x4  }
0xb0: {  	[tilespmem:s28], [sflag:$0x2] =	stream.indirect_vreg.gather [hbm4b:s4+s2], $0x80, v4, vm0, $0xb8;
	[tilespmem:$0x10400] =	vst v63  }
0xb1: {  	s3 =	simm.s32 $0x8C00;
	v3 =	vperm.xlane v3, v2  }
0xb2: {  	[tilespmem:s3], [sflag:$0x2] =	stream.indirect_vreg.gather [hbm4b:s5+s2], $0x80, v4, vm0, $0xb8;
	[tilespmem:$0x10400] =	vst v63  }
0xb3: {  	s1 =	simm.s32 $0x9400;
	v3 =	vadd.s32 v1, v3  }
0xb4: {  	[tilespmem:s1], [sflag:$0x2] =	stream.indirect_vreg.gather [hbm4b:s6+s2], $0x80, v4, vm0, $0xb8;
	[tilespmem:$0x10400] =	vst v63  }
0xb5: {  	s0 =	simm.s32 $0x9C00  }
0xb6: {  	[tilespmem:s0], [sflag:$0x2] =	stream.indirect_vreg.gather [hbm4b:s7+s2], $0x80, v4, vm0, $0xb8;
	[tilespmem:$0x10400] =	vst v63  }
0xb7: {  	s0 =	simm.s32 $0xA400  }
0xb8: {  	[tilespmem:s0], [sflag:$0x2] =	stream.indirect_vreg.gather [hbm4b:s4+s2], $0x80, v3, vm0, $0xb8;
	[tilespmem:$0x10400] =	vst v63  }
0xb9: {  	s1 =	simm.s32 $0xAC00  }
0xba: {  	[tilespmem:s1], [sflag:$0x2] =	stream.indirect_vreg.gather [hbm4b:s5+s2], $0x80, v3, vm0, $0xb8;
	[tilespmem:$0x10400] =	vst v63  }
0xbb: {  	s3 =	simm.s32 $0xB400  }
0xbc: {  	[tilespmem:s3], [sflag:$0x2] =	stream.indirect_vreg.gather [hbm4b:s6+s2], $0x80, v3, vm0, $0xb8;
	[tilespmem:$0x10400] =	vst v63  }
0xbd: {  	s9 =	simm.s32 $0xBC00  }
0xbe: {  	[tilespmem:s9], [sflag:$0x2] =	stream.indirect_vreg.gather [hbm4b:s7+s2], $0x80, v3, vm0, $0xb8;
	[tilespmem:$0x10400] =	vst v63  }
0xbf: {  	v3 =	vld [tilespmem:$0x190];
	_ =	sdelay $0x4  }
0xc0: {  	v55 =	vshll.u32 v3, $0x3  }
0xc1: {  	v3 =	vand.u32 $0x7, v3;
	v4 =	vand.u32 $0xFFFFFFC0, v55  }
0xc2: {  	v3 =	vor.u32 v3, v4  }
0xc3: {  	v4 =	vperm.xlane v3, v0;
	_ =	sdelay $0x1  }
0xc4: {  	v4 =	vadd.s32 v1, v4;
	_ =	sdelay $0x3  }
0xc5: {  	s10 =	simm.s32 $0xC400  }
0xc6: {  	[tilespmem:s10], [sflag:$0x2] =	stream.indirect_vreg.gather [hbm4b:s4+s2], $0x80, v4, vm0, $0xb8;
	[tilespmem:$0x10400] =	vst v63  }
0xc7: {  	s11 =	simm.s32 $0xCC00;
	v3 =	vperm.xlane v3, v2  }
0xc8: {  	[tilespmem:s11], [sflag:$0x2] =	stream.indirect_vreg.gather [hbm4b:s5+s2], $0x80, v4, vm0, $0xb8;
	[tilespmem:$0x10400] =	vst v63  }
0xc9: {  	s9 =	simm.s32 $0xD400;
	v3 =	vadd.s32 v1, v3  }
0xca: {  	[tilespmem:s9], [sflag:$0x2] =	stream.indirect_vreg.gather [hbm4b:s6+s2], $0x80, v4, vm0, $0xb8;
	[tilespmem:$0x10400] =	vst v63  }
0xcb: {  	s10 =	simm.s32 $0xDC00  }
0xcc: {  	[tilespmem:s10], [sflag:$0x2] =	stream.indirect_vreg.gather [hbm4b:s7+s2], $0x80, v4, vm0, $0xb8;
	[tilespmem:$0x10400] =	vst v63  }
0xcd: {  	s11 =	simm.s32 $0xE400  }
0xce: {  	[tilespmem:s11], [sflag:$0x2] =	stream.indirect_vreg.gather [hbm4b:s4+s2], $0x80, v3, vm0, $0xb8;
	[tilespmem:$0x10400] =	vst v63  }
0xcf: {  	s12 =	simm.s32 $0xEC00  }
0xd0: {  	[tilespmem:s12], [sflag:$0x2] =	stream.indirect_vreg.gather [hbm4b:s5+s2], $0x80, v3, vm0, $0xb8;
	[tilespmem:$0x10400] =	vst v63  }
0xd1: {  	s23 =	simm.s32 $0xF400  }
0xd2: {  	[tilespmem:s23], [sflag:$0x2] =	stream.indirect_vreg.gather [hbm4b:s6+s2], $0x80, v3, vm0, $0xb8;
	[tilespmem:$0x10400] =	vst v63  }
0xd3: {  	s24 =	simm.s32 $0xFC00  }
0xd4: {  	[tilespmem:s24], [sflag:$0x2] =	stream.indirect_vreg.gather [hbm4b:s7+s2], $0x80, v3, vm0, $0xb8;
	[tilespmem:$0x10400] =	vst v63  }
0xd5: {  	s22 =	rddreg [dreg:$0x5]  }
0xd6: {  	[hbm4b:s22+s2] =	stream.linear.scatter [tilespmem:s18], [sflag:$0x3], $0x8000, $0x38;
	[tilespmem:$0x10400] =	vst v63  }
0xd7: {  	_ =	swait.ge [sflag:s19], $0x8000  }
0xd8: {  	[sflag:s19] =	ssyncset.done $0x0  }
0xd9: {  	[sflag:s19] =	ssyncadd.s32 $0xFFFF8000  }
0xda: {  	_ =	swait.ge [sflag:s20], $0x8000  }
0xdb: {  	[sflag:s20] =	ssyncset.done $0x0  }
0xdc: {  	[sflag:s20] =	ssyncadd.s32 $0xFFFF8000  }
0xdd: {  	v3 =	vld [tilespmem:$0x200];
	_ =	sdelay $0x4  }
0xde: {  	v56 =	vshll.u32 v3, $0x3  }
0xdf: {  	v3 =	vand.u32 $0x7, v3;
	v4 =	vand.u32 $0xFFFFFFC0, v56  }
0xe0: {  	v3 =	vor.u32 v3, v4  }
0xe1: {  	v4 =	vperm.xlane v3, v0;
	_ =	sdelay $0x1  }
0xe2: {  	v4 =	vadd.s32 v1, v4;
	_ =	sdelay $0x4  }
0xe3: {  	[tilespmem:s18], [sflag:$0x1] =	stream.indirect_vreg.gather [hbm4b:s4+s2], $0x80, v4, vm0, $0xb8;
	[tilespmem:$0x10400] =	vst v63  }
0xe4: {  	s23 =	simm.s32 $0xC00;
	v3 =	vperm.xlane v3, v2  }
0xe5: {  	[tilespmem:s23], [sflag:$0x1] =	stream.indirect_vreg.gather [hbm4b:s5+s2], $0x80, v4, vm0, $0xb8;
	[tilespmem:$0x10400] =	vst v63  }
0xe6: {  	v3 =	vadd.s32 v1, v3;
	s23 =	simm.s32 $0x1400  }
0xe7: {  	[tilespmem:s23], [sflag:$0x1] =	stream.indirect_vreg.gather [hbm4b:s6+s2], $0x80, v4, vm0, $0xb8;
	[tilespmem:$0x10400] =	vst v63  }
0xe8: {  	s23 =	simm.s32 $0x1C00  }
0xe9: {  	[tilespmem:s23], [sflag:$0x1] =	stream.indirect_vreg.gather [hbm4b:s7+s2], $0x80, v4, vm0, $0xb8;
	[tilespmem:$0x10400] =	vst v63  }
0xea: {  	s23 =	simm.s32 $0x2400  }
0xeb: {  	[tilespmem:s23], [sflag:$0x1] =	stream.indirect_vreg.gather [hbm4b:s4+s2], $0x80, v3, vm0, $0xb8;
	[tilespmem:$0x10400] =	vst v63  }
0xec: {  	s23 =	simm.s32 $0x2C00  }
0xed: {  	[tilespmem:s23], [sflag:$0x1] =	stream.indirect_vreg.gather [hbm4b:s5+s2], $0x80, v3, vm0, $0xb8;
	[tilespmem:$0x10400] =	vst v63  }
0xee: {  	s23 =	simm.s32 $0x3400  }
0xef: {  	[tilespmem:s23], [sflag:$0x1] =	stream.indirect_vreg.gather [hbm4b:s6+s2], $0x80, v3, vm0, $0xb8;
	[tilespmem:$0x10400] =	vst v63  }
0xf0: {  	s23 =	simm.s32 $0x3C00  }
0xf1: {  	[tilespmem:s23], [sflag:$0x1] =	stream.indirect_vreg.gather [hbm4b:s7+s2], $0x80, v3, vm0, $0xb8;
	[tilespmem:$0x10400] =	vst v63  }
0xf2: {  	v3 =	vld [tilespmem:$0x210];
	_ =	sdelay $0x4  }
0xf3: {  	v57 =	vshll.u32 v3, $0x3  }
0xf4: {  	v3 =	vand.u32 $0x7, v3;
	v4 =	vand.u32 $0xFFFFFFC0, v57  }
0xf5: {  	v3 =	vor.u32 v3, v4  }
0xf6: {  	v4 =	vperm.xlane v3, v0;
	_ =	sdelay $0x1  }
0xf7: {  	v4 =	vadd.s32 v1, v4;
	_ =	sdelay $0x3  }
0xf8: {  	s23 =	simm.s32 $0x4400  }
0xf9: {  	[tilespmem:s23], [sflag:$0x1] =	stream.indirect_vreg.gather [hbm4b:s4+s2], $0x80, v4, vm0, $0xb8;
	[tilespmem:$0x10400] =	vst v63  }
0xfa: {  	v3 =	vperm.xlane v3, v2;
	s23 =	simm.s32 $0x4C00  }
0xfb: {  	[tilespmem:s23], [sflag:$0x1] =	stream.indirect_vreg.gather [hbm4b:s5+s2], $0x80, v4, vm0, $0xb8;
	[tilespmem:$0x10400] =	vst v63  }
0xfc: {  	v3 =	vadd.s32 v1, v3  }
0xfd: {  	[tilespmem:s13], [sflag:$0x1] =	stream.indirect_vreg.gather [hbm4b:s6+s2], $0x80, v4, vm0, $0xb8;
	[tilespmem:$0x10400] =	vst v63  }
0xfe: {  	_ = 	snop  }
0xff: {  	[tilespmem:s14], [sflag:$0x1] =	stream.indirect_vreg.gather [hbm4b:s7+s2], $0x80, v4, vm0, $0xb8;
	[tilespmem:$0x10400] =	vst v63  }
0x100: {  	_ = 	snop  }
0x101: {  	[tilespmem:s15], [sflag:$0x1] =	stream.indirect_vreg.gather [hbm4b:s4+s2], $0x80, v3, vm0, $0xb8;
	[tilespmem:$0x10400] =	vst v63  }
0x102: {  	_ = 	snop  }
0x103: {  	[tilespmem:s16], [sflag:$0x1] =	stream.indirect_vreg.gather [hbm4b:s5+s2], $0x80, v3, vm0, $0xb8;
	[tilespmem:$0x10400] =	vst v63  }
0x104: {  	_ = 	snop  }
0x105: {  	[tilespmem:s17], [sflag:$0x1] =	stream.indirect_vreg.gather [hbm4b:s6+s2], $0x80, v3, vm0, $0xb8;
	[tilespmem:$0x10400] =	vst v63  }
0x106: {  	s23 =	simm.s32 $0x7C00  }
0x107: {  	[tilespmem:s23], [sflag:$0x1] =	stream.indirect_vreg.gather [hbm4b:s7+s2], $0x80, v3, vm0, $0xb8;
	[tilespmem:$0x10400] =	vst v63  }
0x108: {  	s22 =	rddreg [dreg:$0x6]  }
0x109: {  	[hbm4b:s22+s2] =	stream.linear.scatter [tilespmem:s28], [sflag:$0x4], $0x8000, $0x38;
	[tilespmem:$0x10400] =	vst v63  }
0x10a: {  	_ =	swait.ge [sflag:s26], $0x8000  }
0x10b: {  	[sflag:s26] =	ssyncset.done $0x0  }
0x10c: {  	[sflag:s26] =	ssyncadd.s32 $0xFFFF8000  }
0x10d: {  	_ =	swait.ge [sflag:s21], $0x8000  }
0x10e: {  	[sflag:s21] =	ssyncset.done $0x0  }
0x10f: {  	[sflag:s21] =	ssyncadd.s32 $0xFFFF8000  }
0x110: {  	v3 =	vld [tilespmem:$0x280];
	_ =	sdelay $0x4  }
0x111: {  	v58 =	vshll.u32 v3, $0x3  }
0x112: {  	v3 =	vand.u32 $0x7, v3;
	v4 =	vand.u32 $0xFFFFFFC0, v58  }
0x113: {  	v3 =	vor.u32 v3, v4  }
0x114: {  	v4 =	vperm.xlane v3, v0;
	_ =	sdelay $0x1  }
0x115: {  	v4 =	vadd.s32 v1, v4;
	_ =	sdelay $0x4  }
0x116: {  	[tilespmem:s28], [sflag:$0x2] =	stream.indirect_vreg.gather [hbm4b:s4+s2], $0x80, v4, vm0, $0xb8;
	[tilespmem:$0x10400] =	vst v63  }
0x117: {  	s30 =	simm.s32 $0x8C00;
	v3 =	vperm.xlane v3, v2  }
0x118: {  	[tilespmem:s30], [sflag:$0x2] =	stream.indirect_vreg.gather [hbm4b:s5+s2], $0x80, v4, vm0, $0xb8;
	[tilespmem:$0x10400] =	vst v63  }
0x119: {  	s29 =	simm.s32 $0x9400;
	v3 =	vadd.s32 v1, v3  }
0x11a: {  	[tilespmem:s29], [sflag:$0x2] =	stream.indirect_vreg.gather [hbm4b:s6+s2], $0x80, v4, vm0, $0xb8;
	[tilespmem:$0x10400] =	vst v63  }
0x11b: {  	s29 =	simm.s32 $0x9C00  }
0x11c: {  	[tilespmem:s29], [sflag:$0x2] =	stream.indirect_vreg.gather [hbm4b:s7+s2], $0x80, v4, vm0, $0xb8;
	[tilespmem:$0x10400] =	vst v63  }
0x11d: {  	_ = 	snop  }
0x11e: {  	[tilespmem:s0], [sflag:$0x2] =	stream.indirect_vreg.gather [hbm4b:s4+s2], $0x80, v3, vm0, $0xb8;
	[tilespmem:$0x10400] =	vst v63  }
0x11f: {  	_ = 	snop  }
0x120: {  	[tilespmem:s1], [sflag:$0x2] =	stream.indirect_vreg.gather [hbm4b:s5+s2], $0x80, v3, vm0, $0xb8;
	[tilespmem:$0x10400] =	vst v63  }
0x121: {  	_ = 	snop  }
0x122: {  	[tilespmem:s3], [sflag:$0x2] =	stream.indirect_vreg.gather [hbm4b:s6+s2], $0x80, v3, vm0, $0xb8;
	[tilespmem:$0x10400] =	vst v63  }
0x123: {  	s31 =	simm.s32 $0xBC00  }
0x124: {  	[tilespmem:s31], [sflag:$0x2] =	stream.indirect_vreg.gather [hbm4b:s7+s2], $0x80, v3, vm0, $0xb8;
	[tilespmem:$0x10400] =	vst v63  }
0x125: {  	v3 =	vld [tilespmem:$0x290];
	_ =	sdelay $0x4  }
0x126: {  	v59 =	vshll.u32 v3, $0x3  }
0x127: {  	v3 =	vand.u32 $0x7, v3;
	v4 =	vand.u32 $0xFFFFFFC0, v59  }
0x128: {  	v3 =	vor.u32 v3, v4  }
0x129: {  	v4 =	vperm.xlane v3, v0;
	_ =	sdelay $0x1  }
0x12a: {  	v4 =	vadd.s32 v1, v4;
	_ =	sdelay $0x3  }
0x12b: {  	s31 =	simm.s32 $0xC400  }
0x12c: {  	[tilespmem:s31], [sflag:$0x2] =	stream.indirect_vreg.gather [hbm4b:s4+s2], $0x80, v4, vm0, $0xb8;
	[tilespmem:$0x10400] =	vst v63  }
0x12d: {  	s22 =	simm.s32 $0xCC00;
	v3 =	vperm.xlane v3, v2  }
0x12e: {  	[tilespmem:s22], [sflag:$0x2] =	stream.indirect_vreg.gather [hbm4b:s5+s2], $0x80, v4, vm0, $0xb8;
	[tilespmem:$0x10400] =	vst v63  }
0x12f: {  	v3 =	vadd.s32 v1, v3  }
0x130: {  	[tilespmem:s9], [sflag:$0x2] =	stream.indirect_vreg.gather [hbm4b:s6+s2], $0x80, v4, vm0, $0xb8;
	[tilespmem:$0x10400] =	vst v63  }
0x131: {  	_ = 	snop  }
0x132: {  	[tilespmem:s10], [sflag:$0x2] =	stream.indirect_vreg.gather [hbm4b:s7+s2], $0x80, v4, vm0, $0xb8;
	[tilespmem:$0x10400] =	vst v63  }
0x133: {  	_ = 	snop  }
0x134: {  	[tilespmem:s11], [sflag:$0x2] =	stream.indirect_vreg.gather [hbm4b:s4+s2], $0x80, v3, vm0, $0xb8;
	[tilespmem:$0x10400] =	vst v63  }
0x135: {  	_ = 	snop  }
0x136: {  	[tilespmem:s12], [sflag:$0x2] =	stream.indirect_vreg.gather [hbm4b:s5+s2], $0x80, v3, vm0, $0xb8;
	[tilespmem:$0x10400] =	vst v63  }
0x137: {  	s25 =	simm.s32 $0xF400  }
0x138: {  	[tilespmem:s25], [sflag:$0x2] =	stream.indirect_vreg.gather [hbm4b:s6+s2], $0x80, v3, vm0, $0xb8;
	[tilespmem:$0x10400] =	vst v63  }
0x139: {  	s24 =	simm.s32 $0xFC00  }
0x13a: {  	[tilespmem:s24], [sflag:$0x2] =	stream.indirect_vreg.gather [hbm4b:s7+s2], $0x80, v3, vm0, $0xb8;
	[tilespmem:$0x10400] =	vst v63  }
0x13b: {  	s22 =	rddreg [dreg:$0x7]  }
0x13c: {  	[hbm4b:s22+s2] =	stream.linear.scatter [tilespmem:s18], [sflag:$0x3], $0x8000, $0x38;
	[tilespmem:$0x10400] =	vst v63  }
0x13d: {  	_ =	swait.ge [sflag:s19], $0x8000  }
0x13e: {  	[sflag:s19] =	ssyncset.done $0x0  }
0x13f: {  	[sflag:s19] =	ssyncadd.s32 $0xFFFF8000  }
0x140: {  	_ =	swait.ge [sflag:s20], $0x8000  }
0x141: {  	[sflag:s20] =	ssyncset.done $0x0  }
0x142: {  	[sflag:s20] =	ssyncadd.s32 $0xFFFF8000  }
0x143: {  	v3 =	vld [tilespmem:$0x300];
	_ =	sdelay $0x4  }
0x144: {  	v60 =	vshll.u32 v3, $0x3  }
0x145: {  	v3 =	vand.u32 $0x7, v3;
	v4 =	vand.u32 $0xFFFFFFC0, v60  }
0x146: {  	v3 =	vor.u32 v3, v4  }
0x147: {  	v4 =	vperm.xlane v3, v0;
	_ =	sdelay $0x1  }
0x148: {  	v4 =	vadd.s32 v1, v4;
	_ =	sdelay $0x4  }
0x149: {  	[tilespmem:s18], [sflag:$0x1] =	stream.indirect_vreg.gather [hbm4b:s4+s2], $0x80, v4, vm0, $0xb8;
	[tilespmem:$0x10400] =	vst v63  }
0x14a: {  	s22 =	simm.s32 $0xC00;
	v3 =	vperm.xlane v3, v2  }
0x14b: {  	[tilespmem:s22], [sflag:$0x1] =	stream.indirect_vreg.gather [hbm4b:s5+s2], $0x80, v4, vm0, $0xb8;
	[tilespmem:$0x10400] =	vst v63  }
0x14c: {  	v3 =	vadd.s32 v1, v3;
	s22 =	simm.s32 $0x1400  }
0x14d: {  	[tilespmem:s22], [sflag:$0x1] =	stream.indirect_vreg.gather [hbm4b:s6+s2], $0x80, v4, vm0, $0xb8;
	[tilespmem:$0x10400] =	vst v63  }
0x14e: {  	s22 =	simm.s32 $0x1C00  }
0x14f: {  	[tilespmem:s22], [sflag:$0x1] =	stream.indirect_vreg.gather [hbm4b:s7+s2], $0x80, v4, vm0, $0xb8;
	[tilespmem:$0x10400] =	vst v63  }
0x150: {  	s22 =	simm.s32 $0x2400  }
0x151: {  	[tilespmem:s22], [sflag:$0x1] =	stream.indirect_vreg.gather [hbm4b:s4+s2], $0x80, v3, vm0, $0xb8;
	[tilespmem:$0x10400] =	vst v63  }
0x152: {  	s22 =	simm.s32 $0x2C00  }
0x153: {  	[tilespmem:s22], [sflag:$0x1] =	stream.indirect_vreg.gather [hbm4b:s5+s2], $0x80, v3, vm0, $0xb8;
	[tilespmem:$0x10400] =	vst v63  }
0x154: {  	s22 =	simm.s32 $0x3400  }
0x155: {  	[tilespmem:s22], [sflag:$0x1] =	stream.indirect_vreg.gather [hbm4b:s6+s2], $0x80, v3, vm0, $0xb8;
	[tilespmem:$0x10400] =	vst v63  }
0x156: {  	s22 =	simm.s32 $0x3C00  }
0x157: {  	[tilespmem:s22], [sflag:$0x1] =	stream.indirect_vreg.gather [hbm4b:s7+s2], $0x80, v3, vm0, $0xb8;
	[tilespmem:$0x10400] =	vst v63  }
0x158: {  	v3 =	vld [tilespmem:$0x310];
	_ =	sdelay $0x4  }
0x159: {  	v61 =	vshll.u32 v3, $0x3  }
0x15a: {  	v3 =	vand.u32 $0x7, v3;
	v4 =	vand.u32 $0xFFFFFFC0, v61  }
0x15b: {  	v3 =	vor.u32 v3, v4  }
0x15c: {  	v4 =	vperm.xlane v3, v0;
	_ =	sdelay $0x1  }
0x15d: {  	v4 =	vadd.s32 v1, v4;
	_ =	sdelay $0x3  }
0x15e: {  	s22 =	simm.s32 $0x4400  }
0x15f: {  	[tilespmem:s22], [sflag:$0x1] =	stream.indirect_vreg.gather [hbm4b:s4+s2], $0x80, v4, vm0, $0xb8;
	[tilespmem:$0x10400] =	vst v63  }
0x160: {  	v3 =	vperm.xlane v3, v2;
	s22 =	simm.s32 $0x4C00  }
0x161: {  	[tilespmem:s22], [sflag:$0x1] =	stream.indirect_vreg.gather [hbm4b:s5+s2], $0x80, v4, vm0, $0xb8;
	[tilespmem:$0x10400] =	vst v63  }
0x162: {  	s13 =	simm.s32 $0x5400;
	v3 =	vadd.s32 v1, v3  }
0x163: {  	[tilespmem:s13], [sflag:$0x1] =	stream.indirect_vreg.gather [hbm4b:s6+s2], $0x80, v4, vm0, $0xb8;
	[tilespmem:$0x10400] =	vst v63  }
0x164: {  	s14 =	simm.s32 $0x5C00  }
0x165: {  	[tilespmem:s14], [sflag:$0x1] =	stream.indirect_vreg.gather [hbm4b:s7+s2], $0x80, v4, vm0, $0xb8;
	[tilespmem:$0x10400] =	vst v63  }
0x166: {  	s15 =	simm.s32 $0x6400  }
0x167: {  	[tilespmem:s15], [sflag:$0x1] =	stream.indirect_vreg.gather [hbm4b:s4+s2], $0x80, v3, vm0, $0xb8;
	[tilespmem:$0x10400] =	vst v63  }
0x168: {  	s16 =	simm.s32 $0x6C00  }
0x169: {  	[tilespmem:s16], [sflag:$0x1] =	stream.indirect_vreg.gather [hbm4b:s5+s2], $0x80, v3, vm0, $0xb8;
	[tilespmem:$0x10400] =	vst v63  }
0x16a: {  	s17 =	simm.s32 $0x7400  }
0x16b: {  	[tilespmem:s17], [sflag:$0x1] =	stream.indirect_vreg.gather [hbm4b:s6+s2], $0x80, v3, vm0, $0xb8;
	[tilespmem:$0x10400] =	vst v63  }
0x16c: {  	s17 =	simm.s32 $0x7C00  }
0x16d: {  	[tilespmem:s17], [sflag:$0x1] =	stream.indirect_vreg.gather [hbm4b:s7+s2], $0x80, v3, vm0, $0xb8;
	[tilespmem:$0x10400] =	vst v63  }
0x16e: {  	s16 =	rddreg [dreg:$0x8]  }
0x16f: {  	[hbm4b:s16+s2] =	stream.linear.scatter [tilespmem:s28], [sflag:$0x4], $0x8000, $0x38;
	[tilespmem:$0x10400] =	vst v63  }
0x170: {  	_ =	swait.ge [sflag:s26], $0x8000  }
0x171: {  	[sflag:s26] =	ssyncset.done $0x0  }
0x172: {  	[sflag:s26] =	ssyncadd.s32 $0xFFFF8000  }
0x173: {  	_ =	swait.ge [sflag:s21], $0x8000  }
0x174: {  	[sflag:s21] =	ssyncset.done $0x0  }
0x175: {  	[sflag:s21] =	ssyncadd.s32 $0xFFFF8000  }
0x176: {  	v3 =	vld [tilespmem:$0x380];
	_ =	sdelay $0x4  }
0x177: {  	v62 =	vshll.u32 v3, $0x3  }
0x178: {  	v3 =	vand.u32 $0x7, v3;
	v4 =	vand.u32 $0xFFFFFFC0, v62  }
0x179: {  	v3 =	vor.u32 v3, v4  }
0x17a: {  	v4 =	vperm.xlane v3, v0;
	_ =	sdelay $0x1  }
0x17b: {  	v4 =	vadd.s32 v1, v4;
	_ =	sdelay $0x4  }
0x17c: {  	[tilespmem:s28], [sflag:$0x2] =	stream.indirect_vreg.gather [hbm4b:s4+s2], $0x80, v4, vm0, $0xb8;
	[tilespmem:$0x10400] =	vst v63  }
0x17d: {  	s30 =	simm.s32 $0x8C00;
	v3 =	vperm.xlane v3, v2  }
0x17e: {  	[tilespmem:s30], [sflag:$0x2] =	stream.indirect_vreg.gather [hbm4b:s5+s2], $0x80, v4, vm0, $0xb8;
	[tilespmem:$0x10400] =	vst v63  }
0x17f: {  	s22 =	simm.s32 $0x9400;
	v3 =	vadd.s32 v1, v3  }
0x180: {  	[tilespmem:s22], [sflag:$0x2] =	stream.indirect_vreg.gather [hbm4b:s6+s2], $0x80, v4, vm0, $0xb8;
	[tilespmem:$0x10400] =	vst v63  }
0x181: {  	s23 =	simm.s32 $0x9C00  }
0x182: {  	[tilespmem:s23], [sflag:$0x2] =	stream.indirect_vreg.gather [hbm4b:s7+s2], $0x80, v4, vm0, $0xb8;
	[tilespmem:$0x10400] =	vst v63  }
0x183: {  	s0 =	simm.s32 $0xA400  }
0x184: {  	[tilespmem:s0], [sflag:$0x2] =	stream.indirect_vreg.gather [hbm4b:s4+s2], $0x80, v3, vm0, $0xb8;
	[tilespmem:$0x10400] =	vst v63  }
0x185: {  	s1 =	simm.s32 $0xAC00  }
0x186: {  	[tilespmem:s1], [sflag:$0x2] =	stream.indirect_vreg.gather [hbm4b:s5+s2], $0x80, v3, vm0, $0xb8;
	[tilespmem:$0x10400] =	vst v63  }
0x187: {  	s3 =	simm.s32 $0xB400  }
0x188: {  	[tilespmem:s3], [sflag:$0x2] =	stream.indirect_vreg.gather [hbm4b:s6+s2], $0x80, v3, vm0, $0xb8;
	[tilespmem:$0x10400] =	vst v63  }
0x189: {  	s29 =	simm.s32 $0xBC00  }
0x18a: {  	[tilespmem:s29], [sflag:$0x2] =	stream.indirect_vreg.gather [hbm4b:s7+s2], $0x80, v3, vm0, $0xb8;
	[tilespmem:$0x10400] =	vst v63  }
0x18b: {  	v3 =	vld [tilespmem:$0x390];
	_ =	sdelay $0x4  }
0x18c: {  	v63 =	vshll.u32 v3, $0x3  }
0x18d: {  	v3 =	vand.u32 $0x7, v3;
	v4 =	vand.u32 $0xFFFFFFC0, v63  }
0x18e: {  	v3 =	vor.u32 v3, v4  }
0x18f: {  	v4 =	vperm.xlane v3, v0;
	_ =	sdelay $0x1  }
0x190: {  	v4 =	vadd.s32 v1, v4;
	_ =	sdelay $0x3  }
0x191: {  	s31 =	simm.s32 $0xC400  }
0x192: {  	[tilespmem:s31], [sflag:$0x2] =	stream.indirect_vreg.gather [hbm4b:s4+s2], $0x80, v4, vm0, $0xb8;
	[tilespmem:$0x10400] =	vst v63  }
0x193: {  	s29 =	simm.s32 $0xCC00;
	v3 =	vperm.xlane v3, v2  }
0x194: {  	[tilespmem:s29], [sflag:$0x2] =	stream.indirect_vreg.gather [hbm4b:s5+s2], $0x80, v4, vm0, $0xb8;
	[tilespmem:$0x10400] =	vst v63  }
0x195: {  	s9 =	simm.s32 $0xD400;
	v3 =	vadd.s32 v1, v3  }
0x196: {  	[tilespmem:s9], [sflag:$0x2] =	stream.indirect_vreg.gather [hbm4b:s6+s2], $0x80, v4, vm0, $0xb8;
	[tilespmem:$0x10400] =	vst v63  }
0x197: {  	s10 =	simm.s32 $0xDC00  }
0x198: {  	[tilespmem:s10], [sflag:$0x2] =	stream.indirect_vreg.gather [hbm4b:s7+s2], $0x80, v4, vm0, $0xb8;
	[tilespmem:$0x10400] =	vst v63  }
0x199: {  	s11 =	simm.s32 $0xE400  }
0x19a: {  	[tilespmem:s11], [sflag:$0x2] =	stream.indirect_vreg.gather [hbm4b:s4+s2], $0x80, v3, vm0, $0xb8;
	[tilespmem:$0x10400] =	vst v63  }
0x19b: {  	s12 =	simm.s32 $0xEC00  }
0x19c: {  	[tilespmem:s12], [sflag:$0x2] =	stream.indirect_vreg.gather [hbm4b:s5+s2], $0x80, v3, vm0, $0xb8;
	[tilespmem:$0x10400] =	vst v63  }
0x19d: {  	s25 =	simm.s32 $0xF400  }
0x19e: {  	[tilespmem:s25], [sflag:$0x2] =	stream.indirect_vreg.gather [hbm4b:s6+s2], $0x80, v3, vm0, $0xb8;
	[tilespmem:$0x10400] =	vst v63  }
0x19f: {  	s24 =	simm.s32 $0xFC00  }
0x1a0: {  	[tilespmem:s24], [sflag:$0x2] =	stream.indirect_vreg.gather [hbm4b:s7+s2], $0x80, v3, vm0, $0xb8;
	[tilespmem:$0x10400] =	vst v63  }
0x1a1: {  	s30 =	rddreg [dreg:$0x9]  }
0x1a2: {  	[hbm4b:s30+s2] =	stream.linear.scatter [tilespmem:s18], [sflag:$0x3], $0x8000, $0x38;
	[tilespmem:$0x10400] =	vst v63  }
0x1a3: {  	_ =	swait.ge [sflag:s19], $0x8000  }
0x1a4: {  	[sflag:s19] =	ssyncset.done $0x0  }
0x1a5: {  	s31 =	rddreg [dreg:$0xa];
	[sflag:s19] =	ssyncadd.s32 $0xFFFF8000  }
0x1a6: {  	[hbm4b:s31+s2] =	stream.linear.scatter [tilespmem:s28], [sflag:$0x4], $0x8000, $0x38;
	[tilespmem:$0x10400] =	vst v63  }
0x1a7: {  	p0 =	sne.s32 s8, $0x1;
	_ =	swait.ge [sflag:s20], $0x8000  }
.Ltmp0:
0x1a8: {  	[sflag:s20] =	ssyncset.done $0x0;
	(pc) =	sbr.rel @p0 .LBB2_1-.Ltmp0, $4  }
0x1a9: {  	[sflag:s20] =	ssyncadd.s32 $0xFFFF8000  }
0x1aa: {  	_ =	swait.ge [sflag:s21], $0x8000  }
0x1ab: {  	[sflag:s21] =	ssyncset.done $0x0  }
0x1ac: {  	s8 =	sadd.s32 $0xFFFFFFFF, s8;
	[sflag:s21] =	ssyncadd.s32 $0xFFFF8000  }
0x1ad: {  	_ =	sfence.sel $0x180000  }
0x1ae: {  	[bflag:$0x0] =	sbarrier.arrive $0xFFFF  }
0x1af: {  	_ =	strace $0x9000004A  }
0x1b0: {  	s0 =	stileid.u32;
	[bflag:$0x2] =	sbarrier.arrive $0xFFFF  }
0x1b1: {  	p0 =	sne.s32 s0, $0x0;
	s0 =	rddreg [dreg:$0x2]  }
0x1b2: {  	s0 =	sadd.s32 @!p0 $0x100000, s0  }
0x1b3: {  	[sflag:s0] =	ssyncadd.tile.s32 @!p0 $0x1;
	_ =	shalt  }
.Lfunc_end2:
_tile_overlayer_lowered:
.L_overlay_start_2:
0x1b4: {  	(tag) =	ssettag $0x2  }
0x1b5: {  	s0 =	rddreg [dreg:$0x0];
	s2 =	stileid.u32  }
0x1b6: {  	s1 =	rddreg [dreg:$0x1];
	p0 =	sne.s32 s2, $0x0  }
0x1b7: {  	s3 =	rddreg [dreg:$0x2];
	[bflag:$0x3] =	sbarrier.arrive $0xFFFF;
	s2 =	simm.s32 @!p0 $0x1C05  }
0x1b8: {  	[timem:s3], [sflag:s2] =	dma.local @!p0 [hbm:s0], s1  }
0x1b9: {  	s0 =	simm.s32 @!p0 $0x5  }
0x1ba: {  	_ =	swait.ge @!p0 [sflag:s0], s1  }
0x1bb: {  	s1 =	ssub.s32 @!p0 $0x0, s1;
	[sflag:s0] =	ssyncset.done @!p0 $0x0  }
0x1bc: {  	[sflag:s0] =	ssyncadd.s32 @!p0 s1  }
0x1bd: {  	[bflag:$0x3] =	sbarrier.arrive $0xFFFF  }
0x1be: {  	_ =	shalt  }

</sc_bundles>
